<compile_context>
chip_gen: v7x
topology: tpu7x:2x2x1
jax: 0.10.2.dev20260603
libtpu: 0.0.44.dev20260713+nightly
codegen_flags: <defaults>
</compile_context>

<pallas_src>
import functools

import jax
import jax.numpy as jnp
from jax import lax
from jax.experimental import pallas as pl
from jax.experimental.pallas import tpu as pltpu
from jax.experimental.pallas import tpu_sc as plsc

N = 10000
D = 128
E = 160000
H = 16

NC = 2
NS = 16
NW = NC * NS
EPT = 5120
EPAD = EPT * NW
CHUNK = 128
NCH = EPT // CHUNK

NEXT = N + 16
ZROWS = 626
ACC_ROWS = NS * ZROWS
OUT_ROWS = N // NS
MROWS = 640


@functools.cache
def _sc_mesh():
    return plsc.VectorSubcoreMesh(core_axis_name="c", subcore_axis_name="s",
                                  num_cores=NC, num_subcores=NS)


DH = D // NC
WCH = DH + 16
TCH = EPAD // NS // CHUNK
NBUF = 4


WQ = D // NC // 2
NEXT2 = 10240
TSTG = NEXT2 // CHUNK // NS


@functools.cache
def _build_sc_aggregate(with_cnt=True):
    out_t = jax.ShapeDtypeStruct((NC, N, WQ), jnp.float32)
    if with_cnt:
        out_t = (out_t, jax.ShapeDtypeStruct((N, 16), jnp.float32))
    @functools.partial(
        pl.kernel,
        out_type=out_t,
        mesh=_sc_mesh(),
        compiler_params=pltpu.CompilerParams(
            use_tc_tiling_on_sc=False, needs_layout_passes=False),
        scratch_types=[
            pltpu.VMEM((TCH, CHUNK), jnp.int32),
            pltpu.VMEM((TCH, CHUNK), jnp.int32),
            [pltpu.VMEM((CHUNK, WQ), jnp.float32) for _ in range(NBUF)],
            pltpu.VMEM((TSTG, CHUNK), jnp.int32),
            pltpu.VMEM((CHUNK, WQ), jnp.float32),
            pltpu.VMEM((CHUNK, WQ), jnp.float32),
            pltpu.VMEM((CHUNK, 16), jnp.float32),
            pltpu.VMEM((CHUNK, 16), jnp.float32),
            pltpu.VMEM_SHARED((NEXT2, WQ), jnp.float32),
            pltpu.VMEM_SHARED((ACC_ROWS, WQ), jnp.float32),
            pltpu.VMEM_SHARED((ACC_ROWS, 16), jnp.float32),
            pltpu.SemaphoreType.DMA,
            pltpu.SemaphoreType.DMA,
            pltpu.SemaphoreType.DMA,
        ],
    )
    def sc_aggregate(x4_hbm, src_hbm, dst_hbm, ids_hbm, z_hbm, z16_hbm,
                     *rest):
        if with_cnt:
            (agg_out, cnt_out, sidx, didx, rows, idb, tbuf, zb, zb16,
             ones_v, tb_sh, acc_sh, cnt_sh, gsem, ssem, csem) = rest
        else:
            (agg_out, sidx, didx, rows, idb, tbuf, zb, zb16,
             ones_v, tb_sh, acc_sh, cnt_sh, gsem, ssem, csem) = rest
        c = lax.axis_index("c")
        s = lax.axis_index("s")

        pltpu.sync_copy(ids_hbm.at[pl.ds(s * TSTG, TSTG)], idb)

        def stage(k, carry):
            j = s * TSTG + k
            pltpu.async_copy(x4_hbm.at[c].at[idb.at[k]], tbuf, gsem).wait()
            pltpu.sync_copy(tbuf, tb_sh.at[pl.ds(j * CHUNK, CHUNK)])
            return carry
        lax.fori_loop(0, TSTG, stage, 0)

        if with_cnt:
            def fill_ones(i, carry):
                ones_v[i, :] = jnp.ones((16,), jnp.float32)
                return carry
            lax.fori_loop(0, CHUNK, fill_ones, 0)

        pltpu.sync_copy(z_hbm, zb)
        tail = ZROWS - 4 * CHUNK
        for k in range(4):
            pltpu.sync_copy(zb, acc_sh.at[pl.ds(s * ZROWS + k * CHUNK,
                                                CHUNK)])
        pltpu.sync_copy(zb.at[pl.ds(0, tail)],
                        acc_sh.at[pl.ds(s * ZROWS + 4 * CHUNK, tail)])
        if with_cnt:
            pltpu.sync_copy(z16_hbm, zb16)
            for k in range(4):
                pltpu.sync_copy(zb16, cnt_sh.at[pl.ds(s * ZROWS + k * CHUNK,
                                                      CHUNK)])
            pltpu.sync_copy(zb16.at[pl.ds(0, tail)],
                            cnt_sh.at[pl.ds(s * ZROWS + 4 * CHUNK, tail)])
        pltpu.sync_copy(src_hbm.at[pl.ds(s * TCH, TCH)], sidx)
        pltpu.sync_copy(dst_hbm.at[pl.ds(s * TCH, TCH)], didx)
        plsc.subcore_barrier()

        def gather(j, b):
            pltpu.async_copy(tb_sh.at[sidx.at[j]], rows[b], gsem)

        def scatter(j, b):
            pltpu.async_copy(rows[b], acc_sh.at[didx.at[j]], ssem, add=True)
            if with_cnt:
                pltpu.async_copy(ones_v, cnt_sh.at[didx.at[j]], csem,
                                 add=True)

        def wait_gather(b):
            pltpu.make_async_copy(z_hbm, rows[b], gsem).wait()

        def wait_scatter(b):
            pltpu.make_async_copy(z_hbm, rows[b], ssem).wait()

        for b in range(NBUF):
            gather(b, b)

        def group(g, carry):
            base = g * NBUF
            for b in range(NBUF):
                wait_gather(b)
                scatter(base + b, b)
            for b in range(NBUF):
                wait_scatter(b)

                @pl.when(base + b + NBUF < TCH)
                def _(b=b):
                    gather(base + b + NBUF, b)

            return carry

        lax.fori_loop(0, TCH // NBUF, group, 0)

        if with_cnt:
            def cdrain(j, carry):
                pltpu.make_async_copy(z16_hbm, ones_v, csem).wait()
                return carry
            lax.fori_loop(0, TCH, cdrain, 0)
        plsc.subcore_barrier()

        pltpu.sync_copy(acc_sh.at[pl.ds(s * OUT_ROWS, OUT_ROWS)],
                        agg_out.at[c, pl.ds(s * OUT_ROWS, OUT_ROWS), :])

        if with_cnt:
            @pl.when(c == 0)
            def _():
                pltpu.sync_copy(cnt_sh.at[pl.ds(s * OUT_ROWS, OUT_ROWS)],
                                cnt_out.at[pl.ds(s * OUT_ROWS, OUT_ROWS), :])

    return sc_aggregate


_RB = 400
_NB = N // _RB


def _tc_dense_body(x_ref, agga_ref, aggb_ref, cnt_ref, w_ref, b_ref,
                   ew1h_ref, tw1q_ref, ew1g_ref, tw1a_ref, eb1_ref,
                   emb_ref, p_ref, q_ref, c1_ref, t1g_ref, gacc):
    i = pl.program_id(0)
    agga = agga_ref[...]
    aggb = aggb_ref[...]
    agg = jnp.concatenate([agga[0], aggb[0], agga[1], aggb[1]], axis=1)
    deg = cnt_ref[...][:, 0:1]
    pre = x_ref[...] + agg / jnp.maximum(deg, 1.0)
    emb = jnp.tanh(
        jnp.dot(pre, w_ref[...], preferred_element_type=jnp.float32)
        + b_ref[...])
    emb_ref[...] = emb
    p_ref[...] = jnp.dot(emb, ew1h_ref[...],
                         preferred_element_type=jnp.float32)
    q_ref[...] = jnp.dot(emb, tw1q_ref[...],
                         preferred_element_type=jnp.float32)

    @pl.when(i == 0)
    def _():
        gacc[...] = jnp.zeros_like(gacc)

    gacc[...] += jnp.sum(emb, axis=0, keepdims=True)

    @pl.when(i == _NB - 1)
    def _():
        g = gacc[...] / jnp.float32(N)
        c1_ref[...] = jnp.dot(
            g, ew1g_ref[...], preferred_element_type=jnp.float32) + eb1_ref[...]
        t1g_ref[...] = jnp.dot(
            g, tw1a_ref[...], preferred_element_type=jnp.float32)


def _tc_dense(x, agga, aggb, cnt, w, b, ew1h, tw1q, ew1g, tw1a, eb1):
    return pl.pallas_call(
        _tc_dense_body,
        grid=(_NB,),
        in_specs=[
            pl.BlockSpec((_RB, D), lambda i: (i, 0)),
            pl.BlockSpec((NC, _RB, WQ), lambda i: (0, i, 0)),
            pl.BlockSpec((NC, _RB, WQ), lambda i: (0, i, 0)),
            pl.BlockSpec((_RB, 16), lambda i: (i, 0)),
            pl.BlockSpec((D, D), lambda i: (0, 0)),
            pl.BlockSpec((1, D), lambda i: (0, 0)),
            pl.BlockSpec((D, H), lambda i: (0, 0)),
            pl.BlockSpec((D, H), lambda i: (0, 0)),
            pl.BlockSpec((D, H), lambda i: (0, 0)),
            pl.BlockSpec((D, H), lambda i: (0, 0)),
            pl.BlockSpec((1, H), lambda i: (0, 0)),
        ],
        out_specs=[
            pl.BlockSpec((_RB, D), lambda i: (i, 0)),
            pl.BlockSpec((_RB, H), lambda i: (i, 0)),
            pl.BlockSpec((_RB, H), lambda i: (i, 0)),
            pl.BlockSpec((1, H), lambda i: (0, 0)),
            pl.BlockSpec((1, H), lambda i: (0, 0)),
        ],
        out_shape=[
            jax.ShapeDtypeStruct((N, D), jnp.float32),
            jax.ShapeDtypeStruct((N, H), jnp.float32),
            jax.ShapeDtypeStruct((N, H), jnp.float32),
            jax.ShapeDtypeStruct((1, H), jnp.float32),
            jax.ShapeDtypeStruct((1, H), jnp.float32),
        ],
        scratch_shapes=[pltpu.VMEM((1, D), jnp.float32)],
    )(x, agga, aggb, cnt, w, b, ew1h, tw1q, ew1g, tw1a, eb1)


@functools.cache
def _build_sc_pairs():
    @functools.partial(
        pl.kernel,
        out_type=(
            jax.ShapeDtypeStruct((EPAD, H), jnp.float32),
            jax.ShapeDtypeStruct((EPAD, H), jnp.float32),
        ),
        mesh=_sc_mesh(),
        compiler_params=pltpu.CompilerParams(
            use_tc_tiling_on_sc=False, needs_layout_passes=False),
        scratch_types=[
            pltpu.VMEM((NCH, CHUNK), jnp.int32),
            pltpu.VMEM((NCH, CHUNK), jnp.int32),
            pltpu.VMEM((EPT, H), jnp.float32),
            pltpu.VMEM_SHARED((NEXT, H), jnp.float32),
            pltpu.SemaphoreType.DMA,
        ],
    )
    def sc_pairs(p_hbm, src_hbm, dst_hbm, zs_out, zd_out, sidx, didx, zbuf,
                 p_sh, sem):
        c = lax.axis_index("c")
        s = lax.axis_index("s")
        wid = s * NC + c
        prt = NEXT // NS
        pltpu.sync_copy(p_hbm.at[pl.ds(s * prt, prt)],
                        p_sh.at[pl.ds(s * prt, prt)])
        pltpu.sync_copy(src_hbm.at[pl.ds(wid * NCH, NCH)], sidx)
        pltpu.sync_copy(dst_hbm.at[pl.ds(wid * NCH, NCH)], didx)
        plsc.subcore_barrier()

        def gather(idx, out_hbm):
            def fire(j, carry):
                pltpu.async_copy(p_sh.at[idx.at[j]],
                                 zbuf.at[pl.ds(j * CHUNK, CHUNK)], sem)
                return carry
            lax.fori_loop(0, NCH, fire, 0)

            def drain(j, carry):
                pltpu.make_async_copy(p_hbm.at[pl.ds(0, CHUNK)],
                                      zbuf.at[pl.ds(0, CHUNK)], sem).wait()
                return carry
            lax.fori_loop(0, NCH, drain, 0)
            pltpu.sync_copy(zbuf, out_hbm.at[pl.ds(wid * EPT, EPT)])

        gather(sidx, zs_out)
        gather(didx, zd_out)

    return sc_pairs


_ERB = 2048
_ENB = (EPAD // 8) // _ERB
_EROWS = E // 8


def _tc_edge_body(zs_ref, zd_ref, g1_ref, c1t_ref, w2t_ref, g8_ref,
                  srcr_ref, dstr_ref, emb_ref, tw1b_ref, tw1c_ref,
                  tb1_ref, t1g_ref,
                  vfs_ref, lpe_ref, c2_ref, smf, smi):
    i = pl.program_id(0)

    @pl.when(i == 0)
    def _():
        smf[0] = jnp.float32(-1e30)
        smf[1] = jnp.float32(0.0)
        smf[2] = jnp.float32(-3e38)
        smf[3] = jnp.float32(0.0)
        smi[0] = jnp.int32(0)

    z = zs_ref[...] + zd_ref[...] + c1t_ref[...]
    sig = 1.0 / (1.0 + jnp.exp(-z))
    scores = jnp.dot(sig * w2t_ref[...], g8_ref[...],
                     preferred_element_type=jnp.float32)

    rid = lax.broadcasted_iota(jnp.int32, (_ERB, 8), 0) + i * _ERB
    valid = rid < _EROWS
    sc = jnp.where(valid, scores, -1e30)

    bm = jnp.max(sc)
    m0 = smf[0]
    mn = jnp.maximum(m0, bm)
    seb = jnp.sum(jnp.exp(sc - mn))
    smf[1] = smf[1] * jnp.exp(m0 - mn) + seb
    smf[0] = mn

    eid = rid * 8 + lax.broadcasted_iota(jnp.int32, (_ERB, 8), 1)
    vv = jnp.where(valid, g1_ref[...] + scores, -3e38)
    bv = jnp.max(vv)
    bid = jnp.min(jnp.where(vv == bv, eid, jnp.int32(2**30)))
    bsc = jnp.max(jnp.where((vv == bv) & (eid == bid), scores, -3e38))

    @pl.when(bv > smf[2])
    def _():
        smf[2] = bv
        smf[3] = bsc
        smi[0] = bid

    @pl.when(i == _ENB - 1)
    def _():
        lse = smf[0] + jnp.log(smf[1])
        lpe_ref[...] = jnp.broadcast_to(smf[3] - lse, (1, 1))
        e_idx = smi[0]
        row = e_idx // 128
        col = e_idx % 128
        lanes = lax.broadcasted_iota(jnp.int32, (1, 128), 1)
        drow = dstr_ref[pl.ds(row, 1), :]
        srow = srcr_ref[pl.ds(row, 1), :]
        v_fir = jnp.sum(jnp.where(lanes == col, drow, 0))
        v_sec = jnp.sum(jnp.where(lanes == col, srow, 0))
        lanes2 = lax.broadcasted_iota(jnp.int32, (1, 2), 1)
        vfs_ref[...] = jnp.where(lanes2 == 0, v_fir, v_sec)
        evf = emb_ref[pl.ds(v_fir, 1), :]
        evs = emb_ref[pl.ds(v_sec, 1), :]
        c2_ref[...] = (
            t1g_ref[...]
            + jnp.dot(evf + evs, tw1b_ref[...],
                      preferred_element_type=jnp.float32)
            + jnp.dot(evf, tw1c_ref[...],
                      preferred_element_type=jnp.float32)
            + tb1_ref[...])


def _tc_edge(zs, zd, g1p, c1t, w2t, g8, srcr, dstr, emb, tw1b, tw1c, tb1,
             t1g):
    def full(shape):
        return pl.BlockSpec(shape, lambda i: tuple(0 for _ in shape))
    return pl.pallas_call(
        _tc_edge_body,
        grid=(_ENB,),
        in_specs=[
            pl.BlockSpec((_ERB, D), lambda i: (i, 0)),
            pl.BlockSpec((_ERB, D), lambda i: (i, 0)),
            pl.BlockSpec((_ERB, 8), lambda i: (i, 0)),
            full((1, D)),
            full((1, D)),
            full((D, 8)),
            full((E // 128, 128)),
            full((E // 128, 128)),
            full((N, D)),
            full((D, H)),
            full((D, H)),
            full((1, H)),
            full((1, H)),
        ],
        out_specs=[
            full((1, 2)),
            full((1, 1)),
            full((1, H)),
        ],
        out_shape=[
            jax.ShapeDtypeStruct((1, 2), jnp.int32),
            jax.ShapeDtypeStruct((1, 1), jnp.float32),
            jax.ShapeDtypeStruct((1, H), jnp.float32),
        ],
        scratch_shapes=[
            pltpu.SMEM((4,), jnp.float32),
            pltpu.SMEM((2,), jnp.int32),
        ],
    )(zs, zd, g1p, c1t, w2t, g8, srcr, dstr, emb, tw1b, tw1c, tb1, t1g)


@functools.cache
def _build_sc_mask():
    @functools.partial(
        pl.kernel,
        out_type=jax.ShapeDtypeStruct((NC, MROWS, 16), jnp.float32),
        mesh=_sc_mesh(),
        compiler_params=pltpu.CompilerParams(
            use_tc_tiling_on_sc=False, needs_layout_passes=False),
        scratch_types=[
            pltpu.VMEM((NCH, CHUNK), jnp.int32),
            pltpu.VMEM((NCH, CHUNK), jnp.int32),
            pltpu.VMEM((16,), jnp.int32),
            pltpu.VMEM((MROWS // CHUNK, CHUNK), jnp.int32),
            pltpu.VMEM((MROWS, 16), jnp.float32),
            pltpu.VMEM_SHARED((MROWS, 16), jnp.float32),
        ],
    )
    def sc_mask(src_hbm, dst_hbm, vf_hbm, idx_hbm, mask_out,
                sbuf, dbuf, vfb, idxb, mbuf, msh):
        c = lax.axis_index("c")
        s = lax.axis_index("s")
        wid = s * NC + c
        rows_per_tile = MROWS // NS

        def zbody(i, carry):
            mbuf[i, :] = jnp.zeros((16,), jnp.float32)
            return carry
        lax.fori_loop(0, MROWS, zbody, 0)

        pltpu.sync_copy(mbuf.at[pl.ds(s * rows_per_tile, rows_per_tile)],
                        msh.at[pl.ds(s * rows_per_tile, rows_per_tile)])
        pltpu.sync_copy(src_hbm.at[pl.ds(wid * NCH, NCH)], sbuf)
        pltpu.sync_copy(dst_hbm.at[pl.ds(wid * NCH, NCH)], dbuf)
        pltpu.sync_copy(vf_hbm, vfb)
        pltpu.sync_copy(idx_hbm, idxb)
        plsc.subcore_barrier()

        vfv = vfb[...]
        ones16 = jnp.ones((16,), jnp.float32)

        def body(t, carry):
            j = t // 8
            k = t % 8
            sv = sbuf[j, pl.ds(k * 16, 16)]
            dv = dbuf[j, pl.ds(k * 16, 16)]
            hit = sv == vfv
            plsc.store_scatter(mbuf, [dv // 16, dv % 16], ones16, mask=hit)
            return carry
        lax.fori_loop(0, NCH * 8, body, 0)
        plsc.subcore_barrier()

        def abody(k, carry):
            pltpu.sync_copy(mbuf.at[pl.ds(k * CHUNK, CHUNK)],
                            msh.at[idxb.at[k]], add=True)
            return carry
        lax.fori_loop(0, MROWS // CHUNK, abody, 0)
        plsc.subcore_barrier()

        pltpu.sync_copy(
            msh.at[pl.ds(s * rows_per_tile, rows_per_tile)],
            mask_out.at[c, pl.ds(s * rows_per_tile, rows_per_tile), :])

    return sc_mask


def _tc_third_body(q_ref, mask_ref, g2_ref, c2t_ref, w3t_ref, g8_ref,
                   vf_ref, lpe_ref, vthi_ref, lp_ref):
    z = q_ref[...] + c2t_ref[...]
    sig = 1.0 / (1.0 + jnp.exp(-z))
    scores = jnp.dot(sig * w3t_ref[...], g8_ref[...],
                     preferred_element_type=jnp.float32)
    hits = mask_ref[0] + mask_ref[1]
    nid = (lax.broadcasted_iota(jnp.int32, (N // 8, 8), 0) * 8
           + lax.broadcasted_iota(jnp.int32, (N // 8, 8), 1))
    vf = vf_ref[0, 0]
    masked = jnp.where((hits > 0.5) | (nid == vf), jnp.float32(-1e9), scores)
    m3 = jnp.max(masked)
    sh = masked - m3
    logp = sh - jnp.log(jnp.sum(jnp.exp(sh)))
    v = g2_ref[...] + logp
    bv = jnp.max(v)
    vthi = jnp.min(jnp.where(v == bv, nid, jnp.int32(2**30)))
    lp3 = jnp.max(jnp.where((v == bv) & (nid == vthi), logp,
                            jnp.float32(-3e38)))
    vthi_ref[...] = jnp.broadcast_to(vthi, (1, 1))
    lp_ref[...] = jnp.broadcast_to(lpe_ref[0, 0] + lp3, (1, 1))


def _tc_third(qr, mask2, g2r, c2t, w3t, g8, vfr, lpe):
    def full(shape):
        return pl.BlockSpec(shape, lambda: tuple(0 for _ in shape))
    return pl.pallas_call(
        _tc_third_body,
        in_specs=[
            full((N // 8, 128)),
            full((NC, N // 8, 8)),
            full((N // 8, 8)),
            full((1, 128)),
            full((1, 128)),
            full((128, 8)),
            full((1, 1)),
            full((1, 1)),
        ],
        out_specs=[full((1, 1)), full((1, 1))],
        out_shape=[
            jax.ShapeDtypeStruct((1, 1), jnp.int32),
            jax.ShapeDtypeStruct((1, 1), jnp.float32),
        ],
    )(qr, mask2, g2r, c2t, w3t, g8, vfr, lpe)


def kernel(x, edge_index, W_gnn, b_gnn, eW1, eb1, eW2, eb2, tW1, tb1, tW2,
           tb2):
    f32 = jnp.float32
    src = edge_index[0]
    dst = edge_index[1]
    pad = EPAD - E
    padv = jnp.full((pad,), N, jnp.int32)
    srcp = jnp.concatenate([src, padv]).reshape(EPAD // CHUNK, CHUNK)
    dstp = jnp.concatenate([dst, padv]).reshape(EPAD // CHUNK, CHUNK)
    rpad = jnp.zeros((NC, NEXT2 - N, WQ), f32)
    x4a = jnp.concatenate(
        [jnp.stack([x[:, 0 * WQ:1 * WQ], x[:, 2 * WQ:3 * WQ]]), rpad],
        axis=1)
    x4b = jnp.concatenate(
        [jnp.stack([x[:, 1 * WQ:2 * WQ], x[:, 3 * WQ:4 * WQ]]), rpad],
        axis=1)
    ids = jnp.arange(NEXT2, dtype=jnp.int32).reshape(NEXT2 // CHUNK, CHUNK)
    z32 = jnp.zeros((CHUNK, WQ), f32)
    z16 = jnp.zeros((CHUNK, 16), f32)
    agga, cnta = _build_sc_aggregate(True)(x4a, srcp, dstp, ids, z32, z16)
    aggb = _build_sc_aggregate(False)(x4b, srcp, dstp, ids, z32, z16)

    emb, P, Q, c1, t1g = _tc_dense(
        x, agga, aggb, cnta, W_gnn, b_gnn.reshape(1, D),
        eW1[D:2 * D], tW1[3 * D:4 * D], eW1[:D], tW1[:D],
        eb1.reshape(1, H))

    P_ext = jnp.concatenate([P, jnp.zeros((NEXT - N, H), f32)])
    Zs, Zd = _build_sc_pairs()(P_ext, srcp, dstp)

    g1 = jax.random.gumbel(jax.random.key(42), (E,), f32)
    g1p = jnp.concatenate([g1, jnp.full((pad,), -1e30, f32)])
    g1p = g1p.reshape(EPAD // 8, 8)
    g8 = (lax.broadcasted_iota(jnp.int32, (D, 8), 0) // H
          == lax.broadcasted_iota(jnp.int32, (D, 8), 1)).astype(f32)
    c1t = jnp.tile(c1, (1, 8))
    w2t = jnp.tile(eW2[:, 0].reshape(1, H), (1, 8))

    vfs, lpe, c2 = _tc_edge(
        Zs.reshape(EPAD // 8, D), Zd.reshape(EPAD // 8, D), g1p, c1t, w2t,
        g8, src.reshape(E // 128, 128), dst.reshape(E // 128, 128), emb,
        tW1[D:2 * D], tW1[2 * D:3 * D], tb1.reshape(1, H), t1g)

    vf16 = jnp.broadcast_to(vfs[0, 0], (16,)).astype(jnp.int32)
    idx640 = jnp.arange(MROWS, dtype=jnp.int32).reshape(MROWS // CHUNK, CHUNK)
    maskp = _build_sc_mask()(srcp, dstp, vf16, idx640)
    mask2 = maskp.reshape(NC, MROWS * 16)[:, :N].reshape(NC, N // 8, 8)

    g2 = jax.random.gumbel(jax.random.key(43), (N,), f32).reshape(N // 8, 8)
    c2t = jnp.tile(c2, (1, 8))
    w3t = jnp.tile(tW2[:, 0].reshape(1, H), (1, 8))

    vthi, lp = _tc_third(Q.reshape(N // 8, 128), mask2, g2, c2t, w3t, g8,
                         vfs[:, :1], lpe)

    action = jnp.stack([vfs[0, 0], vfs[0, 1], vthi[0, 0]])
    return action, lp[0, 0]

# --- scband reference (transcript-rebuilt; emitter-appended) ---
"""Pipeline reference for scband-re-watt-policy-net-84172769067800 (READ-ONLY COPY).

The authoritative reference and input builder live on the scoring server;
editing this copy changes nothing except your own understanding.
"""

import jax, jax.numpy as jnp
import numpy as np

N = 10000
D = 128
E = 160000
H = 16


def _mlp(z, W1, b1, W2, b2):
    return jax.nn.sigmoid(z @ W1 + b1) @ W2 + b2


def setup_inputs(seed: int = 0):
    key = jax.random.key(seed)
    ks = jax.random.split(key, 8)
    x = jax.random.normal(ks[0], (N, D), dtype=jnp.float32)
    edge_index = jax.random.randint(ks[1], (2, E), 0, N, dtype=jnp.int32)
    W_gnn = jax.random.normal(ks[2], (D, D), dtype=jnp.float32) * (1.0 / np.sqrt(D))
    b_gnn = jnp.zeros((D,), jnp.float32)
    eW1 = jax.random.normal(ks[3], (2 * D, H), dtype=jnp.float32) * (1.0 / np.sqrt(2 * D))
    eb1 = jnp.zeros((H,), jnp.float32)
    eW2 = jax.random.normal(ks[4], (H, 1), dtype=jnp.float32) * (1.0 / np.sqrt(H))
    eb2 = jnp.zeros((1,), jnp.float32)
    tW1 = jax.random.normal(ks[5], (4 * D, H), dtype=jnp.float32) * (1.0 / np.sqrt(4 * D))
    tb1 = jnp.zeros((H,), jnp.float32)
    tW2 = jax.random.normal(ks[6], (H, 1), dtype=jnp.float32) * (1.0 / np.sqrt(H))
    tb2 = jnp.zeros((1,), jnp.float32)
    return {"x": x, "edge_index": edge_index, "W_gnn": W_gnn, "b_gnn": b_gnn,
            "eW1": eW1, "eb1": eb1, "eW2": eW2, "eb2": eb2,
            "tW1": tW1, "tb1": tb1, "tW2": tW2, "tb2": tb2}


def reference(x, edge_index, W_gnn, b_gnn, eW1, eb1, eW2, eb2, tW1, tb1, tW2, tb2):
    n = x.shape[0]
    src = edge_index[0]
    dst = edge_index[1]
    # frozen GNN stand-in: 1-layer mean-aggregation GCN producing penultimate embeddings
    agg = jax.ops.segment_sum(x[src], dst, num_segments=n)
    deg = jax.ops.segment_sum(jnp.ones((src.shape[0],), x.dtype), dst, num_segments=n)
    embeddings = jnp.tanh((x + agg / jnp.maximum(deg, 1.0)[:, None]) @ W_gnn + b_gnn)
    # GraphRepresenter('mean')
    graph_repr = jnp.mean(embeddings, axis=0)
    # EdgeRepresenter('sum'): cat(graph_emb, emb[v1] + emb[v2]) for every candidate edge
    h_sum = embeddings[src] + embeddings[dst]
    E_s_t = jnp.concatenate([jnp.broadcast_to(graph_repr[None, :], (h_sum.shape[0], graph_repr.shape[0])), h_sum], axis=-1)
    edge_scores = _mlp(E_s_t, eW1, eb1, eW2, eb2)[:, 0]
    edge_logp = jax.nn.log_softmax(edge_scores, axis=0)
    k1 = jax.random.key(42)
    e_idx = jax.random.categorical(k1, edge_logp)
    log_prob_edge = edge_logp[e_idx]
    v_fir = dst[e_idx]
    v_sec = src[e_idx]
    # 1-hop out-neighborhood N_1 of v_fir (plus v_fir itself); S = V - N_1 implemented as a mask
    hit = (src == v_fir)
    nbr_mask = jnp.zeros((n,), dtype=bool).at[jnp.where(hit, dst, v_fir)].set(True).at[v_fir].set(True)
    # v_et1 = cat(E_s_t[e_idx], emb[v_fir]); vc_representation = cat(v_et1, emb[v_c])
    v_et1 = jnp.concatenate([E_s_t[e_idx], embeddings[v_fir]], axis=-1)
    V_s_t = jnp.concatenate([jnp.broadcast_to(v_et1[None, :], (n, v_et1.shape[0])), embeddings], axis=-1)
    third_scores = _mlp(V_s_t, tW1, tb1, tW2, tb2)[:, 0]
    masked_scores = jnp.where(nbr_mask, -1e9, third_scores)
    third_logp = jax.nn.log_softmax(masked_scores, axis=0)
    k2 = jax.random.key(43)
    v_thi = jax.random.categorical(k2, third_logp)
    log_prob_third = third_logp[v_thi]
    log_prob = log_prob_edge + log_prob_third
    action = jnp.stack([v_fir, v_sec, v_thi])
    return (action, log_prob)

if __name__ == "__main__":
    import jax
    _d = setup_inputs()
    print(jax.jit(kernel)(*tuple(_d.values())))

</pallas_src>

<mosaic_0001>
#map = affine_map<(d0, d1) -> (0, 0)>
#map1 = affine_map<(d0, d1) -> (0)>
#map2 = affine_map<(d0, d1) -> (0, 0, 0)>
module attributes {stable_mosaic.version = 14 : i64} {
  func.func @sc_mask(%arg0: i32, %arg1: i32, %arg2: memref<1280x128xi32, #tpu.memory_space<hbm>>, %arg3: memref<1280x128xi32, #tpu.memory_space<hbm>>, %arg4: memref<16xi32, #tpu.memory_space<hbm>>, %arg5: memref<5x128xi32, #tpu.memory_space<hbm>>, %arg6: memref<2x640x16xf32, #tpu.memory_space<hbm>>, %arg7: memref<40x128xi32, #tpu.memory_space<vmem>>, %arg8: memref<40x128xi32, #tpu.memory_space<vmem>>, %arg9: memref<16xi32, #tpu.memory_space<vmem>>, %arg10: memref<5x128xi32, #tpu.memory_space<vmem>>, %arg11: memref<640x16xf32, #tpu.memory_space<vmem>>, %arg12: memref<640x16xf32, #tpu.memory_space<vmem_shared>>) attributes {dimension_semantics = [#tpu.dimension_semantics<core_parallel>, #tpu.dimension_semantics<subcore_parallel>], iteration_bounds = array<i64: 2, 16>, scalar_prefetch = 0 : i64, scratch_operands = 6 : i64, tpu.core_type = #tpu.core_type<sc_vector_subcore>, window_params = [{transform_indices = #map}, {transform_indices = #map}, {transform_indices = #map1}, {transform_indices = #map}, {transform_indices = #map2}]} {
    %mul3A = arith.constant 2 : i32
    %mul3A_0 = arith.muli %arg1, %mul3A : i32
    %add3A = arith.addi %mul3A_0, %arg0 : i32
    %scan3A = arith.constant 0 : i32
    %scan3A_1 = arith.constant 0 : i32
    %scan3A_2 = arith.constant 640 : i32
    %scan3A_3 = arith.addi %scan3A_1, %scan3A_2 : i32
    %scan3A_4 = arith.constant 1 : i32
    scf.for %scan3A_34 = %scan3A_1 to %scan3A_3 step %scan3A_4  : i32 {
      %broadcast_in_dim3A_35 = arith.constant 0.000000e+00 : f32
      %broadcast_in_dim3A_36 = vector.broadcast %broadcast_in_dim3A_35 : f32 to vector<16xf32>
      %swap3A = arith.index_cast %scan3A_34 : i32 to index
      %swap3A_37 = arith.constant 0 : index
      %swap3A_38 = tpu.vector_load %arg11[%swap3A, %swap3A_37] {strides = array<i32>} : memref<640x16xf32, #tpu.memory_space<vmem>>, vector<16xf32>,
      tpu.vector_store %arg11[%swap3A, %swap3A_37], %broadcast_in_dim3A_36 {strides = array<i32>} : memref<640x16xf32, #tpu.memory_space<vmem>>, vector<16xf32>,
    }
    %scan3A_5 = arith.constant 640 : i32
    %mul3A_6 = arith.constant 40 : i32
    %mul3A_7 = arith.muli %arg1, %mul3A_6 : i32
    %mul3A_8 = arith.constant 40 : i32
    %mul3A_9 = arith.muli %arg1, %mul3A_8 : i32
    "tpu.region"() ({
      %run_scoped3A = tpu.sem_alloc : memref<!tpu.dma_semaphore, #tpu.memory_space<semaphore_mem>>
      %dma_start3A = arith.constant 0 : i32
      %dma_start3A_34 = tpu.memref_slice %arg11[%mul3A_7, %dma_start3A] : memref<640x16xf32, #tpu.memory_space<vmem>> -> memref<40x16xf32, #tpu.memory_space<vmem>>
      %dma_start3A_35 = arith.constant 0 : i32
      %dma_start3A_36 = tpu.memref_slice %arg12[%mul3A_9, %dma_start3A_35] : memref<640x16xf32, #tpu.memory_space<vmem_shared>> -> memref<40x16xf32, #tpu.memory_space<vmem_shared>>
      %dma_start3A_37 = arith.constant 0 : i32
      %dma_start3A_38 = tpu.memref_slice %arg12[%mul3A_9, %dma_start3A_37] : memref<640x16xf32, #tpu.memory_space<vmem_shared>> -> memref<40x16xf32, #tpu.memory_space<vmem_shared>>
      %dma_start3A_39 = arith.constant 0 : i32
      %dma_start3A_40 = tpu.memref_slice %arg11[%mul3A_7, %dma_start3A_39] : memref<640x16xf32, #tpu.memory_space<vmem>> -> memref<40x16xf32, #tpu.memory_space<vmem>>
      tpu.enqueue_dma source(%dma_start3A_40 : memref<40x16xf32, #tpu.memory_space<vmem>>) target(%dma_start3A_38 : memref<40x16xf32, #tpu.memory_space<vmem_shared>>) target_semaphore(%run_scoped3A : memref<!tpu.dma_semaphore, #tpu.memory_space<semaphore_mem>>)
      %dma_wait3A = arith.constant 0 : i32
      %dma_wait3A_41 = tpu.memref_slice %arg11[%mul3A_7, %dma_wait3A] : memref<640x16xf32, #tpu.memory_space<vmem>> -> memref<40x16xf32, #tpu.memory_space<vmem>>
      %dma_wait3A_42 = arith.constant 0 : i32
      %dma_wait3A_43 = tpu.memref_slice %arg12[%mul3A_9, %dma_wait3A_42] : memref<640x16xf32, #tpu.memory_space<vmem_shared>> -> memref<40x16xf32, #tpu.memory_space<vmem_shared>>
      %dma_wait3A_44 = arith.constant 0 : i32
      %dma_wait3A_45 = tpu.memref_slice %arg12[%mul3A_9, %dma_wait3A_44] : memref<640x16xf32, #tpu.memory_space<vmem_shared>> -> memref<40x16xf32, #tpu.memory_space<vmem_shared>>
      %dma_wait3A_46 = arith.constant 0 : i32
      %dma_wait3A_47 = tpu.memref_slice %arg11[%mul3A_7, %dma_wait3A_46] : memref<640x16xf32, #tpu.memory_space<vmem>> -> memref<40x16xf32, #tpu.memory_space<vmem>>
      tpu.wait_dma2 semaphore(%run_scoped3A : memref<!tpu.dma_semaphore, #tpu.memory_space<semaphore_mem>>) src(%dma_wait3A_47 : memref<40x16xf32, #tpu.memory_space<vmem>>) dst(%dma_wait3A_45 : memref<40x16xf32, #tpu.memory_space<vmem_shared>>)
      tpu.yield
    }) : () -> ()
    %mul3A_10 = arith.constant 40 : i32
    %mul3A_11 = arith.muli %add3A, %mul3A_10 : i32
    "tpu.region"() ({
      %run_scoped3A = tpu.sem_alloc : memref<!tpu.dma_semaphore, #tpu.memory_space<semaphore_mem>>
      %dma_start3A = arith.constant 0 : i32
      %dma_start3A_34 = tpu.memref_slice %arg2[%mul3A_11, %dma_start3A] : memref<1280x128xi32, #tpu.memory_space<hbm>> -> memref<40x128xi32, #tpu.memory_space<hbm>>
      %dma_start3A_35 = arith.constant 0 : i32
      %dma_start3A_36 = tpu.memref_slice %arg2[%mul3A_11, %dma_start3A_35] : memref<1280x128xi32, #tpu.memory_space<hbm>> -> memref<40x128xi32, #tpu.memory_space<hbm>>
      tpu.enqueue_dma source(%dma_start3A_36 : memref<40x128xi32, #tpu.memory_space<hbm>>) target(%arg7 : memref<40x128xi32, #tpu.memory_space<vmem>>) target_semaphore(%run_scoped3A : memref<!tpu.dma_semaphore, #tpu.memory_space<semaphore_mem>>)
      %dma_wait3A = arith.constant 0 : i32
      %dma_wait3A_37 = tpu.memref_slice %arg2[%mul3A_11, %dma_wait3A] : memref<1280x128xi32, #tpu.memory_space<hbm>> -> memref<40x128xi32, #tpu.memory_space<hbm>>
      %dma_wait3A_38 = arith.constant 0 : i32
      %dma_wait3A_39 = tpu.memref_slice %arg2[%mul3A_11, %dma_wait3A_38] : memref<1280x128xi32, #tpu.memory_space<hbm>> -> memref<40x128xi32, #tpu.memory_space<hbm>>
      tpu.wait_dma2 semaphore(%run_scoped3A : memref<!tpu.dma_semaphore, #tpu.memory_space<semaphore_mem>>) src(%dma_wait3A_39 : memref<40x128xi32, #tpu.memory_space<hbm>>) dst(%arg7 : memref<40x128xi32, #tpu.memory_space<vmem>>)
      tpu.yield
    }) : () -> ()
    %mul3A_12 = arith.constant 40 : i32
    %mul3A_13 = arith.muli %add3A, %mul3A_12 : i32
    "tpu.region"() ({
      %run_scoped3A = tpu.sem_alloc : memref<!tpu.dma_semaphore, #tpu.memory_space<semaphore_mem>>
      %dma_start3A = arith.constant 0 : i32
      %dma_start3A_34 = tpu.memref_slice %arg3[%mul3A_13, %dma_start3A] : memref<1280x128xi32, #tpu.memory_space<hbm>> -> memref<40x128xi32, #tpu.memory_space<hbm>>
      %dma_start3A_35 = arith.constant 0 : i32
      %dma_start3A_36 = tpu.memref_slice %arg3[%mul3A_13, %dma_start3A_35] : memref<1280x128xi32, #tpu.memory_space<hbm>> -> memref<40x128xi32, #tpu.memory_space<hbm>>
      tpu.enqueue_dma source(%dma_start3A_36 : memref<40x128xi32, #tpu.memory_space<hbm>>) target(%arg8 : memref<40x128xi32, #tpu.memory_space<vmem>>) target_semaphore(%run_scoped3A : memref<!tpu.dma_semaphore, #tpu.memory_space<semaphore_mem>>)
      %dma_wait3A = arith.constant 0 : i32
      %dma_wait3A_37 = tpu.memref_slice %arg3[%mul3A_13, %dma_wait3A] : memref<1280x128xi32, #tpu.memory_space<hbm>> -> memref<40x128xi32, #tpu.memory_space<hbm>>
      %dma_wait3A_38 = arith.constant 0 : i32
      %dma_wait3A_39 = tpu.memref_slice %arg3[%mul3A_13, %dma_wait3A_38] : memref<1280x128xi32, #tpu.memory_space<hbm>> -> memref<40x128xi32, #tpu.memory_space<hbm>>
      tpu.wait_dma2 semaphore(%run_scoped3A : memref<!tpu.dma_semaphore, #tpu.memory_space<semaphore_mem>>) src(%dma_wait3A_39 : memref<40x128xi32, #tpu.memory_space<hbm>>) dst(%arg8 : memref<40x128xi32, #tpu.memory_space<vmem>>)
      tpu.yield
    }) : () -> ()
    "tpu.region"() ({
      %run_scoped3A = tpu.sem_alloc : memref<!tpu.dma_semaphore, #tpu.memory_space<semaphore_mem>>
      tpu.enqueue_dma source(%arg4 : memref<16xi32, #tpu.memory_space<hbm>>) target(%arg9 : memref<16xi32, #tpu.memory_space<vmem>>) target_semaphore(%run_scoped3A : memref<!tpu.dma_semaphore, #tpu.memory_space<semaphore_mem>>)
      tpu.wait_dma2 semaphore(%run_scoped3A : memref<!tpu.dma_semaphore, #tpu.memory_space<semaphore_mem>>) src(%arg4 : memref<16xi32, #tpu.memory_space<hbm>>) dst(%arg9 : memref<16xi32, #tpu.memory_space<vmem>>)
      tpu.yield
    }) : () -> ()
    "tpu.region"() ({
      %run_scoped3A = tpu.sem_alloc : memref<!tpu.dma_semaphore, #tpu.memory_space<semaphore_mem>>
      tpu.enqueue_dma source(%arg5 : memref<5x128xi32, #tpu.memory_space<hbm>>) target(%arg10 : memref<5x128xi32, #tpu.memory_space<vmem>>) target_semaphore(%run_scoped3A : memref<!tpu.dma_semaphore, #tpu.memory_space<semaphore_mem>>)
      tpu.wait_dma2 semaphore(%run_scoped3A : memref<!tpu.dma_semaphore, #tpu.memory_space<semaphore_mem>>) src(%arg5 : memref<5x128xi32, #tpu.memory_space<hbm>>) dst(%arg10 : memref<5x128xi32, #tpu.memory_space<vmem>>)
      tpu.yield
    }) : () -> ()
    %barrier3A = arith.constant 0 : index
    tpu.barrier barrier_id(%barrier3A)
    %get3A = arith.constant 0 : index
    %get3A_14 = tpu.vector_load %arg9[%get3A] {strides = array<i32>} : memref<16xi32, #tpu.memory_space<vmem>>, vector<16xi32>,
    %broadcast_in_dim3A = arith.constant 1.000000e+00 : f32
    %broadcast_in_dim3A_15 = vector.broadcast %broadcast_in_dim3A : f32 to vector<16xf32>
    %scan3A_16 = arith.constant 0 : i32
    %scan3A_17 = arith.constant 0 : i32
    %scan3A_18 = arith.constant 320 : i32
    %scan3A_19 = arith.addi %scan3A_17, %scan3A_18 : i32
    %scan3A_20 = arith.constant 1 : i32
    scf.for %scan3A_34 = %scan3A_17 to %scan3A_19 step %scan3A_20  : i32 {
      %jit3A = arith.constant 8 : i32
      %div3A = arith.divsi %scan3A_34, %jit3A : i32
      %sign3A = arith.constant 0 : i32
      %sign3A_35 = arith.cmpi sgt, %scan3A_34, %sign3A : i32
      %sign3A_36 = arith.extui %sign3A_35 : i1 to i32
      %sign3A_37 = arith.constant 0 : i32
      %sign3A_38 = arith.cmpi slt, %scan3A_34, %sign3A_37 : i32
      %sign3A_39 = arith.extui %sign3A_38 : i1 to i32
      %sign3A_40 = arith.subi %sign3A_36, %sign3A_39 : i32
      %sign3A_41 = arith.constant 0 : i32
      %sign3A_42 = arith.cmpi sgt, %jit3A, %sign3A_41 : i32
      %sign3A_43 = arith.extui %sign3A_42 : i1 to i32
      %sign3A_44 = arith.constant 0 : i32
      %sign3A_45 = arith.cmpi slt, %jit3A, %sign3A_44 : i32
      %sign3A_46 = arith.extui %sign3A_45 : i1 to i32
      %sign3A_47 = arith.subi %sign3A_43, %sign3A_46 : i32
      %ne3A = arith.cmpi ne, %sign3A_40, %sign3A_47 : i32
      %rem3A = arith.remsi %scan3A_34, %jit3A : i32
      %ne3A_48 = arith.constant 0 : i32
      %ne3A_49 = arith.cmpi ne, %rem3A, %ne3A_48 : i32
      %and3A = arith.andi %ne3A, %ne3A_49 : i1
      %sub3A = arith.constant 1 : i32
      %sub3A_50 = arith.subi %div3A, %sub3A : i32
      %select_n3A = arith.select %and3A, %sub3A_50, %div3A : i32
      %jit3A_51 = arith.constant 8 : i32
      %eq3A = arith.constant 0 : i32
      %eq3A_52 = arith.cmpi eq, %jit3A_51, %eq3A : i32
      %jit3A_53 = arith.constant 1 : i32
      %select_n3A_54 = arith.select %eq3A_52, %jit3A_53, %jit3A_51 : i32
      %rem3A_55 = arith.remsi %scan3A_34, %select_n3A_54 : i32
      %ne3A_56 = arith.constant 0 : i32
      %ne3A_57 = arith.cmpi ne, %rem3A_55, %ne3A_56 : i32
      %lt3A = arith.constant 0 : i32
      %lt3A_58 = arith.cmpi slt, %rem3A_55, %lt3A : i32
      %lt3A_59 = arith.constant 0 : i32
      %lt3A_60 = arith.cmpi slt, %select_n3A_54, %lt3A_59 : i32
      %ne3A_61 = arith.xori %lt3A_58, %lt3A_60 : i1
      %and3A_62 = arith.andi %ne3A_61, %ne3A_57 : i1
      %add3A_63 = arith.addi %rem3A_55, %select_n3A_54 : i32
      %select_n3A_64 = arith.select %and3A_62, %add3A_63, %rem3A_55 : i32
      %mul3A_65 = arith.constant 16 : i32
      %mul3A_66 = arith.muli %select_n3A_64, %mul3A_65 : i32
      %get3A_67 = arith.index_cast %select_n3A : i32 to index
      %get3A_68 = arith.index_cast %mul3A_66 : i32 to index
      %get3A_69 = tpu.vector_load %arg7[%get3A_67, %get3A_68] {strides = array<i32>} : memref<40x128xi32, #tpu.memory_space<vmem>>, vector<16xi32>,
      %mul3A_70 = arith.constant 16 : i32
      %mul3A_71 = arith.muli %select_n3A_64, %mul3A_70 : i32
      %get3A_72 = arith.index_cast %select_n3A : i32 to index
      %get3A_73 = arith.index_cast %mul3A_71 : i32 to index
      %get3A_74 = tpu.vector_load %arg8[%get3A_72, %get3A_73] {strides = array<i32>} : memref<40x128xi32, #tpu.memory_space<vmem>>, vector<16xi32>,
      %eq3A_75 = arith.cmpi eq, %get3A_69, %get3A_14 : vector<16xi32>
      %jit3A_76 = arith.constant 16 : i32
      %div3A_77 = vector.broadcast %jit3A_76 : i32 to vector<16xi32>
      %div3A_78 = arith.divsi %get3A_74, %div3A_77 : vector<16xi32>
      %sign3A_79 = arith.constant 0 : i32
      %sign3A_80 = vector.broadcast %sign3A_79 : i32 to vector<16xi32>
      %sign3A_81 = arith.cmpi sgt, %get3A_74, %sign3A_80 : vector<16xi32>
      %sign3A_82 = arith.extui %sign3A_81 : vector<16xi1> to vector<16xi32>
      %sign3A_83 = arith.constant 0 : i32
      %sign3A_84 = vector.broadcast %sign3A_83 : i32 to vector<16xi32>
      %sign3A_85 = arith.cmpi slt, %get3A_74, %sign3A_84 : vector<16xi32>
      %sign3A_86 = arith.extui %sign3A_85 : vector<16xi1> to vector<16xi32>
      %sign3A_87 = arith.subi %sign3A_82, %sign3A_86 : vector<16xi32>
      %sign3A_88 = arith.constant 0 : i32
      %sign3A_89 = arith.cmpi sgt, %jit3A_76, %sign3A_88 : i32
      %sign3A_90 = arith.extui %sign3A_89 : i1 to i32
      %sign3A_91 = arith.constant 0 : i32
      %sign3A_92 = arith.cmpi slt, %jit3A_76, %sign3A_91 : i32
      %sign3A_93 = arith.extui %sign3A_92 : i1 to i32
      %sign3A_94 = arith.subi %sign3A_90, %sign3A_93 : i32
      %ne3A_95 = vector.broadcast %sign3A_94 : i32 to vector<16xi32>
      %ne3A_96 = arith.cmpi ne, %sign3A_87, %ne3A_95 : vector<16xi32>
      %rem3A_97 = vector.broadcast %jit3A_76 : i32 to vector<16xi32>
      %rem3A_98 = arith.remsi %get3A_74, %rem3A_97 : vector<16xi32>
      %ne3A_99 = arith.constant 0 : i32
      %ne3A_100 = vector.broadcast %ne3A_99 : i32 to vector<16xi32>
      %ne3A_101 = arith.cmpi ne, %rem3A_98, %ne3A_100 : vector<16xi32>
      %and3A_102 = arith.andi %ne3A_96, %ne3A_101 : vector<16xi1>
      %sub3A_103 = arith.constant 1 : i32
      %sub3A_104 = vector.broadcast %sub3A_103 : i32 to vector<16xi32>
      %sub3A_105 = arith.subi %div3A_78, %sub3A_104 : vector<16xi32>
      %select_n3A_106 = arith.select %and3A_102, %sub3A_105, %div3A_78 : vector<16xi1>, vector<16xi32>
      %jit3A_107 = arith.constant 16 : i32
      %eq3A_108 = arith.constant 0 : i32
      %eq3A_109 = arith.cmpi eq, %jit3A_107, %eq3A_108 : i32
      %jit3A_110 = arith.constant 1 : i32
      %select_n3A_111 = arith.select %eq3A_109, %jit3A_110, %jit3A_107 : i32
      %rem3A_112 = vector.broadcast %select_n3A_111 : i32 to vector<16xi32>
      %rem3A_113 = arith.remsi %get3A_74, %rem3A_112 : vector<16xi32>
      %ne3A_114 = arith.constant 0 : i32
      %ne3A_115 = vector.broadcast %ne3A_114 : i32 to vector<16xi32>
      %ne3A_116 = arith.cmpi ne, %rem3A_113, %ne3A_115 : vector<16xi32>
      %lt3A_117 = arith.constant 0 : i32
      %lt3A_118 = vector.broadcast %lt3A_117 : i32 to vector<16xi32>
      %lt3A_119 = arith.cmpi slt, %rem3A_113, %lt3A_118 : vector<16xi32>
      %lt3A_120 = arith.constant 0 : i32
      %lt3A_121 = arith.cmpi slt, %select_n3A_111, %lt3A_120 : i32
      %ne3A_122 = vector.broadcast %lt3A_121 : i1 to vector<16xi1>
      %ne3A_123 = vector.broadcast %ne3A_122 : vector<16xi1> to vector<16xi1>
      %ne3A_124 = arith.xori %lt3A_119, %ne3A_123 : vector<16xi1>
      %and3A_125 = arith.andi %ne3A_124, %ne3A_116 : vector<16xi1>
      %add3A_126 = vector.broadcast %select_n3A_111 : i32 to vector<16xi32>
      %add3A_127 = arith.addi %rem3A_113, %add3A_126 : vector<16xi32>
      %select_n3A_128 = arith.select %and3A_125, %add3A_127, %rem3A_113 : vector<16xi1>, vector<16xi32>
      tpu.vector_store_idx %arg11[%select_n3A_106, %select_n3A_128], %broadcast_in_dim3A_15 masked %eq3A_75 : memref<640x16xf32, #tpu.memory_space<vmem>>[vector<16xi32>, vector<16xi32>], vector<16xf32>, vector<16xi1>
    }
    %scan3A_21 = arith.constant 320 : i32
    %barrier3A_22 = arith.constant 0 : index
    tpu.barrier barrier_id(%barrier3A_22)
    %scan3A_23 = arith.constant 0 : i32
    %scan3A_24 = arith.constant 0 : i32
    %scan3A_25 = arith.constant 5 : i32
    %scan3A_26 = arith.addi %scan3A_24, %scan3A_25 : i32
    %scan3A_27 = arith.constant 1 : i32
    scf.for %scan3A_34 = %scan3A_24 to %scan3A_26 step %scan3A_27  : i32 {
      %mul3A_35 = arith.constant 128 : i32
      %mul3A_36 = arith.muli %scan3A_34, %mul3A_35 : i32
      "tpu.region"() ({
        %run_scoped3A = tpu.sem_alloc : memref<!tpu.dma_semaphore, #tpu.memory_space<semaphore_mem>>
        %dma_start3A = arith.constant 0 : i32
        %dma_start3A_37 = tpu.memref_slice %arg11[%mul3A_36, %dma_start3A] : memref<640x16xf32, #tpu.memory_space<vmem>> -> memref<128x16xf32, #tpu.memory_space<vmem>>
        %dma_start3A_38 = arith.constant 0 : i32
        %dma_start3A_39 = tpu.memref_slice %arg10[%scan3A_34, %dma_start3A_38] : memref<5x128xi32, #tpu.memory_space<vmem>> -> memref<1x128xi32, #tpu.memory_space<vmem>>
        %dma_start3A_40 = tpu.memref_squeeze %dma_start3A_39 : memref<1x128xi32, #tpu.memory_space<vmem>> -> memref<128xi32, #tpu.memory_space<vmem>>
        %dma_start3A_41 = arith.constant 0 : i32
        %dma_start3A_42 = arith.constant 0 : i32
        %dma_start3A_43 = tpu.memref_slice %arg12[%dma_start3A_41, %dma_start3A_42] : memref<640x16xf32, #tpu.memory_space<vmem_shared>> -> memref<640x16xf32, #tpu.memory_space<vmem_shared>>
        tpu.enqueue_indirect_dma source(%dma_start3A_37 : memref<128x16xf32, #tpu.memory_space<vmem>>) target(%dma_start3A_43 : memref<640x16xf32, #tpu.memory_space<vmem_shared>>) offsets(%dma_start3A_40 : memref<128xi32, #tpu.memory_space<vmem>>) semaphore(%run_scoped3A : memref<!tpu.dma_semaphore, #tpu.memory_space<semaphore_mem>>) {add = true}
        %dma_wait3A = arith.constant 0 : i32
        %dma_wait3A_44 = tpu.memref_slice %arg11[%mul3A_36, %dma_wait3A] : memref<640x16xf32, #tpu.memory_space<vmem>> -> memref<128x16xf32, #tpu.memory_space<vmem>>
        %dma_wait3A_45 = arith.constant 0 : i32
        %dma_wait3A_46 = tpu.memref_slice %arg10[%scan3A_34, %dma_wait3A_45] : memref<5x128xi32, #tpu.memory_space<vmem>> -> memref<1x128xi32, #tpu.memory_space<vmem>>
        %dma_wait3A_47 = tpu.memref_squeeze %dma_wait3A_46 : memref<1x128xi32, #tpu.memory_space<vmem>> -> memref<128xi32, #tpu.memory_space<vmem>>
        %dma_wait3A_48 = arith.constant 0 : i32
        %dma_wait3A_49 = arith.constant 0 : i32
        %dma_wait3A_50 = tpu.memref_slice %arg12[%dma_wait3A_48, %dma_wait3A_49] : memref<640x16xf32, #tpu.memory_space<vmem_shared>> -> memref<640x16xf32, #tpu.memory_space<vmem_shared>>
        tpu.wait_indirect_dma semaphore(%run_scoped3A : memref<!tpu.dma_semaphore, #tpu.memory_space<semaphore_mem>>) src(%dma_wait3A_44 : memref<128x16xf32, #tpu.memory_space<vmem>>) dst(%dma_wait3A_50 : memref<640x16xf32, #tpu.memory_space<vmem_shared>>)
        tpu.yield
      }) : () -> ()
    }
    %scan3A_28 = arith.constant 5 : i32
    %barrier3A_29 = arith.constant 0 : index
    tpu.barrier barrier_id(%barrier3A_29)
    %mul3A_30 = arith.constant 40 : i32
    %mul3A_31 = arith.muli %arg1, %mul3A_30 : i32
    %mul3A_32 = arith.constant 40 : i32
    %mul3A_33 = arith.muli %arg1, %mul3A_32 : i32
    "tpu.region"() ({
      %run_scoped3A = tpu.sem_alloc : memref<!tpu.dma_semaphore, #tpu.memory_space<semaphore_mem>>
      %dma_start3A = arith.constant 0 : i32
      %dma_start3A_34 = tpu.memref_slice %arg6[%arg0, %mul3A_33, %dma_start3A] : memref<2x640x16xf32, #tpu.memory_space<hbm>> -> memref<1x40x16xf32, #tpu.memory_space<hbm>>
      %dma_start3A_35 = tpu.memref_squeeze %dma_start3A_34 : memref<1x40x16xf32, #tpu.memory_space<hbm>> -> memref<40x16xf32, #tpu.memory_space<hbm>>
      %dma_start3A_36 = arith.constant 0 : i32
      %dma_start3A_37 = tpu.memref_slice %arg12[%mul3A_31, %dma_start3A_36] : memref<640x16xf32, #tpu.memory_space<vmem_shared>> -> memref<40x16xf32, #tpu.memory_space<vmem_shared>>
      tpu.enqueue_dma source(%dma_start3A_37 : memref<40x16xf32, #tpu.memory_space<vmem_shared>>) target(%dma_start3A_35 : memref<40x16xf32, #tpu.memory_space<hbm>>) target_semaphore(%run_scoped3A : memref<!tpu.dma_semaphore, #tpu.memory_space<semaphore_mem>>)
      %dma_wait3A = arith.constant 0 : i32
      %dma_wait3A_38 = tpu.memref_slice %arg6[%arg0, %mul3A_33, %dma_wait3A] : memref<2x640x16xf32, #tpu.memory_space<hbm>> -> memref<1x40x16xf32, #tpu.memory_space<hbm>>
      %dma_wait3A_39 = tpu.memref_squeeze %dma_wait3A_38 : memref<1x40x16xf32, #tpu.memory_space<hbm>> -> memref<40x16xf32, #tpu.memory_space<hbm>>
      %dma_wait3A_40 = arith.constant 0 : i32
      %dma_wait3A_41 = tpu.memref_slice %arg12[%mul3A_31, %dma_wait3A_40] : memref<640x16xf32, #tpu.memory_space<vmem_shared>> -> memref<40x16xf32, #tpu.memory_space<vmem_shared>>
      tpu.wait_dma2 semaphore(%run_scoped3A : memref<!tpu.dma_semaphore, #tpu.memory_space<semaphore_mem>>) src(%dma_wait3A_41 : memref<40x16xf32, #tpu.memory_space<vmem_shared>>) dst(%dma_wait3A_39 : memref<40x16xf32, #tpu.memory_space<hbm>>)
      tpu.yield
    }) : () -> ()
    return
  }
}

#map = affine_map<(d0, d1) -> (0, 0)>
module attributes {stable_mosaic.version = 14 : i64} {
  func.func @sc_pairs(%arg0: i32, %arg1: i32, %arg2: memref<10016x16xf32, #tpu.memory_space<hbm>>, %arg3: memref<1280x128xi32, #tpu.memory_space<hbm>>, %arg4: memref<1280x128xi32, #tpu.memory_space<hbm>>, %arg5: memref<163840x16xf32, #tpu.memory_space<hbm>>, %arg6: memref<163840x16xf32, #tpu.memory_space<hbm>>, %arg7: memref<40x128xi32, #tpu.memory_space<vmem>>, %arg8: memref<40x128xi32, #tpu.memory_space<vmem>>, %arg9: memref<5120x16xf32, #tpu.memory_space<vmem>>, %arg10: memref<10016x16xf32, #tpu.memory_space<vmem_shared>>, %arg11: memref<!tpu.dma_semaphore, #tpu.memory_space<semaphore_mem>>) attributes {dimension_semantics = [#tpu.dimension_semantics<core_parallel>, #tpu.dimension_semantics<subcore_parallel>], iteration_bounds = array<i64: 2, 16>, scalar_prefetch = 0 : i64, scratch_operands = 5 : i64, tpu.core_type = #tpu.core_type<sc_vector_subcore>, window_params = [{transform_indices = #map}, {transform_indices = #map}, {transform_indices = #map}, {transform_indices = #map}, {transform_indices = #map}]} {
    %mul3A = arith.constant 2 : i32
    %mul3A_0 = arith.muli %arg1, %mul3A : i32
    %add3A = arith.addi %mul3A_0, %arg0 : i32
    %mul3A_1 = arith.constant 626 : i32
    %mul3A_2 = arith.muli %arg1, %mul3A_1 : i32
    %mul3A_3 = arith.constant 626 : i32
    %mul3A_4 = arith.muli %arg1, %mul3A_3 : i32
    "tpu.region"() ({
      %run_scoped3A = tpu.sem_alloc : memref<!tpu.dma_semaphore, #tpu.memory_space<semaphore_mem>>
      %dma_start3A = arith.constant 0 : i32
      %dma_start3A_36 = tpu.memref_slice %arg10[%mul3A_4, %dma_start3A] : memref<10016x16xf32, #tpu.memory_space<vmem_shared>> -> memref<626x16xf32, #tpu.memory_space<vmem_shared>>
      %dma_start3A_37 = arith.constant 0 : i32
      %dma_start3A_38 = tpu.memref_slice %arg2[%mul3A_2, %dma_start3A_37] : memref<10016x16xf32, #tpu.memory_space<hbm>> -> memref<626x16xf32, #tpu.memory_space<hbm>>
      tpu.enqueue_dma source(%dma_start3A_38 : memref<626x16xf32, #tpu.memory_space<hbm>>) target(%dma_start3A_36 : memref<626x16xf32, #tpu.memory_space<vmem_shared>>) target_semaphore(%run_scoped3A : memref<!tpu.dma_semaphore, #tpu.memory_space<semaphore_mem>>)
      %dma_wait3A = arith.constant 0 : i32
      %dma_wait3A_39 = tpu.memref_slice %arg10[%mul3A_4, %dma_wait3A] : memref<10016x16xf32, #tpu.memory_space<vmem_shared>> -> memref<626x16xf32, #tpu.memory_space<vmem_shared>>
      %dma_wait3A_40 = arith.constant 0 : i32
      %dma_wait3A_41 = tpu.memref_slice %arg2[%mul3A_2, %dma_wait3A_40] : memref<10016x16xf32, #tpu.memory_space<hbm>> -> memref<626x16xf32, #tpu.memory_space<hbm>>
      tpu.wait_dma2 semaphore(%run_scoped3A : memref<!tpu.dma_semaphore, #tpu.memory_space<semaphore_mem>>) src(%dma_wait3A_41 : memref<626x16xf32, #tpu.memory_space<hbm>>) dst(%dma_wait3A_39 : memref<626x16xf32, #tpu.memory_space<vmem_shared>>)
      tpu.yield
    }) : () -> ()
    %mul3A_5 = arith.constant 40 : i32
    %mul3A_6 = arith.muli %add3A, %mul3A_5 : i32
    "tpu.region"() ({
      %run_scoped3A = tpu.sem_alloc : memref<!tpu.dma_semaphore, #tpu.memory_space<semaphore_mem>>
      %dma_start3A = arith.constant 0 : i32
      %dma_start3A_36 = tpu.memref_slice %arg3[%mul3A_6, %dma_start3A] : memref<1280x128xi32, #tpu.memory_space<hbm>> -> memref<40x128xi32, #tpu.memory_space<hbm>>
      %dma_start3A_37 = arith.constant 0 : i32
      %dma_start3A_38 = tpu.memref_slice %arg3[%mul3A_6, %dma_start3A_37] : memref<1280x128xi32, #tpu.memory_space<hbm>> -> memref<40x128xi32, #tpu.memory_space<hbm>>
      tpu.enqueue_dma source(%dma_start3A_38 : memref<40x128xi32, #tpu.memory_space<hbm>>) target(%arg7 : memref<40x128xi32, #tpu.memory_space<vmem>>) target_semaphore(%run_scoped3A : memref<!tpu.dma_semaphore, #tpu.memory_space<semaphore_mem>>)
      %dma_wait3A = arith.constant 0 : i32
      %dma_wait3A_39 = tpu.memref_slice %arg3[%mul3A_6, %dma_wait3A] : memref<1280x128xi32, #tpu.memory_space<hbm>> -> memref<40x128xi32, #tpu.memory_space<hbm>>
      %dma_wait3A_40 = arith.constant 0 : i32
      %dma_wait3A_41 = tpu.memref_slice %arg3[%mul3A_6, %dma_wait3A_40] : memref<1280x128xi32, #tpu.memory_space<hbm>> -> memref<40x128xi32, #tpu.memory_space<hbm>>
      tpu.wait_dma2 semaphore(%run_scoped3A : memref<!tpu.dma_semaphore, #tpu.memory_space<semaphore_mem>>) src(%dma_wait3A_41 : memref<40x128xi32, #tpu.memory_space<hbm>>) dst(%arg7 : memref<40x128xi32, #tpu.memory_space<vmem>>)
      tpu.yield
    }) : () -> ()
    %mul3A_7 = arith.constant 40 : i32
    %mul3A_8 = arith.muli %add3A, %mul3A_7 : i32
    "tpu.region"() ({
      %run_scoped3A = tpu.sem_alloc : memref<!tpu.dma_semaphore, #tpu.memory_space<semaphore_mem>>
      %dma_start3A = arith.constant 0 : i32
      %dma_start3A_36 = tpu.memref_slice %arg4[%mul3A_8, %dma_start3A] : memref<1280x128xi32, #tpu.memory_space<hbm>> -> memref<40x128xi32, #tpu.memory_space<hbm>>
      %dma_start3A_37 = arith.constant 0 : i32
      %dma_start3A_38 = tpu.memref_slice %arg4[%mul3A_8, %dma_start3A_37] : memref<1280x128xi32, #tpu.memory_space<hbm>> -> memref<40x128xi32, #tpu.memory_space<hbm>>
      tpu.enqueue_dma source(%dma_start3A_38 : memref<40x128xi32, #tpu.memory_space<hbm>>) target(%arg8 : memref<40x128xi32, #tpu.memory_space<vmem>>) target_semaphore(%run_scoped3A : memref<!tpu.dma_semaphore, #tpu.memory_space<semaphore_mem>>)
      %dma_wait3A = arith.constant 0 : i32
      %dma_wait3A_39 = tpu.memref_slice %arg4[%mul3A_8, %dma_wait3A] : memref<1280x128xi32, #tpu.memory_space<hbm>> -> memref<40x128xi32, #tpu.memory_space<hbm>>
      %dma_wait3A_40 = arith.constant 0 : i32
      %dma_wait3A_41 = tpu.memref_slice %arg4[%mul3A_8, %dma_wait3A_40] : memref<1280x128xi32, #tpu.memory_space<hbm>> -> memref<40x128xi32, #tpu.memory_space<hbm>>
      tpu.wait_dma2 semaphore(%run_scoped3A : memref<!tpu.dma_semaphore, #tpu.memory_space<semaphore_mem>>) src(%dma_wait3A_41 : memref<40x128xi32, #tpu.memory_space<hbm>>) dst(%arg8 : memref<40x128xi32, #tpu.memory_space<vmem>>)
      tpu.yield
    }) : () -> ()
    %barrier3A = arith.constant 0 : index
    tpu.barrier barrier_id(%barrier3A)
    %scan3A = arith.constant 0 : i32
    %scan3A_9 = arith.constant 0 : i32
    %scan3A_10 = arith.constant 40 : i32
    %scan3A_11 = arith.addi %scan3A_9, %scan3A_10 : i32
    %scan3A_12 = arith.constant 1 : i32
    scf.for %scan3A_36 = %scan3A_9 to %scan3A_11 step %scan3A_12  : i32 {
      %mul3A_37 = arith.constant 128 : i32
      %mul3A_38 = arith.muli %scan3A_36, %mul3A_37 : i32
      %dma_start3A = arith.constant 0 : i32
      %dma_start3A_39 = tpu.memref_slice %arg9[%mul3A_38, %dma_start3A] : memref<5120x16xf32, #tpu.memory_space<vmem>> -> memref<128x16xf32, #tpu.memory_space<vmem>>
      %dma_start3A_40 = arith.constant 0 : i32
      %dma_start3A_41 = tpu.memref_slice %arg7[%scan3A_36, %dma_start3A_40] : memref<40x128xi32, #tpu.memory_space<vmem>> -> memref<1x128xi32, #tpu.memory_space<vmem>>
      %dma_start3A_42 = tpu.memref_squeeze %dma_start3A_41 : memref<1x128xi32, #tpu.memory_space<vmem>> -> memref<128xi32, #tpu.memory_space<vmem>>
      %dma_start3A_43 = arith.constant 0 : i32
      %dma_start3A_44 = arith.constant 0 : i32
      %dma_start3A_45 = tpu.memref_slice %arg10[%dma_start3A_43, %dma_start3A_44] : memref<10016x16xf32, #tpu.memory_space<vmem_shared>> -> memref<10016x16xf32, #tpu.memory_space<vmem_shared>>
      tpu.enqueue_indirect_dma source(%dma_start3A_45 : memref<10016x16xf32, #tpu.memory_space<vmem_shared>>) target(%dma_start3A_39 : memref<128x16xf32, #tpu.memory_space<vmem>>) offsets(%dma_start3A_42 : memref<128xi32, #tpu.memory_space<vmem>>) semaphore(%arg11 : memref<!tpu.dma_semaphore, #tpu.memory_space<semaphore_mem>>)
    }
    %scan3A_13 = arith.constant 40 : i32
    %scan3A_14 = arith.constant 0 : i32
    %scan3A_15 = arith.constant 0 : i32
    %scan3A_16 = arith.constant 40 : i32
    %scan3A_17 = arith.addi %scan3A_15, %scan3A_16 : i32
    %scan3A_18 = arith.constant 1 : i32
    scf.for %scan3A_36 = %scan3A_15 to %scan3A_17 step %scan3A_18  : i32 {
      %dma_wait3A = arith.constant 0 : i32
      %dma_wait3A_37 = arith.constant 0 : i32
      %dma_wait3A_38 = tpu.memref_slice %arg9[%dma_wait3A, %dma_wait3A_37] : memref<5120x16xf32, #tpu.memory_space<vmem>> -> memref<128x16xf32, #tpu.memory_space<vmem>>
      %dma_wait3A_39 = arith.constant 0 : i32
      %dma_wait3A_40 = arith.constant 0 : i32
      %dma_wait3A_41 = tpu.memref_slice %arg2[%dma_wait3A_39, %dma_wait3A_40] : memref<10016x16xf32, #tpu.memory_space<hbm>> -> memref<128x16xf32, #tpu.memory_space<hbm>>
      %dma_wait3A_42 = arith.constant 0 : i32
      %dma_wait3A_43 = arith.constant 0 : i32
      %dma_wait3A_44 = tpu.memref_slice %arg9[%dma_wait3A_42, %dma_wait3A_43] : memref<5120x16xf32, #tpu.memory_space<vmem>> -> memref<128x16xf32, #tpu.memory_space<vmem>>
      %dma_wait3A_45 = arith.constant 0 : i32
      %dma_wait3A_46 = arith.constant 0 : i32
      %dma_wait3A_47 = tpu.memref_slice %arg2[%dma_wait3A_45, %dma_wait3A_46] : memref<10016x16xf32, #tpu.memory_space<hbm>> -> memref<128x16xf32, #tpu.memory_space<hbm>>
      tpu.wait_dma2 semaphore(%arg11 : memref<!tpu.dma_semaphore, #tpu.memory_space<semaphore_mem>>) src(%dma_wait3A_47 : memref<128x16xf32, #tpu.memory_space<hbm>>) dst(%dma_wait3A_44 : memref<128x16xf32, #tpu.memory_space<vmem>>)
    }
    %scan3A_19 = arith.constant 40 : i32
    %mul3A_20 = arith.constant 5120 : i32
    %mul3A_21 = arith.muli %add3A, %mul3A_20 : i32
    "tpu.region"() ({
      %run_scoped3A = tpu.sem_alloc : memref<!tpu.dma_semaphore, #tpu.memory_space<semaphore_mem>>
      %dma_start3A = arith.constant 0 : i32
      %dma_start3A_36 = tpu.memref_slice %arg5[%mul3A_21, %dma_start3A] : memref<163840x16xf32, #tpu.memory_space<hbm>> -> memref<5120x16xf32, #tpu.memory_space<hbm>>
      %dma_start3A_37 = arith.constant 0 : i32
      %dma_start3A_38 = tpu.memref_slice %arg5[%mul3A_21, %dma_start3A_37] : memref<163840x16xf32, #tpu.memory_space<hbm>> -> memref<5120x16xf32, #tpu.memory_space<hbm>>
      tpu.enqueue_dma source(%arg9 : memref<5120x16xf32, #tpu.memory_space<vmem>>) target(%dma_start3A_38 : memref<5120x16xf32, #tpu.memory_space<hbm>>) target_semaphore(%run_scoped3A : memref<!tpu.dma_semaphore, #tpu.memory_space<semaphore_mem>>)
      %dma_wait3A = arith.constant 0 : i32
      %dma_wait3A_39 = tpu.memref_slice %arg5[%mul3A_21, %dma_wait3A] : memref<163840x16xf32, #tpu.memory_space<hbm>> -> memref<5120x16xf32, #tpu.memory_space<hbm>>
      %dma_wait3A_40 = arith.constant 0 : i32
      %dma_wait3A_41 = tpu.memref_slice %arg5[%mul3A_21, %dma_wait3A_40] : memref<163840x16xf32, #tpu.memory_space<hbm>> -> memref<5120x16xf32, #tpu.memory_space<hbm>>
      tpu.wait_dma2 semaphore(%run_scoped3A : memref<!tpu.dma_semaphore, #tpu.memory_space<semaphore_mem>>) src(%arg9 : memref<5120x16xf32, #tpu.memory_space<vmem>>) dst(%dma_wait3A_41 : memref<5120x16xf32, #tpu.memory_space<hbm>>)
      tpu.yield
    }) : () -> ()
    %scan3A_22 = arith.constant 0 : i32
    %scan3A_23 = arith.constant 0 : i32
    %scan3A_24 = arith.constant 40 : i32
    %scan3A_25 = arith.addi %scan3A_23, %scan3A_24 : i32
    %scan3A_26 = arith.constant 1 : i32
    scf.for %scan3A_36 = %scan3A_23 to %scan3A_25 step %scan3A_26  : i32 {
      %mul3A_37 = arith.constant 128 : i32
      %mul3A_38 = arith.muli %scan3A_36, %mul3A_37 : i32
      %dma_start3A = arith.constant 0 : i32
      %dma_start3A_39 = tpu.memref_slice %arg9[%mul3A_38, %dma_start3A] : memref<5120x16xf32, #tpu.memory_space<vmem>> -> memref<128x16xf32, #tpu.memory_space<vmem>>
      %dma_start3A_40 = arith.constant 0 : i32
      %dma_start3A_41 = tpu.memref_slice %arg8[%scan3A_36, %dma_start3A_40] : memref<40x128xi32, #tpu.memory_space<vmem>> -> memref<1x128xi32, #tpu.memory_space<vmem>>
      %dma_start3A_42 = tpu.memref_squeeze %dma_start3A_41 : memref<1x128xi32, #tpu.memory_space<vmem>> -> memref<128xi32, #tpu.memory_space<vmem>>
      %dma_start3A_43 = arith.constant 0 : i32
      %dma_start3A_44 = arith.constant 0 : i32
      %dma_start3A_45 = tpu.memref_slice %arg10[%dma_start3A_43, %dma_start3A_44] : memref<10016x16xf32, #tpu.memory_space<vmem_shared>> -> memref<10016x16xf32, #tpu.memory_space<vmem_shared>>
      tpu.enqueue_indirect_dma source(%dma_start3A_45 : memref<10016x16xf32, #tpu.memory_space<vmem_shared>>) target(%dma_start3A_39 : memref<128x16xf32, #tpu.memory_space<vmem>>) offsets(%dma_start3A_42 : memref<128xi32, #tpu.memory_space<vmem>>) semaphore(%arg11 : memref<!tpu.dma_semaphore, #tpu.memory_space<semaphore_mem>>)
    }
    %scan3A_27 = arith.constant 40 : i32
    %scan3A_28 = arith.constant 0 : i32
    %scan3A_29 = arith.constant 0 : i32
    %scan3A_30 = arith.constant 40 : i32
    %scan3A_31 = arith.addi %scan3A_29, %scan3A_30 : i32
    %scan3A_32 = arith.constant 1 : i32
    scf.for %scan3A_36 = %scan3A_29 to %scan3A_31 step %scan3A_32  : i32 {
      %dma_wait3A = arith.constant 0 : i32
      %dma_wait3A_37 = arith.constant 0 : i32
      %dma_wait3A_38 = tpu.memref_slice %arg9[%dma_wait3A, %dma_wait3A_37] : memref<5120x16xf32, #tpu.memory_space<vmem>> -> memref<128x16xf32, #tpu.memory_space<vmem>>
      %dma_wait3A_39 = arith.constant 0 : i32
      %dma_wait3A_40 = arith.constant 0 : i32
      %dma_wait3A_41 = tpu.memref_slice %arg2[%dma_wait3A_39, %dma_wait3A_40] : memref<10016x16xf32, #tpu.memory_space<hbm>> -> memref<128x16xf32, #tpu.memory_space<hbm>>
      %dma_wait3A_42 = arith.constant 0 : i32
      %dma_wait3A_43 = arith.constant 0 : i32
      %dma_wait3A_44 = tpu.memref_slice %arg9[%dma_wait3A_42, %dma_wait3A_43] : memref<5120x16xf32, #tpu.memory_space<vmem>> -> memref<128x16xf32, #tpu.memory_space<vmem>>
      %dma_wait3A_45 = arith.constant 0 : i32
      %dma_wait3A_46 = arith.constant 0 : i32
      %dma_wait3A_47 = tpu.memref_slice %arg2[%dma_wait3A_45, %dma_wait3A_46] : memref<10016x16xf32, #tpu.memory_space<hbm>> -> memref<128x16xf32, #tpu.memory_space<hbm>>
      tpu.wait_dma2 semaphore(%arg11 : memref<!tpu.dma_semaphore, #tpu.memory_space<semaphore_mem>>) src(%dma_wait3A_47 : memref<128x16xf32, #tpu.memory_space<hbm>>) dst(%dma_wait3A_44 : memref<128x16xf32, #tpu.memory_space<vmem>>)
    }
    %scan3A_33 = arith.constant 40 : i32
    %mul3A_34 = arith.constant 5120 : i32
    %mul3A_35 = arith.muli %add3A, %mul3A_34 : i32
    "tpu.region"() ({
      %run_scoped3A = tpu.sem_alloc : memref<!tpu.dma_semaphore, #tpu.memory_space<semaphore_mem>>
      %dma_start3A = arith.constant 0 : i32
      %dma_start3A_36 = tpu.memref_slice %arg6[%mul3A_35, %dma_start3A] : memref<163840x16xf32, #tpu.memory_space<hbm>> -> memref<5120x16xf32, #tpu.memory_space<hbm>>
      %dma_start3A_37 = arith.constant 0 : i32
      %dma_start3A_38 = tpu.memref_slice %arg6[%mul3A_35, %dma_start3A_37] : memref<163840x16xf32, #tpu.memory_space<hbm>> -> memref<5120x16xf32, #tpu.memory_space<hbm>>
      tpu.enqueue_dma source(%arg9 : memref<5120x16xf32, #tpu.memory_space<vmem>>) target(%dma_start3A_38 : memref<5120x16xf32, #tpu.memory_space<hbm>>) target_semaphore(%run_scoped3A : memref<!tpu.dma_semaphore, #tpu.memory_space<semaphore_mem>>)
      %dma_wait3A = arith.constant 0 : i32
      %dma_wait3A_39 = tpu.memref_slice %arg6[%mul3A_35, %dma_wait3A] : memref<163840x16xf32, #tpu.memory_space<hbm>> -> memref<5120x16xf32, #tpu.memory_space<hbm>>
      %dma_wait3A_40 = arith.constant 0 : i32
      %dma_wait3A_41 = tpu.memref_slice %arg6[%mul3A_35, %dma_wait3A_40] : memref<163840x16xf32, #tpu.memory_space<hbm>> -> memref<5120x16xf32, #tpu.memory_space<hbm>>
      tpu.wait_dma2 semaphore(%run_scoped3A : memref<!tpu.dma_semaphore, #tpu.memory_space<semaphore_mem>>) src(%arg9 : memref<5120x16xf32, #tpu.memory_space<vmem>>) dst(%dma_wait3A_41 : memref<5120x16xf32, #tpu.memory_space<hbm>>)
      tpu.yield
    }) : () -> ()
    return
  }
}

#map = affine_map<(d0, d1) -> (0, 0, 0)>
#map1 = affine_map<(d0, d1) -> (0, 0)>
module attributes {stable_mosaic.version = 14 : i64} {
  func.func @sc_aggregate(%arg0: i32, %arg1: i32, %arg2: memref<2x10240x32xf32, #tpu.memory_space<hbm>>, %arg3: memref<1280x128xi32, #tpu.memory_space<hbm>>, %arg4: memref<1280x128xi32, #tpu.memory_space<hbm>>, %arg5: memref<80x128xi32, #tpu.memory_space<hbm>>, %arg6: memref<128x32xf32, #tpu.memory_space<hbm>>, %arg7: memref<128x16xf32, #tpu.memory_space<hbm>>, %arg8: memref<2x10000x32xf32, #tpu.memory_space<hbm>>, %arg9: memref<10000x16xf32, #tpu.memory_space<hbm>>, %arg10: memref<80x128xi32, #tpu.memory_space<vmem>>, %arg11: memref<80x128xi32, #tpu.memory_space<vmem>>, %arg12: memref<128x32xf32, #tpu.memory_space<vmem>>, %arg13: memref<128x32xf32, #tpu.memory_space<vmem>>, %arg14: memref<128x32xf32, #tpu.memory_space<vmem>>, %arg15: memref<128x32xf32, #tpu.memory_space<vmem>>, %arg16: memref<5x128xi32, #tpu.memory_space<vmem>>, %arg17: memref<128x32xf32, #tpu.memory_space<vmem>>, %arg18: memref<128x32xf32, #tpu.memory_space<vmem>>, %arg19: memref<128x16xf32, #tpu.memory_space<vmem>>, %arg20: memref<128x16xf32, #tpu.memory_space<vmem>>, %arg21: memref<10240x32xf32, #tpu.memory_space<vmem_shared>>, %arg22: memref<10016x32xf32, #tpu.memory_space<vmem_shared>>, %arg23: memref<10016x16xf32, #tpu.memory_space<vmem_shared>>, %arg24: memref<!tpu.dma_semaphore, #tpu.memory_space<semaphore_mem>>, %arg25: memref<!tpu.dma_semaphore, #tpu.memory_space<semaphore_mem>>, %arg26: memref<!tpu.dma_semaphore, #tpu.memory_space<semaphore_mem>>) attributes {dimension_semantics = [#tpu.dimension_semantics<core_parallel>, #tpu.dimension_semantics<subcore_parallel>], iteration_bounds = array<i64: 2, 16>, scalar_prefetch = 0 : i64, scratch_operands = 17 : i64, tpu.core_type = #tpu.core_type<sc_vector_subcore>, window_params = [{transform_indices = #map}, {transform_indices = #map1}, {transform_indices = #map1}, {transform_indices = #map1}, {transform_indices = #map1}, {transform_indices = #map1}, {transform_indices = #map}, {transform_indices = #map1}]} {
    %mul3A = arith.constant 5 : i32
    %mul3A_0 = arith.muli %arg1, %mul3A : i32
    "tpu.region"() ({
      %run_scoped3A = tpu.sem_alloc : memref<!tpu.dma_semaphore, #tpu.memory_space<semaphore_mem>>
      %dma_start3A_101 = arith.constant 0 : i32
      %dma_start3A_102 = tpu.memref_slice %arg5[%mul3A_0, %dma_start3A_101] : memref<80x128xi32, #tpu.memory_space<hbm>> -> memref<5x128xi32, #tpu.memory_space<hbm>>
      %dma_start3A_103 = arith.constant 0 : i32
      %dma_start3A_104 = tpu.memref_slice %arg5[%mul3A_0, %dma_start3A_103] : memref<80x128xi32, #tpu.memory_space<hbm>> -> memref<5x128xi32, #tpu.memory_space<hbm>>
      tpu.enqueue_dma source(%dma_start3A_104 : memref<5x128xi32, #tpu.memory_space<hbm>>) target(%arg16 : memref<5x128xi32, #tpu.memory_space<vmem>>) target_semaphore(%run_scoped3A : memref<!tpu.dma_semaphore, #tpu.memory_space<semaphore_mem>>)
      %dma_wait3A = arith.constant 0 : i32
      %dma_wait3A_105 = tpu.memref_slice %arg5[%mul3A_0, %dma_wait3A] : memref<80x128xi32, #tpu.memory_space<hbm>> -> memref<5x128xi32, #tpu.memory_space<hbm>>
      %dma_wait3A_106 = arith.constant 0 : i32
      %dma_wait3A_107 = tpu.memref_slice %arg5[%mul3A_0, %dma_wait3A_106] : memref<80x128xi32, #tpu.memory_space<hbm>> -> memref<5x128xi32, #tpu.memory_space<hbm>>
      tpu.wait_dma2 semaphore(%run_scoped3A : memref<!tpu.dma_semaphore, #tpu.memory_space<semaphore_mem>>) src(%dma_wait3A_107 : memref<5x128xi32, #tpu.memory_space<hbm>>) dst(%arg16 : memref<5x128xi32, #tpu.memory_space<vmem>>)
      tpu.yield
    }) : () -> ()
    %scan3A = arith.constant 0 : i32
    %scan3A_1 = arith.constant 0 : i32
    %scan3A_2 = arith.constant 5 : i32
    %scan3A_3 = arith.addi %scan3A_1, %scan3A_2 : i32
    %scan3A_4 = arith.constant 1 : i32
    scf.for %scan3A_101 = %scan3A_1 to %scan3A_3 step %scan3A_4  : i32 {
      %mul3A_102 = arith.constant 5 : i32
      %mul3A_103 = arith.muli %arg1, %mul3A_102 : i32
      %add3A_104 = arith.addi %mul3A_103, %scan3A_101 : i32
      %dma_start3A_105 = arith.constant 0 : i32
      %dma_start3A_106 = tpu.memref_slice %arg16[%scan3A_101, %dma_start3A_105] : memref<5x128xi32, #tpu.memory_space<vmem>> -> memref<1x128xi32, #tpu.memory_space<vmem>>
      %dma_start3A_107 = tpu.memref_squeeze %dma_start3A_106 : memref<1x128xi32, #tpu.memory_space<vmem>> -> memref<128xi32, #tpu.memory_space<vmem>>
      %dma_start3A_108 = arith.constant 0 : i32
      %dma_start3A_109 = arith.constant 0 : i32
      %dma_start3A_110 = tpu.memref_slice %arg2[%arg0, %dma_start3A_108, %dma_start3A_109] : memref<2x10240x32xf32, #tpu.memory_space<hbm>> -> memref<1x10240x32xf32, #tpu.memory_space<hbm>>
      %dma_start3A_111 = tpu.memref_squeeze %dma_start3A_110 : memref<1x10240x32xf32, #tpu.memory_space<hbm>> -> memref<10240x32xf32, #tpu.memory_space<hbm>>
      %dma_start3A_112 = arith.constant 0 : i32
      %dma_start3A_113 = arith.constant 0 : i32
      %dma_start3A_114 = tpu.memref_slice %dma_start3A_111[%dma_start3A_112, %dma_start3A_113] : memref<10240x32xf32, #tpu.memory_space<hbm>> -> memref<10240x32xf32, #tpu.memory_space<hbm>>
      tpu.enqueue_indirect_dma source(%dma_start3A_114 : memref<10240x32xf32, #tpu.memory_space<hbm>>) target(%arg17 : memref<128x32xf32, #tpu.memory_space<vmem>>) offsets(%dma_start3A_107 : memref<128xi32, #tpu.memory_space<vmem>>) semaphore(%arg24 : memref<!tpu.dma_semaphore, #tpu.memory_space<semaphore_mem>>)
      %dma_wait3A = arith.constant 0 : i32
      %dma_wait3A_115 = tpu.memref_slice %arg16[%scan3A_101, %dma_wait3A] : memref<5x128xi32, #tpu.memory_space<vmem>> -> memref<1x128xi32, #tpu.memory_space<vmem>>
      %dma_wait3A_116 = tpu.memref_squeeze %dma_wait3A_115 : memref<1x128xi32, #tpu.memory_space<vmem>> -> memref<128xi32, #tpu.memory_space<vmem>>
      %dma_wait3A_117 = arith.constant 0 : i32
      %dma_wait3A_118 = arith.constant 0 : i32
      %dma_wait3A_119 = tpu.memref_slice %arg2[%arg0, %dma_wait3A_117, %dma_wait3A_118] : memref<2x10240x32xf32, #tpu.memory_space<hbm>> -> memref<1x10240x32xf32, #tpu.memory_space<hbm>>
      %dma_wait3A_120 = tpu.memref_squeeze %dma_wait3A_119 : memref<1x10240x32xf32, #tpu.memory_space<hbm>> -> memref<10240x32xf32, #tpu.memory_space<hbm>>
      %dma_wait3A_121 = arith.constant 0 : i32
      %dma_wait3A_122 = arith.constant 0 : i32
      %dma_wait3A_123 = tpu.memref_slice %dma_wait3A_120[%dma_wait3A_121, %dma_wait3A_122] : memref<10240x32xf32, #tpu.memory_space<hbm>> -> memref<10240x32xf32, #tpu.memory_space<hbm>>
      tpu.wait_indirect_dma semaphore(%arg24 : memref<!tpu.dma_semaphore, #tpu.memory_space<semaphore_mem>>) src(%dma_wait3A_123 : memref<10240x32xf32, #tpu.memory_space<hbm>>) dst(%arg17 : memref<128x32xf32, #tpu.memory_space<vmem>>)
      %mul3A_124 = arith.constant 128 : i32
      %mul3A_125 = arith.muli %add3A_104, %mul3A_124 : i32
      "tpu.region"() ({
        %run_scoped3A = tpu.sem_alloc : memref<!tpu.dma_semaphore, #tpu.memory_space<semaphore_mem>>
        %dma_start3A_126 = arith.constant 0 : i32
        %dma_start3A_127 = tpu.memref_slice %arg21[%mul3A_125, %dma_start3A_126] : memref<10240x32xf32, #tpu.memory_space<vmem_shared>> -> memref<128x32xf32, #tpu.memory_space<vmem_shared>>
        %dma_start3A_128 = arith.constant 0 : i32
        %dma_start3A_129 = tpu.memref_slice %arg21[%mul3A_125, %dma_start3A_128] : memref<10240x32xf32, #tpu.memory_space<vmem_shared>> -> memref<128x32xf32, #tpu.memory_space<vmem_shared>>
        tpu.enqueue_dma source(%arg17 : memref<128x32xf32, #tpu.memory_space<vmem>>) target(%dma_start3A_129 : memref<128x32xf32, #tpu.memory_space<vmem_shared>>) target_semaphore(%run_scoped3A : memref<!tpu.dma_semaphore, #tpu.memory_space<semaphore_mem>>)
        %dma_wait3A_130 = arith.constant 0 : i32
        %dma_wait3A_131 = tpu.memref_slice %arg21[%mul3A_125, %dma_wait3A_130] : memref<10240x32xf32, #tpu.memory_space<vmem_shared>> -> memref<128x32xf32, #tpu.memory_space<vmem_shared>>
        %dma_wait3A_132 = arith.constant 0 : i32
        %dma_wait3A_133 = tpu.memref_slice %arg21[%mul3A_125, %dma_wait3A_132] : memref<10240x32xf32, #tpu.memory_space<vmem_shared>> -> memref<128x32xf32, #tpu.memory_space<vmem_shared>>
        tpu.wait_dma2 semaphore(%run_scoped3A : memref<!tpu.dma_semaphore, #tpu.memory_space<semaphore_mem>>) src(%arg17 : memref<128x32xf32, #tpu.memory_space<vmem>>) dst(%dma_wait3A_133 : memref<128x32xf32, #tpu.memory_space<vmem_shared>>)
        tpu.yield
      }) : () -> ()
    }
    %scan3A_5 = arith.constant 5 : i32
    %scan3A_6 = arith.constant 0 : i32
    %scan3A_7 = arith.constant 0 : i32
    %scan3A_8 = arith.constant 128 : i32
    %scan3A_9 = arith.addi %scan3A_7, %scan3A_8 : i32
    %scan3A_10 = arith.constant 1 : i32
    scf.for %scan3A_101 = %scan3A_7 to %scan3A_9 step %scan3A_10  : i32 {
      %broadcast_in_dim3A = arith.constant 1.000000e+00 : f32
      %broadcast_in_dim3A_102 = vector.broadcast %broadcast_in_dim3A : f32 to vector<16xf32>
      %swap3A = arith.index_cast %scan3A_101 : i32 to index
      %swap3A_103 = arith.constant 0 : index
      %swap3A_104 = tpu.vector_load %arg20[%swap3A, %swap3A_103] {strides = array<i32>} : memref<128x16xf32, #tpu.memory_space<vmem>>, vector<16xf32>,
      tpu.vector_store %arg20[%swap3A, %swap3A_103], %broadcast_in_dim3A_102 {strides = array<i32>} : memref<128x16xf32, #tpu.memory_space<vmem>>, vector<16xf32>,
    }
    %scan3A_11 = arith.constant 128 : i32
    "tpu.region"() ({
      %run_scoped3A = tpu.sem_alloc : memref<!tpu.dma_semaphore, #tpu.memory_space<semaphore_mem>>
      tpu.enqueue_dma source(%arg6 : memref<128x32xf32, #tpu.memory_space<hbm>>) target(%arg18 : memref<128x32xf32, #tpu.memory_space<vmem>>) target_semaphore(%run_scoped3A : memref<!tpu.dma_semaphore, #tpu.memory_space<semaphore_mem>>)
      tpu.wait_dma2 semaphore(%run_scoped3A : memref<!tpu.dma_semaphore, #tpu.memory_space<semaphore_mem>>) src(%arg6 : memref<128x32xf32, #tpu.memory_space<hbm>>) dst(%arg18 : memref<128x32xf32, #tpu.memory_space<vmem>>)
      tpu.yield
    }) : () -> ()
    %mul3A_12 = arith.constant 626 : i32
    %mul3A_13 = arith.muli %arg1, %mul3A_12 : i32
    %add3A = arith.constant 0 : i32
    %add3A_14 = arith.addi %mul3A_13, %add3A : i32
    "tpu.region"() ({
      %run_scoped3A = tpu.sem_alloc : memref<!tpu.dma_semaphore, #tpu.memory_space<semaphore_mem>>
      %dma_start3A_101 = arith.constant 0 : i32
      %dma_start3A_102 = tpu.memref_slice %arg22[%add3A_14, %dma_start3A_101] : memref<10016x32xf32, #tpu.memory_space<vmem_shared>> -> memref<128x32xf32, #tpu.memory_space<vmem_shared>>
      %dma_start3A_103 = arith.constant 0 : i32
      %dma_start3A_104 = tpu.memref_slice %arg22[%add3A_14, %dma_start3A_103] : memref<10016x32xf32, #tpu.memory_space<vmem_shared>> -> memref<128x32xf32, #tpu.memory_space<vmem_shared>>
      tpu.enqueue_dma source(%arg18 : memref<128x32xf32, #tpu.memory_space<vmem>>) target(%dma_start3A_104 : memref<128x32xf32, #tpu.memory_space<vmem_shared>>) target_semaphore(%run_scoped3A : memref<!tpu.dma_semaphore, #tpu.memory_space<semaphore_mem>>)
      %dma_wait3A = arith.constant 0 : i32
      %dma_wait3A_105 = tpu.memref_slice %arg22[%add3A_14, %dma_wait3A] : memref<10016x32xf32, #tpu.memory_space<vmem_shared>> -> memref<128x32xf32, #tpu.memory_space<vmem_shared>>
      %dma_wait3A_106 = arith.constant 0 : i32
      %dma_wait3A_107 = tpu.memref_slice %arg22[%add3A_14, %dma_wait3A_106] : memref<10016x32xf32, #tpu.memory_space<vmem_shared>> -> memref<128x32xf32, #tpu.memory_space<vmem_shared>>
      tpu.wait_dma2 semaphore(%run_scoped3A : memref<!tpu.dma_semaphore, #tpu.memory_space<semaphore_mem>>) src(%arg18 : memref<128x32xf32, #tpu.memory_space<vmem>>) dst(%dma_wait3A_107 : memref<128x32xf32, #tpu.memory_space<vmem_shared>>)
      tpu.yield
    }) : () -> ()
    %mul3A_15 = arith.constant 626 : i32
    %mul3A_16 = arith.muli %arg1, %mul3A_15 : i32
    %add3A_17 = arith.constant 128 : i32
    %add3A_18 = arith.addi %mul3A_16, %add3A_17 : i32
    "tpu.region"() ({
      %run_scoped3A = tpu.sem_alloc : memref<!tpu.dma_semaphore, #tpu.memory_space<semaphore_mem>>
      %dma_start3A_101 = arith.constant 0 : i32
      %dma_start3A_102 = tpu.memref_slice %arg22[%add3A_18, %dma_start3A_101] : memref<10016x32xf32, #tpu.memory_space<vmem_shared>> -> memref<128x32xf32, #tpu.memory_space<vmem_shared>>
      %dma_start3A_103 = arith.constant 0 : i32
      %dma_start3A_104 = tpu.memref_slice %arg22[%add3A_18, %dma_start3A_103] : memref<10016x32xf32, #tpu.memory_space<vmem_shared>> -> memref<128x32xf32, #tpu.memory_space<vmem_shared>>
      tpu.enqueue_dma source(%arg18 : memref<128x32xf32, #tpu.memory_space<vmem>>) target(%dma_start3A_104 : memref<128x32xf32, #tpu.memory_space<vmem_shared>>) target_semaphore(%run_scoped3A : memref<!tpu.dma_semaphore, #tpu.memory_space<semaphore_mem>>)
      %dma_wait3A = arith.constant 0 : i32
      %dma_wait3A_105 = tpu.memref_slice %arg22[%add3A_18, %dma_wait3A] : memref<10016x32xf32, #tpu.memory_space<vmem_shared>> -> memref<128x32xf32, #tpu.memory_space<vmem_shared>>
      %dma_wait3A_106 = arith.constant 0 : i32
      %dma_wait3A_107 = tpu.memref_slice %arg22[%add3A_18, %dma_wait3A_106] : memref<10016x32xf32, #tpu.memory_space<vmem_shared>> -> memref<128x32xf32, #tpu.memory_space<vmem_shared>>
      tpu.wait_dma2 semaphore(%run_scoped3A : memref<!tpu.dma_semaphore, #tpu.memory_space<semaphore_mem>>) src(%arg18 : memref<128x32xf32, #tpu.memory_space<vmem>>) dst(%dma_wait3A_107 : memref<128x32xf32, #tpu.memory_space<vmem_shared>>)
      tpu.yield
    }) : () -> ()
    %mul3A_19 = arith.constant 626 : i32
    %mul3A_20 = arith.muli %arg1, %mul3A_19 : i32
    %add3A_21 = arith.constant 256 : i32
    %add3A_22 = arith.addi %mul3A_20, %add3A_21 : i32
    "tpu.region"() ({
      %run_scoped3A = tpu.sem_alloc : memref<!tpu.dma_semaphore, #tpu.memory_space<semaphore_mem>>
      %dma_start3A_101 = arith.constant 0 : i32
      %dma_start3A_102 = tpu.memref_slice %arg22[%add3A_22, %dma_start3A_101] : memref<10016x32xf32, #tpu.memory_space<vmem_shared>> -> memref<128x32xf32, #tpu.memory_space<vmem_shared>>
      %dma_start3A_103 = arith.constant 0 : i32
      %dma_start3A_104 = tpu.memref_slice %arg22[%add3A_22, %dma_start3A_103] : memref<10016x32xf32, #tpu.memory_space<vmem_shared>> -> memref<128x32xf32, #tpu.memory_space<vmem_shared>>
      tpu.enqueue_dma source(%arg18 : memref<128x32xf32, #tpu.memory_space<vmem>>) target(%dma_start3A_104 : memref<128x32xf32, #tpu.memory_space<vmem_shared>>) target_semaphore(%run_scoped3A : memref<!tpu.dma_semaphore, #tpu.memory_space<semaphore_mem>>)
      %dma_wait3A = arith.constant 0 : i32
      %dma_wait3A_105 = tpu.memref_slice %arg22[%add3A_22, %dma_wait3A] : memref<10016x32xf32, #tpu.memory_space<vmem_shared>> -> memref<128x32xf32, #tpu.memory_space<vmem_shared>>
      %dma_wait3A_106 = arith.constant 0 : i32
      %dma_wait3A_107 = tpu.memref_slice %arg22[%add3A_22, %dma_wait3A_106] : memref<10016x32xf32, #tpu.memory_space<vmem_shared>> -> memref<128x32xf32, #tpu.memory_space<vmem_shared>>
      tpu.wait_dma2 semaphore(%run_scoped3A : memref<!tpu.dma_semaphore, #tpu.memory_space<semaphore_mem>>) src(%arg18 : memref<128x32xf32, #tpu.memory_space<vmem>>) dst(%dma_wait3A_107 : memref<128x32xf32, #tpu.memory_space<vmem_shared>>)
      tpu.yield
    }) : () -> ()
    %mul3A_23 = arith.constant 626 : i32
    %mul3A_24 = arith.muli %arg1, %mul3A_23 : i32
    %add3A_25 = arith.constant 384 : i32
    %add3A_26 = arith.addi %mul3A_24, %add3A_25 : i32
    "tpu.region"() ({
      %run_scoped3A = tpu.sem_alloc : memref<!tpu.dma_semaphore, #tpu.memory_space<semaphore_mem>>
      %dma_start3A_101 = arith.constant 0 : i32
      %dma_start3A_102 = tpu.memref_slice %arg22[%add3A_26, %dma_start3A_101] : memref<10016x32xf32, #tpu.memory_space<vmem_shared>> -> memref<128x32xf32, #tpu.memory_space<vmem_shared>>
      %dma_start3A_103 = arith.constant 0 : i32
      %dma_start3A_104 = tpu.memref_slice %arg22[%add3A_26, %dma_start3A_103] : memref<10016x32xf32, #tpu.memory_space<vmem_shared>> -> memref<128x32xf32, #tpu.memory_space<vmem_shared>>
      tpu.enqueue_dma source(%arg18 : memref<128x32xf32, #tpu.memory_space<vmem>>) target(%dma_start3A_104 : memref<128x32xf32, #tpu.memory_space<vmem_shared>>) target_semaphore(%run_scoped3A : memref<!tpu.dma_semaphore, #tpu.memory_space<semaphore_mem>>)
      %dma_wait3A = arith.constant 0 : i32
      %dma_wait3A_105 = tpu.memref_slice %arg22[%add3A_26, %dma_wait3A] : memref<10016x32xf32, #tpu.memory_space<vmem_shared>> -> memref<128x32xf32, #tpu.memory_space<vmem_shared>>
      %dma_wait3A_106 = arith.constant 0 : i32
      %dma_wait3A_107 = tpu.memref_slice %arg22[%add3A_26, %dma_wait3A_106] : memref<10016x32xf32, #tpu.memory_space<vmem_shared>> -> memref<128x32xf32, #tpu.memory_space<vmem_shared>>
      tpu.wait_dma2 semaphore(%run_scoped3A : memref<!tpu.dma_semaphore, #tpu.memory_space<semaphore_mem>>) src(%arg18 : memref<128x32xf32, #tpu.memory_space<vmem>>) dst(%dma_wait3A_107 : memref<128x32xf32, #tpu.memory_space<vmem_shared>>)
      tpu.yield
    }) : () -> ()
    %mul3A_27 = arith.constant 626 : i32
    %mul3A_28 = arith.muli %arg1, %mul3A_27 : i32
    %add3A_29 = arith.constant 512 : i32
    %add3A_30 = arith.addi %mul3A_28, %add3A_29 : i32
    "tpu.region"() ({
      %run_scoped3A = tpu.sem_alloc : memref<!tpu.dma_semaphore, #tpu.memory_space<semaphore_mem>>
      %dma_start3A_101 = arith.constant 0 : i32
      %dma_start3A_102 = arith.constant 0 : i32
      %dma_start3A_103 = tpu.memref_slice %arg18[%dma_start3A_101, %dma_start3A_102] : memref<128x32xf32, #tpu.memory_space<vmem>> -> memref<114x32xf32, #tpu.memory_space<vmem>>
      %dma_start3A_104 = arith.constant 0 : i32
      %dma_start3A_105 = tpu.memref_slice %arg22[%add3A_30, %dma_start3A_104] : memref<10016x32xf32, #tpu.memory_space<vmem_shared>> -> memref<114x32xf32, #tpu.memory_space<vmem_shared>>
      %dma_start3A_106 = arith.constant 0 : i32
      %dma_start3A_107 = tpu.memref_slice %arg22[%add3A_30, %dma_start3A_106] : memref<10016x32xf32, #tpu.memory_space<vmem_shared>> -> memref<114x32xf32, #tpu.memory_space<vmem_shared>>
      %dma_start3A_108 = arith.constant 0 : i32
      %dma_start3A_109 = arith.constant 0 : i32
      %dma_start3A_110 = tpu.memref_slice %arg18[%dma_start3A_108, %dma_start3A_109] : memref<128x32xf32, #tpu.memory_space<vmem>> -> memref<114x32xf32, #tpu.memory_space<vmem>>
      tpu.enqueue_dma source(%dma_start3A_110 : memref<114x32xf32, #tpu.memory_space<vmem>>) target(%dma_start3A_107 : memref<114x32xf32, #tpu.memory_space<vmem_shared>>) target_semaphore(%run_scoped3A : memref<!tpu.dma_semaphore, #tpu.memory_space<semaphore_mem>>)
      %dma_wait3A = arith.constant 0 : i32
      %dma_wait3A_111 = arith.constant 0 : i32
      %dma_wait3A_112 = tpu.memref_slice %arg18[%dma_wait3A, %dma_wait3A_111] : memref<128x32xf32, #tpu.memory_space<vmem>> -> memref<114x32xf32, #tpu.memory_space<vmem>>
      %dma_wait3A_113 = arith.constant 0 : i32
      %dma_wait3A_114 = tpu.memref_slice %arg22[%add3A_30, %dma_wait3A_113] : memref<10016x32xf32, #tpu.memory_space<vmem_shared>> -> memref<114x32xf32, #tpu.memory_space<vmem_shared>>
      %dma_wait3A_115 = arith.constant 0 : i32
      %dma_wait3A_116 = tpu.memref_slice %arg22[%add3A_30, %dma_wait3A_115] : memref<10016x32xf32, #tpu.memory_space<vmem_shared>> -> memref<114x32xf32, #tpu.memory_space<vmem_shared>>
      %dma_wait3A_117 = arith.constant 0 : i32
      %dma_wait3A_118 = arith.constant 0 : i32
      %dma_wait3A_119 = tpu.memref_slice %arg18[%dma_wait3A_117, %dma_wait3A_118] : memref<128x32xf32, #tpu.memory_space<vmem>> -> memref<114x32xf32, #tpu.memory_space<vmem>>
      tpu.wait_dma2 semaphore(%run_scoped3A : memref<!tpu.dma_semaphore, #tpu.memory_space<semaphore_mem>>) src(%dma_wait3A_119 : memref<114x32xf32, #tpu.memory_space<vmem>>) dst(%dma_wait3A_116 : memref<114x32xf32, #tpu.memory_space<vmem_shared>>)
      tpu.yield
    }) : () -> ()
    "tpu.region"() ({
      %run_scoped3A = tpu.sem_alloc : memref<!tpu.dma_semaphore, #tpu.memory_space<semaphore_mem>>
      tpu.enqueue_dma source(%arg7 : memref<128x16xf32, #tpu.memory_space<hbm>>) target(%arg19 : memref<128x16xf32, #tpu.memory_space<vmem>>) target_semaphore(%run_scoped3A : memref<!tpu.dma_semaphore, #tpu.memory_space<semaphore_mem>>)
      tpu.wait_dma2 semaphore(%run_scoped3A : memref<!tpu.dma_semaphore, #tpu.memory_space<semaphore_mem>>) src(%arg7 : memref<128x16xf32, #tpu.memory_space<hbm>>) dst(%arg19 : memref<128x16xf32, #tpu.memory_space<vmem>>)
      tpu.yield
    }) : () -> ()
    %mul3A_31 = arith.constant 626 : i32
    %mul3A_32 = arith.muli %arg1, %mul3A_31 : i32
    %add3A_33 = arith.constant 0 : i32
    %add3A_34 = arith.addi %mul3A_32, %add3A_33 : i32
    "tpu.region"() ({
      %run_scoped3A = tpu.sem_alloc : memref<!tpu.dma_semaphore, #tpu.memory_space<semaphore_mem>>
      %dma_start3A_101 = arith.constant 0 : i32
      %dma_start3A_102 = tpu.memref_slice %arg23[%add3A_34, %dma_start3A_101] : memref<10016x16xf32, #tpu.memory_space<vmem_shared>> -> memref<128x16xf32, #tpu.memory_space<vmem_shared>>
      %dma_start3A_103 = arith.constant 0 : i32
      %dma_start3A_104 = tpu.memref_slice %arg23[%add3A_34, %dma_start3A_103] : memref<10016x16xf32, #tpu.memory_space<vmem_shared>> -> memref<128x16xf32, #tpu.memory_space<vmem_shared>>
      tpu.enqueue_dma source(%arg19 : memref<128x16xf32, #tpu.memory_space<vmem>>) target(%dma_start3A_104 : memref<128x16xf32, #tpu.memory_space<vmem_shared>>) target_semaphore(%run_scoped3A : memref<!tpu.dma_semaphore, #tpu.memory_space<semaphore_mem>>)
      %dma_wait3A = arith.constant 0 : i32
      %dma_wait3A_105 = tpu.memref_slice %arg23[%add3A_34, %dma_wait3A] : memref<10016x16xf32, #tpu.memory_space<vmem_shared>> -> memref<128x16xf32, #tpu.memory_space<vmem_shared>>
      %dma_wait3A_106 = arith.constant 0 : i32
      %dma_wait3A_107 = tpu.memref_slice %arg23[%add3A_34, %dma_wait3A_106] : memref<10016x16xf32, #tpu.memory_space<vmem_shared>> -> memref<128x16xf32, #tpu.memory_space<vmem_shared>>
      tpu.wait_dma2 semaphore(%run_scoped3A : memref<!tpu.dma_semaphore, #tpu.memory_space<semaphore_mem>>) src(%arg19 : memref<128x16xf32, #tpu.memory_space<vmem>>) dst(%dma_wait3A_107 : memref<128x16xf32, #tpu.memory_space<vmem_shared>>)
      tpu.yield
    }) : () -> ()
    %mul3A_35 = arith.constant 626 : i32
    %mul3A_36 = arith.muli %arg1, %mul3A_35 : i32
    %add3A_37 = arith.constant 128 : i32
    %add3A_38 = arith.addi %mul3A_36, %add3A_37 : i32
    "tpu.region"() ({
      %run_scoped3A = tpu.sem_alloc : memref<!tpu.dma_semaphore, #tpu.memory_space<semaphore_mem>>
      %dma_start3A_101 = arith.constant 0 : i32
      %dma_start3A_102 = tpu.memref_slice %arg23[%add3A_38, %dma_start3A_101] : memref<10016x16xf32, #tpu.memory_space<vmem_shared>> -> memref<128x16xf32, #tpu.memory_space<vmem_shared>>
      %dma_start3A_103 = arith.constant 0 : i32
      %dma_start3A_104 = tpu.memref_slice %arg23[%add3A_38, %dma_start3A_103] : memref<10016x16xf32, #tpu.memory_space<vmem_shared>> -> memref<128x16xf32, #tpu.memory_space<vmem_shared>>
      tpu.enqueue_dma source(%arg19 : memref<128x16xf32, #tpu.memory_space<vmem>>) target(%dma_start3A_104 : memref<128x16xf32, #tpu.memory_space<vmem_shared>>) target_semaphore(%run_scoped3A : memref<!tpu.dma_semaphore, #tpu.memory_space<semaphore_mem>>)
      %dma_wait3A = arith.constant 0 : i32
      %dma_wait3A_105 = tpu.memref_slice %arg23[%add3A_38, %dma_wait3A] : memref<10016x16xf32, #tpu.memory_space<vmem_shared>> -> memref<128x16xf32, #tpu.memory_space<vmem_shared>>
      %dma_wait3A_106 = arith.constant 0 : i32
      %dma_wait3A_107 = tpu.memref_slice %arg23[%add3A_38, %dma_wait3A_106] : memref<10016x16xf32, #tpu.memory_space<vmem_shared>> -> memref<128x16xf32, #tpu.memory_space<vmem_shared>>
      tpu.wait_dma2 semaphore(%run_scoped3A : memref<!tpu.dma_semaphore, #tpu.memory_space<semaphore_mem>>) src(%arg19 : memref<128x16xf32, #tpu.memory_space<vmem>>) dst(%dma_wait3A_107 : memref<128x16xf32, #tpu.memory_space<vmem_shared>>)
      tpu.yield
    }) : () -> ()
    %mul3A_39 = arith.constant 626 : i32
    %mul3A_40 = arith.muli %arg1, %mul3A_39 : i32
    %add3A_41 = arith.constant 256 : i32
    %add3A_42 = arith.addi %mul3A_40, %add3A_41 : i32
    "tpu.region"() ({
      %run_scoped3A = tpu.sem_alloc : memref<!tpu.dma_semaphore, #tpu.memory_space<semaphore_mem>>
      %dma_start3A_101 = arith.constant 0 : i32
      %dma_start3A_102 = tpu.memref_slice %arg23[%add3A_42, %dma_start3A_101] : memref<10016x16xf32, #tpu.memory_space<vmem_shared>> -> memref<128x16xf32, #tpu.memory_space<vmem_shared>>
      %dma_start3A_103 = arith.constant 0 : i32
      %dma_start3A_104 = tpu.memref_slice %arg23[%add3A_42, %dma_start3A_103] : memref<10016x16xf32, #tpu.memory_space<vmem_shared>> -> memref<128x16xf32, #tpu.memory_space<vmem_shared>>
      tpu.enqueue_dma source(%arg19 : memref<128x16xf32, #tpu.memory_space<vmem>>) target(%dma_start3A_104 : memref<128x16xf32, #tpu.memory_space<vmem_shared>>) target_semaphore(%run_scoped3A : memref<!tpu.dma_semaphore, #tpu.memory_space<semaphore_mem>>)
      %dma_wait3A = arith.constant 0 : i32
      %dma_wait3A_105 = tpu.memref_slice %arg23[%add3A_42, %dma_wait3A] : memref<10016x16xf32, #tpu.memory_space<vmem_shared>> -> memref<128x16xf32, #tpu.memory_space<vmem_shared>>
      %dma_wait3A_106 = arith.constant 0 : i32
      %dma_wait3A_107 = tpu.memref_slice %arg23[%add3A_42, %dma_wait3A_106] : memref<10016x16xf32, #tpu.memory_space<vmem_shared>> -> memref<128x16xf32, #tpu.memory_space<vmem_shared>>
      tpu.wait_dma2 semaphore(%run_scoped3A : memref<!tpu.dma_semaphore, #tpu.memory_space<semaphore_mem>>) src(%arg19 : memref<128x16xf32, #tpu.memory_space<vmem>>) dst(%dma_wait3A_107 : memref<128x16xf32, #tpu.memory_space<vmem_shared>>)
      tpu.yield
    }) : () -> ()
    %mul3A_43 = arith.constant 626 : i32
    %mul3A_44 = arith.muli %arg1, %mul3A_43 : i32
    %add3A_45 = arith.constant 384 : i32
    %add3A_46 = arith.addi %mul3A_44, %add3A_45 : i32
    "tpu.region"() ({
      %run_scoped3A = tpu.sem_alloc : memref<!tpu.dma_semaphore, #tpu.memory_space<semaphore_mem>>
      %dma_start3A_101 = arith.constant 0 : i32
      %dma_start3A_102 = tpu.memref_slice %arg23[%add3A_46, %dma_start3A_101] : memref<10016x16xf32, #tpu.memory_space<vmem_shared>> -> memref<128x16xf32, #tpu.memory_space<vmem_shared>>
      %dma_start3A_103 = arith.constant 0 : i32
      %dma_start3A_104 = tpu.memref_slice %arg23[%add3A_46, %dma_start3A_103] : memref<10016x16xf32, #tpu.memory_space<vmem_shared>> -> memref<128x16xf32, #tpu.memory_space<vmem_shared>>
      tpu.enqueue_dma source(%arg19 : memref<128x16xf32, #tpu.memory_space<vmem>>) target(%dma_start3A_104 : memref<128x16xf32, #tpu.memory_space<vmem_shared>>) target_semaphore(%run_scoped3A : memref<!tpu.dma_semaphore, #tpu.memory_space<semaphore_mem>>)
      %dma_wait3A = arith.constant 0 : i32
      %dma_wait3A_105 = tpu.memref_slice %arg23[%add3A_46, %dma_wait3A] : memref<10016x16xf32, #tpu.memory_space<vmem_shared>> -> memref<128x16xf32, #tpu.memory_space<vmem_shared>>
      %dma_wait3A_106 = arith.constant 0 : i32
      %dma_wait3A_107 = tpu.memref_slice %arg23[%add3A_46, %dma_wait3A_106] : memref<10016x16xf32, #tpu.memory_space<vmem_shared>> -> memref<128x16xf32, #tpu.memory_space<vmem_shared>>
      tpu.wait_dma2 semaphore(%run_scoped3A : memref<!tpu.dma_semaphore, #tpu.memory_space<semaphore_mem>>) src(%arg19 : memref<128x16xf32, #tpu.memory_space<vmem>>) dst(%dma_wait3A_107 : memref<128x16xf32, #tpu.memory_space<vmem_shared>>)
      tpu.yield
    }) : () -> ()
    %mul3A_47 = arith.constant 626 : i32
    %mul3A_48 = arith.muli %arg1, %mul3A_47 : i32
    %add3A_49 = arith.constant 512 : i32
    %add3A_50 = arith.addi %mul3A_48, %add3A_49 : i32
    "tpu.region"() ({
      %run_scoped3A = tpu.sem_alloc : memref<!tpu.dma_semaphore, #tpu.memory_space<semaphore_mem>>
      %dma_start3A_101 = arith.constant 0 : i32
      %dma_start3A_102 = arith.constant 0 : i32
      %dma_start3A_103 = tpu.memref_slice %arg19[%dma_start3A_101, %dma_start3A_102] : memref<128x16xf32, #tpu.memory_space<vmem>> -> memref<114x16xf32, #tpu.memory_space<vmem>>
      %dma_start3A_104 = arith.constant 0 : i32
      %dma_start3A_105 = tpu.memref_slice %arg23[%add3A_50, %dma_start3A_104] : memref<10016x16xf32, #tpu.memory_space<vmem_shared>> -> memref<114x16xf32, #tpu.memory_space<vmem_shared>>
      %dma_start3A_106 = arith.constant 0 : i32
      %dma_start3A_107 = tpu.memref_slice %arg23[%add3A_50, %dma_start3A_106] : memref<10016x16xf32, #tpu.memory_space<vmem_shared>> -> memref<114x16xf32, #tpu.memory_space<vmem_shared>>
      %dma_start3A_108 = arith.constant 0 : i32
      %dma_start3A_109 = arith.constant 0 : i32
      %dma_start3A_110 = tpu.memref_slice %arg19[%dma_start3A_108, %dma_start3A_109] : memref<128x16xf32, #tpu.memory_space<vmem>> -> memref<114x16xf32, #tpu.memory_space<vmem>>
      tpu.enqueue_dma source(%dma_start3A_110 : memref<114x16xf32, #tpu.memory_space<vmem>>) target(%dma_start3A_107 : memref<114x16xf32, #tpu.memory_space<vmem_shared>>) target_semaphore(%run_scoped3A : memref<!tpu.dma_semaphore, #tpu.memory_space<semaphore_mem>>)
      %dma_wait3A = arith.constant 0 : i32
      %dma_wait3A_111 = arith.constant 0 : i32
      %dma_wait3A_112 = tpu.memref_slice %arg19[%dma_wait3A, %dma_wait3A_111] : memref<128x16xf32, #tpu.memory_space<vmem>> -> memref<114x16xf32, #tpu.memory_space<vmem>>
      %dma_wait3A_113 = arith.constant 0 : i32
      %dma_wait3A_114 = tpu.memref_slice %arg23[%add3A_50, %dma_wait3A_113] : memref<10016x16xf32, #tpu.memory_space<vmem_shared>> -> memref<114x16xf32, #tpu.memory_space<vmem_shared>>
      %dma_wait3A_115 = arith.constant 0 : i32
      %dma_wait3A_116 = tpu.memref_slice %arg23[%add3A_50, %dma_wait3A_115] : memref<10016x16xf32, #tpu.memory_space<vmem_shared>> -> memref<114x16xf32, #tpu.memory_space<vmem_shared>>
      %dma_wait3A_117 = arith.constant 0 : i32
      %dma_wait3A_118 = arith.constant 0 : i32
      %dma_wait3A_119 = tpu.memref_slice %arg19[%dma_wait3A_117, %dma_wait3A_118] : memref<128x16xf32, #tpu.memory_space<vmem>> -> memref<114x16xf32, #tpu.memory_space<vmem>>
      tpu.wait_dma2 semaphore(%run_scoped3A : memref<!tpu.dma_semaphore, #tpu.memory_space<semaphore_mem>>) src(%dma_wait3A_119 : memref<114x16xf32, #tpu.memory_space<vmem>>) dst(%dma_wait3A_116 : memref<114x16xf32, #tpu.memory_space<vmem_shared>>)
      tpu.yield
    }) : () -> ()
    %mul3A_51 = arith.constant 80 : i32
    %mul3A_52 = arith.muli %arg1, %mul3A_51 : i32
    "tpu.region"() ({
      %run_scoped3A = tpu.sem_alloc : memref<!tpu.dma_semaphore, #tpu.memory_space<semaphore_mem>>
      %dma_start3A_101 = arith.constant 0 : i32
      %dma_start3A_102 = tpu.memref_slice %arg3[%mul3A_52, %dma_start3A_101] : memref<1280x128xi32, #tpu.memory_space<hbm>> -> memref<80x128xi32, #tpu.memory_space<hbm>>
      %dma_start3A_103 = arith.constant 0 : i32
      %dma_start3A_104 = tpu.memref_slice %arg3[%mul3A_52, %dma_start3A_103] : memref<1280x128xi32, #tpu.memory_space<hbm>> -> memref<80x128xi32, #tpu.memory_space<hbm>>
      tpu.enqueue_dma source(%dma_start3A_104 : memref<80x128xi32, #tpu.memory_space<hbm>>) target(%arg10 : memref<80x128xi32, #tpu.memory_space<vmem>>) target_semaphore(%run_scoped3A : memref<!tpu.dma_semaphore, #tpu.memory_space<semaphore_mem>>)
      %dma_wait3A = arith.constant 0 : i32
      %dma_wait3A_105 = tpu.memref_slice %arg3[%mul3A_52, %dma_wait3A] : memref<1280x128xi32, #tpu.memory_space<hbm>> -> memref<80x128xi32, #tpu.memory_space<hbm>>
      %dma_wait3A_106 = arith.constant 0 : i32
      %dma_wait3A_107 = tpu.memref_slice %arg3[%mul3A_52, %dma_wait3A_106] : memref<1280x128xi32, #tpu.memory_space<hbm>> -> memref<80x128xi32, #tpu.memory_space<hbm>>
      tpu.wait_dma2 semaphore(%run_scoped3A : memref<!tpu.dma_semaphore, #tpu.memory_space<semaphore_mem>>) src(%dma_wait3A_107 : memref<80x128xi32, #tpu.memory_space<hbm>>) dst(%arg10 : memref<80x128xi32, #tpu.memory_space<vmem>>)
      tpu.yield
    }) : () -> ()
    %mul3A_53 = arith.constant 80 : i32
    %mul3A_54 = arith.muli %arg1, %mul3A_53 : i32
    "tpu.region"() ({
      %run_scoped3A = tpu.sem_alloc : memref<!tpu.dma_semaphore, #tpu.memory_space<semaphore_mem>>
      %dma_start3A_101 = arith.constant 0 : i32
      %dma_start3A_102 = tpu.memref_slice %arg4[%mul3A_54, %dma_start3A_101] : memref<1280x128xi32, #tpu.memory_space<hbm>> -> memref<80x128xi32, #tpu.memory_space<hbm>>
      %dma_start3A_103 = arith.constant 0 : i32
      %dma_start3A_104 = tpu.memref_slice %arg4[%mul3A_54, %dma_start3A_103] : memref<1280x128xi32, #tpu.memory_space<hbm>> -> memref<80x128xi32, #tpu.memory_space<hbm>>
      tpu.enqueue_dma source(%dma_start3A_104 : memref<80x128xi32, #tpu.memory_space<hbm>>) target(%arg11 : memref<80x128xi32, #tpu.memory_space<vmem>>) target_semaphore(%run_scoped3A : memref<!tpu.dma_semaphore, #tpu.memory_space<semaphore_mem>>)
      %dma_wait3A = arith.constant 0 : i32
      %dma_wait3A_105 = tpu.memref_slice %arg4[%mul3A_54, %dma_wait3A] : memref<1280x128xi32, #tpu.memory_space<hbm>> -> memref<80x128xi32, #tpu.memory_space<hbm>>
      %dma_wait3A_106 = arith.constant 0 : i32
      %dma_wait3A_107 = tpu.memref_slice %arg4[%mul3A_54, %dma_wait3A_106] : memref<1280x128xi32, #tpu.memory_space<hbm>> -> memref<80x128xi32, #tpu.memory_space<hbm>>
      tpu.wait_dma2 semaphore(%run_scoped3A : memref<!tpu.dma_semaphore, #tpu.memory_space<semaphore_mem>>) src(%dma_wait3A_107 : memref<80x128xi32, #tpu.memory_space<hbm>>) dst(%arg11 : memref<80x128xi32, #tpu.memory_space<vmem>>)
      tpu.yield
    }) : () -> ()
    %barrier3A = arith.constant 0 : index
    tpu.barrier barrier_id(%barrier3A)
    %dma_start3A = arith.constant 0 : i32
    %dma_start3A_55 = arith.constant 0 : i32
    %dma_start3A_56 = tpu.memref_slice %arg10[%dma_start3A, %dma_start3A_55] : memref<80x128xi32, #tpu.memory_space<vmem>> -> memref<1x128xi32, #tpu.memory_space<vmem>>
    %dma_start3A_57 = tpu.memref_squeeze %dma_start3A_56 : memref<1x128xi32, #tpu.memory_space<vmem>> -> memref<128xi32, #tpu.memory_space<vmem>>
    %dma_start3A_58 = arith.constant 0 : i32
    %dma_start3A_59 = arith.constant 0 : i32
    %dma_start3A_60 = tpu.memref_slice %arg21[%dma_start3A_58, %dma_start3A_59] : memref<10240x32xf32, #tpu.memory_space<vmem_shared>> -> memref<10240x32xf32, #tpu.memory_space<vmem_shared>>
    tpu.enqueue_indirect_dma source(%dma_start3A_60 : memref<10240x32xf32, #tpu.memory_space<vmem_shared>>) target(%arg12 : memref<128x32xf32, #tpu.memory_space<vmem>>) offsets(%dma_start3A_57 : memref<128xi32, #tpu.memory_space<vmem>>) semaphore(%arg24 : memref<!tpu.dma_semaphore, #tpu.memory_space<semaphore_mem>>)
    %dma_start3A_61 = arith.constant 1 : i32
    %dma_start3A_62 = arith.constant 0 : i32
    %dma_start3A_63 = tpu.memref_slice %arg10[%dma_start3A_61, %dma_start3A_62] : memref<80x128xi32, #tpu.memory_space<vmem>> -> memref<1x128xi32, #tpu.memory_space<vmem>>
    %dma_start3A_64 = tpu.memref_squeeze %dma_start3A_63 : memref<1x128xi32, #tpu.memory_space<vmem>> -> memref<128xi32, #tpu.memory_space<vmem>>
    %dma_start3A_65 = arith.constant 0 : i32
    %dma_start3A_66 = arith.constant 0 : i32
    %dma_start3A_67 = tpu.memref_slice %arg21[%dma_start3A_65, %dma_start3A_66] : memref<10240x32xf32, #tpu.memory_space<vmem_shared>> -> memref<10240x32xf32, #tpu.memory_space<vmem_shared>>
    tpu.enqueue_indirect_dma source(%dma_start3A_67 : memref<10240x32xf32, #tpu.memory_space<vmem_shared>>) target(%arg13 : memref<128x32xf32, #tpu.memory_space<vmem>>) offsets(%dma_start3A_64 : memref<128xi32, #tpu.memory_space<vmem>>) semaphore(%arg24 : memref<!tpu.dma_semaphore, #tpu.memory_space<semaphore_mem>>)
    %dma_start3A_68 = arith.constant 2 : i32
    %dma_start3A_69 = arith.constant 0 : i32
    %dma_start3A_70 = tpu.memref_slice %arg10[%dma_start3A_68, %dma_start3A_69] : memref<80x128xi32, #tpu.memory_space<vmem>> -> memref<1x128xi32, #tpu.memory_space<vmem>>
    %dma_start3A_71 = tpu.memref_squeeze %dma_start3A_70 : memref<1x128xi32, #tpu.memory_space<vmem>> -> memref<128xi32, #tpu.memory_space<vmem>>
    %dma_start3A_72 = arith.constant 0 : i32
    %dma_start3A_73 = arith.constant 0 : i32
    %dma_start3A_74 = tpu.memref_slice %arg21[%dma_start3A_72, %dma_start3A_73] : memref<10240x32xf32, #tpu.memory_space<vmem_shared>> -> memref<10240x32xf32, #tpu.memory_space<vmem_shared>>
    tpu.enqueue_indirect_dma source(%dma_start3A_74 : memref<10240x32xf32, #tpu.memory_space<vmem_shared>>) target(%arg14 : memref<128x32xf32, #tpu.memory_space<vmem>>) offsets(%dma_start3A_71 : memref<128xi32, #tpu.memory_space<vmem>>) semaphore(%arg24 : memref<!tpu.dma_semaphore, #tpu.memory_space<semaphore_mem>>)
    %dma_start3A_75 = arith.constant 3 : i32
    %dma_start3A_76 = arith.constant 0 : i32
    %dma_start3A_77 = tpu.memref_slice %arg10[%dma_start3A_75, %dma_start3A_76] : memref<80x128xi32, #tpu.memory_space<vmem>> -> memref<1x128xi32, #tpu.memory_space<vmem>>
    %dma_start3A_78 = tpu.memref_squeeze %dma_start3A_77 : memref<1x128xi32, #tpu.memory_space<vmem>> -> memref<128xi32, #tpu.memory_space<vmem>>
    %dma_start3A_79 = arith.constant 0 : i32
    %dma_start3A_80 = arith.constant 0 : i32
    %dma_start3A_81 = tpu.memref_slice %arg21[%dma_start3A_79, %dma_start3A_80] : memref<10240x32xf32, #tpu.memory_space<vmem_shared>> -> memref<10240x32xf32, #tpu.memory_space<vmem_shared>>
    tpu.enqueue_indirect_dma source(%dma_start3A_81 : memref<10240x32xf32, #tpu.memory_space<vmem_shared>>) target(%arg15 : memref<128x32xf32, #tpu.memory_space<vmem>>) offsets(%dma_start3A_78 : memref<128xi32, #tpu.memory_space<vmem>>) semaphore(%arg24 : memref<!tpu.dma_semaphore, #tpu.memory_space<semaphore_mem>>)
    %scan3A_82 = arith.constant 0 : i32
    %scan3A_83 = arith.constant 0 : i32
    %scan3A_84 = arith.constant 20 : i32
    %scan3A_85 = arith.addi %scan3A_83, %scan3A_84 : i32
    %scan3A_86 = arith.constant 1 : i32
    scf.for %scan3A_101 = %scan3A_83 to %scan3A_85 step %scan3A_86  : i32 {
      %mul3A_102 = arith.constant 4 : i32
      %mul3A_103 = arith.muli %scan3A_101, %mul3A_102 : i32
      tpu.wait_dma2 semaphore(%arg24 : memref<!tpu.dma_semaphore, #tpu.memory_space<semaphore_mem>>) src(%arg6 : memref<128x32xf32, #tpu.memory_space<hbm>>) dst(%arg12 : memref<128x32xf32, #tpu.memory_space<vmem>>)
      %add3A_104 = arith.constant 0 : i32
      %add3A_105 = arith.addi %mul3A_103, %add3A_104 : i32
      %dma_start3A_106 = arith.constant 0 : i32
      %dma_start3A_107 = tpu.memref_slice %arg11[%add3A_105, %dma_start3A_106] : memref<80x128xi32, #tpu.memory_space<vmem>> -> memref<1x128xi32, #tpu.memory_space<vmem>>
      %dma_start3A_108 = tpu.memref_squeeze %dma_start3A_107 : memref<1x128xi32, #tpu.memory_space<vmem>> -> memref<128xi32, #tpu.memory_space<vmem>>
      %dma_start3A_109 = arith.constant 0 : i32
      %dma_start3A_110 = arith.constant 0 : i32
      %dma_start3A_111 = tpu.memref_slice %arg22[%dma_start3A_109, %dma_start3A_110] : memref<10016x32xf32, #tpu.memory_space<vmem_shared>> -> memref<10016x32xf32, #tpu.memory_space<vmem_shared>>
      tpu.enqueue_indirect_dma source(%arg12 : memref<128x32xf32, #tpu.memory_space<vmem>>) target(%dma_start3A_111 : memref<10016x32xf32, #tpu.memory_space<vmem_shared>>) offsets(%dma_start3A_108 : memref<128xi32, #tpu.memory_space<vmem>>) semaphore(%arg25 : memref<!tpu.dma_semaphore, #tpu.memory_space<semaphore_mem>>) {add = true}
      %dma_start3A_112 = arith.constant 0 : i32
      %dma_start3A_113 = tpu.memref_slice %arg11[%add3A_105, %dma_start3A_112] : memref<80x128xi32, #tpu.memory_space<vmem>> -> memref<1x128xi32, #tpu.memory_space<vmem>>
      %dma_start3A_114 = tpu.memref_squeeze %dma_start3A_113 : memref<1x128xi32, #tpu.memory_space<vmem>> -> memref<128xi32, #tpu.memory_space<vmem>>
      %dma_start3A_115 = arith.constant 0 : i32
      %dma_start3A_116 = arith.constant 0 : i32
      %dma_start3A_117 = tpu.memref_slice %arg23[%dma_start3A_115, %dma_start3A_116] : memref<10016x16xf32, #tpu.memory_space<vmem_shared>> -> memref<10016x16xf32, #tpu.memory_space<vmem_shared>>
      tpu.enqueue_indirect_dma source(%arg20 : memref<128x16xf32, #tpu.memory_space<vmem>>) target(%dma_start3A_117 : memref<10016x16xf32, #tpu.memory_space<vmem_shared>>) offsets(%dma_start3A_114 : memref<128xi32, #tpu.memory_space<vmem>>) semaphore(%arg26 : memref<!tpu.dma_semaphore, #tpu.memory_space<semaphore_mem>>) {add = true}
      tpu.wait_dma2 semaphore(%arg24 : memref<!tpu.dma_semaphore, #tpu.memory_space<semaphore_mem>>) src(%arg6 : memref<128x32xf32, #tpu.memory_space<hbm>>) dst(%arg13 : memref<128x32xf32, #tpu.memory_space<vmem>>)
      %add3A_118 = arith.constant 1 : i32
      %add3A_119 = arith.addi %mul3A_103, %add3A_118 : i32
      %dma_start3A_120 = arith.constant 0 : i32
      %dma_start3A_121 = tpu.memref_slice %arg11[%add3A_119, %dma_start3A_120] : memref<80x128xi32, #tpu.memory_space<vmem>> -> memref<1x128xi32, #tpu.memory_space<vmem>>
      %dma_start3A_122 = tpu.memref_squeeze %dma_start3A_121 : memref<1x128xi32, #tpu.memory_space<vmem>> -> memref<128xi32, #tpu.memory_space<vmem>>
      %dma_start3A_123 = arith.constant 0 : i32
      %dma_start3A_124 = arith.constant 0 : i32
      %dma_start3A_125 = tpu.memref_slice %arg22[%dma_start3A_123, %dma_start3A_124] : memref<10016x32xf32, #tpu.memory_space<vmem_shared>> -> memref<10016x32xf32, #tpu.memory_space<vmem_shared>>
      tpu.enqueue_indirect_dma source(%arg13 : memref<128x32xf32, #tpu.memory_space<vmem>>) target(%dma_start3A_125 : memref<10016x32xf32, #tpu.memory_space<vmem_shared>>) offsets(%dma_start3A_122 : memref<128xi32, #tpu.memory_space<vmem>>) semaphore(%arg25 : memref<!tpu.dma_semaphore, #tpu.memory_space<semaphore_mem>>) {add = true}
      %dma_start3A_126 = arith.constant 0 : i32
      %dma_start3A_127 = tpu.memref_slice %arg11[%add3A_119, %dma_start3A_126] : memref<80x128xi32, #tpu.memory_space<vmem>> -> memref<1x128xi32, #tpu.memory_space<vmem>>
      %dma_start3A_128 = tpu.memref_squeeze %dma_start3A_127 : memref<1x128xi32, #tpu.memory_space<vmem>> -> memref<128xi32, #tpu.memory_space<vmem>>
      %dma_start3A_129 = arith.constant 0 : i32
      %dma_start3A_130 = arith.constant 0 : i32
      %dma_start3A_131 = tpu.memref_slice %arg23[%dma_start3A_129, %dma_start3A_130] : memref<10016x16xf32, #tpu.memory_space<vmem_shared>> -> memref<10016x16xf32, #tpu.memory_space<vmem_shared>>
      tpu.enqueue_indirect_dma source(%arg20 : memref<128x16xf32, #tpu.memory_space<vmem>>) target(%dma_start3A_131 : memref<10016x16xf32, #tpu.memory_space<vmem_shared>>) offsets(%dma_start3A_128 : memref<128xi32, #tpu.memory_space<vmem>>) semaphore(%arg26 : memref<!tpu.dma_semaphore, #tpu.memory_space<semaphore_mem>>) {add = true}
      tpu.wait_dma2 semaphore(%arg24 : memref<!tpu.dma_semaphore, #tpu.memory_space<semaphore_mem>>) src(%arg6 : memref<128x32xf32, #tpu.memory_space<hbm>>) dst(%arg14 : memref<128x32xf32, #tpu.memory_space<vmem>>)
      %add3A_132 = arith.constant 2 : i32
      %add3A_133 = arith.addi %mul3A_103, %add3A_132 : i32
      %dma_start3A_134 = arith.constant 0 : i32
      %dma_start3A_135 = tpu.memref_slice %arg11[%add3A_133, %dma_start3A_134] : memref<80x128xi32, #tpu.memory_space<vmem>> -> memref<1x128xi32, #tpu.memory_space<vmem>>
      %dma_start3A_136 = tpu.memref_squeeze %dma_start3A_135 : memref<1x128xi32, #tpu.memory_space<vmem>> -> memref<128xi32, #tpu.memory_space<vmem>>
      %dma_start3A_137 = arith.constant 0 : i32
      %dma_start3A_138 = arith.constant 0 : i32
      %dma_start3A_139 = tpu.memref_slice %arg22[%dma_start3A_137, %dma_start3A_138] : memref<10016x32xf32, #tpu.memory_space<vmem_shared>> -> memref<10016x32xf32, #tpu.memory_space<vmem_shared>>
      tpu.enqueue_indirect_dma source(%arg14 : memref<128x32xf32, #tpu.memory_space<vmem>>) target(%dma_start3A_139 : memref<10016x32xf32, #tpu.memory_space<vmem_shared>>) offsets(%dma_start3A_136 : memref<128xi32, #tpu.memory_space<vmem>>) semaphore(%arg25 : memref<!tpu.dma_semaphore, #tpu.memory_space<semaphore_mem>>) {add = true}
      %dma_start3A_140 = arith.constant 0 : i32
      %dma_start3A_141 = tpu.memref_slice %arg11[%add3A_133, %dma_start3A_140] : memref<80x128xi32, #tpu.memory_space<vmem>> -> memref<1x128xi32, #tpu.memory_space<vmem>>
      %dma_start3A_142 = tpu.memref_squeeze %dma_start3A_141 : memref<1x128xi32, #tpu.memory_space<vmem>> -> memref<128xi32, #tpu.memory_space<vmem>>
      %dma_start3A_143 = arith.constant 0 : i32
      %dma_start3A_144 = arith.constant 0 : i32
      %dma_start3A_145 = tpu.memref_slice %arg23[%dma_start3A_143, %dma_start3A_144] : memref<10016x16xf32, #tpu.memory_space<vmem_shared>> -> memref<10016x16xf32, #tpu.memory_space<vmem_shared>>
      tpu.enqueue_indirect_dma source(%arg20 : memref<128x16xf32, #tpu.memory_space<vmem>>) target(%dma_start3A_145 : memref<10016x16xf32, #tpu.memory_space<vmem_shared>>) offsets(%dma_start3A_142 : memref<128xi32, #tpu.memory_space<vmem>>) semaphore(%arg26 : memref<!tpu.dma_semaphore, #tpu.memory_space<semaphore_mem>>) {add = true}
      tpu.wait_dma2 semaphore(%arg24 : memref<!tpu.dma_semaphore, #tpu.memory_space<semaphore_mem>>) src(%arg6 : memref<128x32xf32, #tpu.memory_space<hbm>>) dst(%arg15 : memref<128x32xf32, #tpu.memory_space<vmem>>)
      %add3A_146 = arith.constant 3 : i32
      %add3A_147 = arith.addi %mul3A_103, %add3A_146 : i32
      %dma_start3A_148 = arith.constant 0 : i32
      %dma_start3A_149 = tpu.memref_slice %arg11[%add3A_147, %dma_start3A_148] : memref<80x128xi32, #tpu.memory_space<vmem>> -> memref<1x128xi32, #tpu.memory_space<vmem>>
      %dma_start3A_150 = tpu.memref_squeeze %dma_start3A_149 : memref<1x128xi32, #tpu.memory_space<vmem>> -> memref<128xi32, #tpu.memory_space<vmem>>
      %dma_start3A_151 = arith.constant 0 : i32
      %dma_start3A_152 = arith.constant 0 : i32
      %dma_start3A_153 = tpu.memref_slice %arg22[%dma_start3A_151, %dma_start3A_152] : memref<10016x32xf32, #tpu.memory_space<vmem_shared>> -> memref<10016x32xf32, #tpu.memory_space<vmem_shared>>
      tpu.enqueue_indirect_dma source(%arg15 : memref<128x32xf32, #tpu.memory_space<vmem>>) target(%dma_start3A_153 : memref<10016x32xf32, #tpu.memory_space<vmem_shared>>) offsets(%dma_start3A_150 : memref<128xi32, #tpu.memory_space<vmem>>) semaphore(%arg25 : memref<!tpu.dma_semaphore, #tpu.memory_space<semaphore_mem>>) {add = true}
      %dma_start3A_154 = arith.constant 0 : i32
      %dma_start3A_155 = tpu.memref_slice %arg11[%add3A_147, %dma_start3A_154] : memref<80x128xi32, #tpu.memory_space<vmem>> -> memref<1x128xi32, #tpu.memory_space<vmem>>
      %dma_start3A_156 = tpu.memref_squeeze %dma_start3A_155 : memref<1x128xi32, #tpu.memory_space<vmem>> -> memref<128xi32, #tpu.memory_space<vmem>>
      %dma_start3A_157 = arith.constant 0 : i32
      %dma_start3A_158 = arith.constant 0 : i32
      %dma_start3A_159 = tpu.memref_slice %arg23[%dma_start3A_157, %dma_start3A_158] : memref<10016x16xf32, #tpu.memory_space<vmem_shared>> -> memref<10016x16xf32, #tpu.memory_space<vmem_shared>>
      tpu.enqueue_indirect_dma source(%arg20 : memref<128x16xf32, #tpu.memory_space<vmem>>) target(%dma_start3A_159 : memref<10016x16xf32, #tpu.memory_space<vmem_shared>>) offsets(%dma_start3A_156 : memref<128xi32, #tpu.memory_space<vmem>>) semaphore(%arg26 : memref<!tpu.dma_semaphore, #tpu.memory_space<semaphore_mem>>) {add = true}
      tpu.wait_dma2 semaphore(%arg25 : memref<!tpu.dma_semaphore, #tpu.memory_space<semaphore_mem>>) src(%arg6 : memref<128x32xf32, #tpu.memory_space<hbm>>) dst(%arg12 : memref<128x32xf32, #tpu.memory_space<vmem>>)
      %add3A_160 = arith.constant 0 : i32
      %add3A_161 = arith.addi %mul3A_103, %add3A_160 : i32
      %add3A_162 = arith.constant 4 : i32
      %add3A_163 = arith.addi %add3A_161, %add3A_162 : i32
      %lt3A = arith.constant 80 : i32
      %lt3A_164 = arith.cmpi slt, %add3A_163, %lt3A : i32
      %convert_element_type3A_165 = arith.extui %lt3A_164 : i1 to i32
      %cond3A_166 = arith.constant 0 : i32
      %cond3A_167 = arith.cmpi ne, %convert_element_type3A_165, %cond3A_166 : i32
      scf.if %cond3A_167 {
        %add3A_195 = arith.constant 0 : i32
        %add3A_196 = arith.addi %mul3A_103, %add3A_195 : i32
        %add3A_197 = arith.constant 4 : i32
        %add3A_198 = arith.addi %add3A_196, %add3A_197 : i32
        %dma_start3A_199 = arith.constant 0 : i32
        %dma_start3A_200 = tpu.memref_slice %arg10[%add3A_198, %dma_start3A_199] : memref<80x128xi32, #tpu.memory_space<vmem>> -> memref<1x128xi32, #tpu.memory_space<vmem>>
        %dma_start3A_201 = tpu.memref_squeeze %dma_start3A_200 : memref<1x128xi32, #tpu.memory_space<vmem>> -> memref<128xi32, #tpu.memory_space<vmem>>
        %dma_start3A_202 = arith.constant 0 : i32
        %dma_start3A_203 = arith.constant 0 : i32
        %dma_start3A_204 = tpu.memref_slice %arg21[%dma_start3A_202, %dma_start3A_203] : memref<10240x32xf32, #tpu.memory_space<vmem_shared>> -> memref<10240x32xf32, #tpu.memory_space<vmem_shared>>
        tpu.enqueue_indirect_dma source(%dma_start3A_204 : memref<10240x32xf32, #tpu.memory_space<vmem_shared>>) target(%arg12 : memref<128x32xf32, #tpu.memory_space<vmem>>) offsets(%dma_start3A_201 : memref<128xi32, #tpu.memory_space<vmem>>) semaphore(%arg24 : memref<!tpu.dma_semaphore, #tpu.memory_space<semaphore_mem>>)
      } else {
      }
      tpu.wait_dma2 semaphore(%arg25 : memref<!tpu.dma_semaphore, #tpu.memory_space<semaphore_mem>>) src(%arg6 : memref<128x32xf32, #tpu.memory_space<hbm>>) dst(%arg13 : memref<128x32xf32, #tpu.memory_space<vmem>>)
      %add3A_168 = arith.constant 1 : i32
      %add3A_169 = arith.addi %mul3A_103, %add3A_168 : i32
      %add3A_170 = arith.constant 4 : i32
      %add3A_171 = arith.addi %add3A_169, %add3A_170 : i32
      %lt3A_172 = arith.constant 80 : i32
      %lt3A_173 = arith.cmpi slt, %add3A_171, %lt3A_172 : i32
      %convert_element_type3A_174 = arith.extui %lt3A_173 : i1 to i32
      %cond3A_175 = arith.constant 0 : i32
      %cond3A_176 = arith.cmpi ne, %convert_element_type3A_174, %cond3A_175 : i32
      scf.if %cond3A_176 {
        %add3A_195 = arith.constant 1 : i32
        %add3A_196 = arith.addi %mul3A_103, %add3A_195 : i32
        %add3A_197 = arith.constant 4 : i32
        %add3A_198 = arith.addi %add3A_196, %add3A_197 : i32
        %dma_start3A_199 = arith.constant 0 : i32
        %dma_start3A_200 = tpu.memref_slice %arg10[%add3A_198, %dma_start3A_199] : memref<80x128xi32, #tpu.memory_space<vmem>> -> memref<1x128xi32, #tpu.memory_space<vmem>>
        %dma_start3A_201 = tpu.memref_squeeze %dma_start3A_200 : memref<1x128xi32, #tpu.memory_space<vmem>> -> memref<128xi32, #tpu.memory_space<vmem>>
        %dma_start3A_202 = arith.constant 0 : i32
        %dma_start3A_203 = arith.constant 0 : i32
        %dma_start3A_204 = tpu.memref_slice %arg21[%dma_start3A_202, %dma_start3A_203] : memref<10240x32xf32, #tpu.memory_space<vmem_shared>> -> memref<10240x32xf32, #tpu.memory_space<vmem_shared>>
        tpu.enqueue_indirect_dma source(%dma_start3A_204 : memref<10240x32xf32, #tpu.memory_space<vmem_shared>>) target(%arg13 : memref<128x32xf32, #tpu.memory_space<vmem>>) offsets(%dma_start3A_201 : memref<128xi32, #tpu.memory_space<vmem>>) semaphore(%arg24 : memref<!tpu.dma_semaphore, #tpu.memory_space<semaphore_mem>>)
      } else {
      }
      tpu.wait_dma2 semaphore(%arg25 : memref<!tpu.dma_semaphore, #tpu.memory_space<semaphore_mem>>) src(%arg6 : memref<128x32xf32, #tpu.memory_space<hbm>>) dst(%arg14 : memref<128x32xf32, #tpu.memory_space<vmem>>)
      %add3A_177 = arith.constant 2 : i32
      %add3A_178 = arith.addi %mul3A_103, %add3A_177 : i32
      %add3A_179 = arith.constant 4 : i32
      %add3A_180 = arith.addi %add3A_178, %add3A_179 : i32
      %lt3A_181 = arith.constant 80 : i32
      %lt3A_182 = arith.cmpi slt, %add3A_180, %lt3A_181 : i32
      %convert_element_type3A_183 = arith.extui %lt3A_182 : i1 to i32
      %cond3A_184 = arith.constant 0 : i32
      %cond3A_185 = arith.cmpi ne, %convert_element_type3A_183, %cond3A_184 : i32
      scf.if %cond3A_185 {
        %add3A_195 = arith.constant 2 : i32
        %add3A_196 = arith.addi %mul3A_103, %add3A_195 : i32
        %add3A_197 = arith.constant 4 : i32
        %add3A_198 = arith.addi %add3A_196, %add3A_197 : i32
        %dma_start3A_199 = arith.constant 0 : i32
        %dma_start3A_200 = tpu.memref_slice %arg10[%add3A_198, %dma_start3A_199] : memref<80x128xi32, #tpu.memory_space<vmem>> -> memref<1x128xi32, #tpu.memory_space<vmem>>
        %dma_start3A_201 = tpu.memref_squeeze %dma_start3A_200 : memref<1x128xi32, #tpu.memory_space<vmem>> -> memref<128xi32, #tpu.memory_space<vmem>>
        %dma_start3A_202 = arith.constant 0 : i32
        %dma_start3A_203 = arith.constant 0 : i32
        %dma_start3A_204 = tpu.memref_slice %arg21[%dma_start3A_202, %dma_start3A_203] : memref<10240x32xf32, #tpu.memory_space<vmem_shared>> -> memref<10240x32xf32, #tpu.memory_space<vmem_shared>>
        tpu.enqueue_indirect_dma source(%dma_start3A_204 : memref<10240x32xf32, #tpu.memory_space<vmem_shared>>) target(%arg14 : memref<128x32xf32, #tpu.memory_space<vmem>>) offsets(%dma_start3A_201 : memref<128xi32, #tpu.memory_space<vmem>>) semaphore(%arg24 : memref<!tpu.dma_semaphore, #tpu.memory_space<semaphore_mem>>)
      } else {
      }
      tpu.wait_dma2 semaphore(%arg25 : memref<!tpu.dma_semaphore, #tpu.memory_space<semaphore_mem>>) src(%arg6 : memref<128x32xf32, #tpu.memory_space<hbm>>) dst(%arg15 : memref<128x32xf32, #tpu.memory_space<vmem>>)
      %add3A_186 = arith.constant 3 : i32
      %add3A_187 = arith.addi %mul3A_103, %add3A_186 : i32
      %add3A_188 = arith.constant 4 : i32
      %add3A_189 = arith.addi %add3A_187, %add3A_188 : i32
      %lt3A_190 = arith.constant 80 : i32
      %lt3A_191 = arith.cmpi slt, %add3A_189, %lt3A_190 : i32
      %convert_element_type3A_192 = arith.extui %lt3A_191 : i1 to i32
      %cond3A_193 = arith.constant 0 : i32
      %cond3A_194 = arith.cmpi ne, %convert_element_type3A_192, %cond3A_193 : i32
      scf.if %cond3A_194 {
        %add3A_195 = arith.constant 3 : i32
        %add3A_196 = arith.addi %mul3A_103, %add3A_195 : i32
        %add3A_197 = arith.constant 4 : i32
        %add3A_198 = arith.addi %add3A_196, %add3A_197 : i32
        %dma_start3A_199 = arith.constant 0 : i32
        %dma_start3A_200 = tpu.memref_slice %arg10[%add3A_198, %dma_start3A_199] : memref<80x128xi32, #tpu.memory_space<vmem>> -> memref<1x128xi32, #tpu.memory_space<vmem>>
        %dma_start3A_201 = tpu.memref_squeeze %dma_start3A_200 : memref<1x128xi32, #tpu.memory_space<vmem>> -> memref<128xi32, #tpu.memory_space<vmem>>
        %dma_start3A_202 = arith.constant 0 : i32
        %dma_start3A_203 = arith.constant 0 : i32
        %dma_start3A_204 = tpu.memref_slice %arg21[%dma_start3A_202, %dma_start3A_203] : memref<10240x32xf32, #tpu.memory_space<vmem_shared>> -> memref<10240x32xf32, #tpu.memory_space<vmem_shared>>
        tpu.enqueue_indirect_dma source(%dma_start3A_204 : memref<10240x32xf32, #tpu.memory_space<vmem_shared>>) target(%arg15 : memref<128x32xf32, #tpu.memory_space<vmem>>) offsets(%dma_start3A_201 : memref<128xi32, #tpu.memory_space<vmem>>) semaphore(%arg24 : memref<!tpu.dma_semaphore, #tpu.memory_space<semaphore_mem>>)
      } else {
      }
    }
    %scan3A_87 = arith.constant 20 : i32
    %scan3A_88 = arith.constant 0 : i32
    %scan3A_89 = arith.constant 0 : i32
    %scan3A_90 = arith.constant 80 : i32
    %scan3A_91 = arith.addi %scan3A_89, %scan3A_90 : i32
    %scan3A_92 = arith.constant 1 : i32
    scf.for %scan3A_101 = %scan3A_89 to %scan3A_91 step %scan3A_92  : i32 {
      tpu.wait_dma2 semaphore(%arg26 : memref<!tpu.dma_semaphore, #tpu.memory_space<semaphore_mem>>) src(%arg7 : memref<128x16xf32, #tpu.memory_space<hbm>>) dst(%arg20 : memref<128x16xf32, #tpu.memory_space<vmem>>)
    }
    %scan3A_93 = arith.constant 80 : i32
    %barrier3A_94 = arith.constant 0 : index
    tpu.barrier barrier_id(%barrier3A_94)
    %mul3A_95 = arith.constant 625 : i32
    %mul3A_96 = arith.muli %arg1, %mul3A_95 : i32
    %mul3A_97 = arith.constant 625 : i32
    %mul3A_98 = arith.muli %arg1, %mul3A_97 : i32
    "tpu.region"() ({
      %run_scoped3A = tpu.sem_alloc : memref<!tpu.dma_semaphore, #tpu.memory_space<semaphore_mem>>
      %dma_start3A_101 = arith.constant 0 : i32
      %dma_start3A_102 = tpu.memref_slice %arg8[%arg0, %mul3A_98, %dma_start3A_101] : memref<2x10000x32xf32, #tpu.memory_space<hbm>> -> memref<1x625x32xf32, #tpu.memory_space<hbm>>
      %dma_start3A_103 = tpu.memref_squeeze %dma_start3A_102 : memref<1x625x32xf32, #tpu.memory_space<hbm>> -> memref<625x32xf32, #tpu.memory_space<hbm>>
      %dma_start3A_104 = arith.constant 0 : i32
      %dma_start3A_105 = tpu.memref_slice %arg22[%mul3A_96, %dma_start3A_104] : memref<10016x32xf32, #tpu.memory_space<vmem_shared>> -> memref<625x32xf32, #tpu.memory_space<vmem_shared>>
      tpu.enqueue_dma source(%dma_start3A_105 : memref<625x32xf32, #tpu.memory_space<vmem_shared>>) target(%dma_start3A_103 : memref<625x32xf32, #tpu.memory_space<hbm>>) target_semaphore(%run_scoped3A : memref<!tpu.dma_semaphore, #tpu.memory_space<semaphore_mem>>)
      %dma_wait3A = arith.constant 0 : i32
      %dma_wait3A_106 = tpu.memref_slice %arg8[%arg0, %mul3A_98, %dma_wait3A] : memref<2x10000x32xf32, #tpu.memory_space<hbm>> -> memref<1x625x32xf32, #tpu.memory_space<hbm>>
      %dma_wait3A_107 = tpu.memref_squeeze %dma_wait3A_106 : memref<1x625x32xf32, #tpu.memory_space<hbm>> -> memref<625x32xf32, #tpu.memory_space<hbm>>
      %dma_wait3A_108 = arith.constant 0 : i32
      %dma_wait3A_109 = tpu.memref_slice %arg22[%mul3A_96, %dma_wait3A_108] : memref<10016x32xf32, #tpu.memory_space<vmem_shared>> -> memref<625x32xf32, #tpu.memory_space<vmem_shared>>
      tpu.wait_dma2 semaphore(%run_scoped3A : memref<!tpu.dma_semaphore, #tpu.memory_space<semaphore_mem>>) src(%dma_wait3A_109 : memref<625x32xf32, #tpu.memory_space<vmem_shared>>) dst(%dma_wait3A_107 : memref<625x32xf32, #tpu.memory_space<hbm>>)
      tpu.yield
    }) : () -> ()
    %eq3A = arith.constant 0 : i32
    %eq3A_99 = arith.cmpi eq, %arg0, %eq3A : i32
    %convert_element_type3A = arith.extui %eq3A_99 : i1 to i32
    %cond3A = arith.constant 0 : i32
    %cond3A_100 = arith.cmpi ne, %convert_element_type3A, %cond3A : i32
    scf.if %cond3A_100 {
      %mul3A_101 = arith.constant 625 : i32
      %mul3A_102 = arith.muli %arg1, %mul3A_101 : i32
      %mul3A_103 = arith.constant 625 : i32
      %mul3A_104 = arith.muli %arg1, %mul3A_103 : i32
      "tpu.region"() ({
        %run_scoped3A = tpu.sem_alloc : memref<!tpu.dma_semaphore, #tpu.memory_space<semaphore_mem>>
        %dma_start3A_105 = arith.constant 0 : i32
        %dma_start3A_106 = tpu.memref_slice %arg9[%mul3A_104, %dma_start3A_105] : memref<10000x16xf32, #tpu.memory_space<hbm>> -> memref<625x16xf32, #tpu.memory_space<hbm>>
        %dma_start3A_107 = arith.constant 0 : i32
        %dma_start3A_108 = tpu.memref_slice %arg23[%mul3A_102, %dma_start3A_107] : memref<10016x16xf32, #tpu.memory_space<vmem_shared>> -> memref<625x16xf32, #tpu.memory_space<vmem_shared>>
        tpu.enqueue_dma source(%dma_start3A_108 : memref<625x16xf32, #tpu.memory_space<vmem_shared>>) target(%dma_start3A_106 : memref<625x16xf32, #tpu.memory_space<hbm>>) target_semaphore(%run_scoped3A : memref<!tpu.dma_semaphore, #tpu.memory_space<semaphore_mem>>)
        %dma_wait3A = arith.constant 0 : i32
        %dma_wait3A_109 = tpu.memref_slice %arg9[%mul3A_104, %dma_wait3A] : memref<10000x16xf32, #tpu.memory_space<hbm>> -> memref<625x16xf32, #tpu.memory_space<hbm>>
        %dma_wait3A_110 = arith.constant 0 : i32
        %dma_wait3A_111 = tpu.memref_slice %arg23[%mul3A_102, %dma_wait3A_110] : memref<10016x16xf32, #tpu.memory_space<vmem_shared>> -> memref<625x16xf32, #tpu.memory_space<vmem_shared>>
        tpu.wait_dma2 semaphore(%run_scoped3A : memref<!tpu.dma_semaphore, #tpu.memory_space<semaphore_mem>>) src(%dma_wait3A_111 : memref<625x16xf32, #tpu.memory_space<vmem_shared>>) dst(%dma_wait3A_109 : memref<625x16xf32, #tpu.memory_space<hbm>>)
        tpu.yield
      }) : () -> ()
    } else {
    }
    return
  }
}

#map = affine_map<(d0, d1) -> (0, 0, 0)>
#map1 = affine_map<(d0, d1) -> (0, 0)>
module attributes {stable_mosaic.version = 14 : i64} {
  func.func @sc_aggregate(%arg0: i32, %arg1: i32, %arg2: memref<2x10240x32xf32, #tpu.memory_space<hbm>>, %arg3: memref<1280x128xi32, #tpu.memory_space<hbm>>, %arg4: memref<1280x128xi32, #tpu.memory_space<hbm>>, %arg5: memref<80x128xi32, #tpu.memory_space<hbm>>, %arg6: memref<128x32xf32, #tpu.memory_space<hbm>>, %arg7: memref<128x16xf32, #tpu.memory_space<hbm>>, %arg8: memref<2x10000x32xf32, #tpu.memory_space<hbm>>, %arg9: memref<80x128xi32, #tpu.memory_space<vmem>>, %arg10: memref<80x128xi32, #tpu.memory_space<vmem>>, %arg11: memref<128x32xf32, #tpu.memory_space<vmem>>, %arg12: memref<128x32xf32, #tpu.memory_space<vmem>>, %arg13: memref<128x32xf32, #tpu.memory_space<vmem>>, %arg14: memref<128x32xf32, #tpu.memory_space<vmem>>, %arg15: memref<5x128xi32, #tpu.memory_space<vmem>>, %arg16: memref<128x32xf32, #tpu.memory_space<vmem>>, %arg17: memref<128x32xf32, #tpu.memory_space<vmem>>, %arg18: memref<128x16xf32, #tpu.memory_space<vmem>>, %arg19: memref<128x16xf32, #tpu.memory_space<vmem>>, %arg20: memref<10240x32xf32, #tpu.memory_space<vmem_shared>>, %arg21: memref<10016x32xf32, #tpu.memory_space<vmem_shared>>, %arg22: memref<10016x16xf32, #tpu.memory_space<vmem_shared>>, %arg23: memref<!tpu.dma_semaphore, #tpu.memory_space<semaphore_mem>>, %arg24: memref<!tpu.dma_semaphore, #tpu.memory_space<semaphore_mem>>, %arg25: memref<!tpu.dma_semaphore, #tpu.memory_space<semaphore_mem>>) attributes {dimension_semantics = [#tpu.dimension_semantics<core_parallel>, #tpu.dimension_semantics<subcore_parallel>], iteration_bounds = array<i64: 2, 16>, scalar_prefetch = 0 : i64, scratch_operands = 17 : i64, tpu.core_type = #tpu.core_type<sc_vector_subcore>, window_params = [{transform_indices = #map}, {transform_indices = #map1}, {transform_indices = #map1}, {transform_indices = #map1}, {transform_indices = #map1}, {transform_indices = #map1}, {transform_indices = #map}]} {
    %mul3A = arith.constant 5 : i32
    %mul3A_0 = arith.muli %arg1, %mul3A : i32
    "tpu.region"() ({
      %run_scoped3A = tpu.sem_alloc : memref<!tpu.dma_semaphore, #tpu.memory_space<semaphore_mem>>
      %dma_start3A_67 = arith.constant 0 : i32
      %dma_start3A_68 = tpu.memref_slice %arg5[%mul3A_0, %dma_start3A_67] : memref<80x128xi32, #tpu.memory_space<hbm>> -> memref<5x128xi32, #tpu.memory_space<hbm>>
      %dma_start3A_69 = arith.constant 0 : i32
      %dma_start3A_70 = tpu.memref_slice %arg5[%mul3A_0, %dma_start3A_69] : memref<80x128xi32, #tpu.memory_space<hbm>> -> memref<5x128xi32, #tpu.memory_space<hbm>>
      tpu.enqueue_dma source(%dma_start3A_70 : memref<5x128xi32, #tpu.memory_space<hbm>>) target(%arg15 : memref<5x128xi32, #tpu.memory_space<vmem>>) target_semaphore(%run_scoped3A : memref<!tpu.dma_semaphore, #tpu.memory_space<semaphore_mem>>)
      %dma_wait3A = arith.constant 0 : i32
      %dma_wait3A_71 = tpu.memref_slice %arg5[%mul3A_0, %dma_wait3A] : memref<80x128xi32, #tpu.memory_space<hbm>> -> memref<5x128xi32, #tpu.memory_space<hbm>>
      %dma_wait3A_72 = arith.constant 0 : i32
      %dma_wait3A_73 = tpu.memref_slice %arg5[%mul3A_0, %dma_wait3A_72] : memref<80x128xi32, #tpu.memory_space<hbm>> -> memref<5x128xi32, #tpu.memory_space<hbm>>
      tpu.wait_dma2 semaphore(%run_scoped3A : memref<!tpu.dma_semaphore, #tpu.memory_space<semaphore_mem>>) src(%dma_wait3A_73 : memref<5x128xi32, #tpu.memory_space<hbm>>) dst(%arg15 : memref<5x128xi32, #tpu.memory_space<vmem>>)
      tpu.yield
    }) : () -> ()
    %scan3A = arith.constant 0 : i32
    %scan3A_1 = arith.constant 0 : i32
    %scan3A_2 = arith.constant 5 : i32
    %scan3A_3 = arith.addi %scan3A_1, %scan3A_2 : i32
    %scan3A_4 = arith.constant 1 : i32
    scf.for %scan3A_67 = %scan3A_1 to %scan3A_3 step %scan3A_4  : i32 {
      %mul3A_68 = arith.constant 5 : i32
      %mul3A_69 = arith.muli %arg1, %mul3A_68 : i32
      %add3A_70 = arith.addi %mul3A_69, %scan3A_67 : i32
      %dma_start3A_71 = arith.constant 0 : i32
      %dma_start3A_72 = tpu.memref_slice %arg15[%scan3A_67, %dma_start3A_71] : memref<5x128xi32, #tpu.memory_space<vmem>> -> memref<1x128xi32, #tpu.memory_space<vmem>>
      %dma_start3A_73 = tpu.memref_squeeze %dma_start3A_72 : memref<1x128xi32, #tpu.memory_space<vmem>> -> memref<128xi32, #tpu.memory_space<vmem>>
      %dma_start3A_74 = arith.constant 0 : i32
      %dma_start3A_75 = arith.constant 0 : i32
      %dma_start3A_76 = tpu.memref_slice %arg2[%arg0, %dma_start3A_74, %dma_start3A_75] : memref<2x10240x32xf32, #tpu.memory_space<hbm>> -> memref<1x10240x32xf32, #tpu.memory_space<hbm>>
      %dma_start3A_77 = tpu.memref_squeeze %dma_start3A_76 : memref<1x10240x32xf32, #tpu.memory_space<hbm>> -> memref<10240x32xf32, #tpu.memory_space<hbm>>
      %dma_start3A_78 = arith.constant 0 : i32
      %dma_start3A_79 = arith.constant 0 : i32
      %dma_start3A_80 = tpu.memref_slice %dma_start3A_77[%dma_start3A_78, %dma_start3A_79] : memref<10240x32xf32, #tpu.memory_space<hbm>> -> memref<10240x32xf32, #tpu.memory_space<hbm>>
      tpu.enqueue_indirect_dma source(%dma_start3A_80 : memref<10240x32xf32, #tpu.memory_space<hbm>>) target(%arg16 : memref<128x32xf32, #tpu.memory_space<vmem>>) offsets(%dma_start3A_73 : memref<128xi32, #tpu.memory_space<vmem>>) semaphore(%arg23 : memref<!tpu.dma_semaphore, #tpu.memory_space<semaphore_mem>>)
      %dma_wait3A = arith.constant 0 : i32
      %dma_wait3A_81 = tpu.memref_slice %arg15[%scan3A_67, %dma_wait3A] : memref<5x128xi32, #tpu.memory_space<vmem>> -> memref<1x128xi32, #tpu.memory_space<vmem>>
      %dma_wait3A_82 = tpu.memref_squeeze %dma_wait3A_81 : memref<1x128xi32, #tpu.memory_space<vmem>> -> memref<128xi32, #tpu.memory_space<vmem>>
      %dma_wait3A_83 = arith.constant 0 : i32
      %dma_wait3A_84 = arith.constant 0 : i32
      %dma_wait3A_85 = tpu.memref_slice %arg2[%arg0, %dma_wait3A_83, %dma_wait3A_84] : memref<2x10240x32xf32, #tpu.memory_space<hbm>> -> memref<1x10240x32xf32, #tpu.memory_space<hbm>>
      %dma_wait3A_86 = tpu.memref_squeeze %dma_wait3A_85 : memref<1x10240x32xf32, #tpu.memory_space<hbm>> -> memref<10240x32xf32, #tpu.memory_space<hbm>>
      %dma_wait3A_87 = arith.constant 0 : i32
      %dma_wait3A_88 = arith.constant 0 : i32
      %dma_wait3A_89 = tpu.memref_slice %dma_wait3A_86[%dma_wait3A_87, %dma_wait3A_88] : memref<10240x32xf32, #tpu.memory_space<hbm>> -> memref<10240x32xf32, #tpu.memory_space<hbm>>
      tpu.wait_indirect_dma semaphore(%arg23 : memref<!tpu.dma_semaphore, #tpu.memory_space<semaphore_mem>>) src(%dma_wait3A_89 : memref<10240x32xf32, #tpu.memory_space<hbm>>) dst(%arg16 : memref<128x32xf32, #tpu.memory_space<vmem>>)
      %mul3A_90 = arith.constant 128 : i32
      %mul3A_91 = arith.muli %add3A_70, %mul3A_90 : i32
      "tpu.region"() ({
        %run_scoped3A = tpu.sem_alloc : memref<!tpu.dma_semaphore, #tpu.memory_space<semaphore_mem>>
        %dma_start3A_92 = arith.constant 0 : i32
        %dma_start3A_93 = tpu.memref_slice %arg20[%mul3A_91, %dma_start3A_92] : memref<10240x32xf32, #tpu.memory_space<vmem_shared>> -> memref<128x32xf32, #tpu.memory_space<vmem_shared>>
        %dma_start3A_94 = arith.constant 0 : i32
        %dma_start3A_95 = tpu.memref_slice %arg20[%mul3A_91, %dma_start3A_94] : memref<10240x32xf32, #tpu.memory_space<vmem_shared>> -> memref<128x32xf32, #tpu.memory_space<vmem_shared>>
        tpu.enqueue_dma source(%arg16 : memref<128x32xf32, #tpu.memory_space<vmem>>) target(%dma_start3A_95 : memref<128x32xf32, #tpu.memory_space<vmem_shared>>) target_semaphore(%run_scoped3A : memref<!tpu.dma_semaphore, #tpu.memory_space<semaphore_mem>>)
        %dma_wait3A_96 = arith.constant 0 : i32
        %dma_wait3A_97 = tpu.memref_slice %arg20[%mul3A_91, %dma_wait3A_96] : memref<10240x32xf32, #tpu.memory_space<vmem_shared>> -> memref<128x32xf32, #tpu.memory_space<vmem_shared>>
        %dma_wait3A_98 = arith.constant 0 : i32
        %dma_wait3A_99 = tpu.memref_slice %arg20[%mul3A_91, %dma_wait3A_98] : memref<10240x32xf32, #tpu.memory_space<vmem_shared>> -> memref<128x32xf32, #tpu.memory_space<vmem_shared>>
        tpu.wait_dma2 semaphore(%run_scoped3A : memref<!tpu.dma_semaphore, #tpu.memory_space<semaphore_mem>>) src(%arg16 : memref<128x32xf32, #tpu.memory_space<vmem>>) dst(%dma_wait3A_99 : memref<128x32xf32, #tpu.memory_space<vmem_shared>>)
        tpu.yield
      }) : () -> ()
    }
    %scan3A_5 = arith.constant 5 : i32
    "tpu.region"() ({
      %run_scoped3A = tpu.sem_alloc : memref<!tpu.dma_semaphore, #tpu.memory_space<semaphore_mem>>
      tpu.enqueue_dma source(%arg6 : memref<128x32xf32, #tpu.memory_space<hbm>>) target(%arg17 : memref<128x32xf32, #tpu.memory_space<vmem>>) target_semaphore(%run_scoped3A : memref<!tpu.dma_semaphore, #tpu.memory_space<semaphore_mem>>)
      tpu.wait_dma2 semaphore(%run_scoped3A : memref<!tpu.dma_semaphore, #tpu.memory_space<semaphore_mem>>) src(%arg6 : memref<128x32xf32, #tpu.memory_space<hbm>>) dst(%arg17 : memref<128x32xf32, #tpu.memory_space<vmem>>)
      tpu.yield
    }) : () -> ()
    %mul3A_6 = arith.constant 626 : i32
    %mul3A_7 = arith.muli %arg1, %mul3A_6 : i32
    %add3A = arith.constant 0 : i32
    %add3A_8 = arith.addi %mul3A_7, %add3A : i32
    "tpu.region"() ({
      %run_scoped3A = tpu.sem_alloc : memref<!tpu.dma_semaphore, #tpu.memory_space<semaphore_mem>>
      %dma_start3A_67 = arith.constant 0 : i32
      %dma_start3A_68 = tpu.memref_slice %arg21[%add3A_8, %dma_start3A_67] : memref<10016x32xf32, #tpu.memory_space<vmem_shared>> -> memref<128x32xf32, #tpu.memory_space<vmem_shared>>
      %dma_start3A_69 = arith.constant 0 : i32
      %dma_start3A_70 = tpu.memref_slice %arg21[%add3A_8, %dma_start3A_69] : memref<10016x32xf32, #tpu.memory_space<vmem_shared>> -> memref<128x32xf32, #tpu.memory_space<vmem_shared>>
      tpu.enqueue_dma source(%arg17 : memref<128x32xf32, #tpu.memory_space<vmem>>) target(%dma_start3A_70 : memref<128x32xf32, #tpu.memory_space<vmem_shared>>) target_semaphore(%run_scoped3A : memref<!tpu.dma_semaphore, #tpu.memory_space<semaphore_mem>>)
      %dma_wait3A = arith.constant 0 : i32
      %dma_wait3A_71 = tpu.memref_slice %arg21[%add3A_8, %dma_wait3A] : memref<10016x32xf32, #tpu.memory_space<vmem_shared>> -> memref<128x32xf32, #tpu.memory_space<vmem_shared>>
      %dma_wait3A_72 = arith.constant 0 : i32
      %dma_wait3A_73 = tpu.memref_slice %arg21[%add3A_8, %dma_wait3A_72] : memref<10016x32xf32, #tpu.memory_space<vmem_shared>> -> memref<128x32xf32, #tpu.memory_space<vmem_shared>>
      tpu.wait_dma2 semaphore(%run_scoped3A : memref<!tpu.dma_semaphore, #tpu.memory_space<semaphore_mem>>) src(%arg17 : memref<128x32xf32, #tpu.memory_space<vmem>>) dst(%dma_wait3A_73 : memref<128x32xf32, #tpu.memory_space<vmem_shared>>)
      tpu.yield
    }) : () -> ()
    %mul3A_9 = arith.constant 626 : i32
    %mul3A_10 = arith.muli %arg1, %mul3A_9 : i32
    %add3A_11 = arith.constant 128 : i32
    %add3A_12 = arith.addi %mul3A_10, %add3A_11 : i32
    "tpu.region"() ({
      %run_scoped3A = tpu.sem_alloc : memref<!tpu.dma_semaphore, #tpu.memory_space<semaphore_mem>>
      %dma_start3A_67 = arith.constant 0 : i32
      %dma_start3A_68 = tpu.memref_slice %arg21[%add3A_12, %dma_start3A_67] : memref<10016x32xf32, #tpu.memory_space<vmem_shared>> -> memref<128x32xf32, #tpu.memory_space<vmem_shared>>
      %dma_start3A_69 = arith.constant 0 : i32
      %dma_start3A_70 = tpu.memref_slice %arg21[%add3A_12, %dma_start3A_69] : memref<10016x32xf32, #tpu.memory_space<vmem_shared>> -> memref<128x32xf32, #tpu.memory_space<vmem_shared>>
      tpu.enqueue_dma source(%arg17 : memref<128x32xf32, #tpu.memory_space<vmem>>) target(%dma_start3A_70 : memref<128x32xf32, #tpu.memory_space<vmem_shared>>) target_semaphore(%run_scoped3A : memref<!tpu.dma_semaphore, #tpu.memory_space<semaphore_mem>>)
      %dma_wait3A = arith.constant 0 : i32
      %dma_wait3A_71 = tpu.memref_slice %arg21[%add3A_12, %dma_wait3A] : memref<10016x32xf32, #tpu.memory_space<vmem_shared>> -> memref<128x32xf32, #tpu.memory_space<vmem_shared>>
      %dma_wait3A_72 = arith.constant 0 : i32
      %dma_wait3A_73 = tpu.memref_slice %arg21[%add3A_12, %dma_wait3A_72] : memref<10016x32xf32, #tpu.memory_space<vmem_shared>> -> memref<128x32xf32, #tpu.memory_space<vmem_shared>>
      tpu.wait_dma2 semaphore(%run_scoped3A : memref<!tpu.dma_semaphore, #tpu.memory_space<semaphore_mem>>) src(%arg17 : memref<128x32xf32, #tpu.memory_space<vmem>>) dst(%dma_wait3A_73 : memref<128x32xf32, #tpu.memory_space<vmem_shared>>)
      tpu.yield
    }) : () -> ()
    %mul3A_13 = arith.constant 626 : i32
    %mul3A_14 = arith.muli %arg1, %mul3A_13 : i32
    %add3A_15 = arith.constant 256 : i32
    %add3A_16 = arith.addi %mul3A_14, %add3A_15 : i32
    "tpu.region"() ({
      %run_scoped3A = tpu.sem_alloc : memref<!tpu.dma_semaphore, #tpu.memory_space<semaphore_mem>>
      %dma_start3A_67 = arith.constant 0 : i32
      %dma_start3A_68 = tpu.memref_slice %arg21[%add3A_16, %dma_start3A_67] : memref<10016x32xf32, #tpu.memory_space<vmem_shared>> -> memref<128x32xf32, #tpu.memory_space<vmem_shared>>
      %dma_start3A_69 = arith.constant 0 : i32
      %dma_start3A_70 = tpu.memref_slice %arg21[%add3A_16, %dma_start3A_69] : memref<10016x32xf32, #tpu.memory_space<vmem_shared>> -> memref<128x32xf32, #tpu.memory_space<vmem_shared>>
      tpu.enqueue_dma source(%arg17 : memref<128x32xf32, #tpu.memory_space<vmem>>) target(%dma_start3A_70 : memref<128x32xf32, #tpu.memory_space<vmem_shared>>) target_semaphore(%run_scoped3A : memref<!tpu.dma_semaphore, #tpu.memory_space<semaphore_mem>>)
      %dma_wait3A = arith.constant 0 : i32
      %dma_wait3A_71 = tpu.memref_slice %arg21[%add3A_16, %dma_wait3A] : memref<10016x32xf32, #tpu.memory_space<vmem_shared>> -> memref<128x32xf32, #tpu.memory_space<vmem_shared>>
      %dma_wait3A_72 = arith.constant 0 : i32
      %dma_wait3A_73 = tpu.memref_slice %arg21[%add3A_16, %dma_wait3A_72] : memref<10016x32xf32, #tpu.memory_space<vmem_shared>> -> memref<128x32xf32, #tpu.memory_space<vmem_shared>>
      tpu.wait_dma2 semaphore(%run_scoped3A : memref<!tpu.dma_semaphore, #tpu.memory_space<semaphore_mem>>) src(%arg17 : memref<128x32xf32, #tpu.memory_space<vmem>>) dst(%dma_wait3A_73 : memref<128x32xf32, #tpu.memory_space<vmem_shared>>)
      tpu.yield
    }) : () -> ()
    %mul3A_17 = arith.constant 626 : i32
    %mul3A_18 = arith.muli %arg1, %mul3A_17 : i32
    %add3A_19 = arith.constant 384 : i32
    %add3A_20 = arith.addi %mul3A_18, %add3A_19 : i32
    "tpu.region"() ({
      %run_scoped3A = tpu.sem_alloc : memref<!tpu.dma_semaphore, #tpu.memory_space<semaphore_mem>>
      %dma_start3A_67 = arith.constant 0 : i32
      %dma_start3A_68 = tpu.memref_slice %arg21[%add3A_20, %dma_start3A_67] : memref<10016x32xf32, #tpu.memory_space<vmem_shared>> -> memref<128x32xf32, #tpu.memory_space<vmem_shared>>
      %dma_start3A_69 = arith.constant 0 : i32
      %dma_start3A_70 = tpu.memref_slice %arg21[%add3A_20, %dma_start3A_69] : memref<10016x32xf32, #tpu.memory_space<vmem_shared>> -> memref<128x32xf32, #tpu.memory_space<vmem_shared>>
      tpu.enqueue_dma source(%arg17 : memref<128x32xf32, #tpu.memory_space<vmem>>) target(%dma_start3A_70 : memref<128x32xf32, #tpu.memory_space<vmem_shared>>) target_semaphore(%run_scoped3A : memref<!tpu.dma_semaphore, #tpu.memory_space<semaphore_mem>>)
      %dma_wait3A = arith.constant 0 : i32
      %dma_wait3A_71 = tpu.memref_slice %arg21[%add3A_20, %dma_wait3A] : memref<10016x32xf32, #tpu.memory_space<vmem_shared>> -> memref<128x32xf32, #tpu.memory_space<vmem_shared>>
      %dma_wait3A_72 = arith.constant 0 : i32
      %dma_wait3A_73 = tpu.memref_slice %arg21[%add3A_20, %dma_wait3A_72] : memref<10016x32xf32, #tpu.memory_space<vmem_shared>> -> memref<128x32xf32, #tpu.memory_space<vmem_shared>>
      tpu.wait_dma2 semaphore(%run_scoped3A : memref<!tpu.dma_semaphore, #tpu.memory_space<semaphore_mem>>) src(%arg17 : memref<128x32xf32, #tpu.memory_space<vmem>>) dst(%dma_wait3A_73 : memref<128x32xf32, #tpu.memory_space<vmem_shared>>)
      tpu.yield
    }) : () -> ()
    %mul3A_21 = arith.constant 626 : i32
    %mul3A_22 = arith.muli %arg1, %mul3A_21 : i32
    %add3A_23 = arith.constant 512 : i32
    %add3A_24 = arith.addi %mul3A_22, %add3A_23 : i32
    "tpu.region"() ({
      %run_scoped3A = tpu.sem_alloc : memref<!tpu.dma_semaphore, #tpu.memory_space<semaphore_mem>>
      %dma_start3A_67 = arith.constant 0 : i32
      %dma_start3A_68 = arith.constant 0 : i32
      %dma_start3A_69 = tpu.memref_slice %arg17[%dma_start3A_67, %dma_start3A_68] : memref<128x32xf32, #tpu.memory_space<vmem>> -> memref<114x32xf32, #tpu.memory_space<vmem>>
      %dma_start3A_70 = arith.constant 0 : i32
      %dma_start3A_71 = tpu.memref_slice %arg21[%add3A_24, %dma_start3A_70] : memref<10016x32xf32, #tpu.memory_space<vmem_shared>> -> memref<114x32xf32, #tpu.memory_space<vmem_shared>>
      %dma_start3A_72 = arith.constant 0 : i32
      %dma_start3A_73 = tpu.memref_slice %arg21[%add3A_24, %dma_start3A_72] : memref<10016x32xf32, #tpu.memory_space<vmem_shared>> -> memref<114x32xf32, #tpu.memory_space<vmem_shared>>
      %dma_start3A_74 = arith.constant 0 : i32
      %dma_start3A_75 = arith.constant 0 : i32
      %dma_start3A_76 = tpu.memref_slice %arg17[%dma_start3A_74, %dma_start3A_75] : memref<128x32xf32, #tpu.memory_space<vmem>> -> memref<114x32xf32, #tpu.memory_space<vmem>>
      tpu.enqueue_dma source(%dma_start3A_76 : memref<114x32xf32, #tpu.memory_space<vmem>>) target(%dma_start3A_73 : memref<114x32xf32, #tpu.memory_space<vmem_shared>>) target_semaphore(%run_scoped3A : memref<!tpu.dma_semaphore, #tpu.memory_space<semaphore_mem>>)
      %dma_wait3A = arith.constant 0 : i32
      %dma_wait3A_77 = arith.constant 0 : i32
      %dma_wait3A_78 = tpu.memref_slice %arg17[%dma_wait3A, %dma_wait3A_77] : memref<128x32xf32, #tpu.memory_space<vmem>> -> memref<114x32xf32, #tpu.memory_space<vmem>>
      %dma_wait3A_79 = arith.constant 0 : i32
      %dma_wait3A_80 = tpu.memref_slice %arg21[%add3A_24, %dma_wait3A_79] : memref<10016x32xf32, #tpu.memory_space<vmem_shared>> -> memref<114x32xf32, #tpu.memory_space<vmem_shared>>
      %dma_wait3A_81 = arith.constant 0 : i32
      %dma_wait3A_82 = tpu.memref_slice %arg21[%add3A_24, %dma_wait3A_81] : memref<10016x32xf32, #tpu.memory_space<vmem_shared>> -> memref<114x32xf32, #tpu.memory_space<vmem_shared>>
      %dma_wait3A_83 = arith.constant 0 : i32
      %dma_wait3A_84 = arith.constant 0 : i32
      %dma_wait3A_85 = tpu.memref_slice %arg17[%dma_wait3A_83, %dma_wait3A_84] : memref<128x32xf32, #tpu.memory_space<vmem>> -> memref<114x32xf32, #tpu.memory_space<vmem>>
      tpu.wait_dma2 semaphore(%run_scoped3A : memref<!tpu.dma_semaphore, #tpu.memory_space<semaphore_mem>>) src(%dma_wait3A_85 : memref<114x32xf32, #tpu.memory_space<vmem>>) dst(%dma_wait3A_82 : memref<114x32xf32, #tpu.memory_space<vmem_shared>>)
      tpu.yield
    }) : () -> ()
    %mul3A_25 = arith.constant 80 : i32
    %mul3A_26 = arith.muli %arg1, %mul3A_25 : i32
    "tpu.region"() ({
      %run_scoped3A = tpu.sem_alloc : memref<!tpu.dma_semaphore, #tpu.memory_space<semaphore_mem>>
      %dma_start3A_67 = arith.constant 0 : i32
      %dma_start3A_68 = tpu.memref_slice %arg3[%mul3A_26, %dma_start3A_67] : memref<1280x128xi32, #tpu.memory_space<hbm>> -> memref<80x128xi32, #tpu.memory_space<hbm>>
      %dma_start3A_69 = arith.constant 0 : i32
      %dma_start3A_70 = tpu.memref_slice %arg3[%mul3A_26, %dma_start3A_69] : memref<1280x128xi32, #tpu.memory_space<hbm>> -> memref<80x128xi32, #tpu.memory_space<hbm>>
      tpu.enqueue_dma source(%dma_start3A_70 : memref<80x128xi32, #tpu.memory_space<hbm>>) target(%arg9 : memref<80x128xi32, #tpu.memory_space<vmem>>) target_semaphore(%run_scoped3A : memref<!tpu.dma_semaphore, #tpu.memory_space<semaphore_mem>>)
      %dma_wait3A = arith.constant 0 : i32
      %dma_wait3A_71 = tpu.memref_slice %arg3[%mul3A_26, %dma_wait3A] : memref<1280x128xi32, #tpu.memory_space<hbm>> -> memref<80x128xi32, #tpu.memory_space<hbm>>
      %dma_wait3A_72 = arith.constant 0 : i32
      %dma_wait3A_73 = tpu.memref_slice %arg3[%mul3A_26, %dma_wait3A_72] : memref<1280x128xi32, #tpu.memory_space<hbm>> -> memref<80x128xi32, #tpu.memory_space<hbm>>
      tpu.wait_dma2 semaphore(%run_scoped3A : memref<!tpu.dma_semaphore, #tpu.memory_space<semaphore_mem>>) src(%dma_wait3A_73 : memref<80x128xi32, #tpu.memory_space<hbm>>) dst(%arg9 : memref<80x128xi32, #tpu.memory_space<vmem>>)
      tpu.yield
    }) : () -> ()
    %mul3A_27 = arith.constant 80 : i32
    %mul3A_28 = arith.muli %arg1, %mul3A_27 : i32
    "tpu.region"() ({
      %run_scoped3A = tpu.sem_alloc : memref<!tpu.dma_semaphore, #tpu.memory_space<semaphore_mem>>
      %dma_start3A_67 = arith.constant 0 : i32
      %dma_start3A_68 = tpu.memref_slice %arg4[%mul3A_28, %dma_start3A_67] : memref<1280x128xi32, #tpu.memory_space<hbm>> -> memref<80x128xi32, #tpu.memory_space<hbm>>
      %dma_start3A_69 = arith.constant 0 : i32
      %dma_start3A_70 = tpu.memref_slice %arg4[%mul3A_28, %dma_start3A_69] : memref<1280x128xi32, #tpu.memory_space<hbm>> -> memref<80x128xi32, #tpu.memory_space<hbm>>
      tpu.enqueue_dma source(%dma_start3A_70 : memref<80x128xi32, #tpu.memory_space<hbm>>) target(%arg10 : memref<80x128xi32, #tpu.memory_space<vmem>>) target_semaphore(%run_scoped3A : memref<!tpu.dma_semaphore, #tpu.memory_space<semaphore_mem>>)
      %dma_wait3A = arith.constant 0 : i32
      %dma_wait3A_71 = tpu.memref_slice %arg4[%mul3A_28, %dma_wait3A] : memref<1280x128xi32, #tpu.memory_space<hbm>> -> memref<80x128xi32, #tpu.memory_space<hbm>>
      %dma_wait3A_72 = arith.constant 0 : i32
      %dma_wait3A_73 = tpu.memref_slice %arg4[%mul3A_28, %dma_wait3A_72] : memref<1280x128xi32, #tpu.memory_space<hbm>> -> memref<80x128xi32, #tpu.memory_space<hbm>>
      tpu.wait_dma2 semaphore(%run_scoped3A : memref<!tpu.dma_semaphore, #tpu.memory_space<semaphore_mem>>) src(%dma_wait3A_73 : memref<80x128xi32, #tpu.memory_space<hbm>>) dst(%arg10 : memref<80x128xi32, #tpu.memory_space<vmem>>)
      tpu.yield
    }) : () -> ()
    %barrier3A = arith.constant 0 : index
    tpu.barrier barrier_id(%barrier3A)
    %dma_start3A = arith.constant 0 : i32
    %dma_start3A_29 = arith.constant 0 : i32
    %dma_start3A_30 = tpu.memref_slice %arg9[%dma_start3A, %dma_start3A_29] : memref<80x128xi32, #tpu.memory_space<vmem>> -> memref<1x128xi32, #tpu.memory_space<vmem>>
    %dma_start3A_31 = tpu.memref_squeeze %dma_start3A_30 : memref<1x128xi32, #tpu.memory_space<vmem>> -> memref<128xi32, #tpu.memory_space<vmem>>
    %dma_start3A_32 = arith.constant 0 : i32
    %dma_start3A_33 = arith.constant 0 : i32
    %dma_start3A_34 = tpu.memref_slice %arg20[%dma_start3A_32, %dma_start3A_33] : memref<10240x32xf32, #tpu.memory_space<vmem_shared>> -> memref<10240x32xf32, #tpu.memory_space<vmem_shared>>
    tpu.enqueue_indirect_dma source(%dma_start3A_34 : memref<10240x32xf32, #tpu.memory_space<vmem_shared>>) target(%arg11 : memref<128x32xf32, #tpu.memory_space<vmem>>) offsets(%dma_start3A_31 : memref<128xi32, #tpu.memory_space<vmem>>) semaphore(%arg23 : memref<!tpu.dma_semaphore, #tpu.memory_space<semaphore_mem>>)
    %dma_start3A_35 = arith.constant 1 : i32
    %dma_start3A_36 = arith.constant 0 : i32
    %dma_start3A_37 = tpu.memref_slice %arg9[%dma_start3A_35, %dma_start3A_36] : memref<80x128xi32, #tpu.memory_space<vmem>> -> memref<1x128xi32, #tpu.memory_space<vmem>>
    %dma_start3A_38 = tpu.memref_squeeze %dma_start3A_37 : memref<1x128xi32, #tpu.memory_space<vmem>> -> memref<128xi32, #tpu.memory_space<vmem>>
    %dma_start3A_39 = arith.constant 0 : i32
    %dma_start3A_40 = arith.constant 0 : i32
    %dma_start3A_41 = tpu.memref_slice %arg20[%dma_start3A_39, %dma_start3A_40] : memref<10240x32xf32, #tpu.memory_space<vmem_shared>> -> memref<10240x32xf32, #tpu.memory_space<vmem_shared>>
    tpu.enqueue_indirect_dma source(%dma_start3A_41 : memref<10240x32xf32, #tpu.memory_space<vmem_shared>>) target(%arg12 : memref<128x32xf32, #tpu.memory_space<vmem>>) offsets(%dma_start3A_38 : memref<128xi32, #tpu.memory_space<vmem>>) semaphore(%arg23 : memref<!tpu.dma_semaphore, #tpu.memory_space<semaphore_mem>>)
    %dma_start3A_42 = arith.constant 2 : i32
    %dma_start3A_43 = arith.constant 0 : i32
    %dma_start3A_44 = tpu.memref_slice %arg9[%dma_start3A_42, %dma_start3A_43] : memref<80x128xi32, #tpu.memory_space<vmem>> -> memref<1x128xi32, #tpu.memory_space<vmem>>
    %dma_start3A_45 = tpu.memref_squeeze %dma_start3A_44 : memref<1x128xi32, #tpu.memory_space<vmem>> -> memref<128xi32, #tpu.memory_space<vmem>>
    %dma_start3A_46 = arith.constant 0 : i32
    %dma_start3A_47 = arith.constant 0 : i32
    %dma_start3A_48 = tpu.memref_slice %arg20[%dma_start3A_46, %dma_start3A_47] : memref<10240x32xf32, #tpu.memory_space<vmem_shared>> -> memref<10240x32xf32, #tpu.memory_space<vmem_shared>>
    tpu.enqueue_indirect_dma source(%dma_start3A_48 : memref<10240x32xf32, #tpu.memory_space<vmem_shared>>) target(%arg13 : memref<128x32xf32, #tpu.memory_space<vmem>>) offsets(%dma_start3A_45 : memref<128xi32, #tpu.memory_space<vmem>>) semaphore(%arg23 : memref<!tpu.dma_semaphore, #tpu.memory_space<semaphore_mem>>)
    %dma_start3A_49 = arith.constant 3 : i32
    %dma_start3A_50 = arith.constant 0 : i32
    %dma_start3A_51 = tpu.memref_slice %arg9[%dma_start3A_49, %dma_start3A_50] : memref<80x128xi32, #tpu.memory_space<vmem>> -> memref<1x128xi32, #tpu.memory_space<vmem>>
    %dma_start3A_52 = tpu.memref_squeeze %dma_start3A_51 : memref<1x128xi32, #tpu.memory_space<vmem>> -> memref<128xi32, #tpu.memory_space<vmem>>
    %dma_start3A_53 = arith.constant 0 : i32
    %dma_start3A_54 = arith.constant 0 : i32
    %dma_start3A_55 = tpu.memref_slice %arg20[%dma_start3A_53, %dma_start3A_54] : memref<10240x32xf32, #tpu.memory_space<vmem_shared>> -> memref<10240x32xf32, #tpu.memory_space<vmem_shared>>
    tpu.enqueue_indirect_dma source(%dma_start3A_55 : memref<10240x32xf32, #tpu.memory_space<vmem_shared>>) target(%arg14 : memref<128x32xf32, #tpu.memory_space<vmem>>) offsets(%dma_start3A_52 : memref<128xi32, #tpu.memory_space<vmem>>) semaphore(%arg23 : memref<!tpu.dma_semaphore, #tpu.memory_space<semaphore_mem>>)
    %scan3A_56 = arith.constant 0 : i32
    %scan3A_57 = arith.constant 0 : i32
    %scan3A_58 = arith.constant 20 : i32
    %scan3A_59 = arith.addi %scan3A_57, %scan3A_58 : i32
    %scan3A_60 = arith.constant 1 : i32
    scf.for %scan3A_67 = %scan3A_57 to %scan3A_59 step %scan3A_60  : i32 {
      %mul3A_68 = arith.constant 4 : i32
      %mul3A_69 = arith.muli %scan3A_67, %mul3A_68 : i32
      tpu.wait_dma2 semaphore(%arg23 : memref<!tpu.dma_semaphore, #tpu.memory_space<semaphore_mem>>) src(%arg6 : memref<128x32xf32, #tpu.memory_space<hbm>>) dst(%arg11 : memref<128x32xf32, #tpu.memory_space<vmem>>)
      %add3A_70 = arith.constant 0 : i32
      %add3A_71 = arith.addi %mul3A_69, %add3A_70 : i32
      %dma_start3A_72 = arith.constant 0 : i32
      %dma_start3A_73 = tpu.memref_slice %arg10[%add3A_71, %dma_start3A_72] : memref<80x128xi32, #tpu.memory_space<vmem>> -> memref<1x128xi32, #tpu.memory_space<vmem>>
      %dma_start3A_74 = tpu.memref_squeeze %dma_start3A_73 : memref<1x128xi32, #tpu.memory_space<vmem>> -> memref<128xi32, #tpu.memory_space<vmem>>
      %dma_start3A_75 = arith.constant 0 : i32
      %dma_start3A_76 = arith.constant 0 : i32
      %dma_start3A_77 = tpu.memref_slice %arg21[%dma_start3A_75, %dma_start3A_76] : memref<10016x32xf32, #tpu.memory_space<vmem_shared>> -> memref<10016x32xf32, #tpu.memory_space<vmem_shared>>
      tpu.enqueue_indirect_dma source(%arg11 : memref<128x32xf32, #tpu.memory_space<vmem>>) target(%dma_start3A_77 : memref<10016x32xf32, #tpu.memory_space<vmem_shared>>) offsets(%dma_start3A_74 : memref<128xi32, #tpu.memory_space<vmem>>) semaphore(%arg24 : memref<!tpu.dma_semaphore, #tpu.memory_space<semaphore_mem>>) {add = true}
      tpu.wait_dma2 semaphore(%arg23 : memref<!tpu.dma_semaphore, #tpu.memory_space<semaphore_mem>>) src(%arg6 : memref<128x32xf32, #tpu.memory_space<hbm>>) dst(%arg12 : memref<128x32xf32, #tpu.memory_space<vmem>>)
      %add3A_78 = arith.constant 1 : i32
      %add3A_79 = arith.addi %mul3A_69, %add3A_78 : i32
      %dma_start3A_80 = arith.constant 0 : i32
      %dma_start3A_81 = tpu.memref_slice %arg10[%add3A_79, %dma_start3A_80] : memref<80x128xi32, #tpu.memory_space<vmem>> -> memref<1x128xi32, #tpu.memory_space<vmem>>
      %dma_start3A_82 = tpu.memref_squeeze %dma_start3A_81 : memref<1x128xi32, #tpu.memory_space<vmem>> -> memref<128xi32, #tpu.memory_space<vmem>>
      %dma_start3A_83 = arith.constant 0 : i32
      %dma_start3A_84 = arith.constant 0 : i32
      %dma_start3A_85 = tpu.memref_slice %arg21[%dma_start3A_83, %dma_start3A_84] : memref<10016x32xf32, #tpu.memory_space<vmem_shared>> -> memref<10016x32xf32, #tpu.memory_space<vmem_shared>>
      tpu.enqueue_indirect_dma source(%arg12 : memref<128x32xf32, #tpu.memory_space<vmem>>) target(%dma_start3A_85 : memref<10016x32xf32, #tpu.memory_space<vmem_shared>>) offsets(%dma_start3A_82 : memref<128xi32, #tpu.memory_space<vmem>>) semaphore(%arg24 : memref<!tpu.dma_semaphore, #tpu.memory_space<semaphore_mem>>) {add = true}
      tpu.wait_dma2 semaphore(%arg23 : memref<!tpu.dma_semaphore, #tpu.memory_space<semaphore_mem>>) src(%arg6 : memref<128x32xf32, #tpu.memory_space<hbm>>) dst(%arg13 : memref<128x32xf32, #tpu.memory_space<vmem>>)
      %add3A_86 = arith.constant 2 : i32
      %add3A_87 = arith.addi %mul3A_69, %add3A_86 : i32
      %dma_start3A_88 = arith.constant 0 : i32
      %dma_start3A_89 = tpu.memref_slice %arg10[%add3A_87, %dma_start3A_88] : memref<80x128xi32, #tpu.memory_space<vmem>> -> memref<1x128xi32, #tpu.memory_space<vmem>>
      %dma_start3A_90 = tpu.memref_squeeze %dma_start3A_89 : memref<1x128xi32, #tpu.memory_space<vmem>> -> memref<128xi32, #tpu.memory_space<vmem>>
      %dma_start3A_91 = arith.constant 0 : i32
      %dma_start3A_92 = arith.constant 0 : i32
      %dma_start3A_93 = tpu.memref_slice %arg21[%dma_start3A_91, %dma_start3A_92] : memref<10016x32xf32, #tpu.memory_space<vmem_shared>> -> memref<10016x32xf32, #tpu.memory_space<vmem_shared>>
      tpu.enqueue_indirect_dma source(%arg13 : memref<128x32xf32, #tpu.memory_space<vmem>>) target(%dma_start3A_93 : memref<10016x32xf32, #tpu.memory_space<vmem_shared>>) offsets(%dma_start3A_90 : memref<128xi32, #tpu.memory_space<vmem>>) semaphore(%arg24 : memref<!tpu.dma_semaphore, #tpu.memory_space<semaphore_mem>>) {add = true}
      tpu.wait_dma2 semaphore(%arg23 : memref<!tpu.dma_semaphore, #tpu.memory_space<semaphore_mem>>) src(%arg6 : memref<128x32xf32, #tpu.memory_space<hbm>>) dst(%arg14 : memref<128x32xf32, #tpu.memory_space<vmem>>)
      %add3A_94 = arith.constant 3 : i32
      %add3A_95 = arith.addi %mul3A_69, %add3A_94 : i32
      %dma_start3A_96 = arith.constant 0 : i32
      %dma_start3A_97 = tpu.memref_slice %arg10[%add3A_95, %dma_start3A_96] : memref<80x128xi32, #tpu.memory_space<vmem>> -> memref<1x128xi32, #tpu.memory_space<vmem>>
      %dma_start3A_98 = tpu.memref_squeeze %dma_start3A_97 : memref<1x128xi32, #tpu.memory_space<vmem>> -> memref<128xi32, #tpu.memory_space<vmem>>
      %dma_start3A_99 = arith.constant 0 : i32
      %dma_start3A_100 = arith.constant 0 : i32
      %dma_start3A_101 = tpu.memref_slice %arg21[%dma_start3A_99, %dma_start3A_100] : memref<10016x32xf32, #tpu.memory_space<vmem_shared>> -> memref<10016x32xf32, #tpu.memory_space<vmem_shared>>
      tpu.enqueue_indirect_dma source(%arg14 : memref<128x32xf32, #tpu.memory_space<vmem>>) target(%dma_start3A_101 : memref<10016x32xf32, #tpu.memory_space<vmem_shared>>) offsets(%dma_start3A_98 : memref<128xi32, #tpu.memory_space<vmem>>) semaphore(%arg24 : memref<!tpu.dma_semaphore, #tpu.memory_space<semaphore_mem>>) {add = true}
      tpu.wait_dma2 semaphore(%arg24 : memref<!tpu.dma_semaphore, #tpu.memory_space<semaphore_mem>>) src(%arg6 : memref<128x32xf32, #tpu.memory_space<hbm>>) dst(%arg11 : memref<128x32xf32, #tpu.memory_space<vmem>>)
      %add3A_102 = arith.constant 0 : i32
      %add3A_103 = arith.addi %mul3A_69, %add3A_102 : i32
      %add3A_104 = arith.constant 4 : i32
      %add3A_105 = arith.addi %add3A_103, %add3A_104 : i32
      %lt3A = arith.constant 80 : i32
      %lt3A_106 = arith.cmpi slt, %add3A_105, %lt3A : i32
      %convert_element_type3A = arith.extui %lt3A_106 : i1 to i32
      %cond3A = arith.constant 0 : i32
      %cond3A_107 = arith.cmpi ne, %convert_element_type3A, %cond3A : i32
      scf.if %cond3A_107 {
        %add3A_135 = arith.constant 0 : i32
        %add3A_136 = arith.addi %mul3A_69, %add3A_135 : i32
        %add3A_137 = arith.constant 4 : i32
        %add3A_138 = arith.addi %add3A_136, %add3A_137 : i32
        %dma_start3A_139 = arith.constant 0 : i32
        %dma_start3A_140 = tpu.memref_slice %arg9[%add3A_138, %dma_start3A_139] : memref<80x128xi32, #tpu.memory_space<vmem>> -> memref<1x128xi32, #tpu.memory_space<vmem>>
        %dma_start3A_141 = tpu.memref_squeeze %dma_start3A_140 : memref<1x128xi32, #tpu.memory_space<vmem>> -> memref<128xi32, #tpu.memory_space<vmem>>
        %dma_start3A_142 = arith.constant 0 : i32
        %dma_start3A_143 = arith.constant 0 : i32
        %dma_start3A_144 = tpu.memref_slice %arg20[%dma_start3A_142, %dma_start3A_143] : memref<10240x32xf32, #tpu.memory_space<vmem_shared>> -> memref<10240x32xf32, #tpu.memory_space<vmem_shared>>
        tpu.enqueue_indirect_dma source(%dma_start3A_144 : memref<10240x32xf32, #tpu.memory_space<vmem_shared>>) target(%arg11 : memref<128x32xf32, #tpu.memory_space<vmem>>) offsets(%dma_start3A_141 : memref<128xi32, #tpu.memory_space<vmem>>) semaphore(%arg23 : memref<!tpu.dma_semaphore, #tpu.memory_space<semaphore_mem>>)
      } else {
      }
      tpu.wait_dma2 semaphore(%arg24 : memref<!tpu.dma_semaphore, #tpu.memory_space<semaphore_mem>>) src(%arg6 : memref<128x32xf32, #tpu.memory_space<hbm>>) dst(%arg12 : memref<128x32xf32, #tpu.memory_space<vmem>>)
      %add3A_108 = arith.constant 1 : i32
      %add3A_109 = arith.addi %mul3A_69, %add3A_108 : i32
      %add3A_110 = arith.constant 4 : i32
      %add3A_111 = arith.addi %add3A_109, %add3A_110 : i32
      %lt3A_112 = arith.constant 80 : i32
      %lt3A_113 = arith.cmpi slt, %add3A_111, %lt3A_112 : i32
      %convert_element_type3A_114 = arith.extui %lt3A_113 : i1 to i32
      %cond3A_115 = arith.constant 0 : i32
      %cond3A_116 = arith.cmpi ne, %convert_element_type3A_114, %cond3A_115 : i32
      scf.if %cond3A_116 {
        %add3A_135 = arith.constant 1 : i32
        %add3A_136 = arith.addi %mul3A_69, %add3A_135 : i32
        %add3A_137 = arith.constant 4 : i32
        %add3A_138 = arith.addi %add3A_136, %add3A_137 : i32
        %dma_start3A_139 = arith.constant 0 : i32
        %dma_start3A_140 = tpu.memref_slice %arg9[%add3A_138, %dma_start3A_139] : memref<80x128xi32, #tpu.memory_space<vmem>> -> memref<1x128xi32, #tpu.memory_space<vmem>>
        %dma_start3A_141 = tpu.memref_squeeze %dma_start3A_140 : memref<1x128xi32, #tpu.memory_space<vmem>> -> memref<128xi32, #tpu.memory_space<vmem>>
        %dma_start3A_142 = arith.constant 0 : i32
        %dma_start3A_143 = arith.constant 0 : i32
        %dma_start3A_144 = tpu.memref_slice %arg20[%dma_start3A_142, %dma_start3A_143] : memref<10240x32xf32, #tpu.memory_space<vmem_shared>> -> memref<10240x32xf32, #tpu.memory_space<vmem_shared>>
        tpu.enqueue_indirect_dma source(%dma_start3A_144 : memref<10240x32xf32, #tpu.memory_space<vmem_shared>>) target(%arg12 : memref<128x32xf32, #tpu.memory_space<vmem>>) offsets(%dma_start3A_141 : memref<128xi32, #tpu.memory_space<vmem>>) semaphore(%arg23 : memref<!tpu.dma_semaphore, #tpu.memory_space<semaphore_mem>>)
      } else {
      }
      tpu.wait_dma2 semaphore(%arg24 : memref<!tpu.dma_semaphore, #tpu.memory_space<semaphore_mem>>) src(%arg6 : memref<128x32xf32, #tpu.memory_space<hbm>>) dst(%arg13 : memref<128x32xf32, #tpu.memory_space<vmem>>)
      %add3A_117 = arith.constant 2 : i32
      %add3A_118 = arith.addi %mul3A_69, %add3A_117 : i32
      %add3A_119 = arith.constant 4 : i32
      %add3A_120 = arith.addi %add3A_118, %add3A_119 : i32
      %lt3A_121 = arith.constant 80 : i32
      %lt3A_122 = arith.cmpi slt, %add3A_120, %lt3A_121 : i32
      %convert_element_type3A_123 = arith.extui %lt3A_122 : i1 to i32
      %cond3A_124 = arith.constant 0 : i32
      %cond3A_125 = arith.cmpi ne, %convert_element_type3A_123, %cond3A_124 : i32
      scf.if %cond3A_125 {
        %add3A_135 = arith.constant 2 : i32
        %add3A_136 = arith.addi %mul3A_69, %add3A_135 : i32
        %add3A_137 = arith.constant 4 : i32
        %add3A_138 = arith.addi %add3A_136, %add3A_137 : i32
        %dma_start3A_139 = arith.constant 0 : i32
        %dma_start3A_140 = tpu.memref_slice %arg9[%add3A_138, %dma_start3A_139] : memref<80x128xi32, #tpu.memory_space<vmem>> -> memref<1x128xi32, #tpu.memory_space<vmem>>
        %dma_start3A_141 = tpu.memref_squeeze %dma_start3A_140 : memref<1x128xi32, #tpu.memory_space<vmem>> -> memref<128xi32, #tpu.memory_space<vmem>>
        %dma_start3A_142 = arith.constant 0 : i32
        %dma_start3A_143 = arith.constant 0 : i32
        %dma_start3A_144 = tpu.memref_slice %arg20[%dma_start3A_142, %dma_start3A_143] : memref<10240x32xf32, #tpu.memory_space<vmem_shared>> -> memref<10240x32xf32, #tpu.memory_space<vmem_shared>>
        tpu.enqueue_indirect_dma source(%dma_start3A_144 : memref<10240x32xf32, #tpu.memory_space<vmem_shared>>) target(%arg13 : memref<128x32xf32, #tpu.memory_space<vmem>>) offsets(%dma_start3A_141 : memref<128xi32, #tpu.memory_space<vmem>>) semaphore(%arg23 : memref<!tpu.dma_semaphore, #tpu.memory_space<semaphore_mem>>)
      } else {
      }
      tpu.wait_dma2 semaphore(%arg24 : memref<!tpu.dma_semaphore, #tpu.memory_space<semaphore_mem>>) src(%arg6 : memref<128x32xf32, #tpu.memory_space<hbm>>) dst(%arg14 : memref<128x32xf32, #tpu.memory_space<vmem>>)
      %add3A_126 = arith.constant 3 : i32
      %add3A_127 = arith.addi %mul3A_69, %add3A_126 : i32
      %add3A_128 = arith.constant 4 : i32
      %add3A_129 = arith.addi %add3A_127, %add3A_128 : i32
      %lt3A_130 = arith.constant 80 : i32
      %lt3A_131 = arith.cmpi slt, %add3A_129, %lt3A_130 : i32
      %convert_element_type3A_132 = arith.extui %lt3A_131 : i1 to i32
      %cond3A_133 = arith.constant 0 : i32
      %cond3A_134 = arith.cmpi ne, %convert_element_type3A_132, %cond3A_133 : i32
      scf.if %cond3A_134 {
        %add3A_135 = arith.constant 3 : i32
        %add3A_136 = arith.addi %mul3A_69, %add3A_135 : i32
        %add3A_137 = arith.constant 4 : i32
        %add3A_138 = arith.addi %add3A_136, %add3A_137 : i32
        %dma_start3A_139 = arith.constant 0 : i32
        %dma_start3A_140 = tpu.memref_slice %arg9[%add3A_138, %dma_start3A_139] : memref<80x128xi32, #tpu.memory_space<vmem>> -> memref<1x128xi32, #tpu.memory_space<vmem>>
        %dma_start3A_141 = tpu.memref_squeeze %dma_start3A_140 : memref<1x128xi32, #tpu.memory_space<vmem>> -> memref<128xi32, #tpu.memory_space<vmem>>
        %dma_start3A_142 = arith.constant 0 : i32
        %dma_start3A_143 = arith.constant 0 : i32
        %dma_start3A_144 = tpu.memref_slice %arg20[%dma_start3A_142, %dma_start3A_143] : memref<10240x32xf32, #tpu.memory_space<vmem_shared>> -> memref<10240x32xf32, #tpu.memory_space<vmem_shared>>
        tpu.enqueue_indirect_dma source(%dma_start3A_144 : memref<10240x32xf32, #tpu.memory_space<vmem_shared>>) target(%arg14 : memref<128x32xf32, #tpu.memory_space<vmem>>) offsets(%dma_start3A_141 : memref<128xi32, #tpu.memory_space<vmem>>) semaphore(%arg23 : memref<!tpu.dma_semaphore, #tpu.memory_space<semaphore_mem>>)
      } else {
      }
    }
    %scan3A_61 = arith.constant 20 : i32
    %barrier3A_62 = arith.constant 0 : index
    tpu.barrier barrier_id(%barrier3A_62)
    %mul3A_63 = arith.constant 625 : i32
    %mul3A_64 = arith.muli %arg1, %mul3A_63 : i32
    %mul3A_65 = arith.constant 625 : i32
    %mul3A_66 = arith.muli %arg1, %mul3A_65 : i32
    "tpu.region"() ({
      %run_scoped3A = tpu.sem_alloc : memref<!tpu.dma_semaphore, #tpu.memory_space<semaphore_mem>>
      %dma_start3A_67 = arith.constant 0 : i32
      %dma_start3A_68 = tpu.memref_slice %arg8[%arg0, %mul3A_66, %dma_start3A_67] : memref<2x10000x32xf32, #tpu.memory_space<hbm>> -> memref<1x625x32xf32, #tpu.memory_space<hbm>>
      %dma_start3A_69 = tpu.memref_squeeze %dma_start3A_68 : memref<1x625x32xf32, #tpu.memory_space<hbm>> -> memref<625x32xf32, #tpu.memory_space<hbm>>
      %dma_start3A_70 = arith.constant 0 : i32
      %dma_start3A_71 = tpu.memref_slice %arg21[%mul3A_64, %dma_start3A_70] : memref<10016x32xf32, #tpu.memory_space<vmem_shared>> -> memref<625x32xf32, #tpu.memory_space<vmem_shared>>
      tpu.enqueue_dma source(%dma_start3A_71 : memref<625x32xf32, #tpu.memory_space<vmem_shared>>) target(%dma_start3A_69 : memref<625x32xf32, #tpu.memory_space<hbm>>) target_semaphore(%run_scoped3A : memref<!tpu.dma_semaphore, #tpu.memory_space<semaphore_mem>>)
      %dma_wait3A = arith.constant 0 : i32
      %dma_wait3A_72 = tpu.memref_slice %arg8[%arg0, %mul3A_66, %dma_wait3A] : memref<2x10000x32xf32, #tpu.memory_space<hbm>> -> memref<1x625x32xf32, #tpu.memory_space<hbm>>
      %dma_wait3A_73 = tpu.memref_squeeze %dma_wait3A_72 : memref<1x625x32xf32, #tpu.memory_space<hbm>> -> memref<625x32xf32, #tpu.memory_space<hbm>>
      %dma_wait3A_74 = arith.constant 0 : i32
      %dma_wait3A_75 = tpu.memref_slice %arg21[%mul3A_64, %dma_wait3A_74] : memref<10016x32xf32, #tpu.memory_space<vmem_shared>> -> memref<625x32xf32, #tpu.memory_space<vmem_shared>>
      tpu.wait_dma2 semaphore(%run_scoped3A : memref<!tpu.dma_semaphore, #tpu.memory_space<semaphore_mem>>) src(%dma_wait3A_75 : memref<625x32xf32, #tpu.memory_space<vmem_shared>>) dst(%dma_wait3A_73 : memref<625x32xf32, #tpu.memory_space<hbm>>)
      tpu.yield
    }) : () -> ()
    return
  }
}

module attributes {stable_mosaic.version = 14 : i64} {
  func.func @_tc_dense_body(%arg0: i32, %arg1: memref<400x128xf32, #tpu.memory_space<vmem>>, %arg2: memref<2x400x32xf32, #tpu.memory_space<vmem>>, %arg3: memref<2x400x32xf32, #tpu.memory_space<vmem>>, %arg4: memref<400x16xf32, #tpu.memory_space<vmem>>, %arg5: memref<128x128xf32, #tpu.memory_space<vmem>>, %arg6: memref<1x128xf32, #tpu.memory_space<vmem>>, %arg7: memref<128x16xf32, #tpu.memory_space<vmem>>, %arg8: memref<128x16xf32, #tpu.memory_space<vmem>>, %arg9: memref<128x16xf32, #tpu.memory_space<vmem>>, %arg10: memref<128x16xf32, #tpu.memory_space<vmem>>, %arg11: memref<1x16xf32, #tpu.memory_space<vmem>>, %arg12: memref<400x128xf32, #tpu.memory_space<vmem>>, %arg13: memref<400x16xf32, #tpu.memory_space<vmem>>, %arg14: memref<400x16xf32, #tpu.memory_space<vmem>>, %arg15: memref<1x16xf32, #tpu.memory_space<vmem>>, %arg16: memref<1x16xf32, #tpu.memory_space<vmem>>, %arg17: memref<1x128xf32, #tpu.memory_space<vmem>>) attributes {dimension_semantics = [#tpu.dimension_semantics<arbitrary>], iteration_bounds = array<i64: 25>, scalar_prefetch = 0 : i64, scratch_operands = 1 : i64, tpu.core_type = #tpu.core_type<tc>, window_params = [{transform_indices = @transform_0, window_bounds = array<i64: 400, 128>}, {transform_indices = @transform_1, window_bounds = array<i64: 2, 400, 32>}, {transform_indices = @transform_2, window_bounds = array<i64: 2, 400, 32>}, {transform_indices = @transform_3, window_bounds = array<i64: 400, 16>}, {pipeline_mode = #tpu.pipeline_mode<synchronous>, transform_indices = @transform_4, window_bounds = array<i64: 128, 128>}, {pipeline_mode = #tpu.pipeline_mode<synchronous>, transform_indices = @transform_5, window_bounds = array<i64: 1, 128>}, {pipeline_mode = #tpu.pipeline_mode<synchronous>, transform_indices = @transform_6, window_bounds = array<i64: 128, 16>}, {pipeline_mode = #tpu.pipeline_mode<synchronous>, transform_indices = @transform_7, window_bounds = array<i64: 128, 16>}, {pipeline_mode = #tpu.pipeline_mode<synchronous>, transform_indices = @transform_8, window_bounds = array<i64: 128, 16>}, {pipeline_mode = #tpu.pipeline_mode<synchronous>, transform_indices = @transform_9, window_bounds = array<i64: 128, 16>}, {pipeline_mode = #tpu.pipeline_mode<synchronous>, transform_indices = @transform_10, window_bounds = array<i64: 1, 16>}, {transform_indices = @transform_11, window_bounds = array<i64: 400, 128>}, {transform_indices = @transform_12, window_bounds = array<i64: 400, 16>}, {transform_indices = @transform_13, window_bounds = array<i64: 400, 16>}, {pipeline_mode = #tpu.pipeline_mode<synchronous>, transform_indices = @transform_14, window_bounds = array<i64: 1, 16>}, {pipeline_mode = #tpu.pipeline_mode<synchronous>, transform_indices = @transform_15, window_bounds = array<i64: 1, 16>}]} {
    %get3A = arith.constant 0 : index
    %get3A_0 = arith.constant 0 : index
    %get3A_1 = arith.constant 0 : index
    %get3A_2 = vector.load %arg2[%get3A, %get3A_0, %get3A_1] : memref<2x400x32xf32, #tpu.memory_space<vmem>>, vector<2x400x32xf32>
    %get3A_3 = arith.constant 0 : index
    %get3A_4 = arith.constant 0 : index
    %get3A_5 = arith.constant 0 : index
    %get3A_6 = vector.load %arg3[%get3A_3, %get3A_4, %get3A_5] : memref<2x400x32xf32, #tpu.memory_space<vmem>>, vector<2x400x32xf32>
    %slice3A = vector.extract_strided_slice %get3A_2 {offsets = [0, 0, 0], sizes = [1, 400, 32], strides = [1, 1, 1]} : vector<2x400x32xf32> to vector<1x400x32xf32>
    %squeeze3A = vector.shape_cast %slice3A : vector<1x400x32xf32> to vector<400x32xf32>
    %slice3A_7 = vector.extract_strided_slice %get3A_6 {offsets = [0, 0, 0], sizes = [1, 400, 32], strides = [1, 1, 1]} : vector<2x400x32xf32> to vector<1x400x32xf32>
    %squeeze3A_8 = vector.shape_cast %slice3A_7 : vector<1x400x32xf32> to vector<400x32xf32>
    %slice3A_9 = vector.extract_strided_slice %get3A_2 {offsets = [1, 0, 0], sizes = [1, 400, 32], strides = [1, 1, 1]} : vector<2x400x32xf32> to vector<1x400x32xf32>
    %squeeze3A_10 = vector.shape_cast %slice3A_9 : vector<1x400x32xf32> to vector<400x32xf32>
    %slice3A_11 = vector.extract_strided_slice %get3A_6 {offsets = [1, 0, 0], sizes = [1, 400, 32], strides = [1, 1, 1]} : vector<2x400x32xf32> to vector<1x400x32xf32>
    %squeeze3A_12 = vector.shape_cast %slice3A_11 : vector<1x400x32xf32> to vector<400x32xf32>
    %concatenate3A = tpu.concatenate %squeeze3A, %squeeze3A_8, %squeeze3A_10, %squeeze3A_12 in 1 : vector<400x32xf32>, vector<400x32xf32>, vector<400x32xf32>, vector<400x32xf32> -> vector<400x128xf32>
    %get3A_13 = arith.constant 0 : index
    %get3A_14 = arith.constant 0 : index
    %get3A_15 = vector.load %arg4[%get3A_13, %get3A_14] : memref<400x16xf32, #tpu.memory_space<vmem>>, vector<400x16xf32>
    %slice3A_16 = vector.extract_strided_slice %get3A_15 {offsets = [0, 0], sizes = [400, 1], strides = [1, 1]} : vector<400x16xf32> to vector<400x1xf32>
    %get3A_17 = arith.constant 0 : index
    %get3A_18 = arith.constant 0 : index
    %get3A_19 = vector.load %arg1[%get3A_17, %get3A_18] : memref<400x128xf32, #tpu.memory_space<vmem>>, vector<400x128xf32>
    %max3A = arith.constant 1.000000e+00 : f32
    %max3A_20 = vector.broadcast %max3A : f32 to vector<400x1xf32>
    %max3A_21 = arith.maximumf %slice3A_16, %max3A_20 : vector<400x1xf32>
    %div3A = vector.broadcast %max3A_21 : vector<400x1xf32> to vector<400x128xf32>
    %div3A_22 = arith.divf %concatenate3A, %div3A : vector<400x128xf32>
    %add3A = arith.addf %get3A_19, %div3A_22 : vector<400x128xf32>
    %get3A_23 = arith.constant 0 : index
    %get3A_24 = arith.constant 0 : index
    %get3A_25 = vector.load %arg5[%get3A_23, %get3A_24] : memref<128x128xf32, #tpu.memory_space<vmem>>, vector<128x128xf32>
    %dot_general3A = arith.constant dense<0.000000e+00> : vector<400x128xf32>
    %dot_general3A_26 = tpu.matmul %add3A, %get3A_25, %dot_general3A {dimension_numbers = #tpu.dot_dimension_numbers<[1], [0], [0], [1], [0, 0, 1, 1], [], []>, transpose_lhs_hint = false} : vector<400x128xf32>, vector<128x128xf32>, vector<400x128xf32> -> vector<400x128xf32>
    %get3A_27 = arith.constant 0 : index
    %get3A_28 = arith.constant 0 : index
    %get3A_29 = vector.load %arg6[%get3A_27, %get3A_28] : memref<1x128xf32, #tpu.memory_space<vmem>>, vector<1x128xf32>
    %add3A_30 = vector.broadcast %get3A_29 : vector<1x128xf32> to vector<400x128xf32>
    %add3A_31 = arith.addf %dot_general3A_26, %add3A_30 : vector<400x128xf32>
    %tanh3A = math.tanh %add3A_31 : vector<400x128xf32>
    %swap3A = arith.constant 0 : index
    %swap3A_32 = arith.constant 0 : index
    %swap3A_33 = vector.load %arg12[%swap3A, %swap3A_32] : memref<400x128xf32, #tpu.memory_space<vmem>>, vector<400x128xf32>
    tpu.vector_store %arg12[%swap3A, %swap3A_32], %tanh3A {strides = array<i32>} : memref<400x128xf32, #tpu.memory_space<vmem>>, vector<400x128xf32>,
    %get3A_34 = arith.constant 0 : index
    %get3A_35 = arith.constant 0 : index
    %get3A_36 = vector.load %arg7[%get3A_34, %get3A_35] : memref<128x16xf32, #tpu.memory_space<vmem>>, vector<128x16xf32>
    %dot_general3A_37 = arith.constant dense<0.000000e+00> : vector<400x16xf32>
    %dot_general3A_38 = tpu.matmul %tanh3A, %get3A_36, %dot_general3A_37 {dimension_numbers = #tpu.dot_dimension_numbers<[1], [0], [0], [1], [0, 0, 1, 1], [], []>, transpose_lhs_hint = false} : vector<400x128xf32>, vector<128x16xf32>, vector<400x16xf32> -> vector<400x16xf32>
    %swap3A_39 = arith.constant 0 : index
    %swap3A_40 = arith.constant 0 : index
    %swap3A_41 = vector.load %arg13[%swap3A_39, %swap3A_40] : memref<400x16xf32, #tpu.memory_space<vmem>>, vector<400x16xf32>
    tpu.vector_store %arg13[%swap3A_39, %swap3A_40], %dot_general3A_38 {strides = array<i32>} : memref<400x16xf32, #tpu.memory_space<vmem>>, vector<400x16xf32>,
    %get3A_42 = arith.constant 0 : index
    %get3A_43 = arith.constant 0 : index
    %get3A_44 = vector.load %arg8[%get3A_42, %get3A_43] : memref<128x16xf32, #tpu.memory_space<vmem>>, vector<128x16xf32>
    %dot_general3A_45 = arith.constant dense<0.000000e+00> : vector<400x16xf32>
    %dot_general3A_46 = tpu.matmul %tanh3A, %get3A_44, %dot_general3A_45 {dimension_numbers = #tpu.dot_dimension_numbers<[1], [0], [0], [1], [0, 0, 1, 1], [], []>, transpose_lhs_hint = false} : vector<400x128xf32>, vector<128x16xf32>, vector<400x16xf32> -> vector<400x16xf32>
    %swap3A_47 = arith.constant 0 : index
    %swap3A_48 = arith.constant 0 : index
    %swap3A_49 = vector.load %arg14[%swap3A_47, %swap3A_48] : memref<400x16xf32, #tpu.memory_space<vmem>>, vector<400x16xf32>
    tpu.vector_store %arg14[%swap3A_47, %swap3A_48], %dot_general3A_46 {strides = array<i32>} : memref<400x16xf32, #tpu.memory_space<vmem>>, vector<400x16xf32>,
    %eq3A = arith.constant 0 : i32
    %eq3A_50 = arith.cmpi eq, %arg0, %eq3A : i32
    %convert_element_type3A = arith.extui %eq3A_50 : i1 to i32
    %cond3A = arith.constant 0 : i32
    %cond3A_51 = arith.cmpi ne, %convert_element_type3A, %cond3A : i32
    scf.if %cond3A_51 {
      %broadcast_in_dim3A_65 = arith.constant 0.000000e+00 : f32
      %broadcast_in_dim3A_66 = vector.broadcast %broadcast_in_dim3A_65 : f32 to vector<1x128xf32>
      %swap3A_67 = arith.constant 0 : index
      %swap3A_68 = arith.constant 0 : index
      %swap3A_69 = vector.load %arg17[%swap3A_67, %swap3A_68] : memref<1x128xf32, #tpu.memory_space<vmem>>, vector<1x128xf32>
      tpu.vector_store %arg17[%swap3A_67, %swap3A_68], %broadcast_in_dim3A_66 {strides = array<i32>} : memref<1x128xf32, #tpu.memory_space<vmem>>, vector<1x128xf32>,
    } else {
    }
    %get3A_52 = arith.constant 0 : index
    %get3A_53 = arith.constant 0 : index
    %get3A_54 = vector.load %arg17[%get3A_52, %get3A_53] : memref<1x128xf32, #tpu.memory_space<vmem>>, vector<1x128xf32>
    %reduce_sum3A = arith.constant dense<0.000000e+00> : vector<128xf32>
    %reduce_sum3A_55 = vector.multi_reduction <add>, %tanh3A, %reduce_sum3A [0] : vector<400x128xf32> to vector<128xf32>
    %broadcast_in_dim3A = vector.shape_cast %reduce_sum3A_55 : vector<128xf32> to vector<1x128xf32>
    %add3A_56 = arith.addf %get3A_54, %broadcast_in_dim3A : vector<1x128xf32>
    %swap3A_57 = arith.constant 0 : index
    %swap3A_58 = arith.constant 0 : index
    %swap3A_59 = vector.load %arg17[%swap3A_57, %swap3A_58] : memref<1x128xf32, #tpu.memory_space<vmem>>, vector<1x128xf32>
    tpu.vector_store %arg17[%swap3A_57, %swap3A_58], %add3A_56 {strides = array<i32>} : memref<1x128xf32, #tpu.memory_space<vmem>>, vector<1x128xf32>,
    %eq3A_60 = arith.constant 24 : i32
    %eq3A_61 = arith.cmpi eq, %arg0, %eq3A_60 : i32
    %convert_element_type3A_62 = arith.extui %eq3A_61 : i1 to i32
    %cond3A_63 = arith.constant 0 : i32
    %cond3A_64 = arith.cmpi ne, %convert_element_type3A_62, %cond3A_63 : i32
    scf.if %cond3A_64 {
      %get3A_65 = arith.constant 0 : index
      %get3A_66 = arith.constant 0 : index
      %get3A_67 = vector.load %arg17[%get3A_65, %get3A_66] : memref<1x128xf32, #tpu.memory_space<vmem>>, vector<1x128xf32>
      %div3A_68 = arith.constant 1.000000e+04 : f32
      %div3A_69 = vector.broadcast %div3A_68 : f32 to vector<1x128xf32>
      %div3A_70 = arith.divf %get3A_67, %div3A_69 : vector<1x128xf32>
      %get3A_71 = arith.constant 0 : index
      %get3A_72 = arith.constant 0 : index
      %get3A_73 = vector.load %arg9[%get3A_71, %get3A_72] : memref<128x16xf32, #tpu.memory_space<vmem>>, vector<128x16xf32>
      %dot_general3A_74 = arith.constant dense<0.000000e+00> : vector<1x16xf32>
      %dot_general3A_75 = tpu.matmul %div3A_70, %get3A_73, %dot_general3A_74 {dimension_numbers = #tpu.dot_dimension_numbers<[1], [0], [0], [1], [0, 0, 1, 1], [], []>, transpose_lhs_hint = false} : vector<1x128xf32>, vector<128x16xf32>, vector<1x16xf32> -> vector<1x16xf32>
      %get3A_76 = arith.constant 0 : index
      %get3A_77 = arith.constant 0 : index
      %get3A_78 = vector.load %arg11[%get3A_76, %get3A_77] : memref<1x16xf32, #tpu.memory_space<vmem>>, vector<1x16xf32>
      %add3A_79 = arith.addf %dot_general3A_75, %get3A_78 : vector<1x16xf32>
      %swap3A_80 = arith.constant 0 : index
      %swap3A_81 = arith.constant 0 : index
      %swap3A_82 = vector.load %arg15[%swap3A_80, %swap3A_81] : memref<1x16xf32, #tpu.memory_space<vmem>>, vector<1x16xf32>
      tpu.vector_store %arg15[%swap3A_80, %swap3A_81], %add3A_79 {strides = array<i32>} : memref<1x16xf32, #tpu.memory_space<vmem>>, vector<1x16xf32>,
      %get3A_83 = arith.constant 0 : index
      %get3A_84 = arith.constant 0 : index
      %get3A_85 = vector.load %arg10[%get3A_83, %get3A_84] : memref<128x16xf32, #tpu.memory_space<vmem>>, vector<128x16xf32>
      %dot_general3A_86 = arith.constant dense<0.000000e+00> : vector<1x16xf32>
      %dot_general3A_87 = tpu.matmul %div3A_70, %get3A_85, %dot_general3A_86 {dimension_numbers = #tpu.dot_dimension_numbers<[1], [0], [0], [1], [0, 0, 1, 1], [], []>, transpose_lhs_hint = false} : vector<1x128xf32>, vector<128x16xf32>, vector<1x16xf32> -> vector<1x16xf32>
      %swap3A_88 = arith.constant 0 : index
      %swap3A_89 = arith.constant 0 : index
      %swap3A_90 = vector.load %arg16[%swap3A_88, %swap3A_89] : memref<1x16xf32, #tpu.memory_space<vmem>>, vector<1x16xf32>
      tpu.vector_store %arg16[%swap3A_88, %swap3A_89], %dot_general3A_87 {strides = array<i32>} : memref<1x16xf32, #tpu.memory_space<vmem>>, vector<1x16xf32>,
    } else {
    }
    return
  }
  func.func @transform_0(%arg0: i32) -> (i32, i32) {
    %c0_i32 = arith.constant 0 : i32
    %c0_i32_0 = arith.constant 0 : i32
    return %arg0, %c0_i32 : i32, i32
  }
  func.func @transform_1(%arg0: i32) -> (i32, i32, i32) {
    %c0_i32 = arith.constant 0 : i32
    %c0_i32_0 = arith.constant 0 : i32
    %c0_i32_1 = arith.constant 0 : i32
    return %c0_i32, %arg0, %c0_i32_0 : i32, i32, i32
  }
  func.func @transform_2(%arg0: i32) -> (i32, i32, i32) {
    %c0_i32 = arith.constant 0 : i32
    %c0_i32_0 = arith.constant 0 : i32
    %c0_i32_1 = arith.constant 0 : i32
    return %c0_i32, %arg0, %c0_i32_0 : i32, i32, i32
  }
  func.func @transform_3(%arg0: i32) -> (i32, i32) {
    %c0_i32 = arith.constant 0 : i32
    %c0_i32_0 = arith.constant 0 : i32
    return %arg0, %c0_i32 : i32, i32
  }
  func.func @transform_4(%arg0: i32) -> (i32, i32) {
    %c0_i32 = arith.constant 0 : i32
    %c0_i32_0 = arith.constant 0 : i32
    %c0_i32_1 = arith.constant 0 : i32
    return %c0_i32, %c0_i32_0 : i32, i32
  }
  func.func @transform_5(%arg0: i32) -> (i32, i32) {
    %c0_i32 = arith.constant 0 : i32
    %c0_i32_0 = arith.constant 0 : i32
    %c0_i32_1 = arith.constant 0 : i32
    return %c0_i32, %c0_i32_0 : i32, i32
  }
  func.func @transform_6(%arg0: i32) -> (i32, i32) {
    %c0_i32 = arith.constant 0 : i32
    %c0_i32_0 = arith.constant 0 : i32
    %c0_i32_1 = arith.constant 0 : i32
    return %c0_i32, %c0_i32_0 : i32, i32
  }
  func.func @transform_7(%arg0: i32) -> (i32, i32) {
    %c0_i32 = arith.constant 0 : i32
    %c0_i32_0 = arith.constant 0 : i32
    %c0_i32_1 = arith.constant 0 : i32
    return %c0_i32, %c0_i32_0 : i32, i32
  }
  func.func @transform_8(%arg0: i32) -> (i32, i32) {
    %c0_i32 = arith.constant 0 : i32
    %c0_i32_0 = arith.constant 0 : i32
    %c0_i32_1 = arith.constant 0 : i32
    return %c0_i32, %c0_i32_0 : i32, i32
  }
  func.func @transform_9(%arg0: i32) -> (i32, i32) {
    %c0_i32 = arith.constant 0 : i32
    %c0_i32_0 = arith.constant 0 : i32
    %c0_i32_1 = arith.constant 0 : i32
    return %c0_i32, %c0_i32_0 : i32, i32
  }
  func.func @transform_10(%arg0: i32) -> (i32, i32) {
    %c0_i32 = arith.constant 0 : i32
    %c0_i32_0 = arith.constant 0 : i32
    %c0_i32_1 = arith.constant 0 : i32
    return %c0_i32, %c0_i32_0 : i32, i32
  }
  func.func @transform_11(%arg0: i32) -> (i32, i32) {
    %c0_i32 = arith.constant 0 : i32
    %c0_i32_0 = arith.constant 0 : i32
    return %arg0, %c0_i32 : i32, i32
  }
  func.func @transform_12(%arg0: i32) -> (i32, i32) {
    %c0_i32 = arith.constant 0 : i32
    %c0_i32_0 = arith.constant 0 : i32
    return %arg0, %c0_i32 : i32, i32
  }
  func.func @transform_13(%arg0: i32) -> (i32, i32) {
    %c0_i32 = arith.constant 0 : i32
    %c0_i32_0 = arith.constant 0 : i32
    return %arg0, %c0_i32 : i32, i32
  }
  func.func @transform_14(%arg0: i32) -> (i32, i32) {
    %c0_i32 = arith.constant 0 : i32
    %c0_i32_0 = arith.constant 0 : i32
    %c0_i32_1 = arith.constant 0 : i32
    return %c0_i32, %c0_i32_0 : i32, i32
  }
  func.func @transform_15(%arg0: i32) -> (i32, i32) {
    %c0_i32 = arith.constant 0 : i32
    %c0_i32_0 = arith.constant 0 : i32
    %c0_i32_1 = arith.constant 0 : i32
    return %c0_i32, %c0_i32_0 : i32, i32
  }
}

module attributes {stable_mosaic.version = 14 : i64} {
  func.func @_tc_edge_body(%arg0: i32, %arg1: memref<2048x128xf32, #tpu.memory_space<vmem>>, %arg2: memref<2048x128xf32, #tpu.memory_space<vmem>>, %arg3: memref<2048x8xf32, #tpu.memory_space<vmem>>, %arg4: memref<1x128xf32, #tpu.memory_space<vmem>>, %arg5: memref<1x128xf32, #tpu.memory_space<vmem>>, %arg6: memref<128x8xf32, #tpu.memory_space<vmem>>, %arg7: memref<1250x128xi32, #tpu.memory_space<vmem>>, %arg8: memref<1250x128xi32, #tpu.memory_space<vmem>>, %arg9: memref<10000x128xf32, #tpu.memory_space<vmem>>, %arg10: memref<128x16xf32, #tpu.memory_space<vmem>>, %arg11: memref<128x16xf32, #tpu.memory_space<vmem>>, %arg12: memref<1x16xf32, #tpu.memory_space<vmem>>, %arg13: memref<1x16xf32, #tpu.memory_space<vmem>>, %arg14: memref<1x2xi32, #tpu.memory_space<vmem>>, %arg15: memref<1x1xf32, #tpu.memory_space<vmem>>, %arg16: memref<1x16xf32, #tpu.memory_space<vmem>>, %arg17: memref<4xf32, #tpu.memory_space<smem>>, %arg18: memref<2xi32, #tpu.memory_space<smem>>) attributes {dimension_semantics = [#tpu.dimension_semantics<arbitrary>], iteration_bounds = array<i64: 10>, scalar_prefetch = 0 : i64, scratch_operands = 2 : i64, tpu.core_type = #tpu.core_type<tc>, window_params = [{transform_indices = @transform_0, window_bounds = array<i64: 2048, 128>}, {transform_indices = @transform_1, window_bounds = array<i64: 2048, 128>}, {transform_indices = @transform_2, window_bounds = array<i64: 2048, 8>}, {pipeline_mode = #tpu.pipeline_mode<synchronous>, transform_indices = @transform_3, window_bounds = array<i64: 1, 128>}, {pipeline_mode = #tpu.pipeline_mode<synchronous>, transform_indices = @transform_4, window_bounds = array<i64: 1, 128>}, {pipeline_mode = #tpu.pipeline_mode<synchronous>, transform_indices = @transform_5, window_bounds = array<i64: 128, 8>}, {pipeline_mode = #tpu.pipeline_mode<synchronous>, transform_indices = @transform_6, window_bounds = array<i64: 1250, 128>}, {pipeline_mode = #tpu.pipeline_mode<synchronous>, transform_indices = @transform_7, window_bounds = array<i64: 1250, 128>}, {pipeline_mode = #tpu.pipeline_mode<synchronous>, transform_indices = @transform_8, window_bounds = array<i64: 10000, 128>}, {pipeline_mode = #tpu.pipeline_mode<synchronous>, transform_indices = @transform_9, window_bounds = array<i64: 128, 16>}, {pipeline_mode = #tpu.pipeline_mode<synchronous>, transform_indices = @transform_10, window_bounds = array<i64: 128, 16>}, {pipeline_mode = #tpu.pipeline_mode<synchronous>, transform_indices = @transform_11, window_bounds = array<i64: 1, 16>}, {pipeline_mode = #tpu.pipeline_mode<synchronous>, transform_indices = @transform_12, window_bounds = array<i64: 1, 16>}, {pipeline_mode = #tpu.pipeline_mode<synchronous>, transform_indices = @transform_13, window_bounds = array<i64: 1, 2>}, {pipeline_mode = #tpu.pipeline_mode<synchronous>, transform_indices = @transform_14, window_bounds = array<i64: 1, 1>}, {pipeline_mode = #tpu.pipeline_mode<synchronous>, transform_indices = @transform_15, window_bounds = array<i64: 1, 16>}]} {
    %eq3A = arith.constant 0 : i32
    %eq3A_0 = arith.cmpi eq, %arg0, %eq3A : i32
    %convert_element_type3A = arith.extui %eq3A_0 : i1 to i32
    %cond3A = arith.constant 0 : i32
    %cond3A_1 = arith.cmpi ne, %convert_element_type3A, %cond3A : i32
    scf.if %cond3A_1 {
      %swap3A_102 = arith.constant -1.000000e+30 : f32
      %swap3A_103 = arith.constant 0 : index
      %swap3A_104 = memref.load %arg17[%swap3A_103] : memref<4xf32, #tpu.memory_space<smem>>
      memref.store %swap3A_102, %arg17[%swap3A_103] : memref<4xf32, #tpu.memory_space<smem>>
      %swap3A_105 = arith.constant 0.000000e+00 : f32
      %swap3A_106 = arith.constant 1 : index
      %swap3A_107 = memref.load %arg17[%swap3A_106] : memref<4xf32, #tpu.memory_space<smem>>
      memref.store %swap3A_105, %arg17[%swap3A_106] : memref<4xf32, #tpu.memory_space<smem>>
      %swap3A_108 = arith.constant -3.000000e+38 : f32
      %swap3A_109 = arith.constant 2 : index
      %swap3A_110 = memref.load %arg17[%swap3A_109] : memref<4xf32, #tpu.memory_space<smem>>
      memref.store %swap3A_108, %arg17[%swap3A_109] : memref<4xf32, #tpu.memory_space<smem>>
      %swap3A_111 = arith.constant 0.000000e+00 : f32
      %swap3A_112 = arith.constant 3 : index
      %swap3A_113 = memref.load %arg17[%swap3A_112] : memref<4xf32, #tpu.memory_space<smem>>
      memref.store %swap3A_111, %arg17[%swap3A_112] : memref<4xf32, #tpu.memory_space<smem>>
      %swap3A_114 = arith.constant 0 : i32
      %swap3A_115 = arith.constant 0 : index
      %swap3A_116 = memref.load %arg18[%swap3A_115] : memref<2xi32, #tpu.memory_space<smem>>
      memref.store %swap3A_114, %arg18[%swap3A_115] : memref<2xi32, #tpu.memory_space<smem>>
    } else {
    }
    %get3A = arith.constant 0 : index
    %get3A_2 = arith.constant 0 : index
    %get3A_3 = vector.load %arg1[%get3A, %get3A_2] : memref<2048x128xf32, #tpu.memory_space<vmem>>, vector<2048x128xf32>
    %get3A_4 = arith.constant 0 : index
    %get3A_5 = arith.constant 0 : index
    %get3A_6 = vector.load %arg2[%get3A_4, %get3A_5] : memref<2048x128xf32, #tpu.memory_space<vmem>>, vector<2048x128xf32>
    %add3A = arith.addf %get3A_3, %get3A_6 : vector<2048x128xf32>
    %get3A_7 = arith.constant 0 : index
    %get3A_8 = arith.constant 0 : index
    %get3A_9 = vector.load %arg4[%get3A_7, %get3A_8] : memref<1x128xf32, #tpu.memory_space<vmem>>, vector<1x128xf32>
    %add3A_10 = vector.broadcast %get3A_9 : vector<1x128xf32> to vector<2048x128xf32>
    %add3A_11 = arith.addf %add3A, %add3A_10 : vector<2048x128xf32>
    %neg3A = arith.constant 0.000000e+00 : f32
    %neg3A_12 = vector.broadcast %neg3A : f32 to vector<2048x128xf32>
    %neg3A_13 = arith.subf %neg3A_12, %add3A_11 : vector<2048x128xf32>
    %exp3A = math.exp %neg3A_13 : vector<2048x128xf32>
    %add3A_14 = arith.constant 1.000000e+00 : f32
    %add3A_15 = vector.broadcast %add3A_14 : f32 to vector<2048x128xf32>
    %add3A_16 = arith.addf %add3A_15, %exp3A : vector<2048x128xf32>
    %div3A = arith.constant 1.000000e+00 : f32
    %div3A_17 = vector.broadcast %div3A : f32 to vector<2048x128xf32>
    %div3A_18 = arith.divf %div3A_17, %add3A_16 : vector<2048x128xf32>
    %get3A_19 = arith.constant 0 : index
    %get3A_20 = arith.constant 0 : index
    %get3A_21 = vector.load %arg5[%get3A_19, %get3A_20] : memref<1x128xf32, #tpu.memory_space<vmem>>, vector<1x128xf32>
    %mul3A = vector.broadcast %get3A_21 : vector<1x128xf32> to vector<2048x128xf32>
    %mul3A_22 = arith.mulf %div3A_18, %mul3A : vector<2048x128xf32>
    %get3A_23 = arith.constant 0 : index
    %get3A_24 = arith.constant 0 : index
    %get3A_25 = vector.load %arg6[%get3A_23, %get3A_24] : memref<128x8xf32, #tpu.memory_space<vmem>>, vector<128x8xf32>
    %dot_general3A = arith.constant dense<0.000000e+00> : vector<2048x8xf32>
    %dot_general3A_26 = tpu.matmul %mul3A_22, %get3A_25, %dot_general3A {dimension_numbers = #tpu.dot_dimension_numbers<[1], [0], [0], [1], [0, 0, 1, 1], [], []>, transpose_lhs_hint = false} : vector<2048x128xf32>, vector<128x8xf32>, vector<2048x8xf32> -> vector<2048x8xf32>
    %iota3A = tpu.iota {dimensions = array<i32: 0>} : vector<2048x8xi32>
    %mul3A_27 = arith.constant 2048 : i32
    %mul3A_28 = arith.muli %arg0, %mul3A_27 : i32
    %add3A_29 = vector.broadcast %mul3A_28 : i32 to vector<2048x8xi32>
    %add3A_30 = arith.addi %iota3A, %add3A_29 : vector<2048x8xi32>
    %lt3A = arith.constant 20000 : i32
    %lt3A_31 = vector.broadcast %lt3A : i32 to vector<2048x8xi32>
    %lt3A_32 = arith.cmpi slt, %add3A_30, %lt3A_31 : vector<2048x8xi32>
    %jit3A = arith.constant -1.000000e+30 : f32
    %broadcast_in_dim3A = vector.broadcast %jit3A : f32 to vector<2048x8xf32>
    %select_n3A = arith.select %lt3A_32, %dot_general3A_26, %broadcast_in_dim3A : vector<2048x8xi1>, vector<2048x8xf32>
    %reduce_max3A = vector.shape_cast %select_n3A : vector<2048x8xf32> to vector<1x2048x8xf32>
    %reduce_max3A_33 = arith.constant dense<0xFF800000> : vector<1xf32>
    %reduce_max3A_34 = vector.multi_reduction <maximumf>, %reduce_max3A, %reduce_max3A_33 [1, 2] : vector<1x2048x8xf32> to vector<1xf32>
    %reduce_max3A_35 = vector.shape_cast %reduce_max3A_34 : vector<1xf32> to vector<1x1x1xf32>
    %reduce_max3A_36 = vector.extract %reduce_max3A_35[0, 0, 0] : f32 from vector<1x1x1xf32>
    %get3A_37 = arith.constant 0 : index
    %get3A_38 = memref.load %arg17[%get3A_37] : memref<4xf32, #tpu.memory_space<smem>>
    %max3A = arith.maximumf %get3A_38, %reduce_max3A_36 : f32
    %sub3A = vector.broadcast %max3A : f32 to vector<2048x8xf32>
    %sub3A_39 = arith.subf %select_n3A, %sub3A : vector<2048x8xf32>
    %exp3A_40 = math.exp %sub3A_39 : vector<2048x8xf32>
    %reduce_sum3A = vector.shape_cast %exp3A_40 : vector<2048x8xf32> to vector<1x2048x8xf32>
    %reduce_sum3A_41 = arith.constant dense<0.000000e+00> : vector<1xf32>
    %reduce_sum3A_42 = vector.multi_reduction <add>, %reduce_sum3A, %reduce_sum3A_41 [1, 2] : vector<1x2048x8xf32> to vector<1xf32>
    %reduce_sum3A_43 = vector.shape_cast %reduce_sum3A_42 : vector<1xf32> to vector<1x1x1xf32>
    %reduce_sum3A_44 = vector.extract %reduce_sum3A_43[0, 0, 0] : f32 from vector<1x1x1xf32>
    %get3A_45 = arith.constant 1 : index
    %get3A_46 = memref.load %arg17[%get3A_45] : memref<4xf32, #tpu.memory_space<smem>>
    %sub3A_47 = arith.subf %get3A_38, %max3A : f32
    %exp3A_48 = math.exp %sub3A_47 : f32
    %mul3A_49 = arith.mulf %get3A_46, %exp3A_48 : f32
    %add3A_50 = arith.addf %mul3A_49, %reduce_sum3A_44 : f32
    %swap3A = arith.constant 1 : index
    %swap3A_51 = memref.load %arg17[%swap3A] : memref<4xf32, #tpu.memory_space<smem>>
    memref.store %add3A_50, %arg17[%swap3A] : memref<4xf32, #tpu.memory_space<smem>>
    %swap3A_52 = arith.constant 0 : index
    %swap3A_53 = memref.load %arg17[%swap3A_52] : memref<4xf32, #tpu.memory_space<smem>>
    memref.store %max3A, %arg17[%swap3A_52] : memref<4xf32, #tpu.memory_space<smem>>
    %mul3A_54 = arith.constant 8 : i32
    %mul3A_55 = vector.broadcast %mul3A_54 : i32 to vector<2048x8xi32>
    %mul3A_56 = arith.muli %add3A_30, %mul3A_55 : vector<2048x8xi32>
    %iota3A_57 = tpu.iota {dimensions = array<i32: 1>} : vector<2048x8xi32>
    %add3A_58 = arith.addi %mul3A_56, %iota3A_57 : vector<2048x8xi32>
    %get3A_59 = arith.constant 0 : index
    %get3A_60 = arith.constant 0 : index
    %get3A_61 = vector.load %arg3[%get3A_59, %get3A_60] : memref<2048x8xf32, #tpu.memory_space<vmem>>, vector<2048x8xf32>
    %add3A_62 = arith.addf %get3A_61, %dot_general3A_26 : vector<2048x8xf32>
    %jit3A_63 = arith.constant -3.000000e+38 : f32
    %broadcast_in_dim3A_64 = vector.broadcast %jit3A_63 : f32 to vector<2048x8xf32>
    %select_n3A_65 = arith.select %lt3A_32, %add3A_62, %broadcast_in_dim3A_64 : vector<2048x8xi1>, vector<2048x8xf32>
    %reduce_max3A_66 = vector.shape_cast %select_n3A_65 : vector<2048x8xf32> to vector<1x2048x8xf32>
    %reduce_max3A_67 = arith.constant dense<0xFF800000> : vector<1xf32>
    %reduce_max3A_68 = vector.multi_reduction <maximumf>, %reduce_max3A_66, %reduce_max3A_67 [1, 2] : vector<1x2048x8xf32> to vector<1xf32>
    %reduce_max3A_69 = vector.shape_cast %reduce_max3A_68 : vector<1xf32> to vector<1x1x1xf32>
    %reduce_max3A_70 = vector.extract %reduce_max3A_69[0, 0, 0] : f32 from vector<1x1x1xf32>
    %eq3A_71 = vector.broadcast %reduce_max3A_70 : f32 to vector<2048x8xf32>
    %eq3A_72 = arith.cmpf oeq, %select_n3A_65, %eq3A_71 : vector<2048x8xf32>
    %jit3A_73 = arith.constant 1073741824 : i32
    %broadcast_in_dim3A_74 = vector.broadcast %jit3A_73 : i32 to vector<2048x8xi32>
    %select_n3A_75 = arith.select %eq3A_72, %add3A_58, %broadcast_in_dim3A_74 : vector<2048x8xi1>, vector<2048x8xi32>
    %reduce_min3A = vector.shape_cast %select_n3A_75 : vector<2048x8xi32> to vector<1x2048x8xi32>
    %reduce_min3A_76 = arith.constant dense<2147483647> : vector<1xi32>
    %reduce_min3A_77 = vector.multi_reduction <minsi>, %reduce_min3A, %reduce_min3A_76 [1, 2] : vector<1x2048x8xi32> to vector<1xi32>
    %reduce_min3A_78 = vector.shape_cast %reduce_min3A_77 : vector<1xi32> to vector<1x1x1xi32>
    %reduce_min3A_79 = vector.extract %reduce_min3A_78[0, 0, 0] : i32 from vector<1x1x1xi32>
    %eq3A_80 = vector.broadcast %reduce_max3A_70 : f32 to vector<2048x8xf32>
    %eq3A_81 = arith.cmpf oeq, %select_n3A_65, %eq3A_80 : vector<2048x8xf32>
    %eq3A_82 = vector.broadcast %reduce_min3A_79 : i32 to vector<2048x8xi32>
    %eq3A_83 = arith.cmpi eq, %add3A_58, %eq3A_82 : vector<2048x8xi32>
    %and3A = arith.andi %eq3A_81, %eq3A_83 : vector<2048x8xi1>
    %jit3A_84 = arith.constant -3.000000e+38 : f32
    %broadcast_in_dim3A_85 = vector.broadcast %jit3A_84 : f32 to vector<2048x8xf32>
    %select_n3A_86 = arith.select %and3A, %dot_general3A_26, %broadcast_in_dim3A_85 : vector<2048x8xi1>, vector<2048x8xf32>
    %reduce_max3A_87 = vector.shape_cast %select_n3A_86 : vector<2048x8xf32> to vector<1x2048x8xf32>
    %reduce_max3A_88 = arith.constant dense<0xFF800000> : vector<1xf32>
    %reduce_max3A_89 = vector.multi_reduction <maximumf>, %reduce_max3A_87, %reduce_max3A_88 [1, 2] : vector<1x2048x8xf32> to vector<1xf32>
    %reduce_max3A_90 = vector.shape_cast %reduce_max3A_89 : vector<1xf32> to vector<1x1x1xf32>
    %reduce_max3A_91 = vector.extract %reduce_max3A_90[0, 0, 0] : f32 from vector<1x1x1xf32>
    %get3A_92 = arith.constant 2 : index
    %get3A_93 = memref.load %arg17[%get3A_92] : memref<4xf32, #tpu.memory_space<smem>>
    %gt3A = arith.cmpf ogt, %reduce_max3A_70, %get3A_93 : f32
    %convert_element_type3A_94 = arith.extui %gt3A : i1 to i32
    %cond3A_95 = arith.constant 0 : i32
    %cond3A_96 = arith.cmpi ne, %convert_element_type3A_94, %cond3A_95 : i32
    scf.if %cond3A_96 {
      %swap3A_102 = arith.constant 2 : index
      %swap3A_103 = memref.load %arg17[%swap3A_102] : memref<4xf32, #tpu.memory_space<smem>>
      memref.store %reduce_max3A_70, %arg17[%swap3A_102] : memref<4xf32, #tpu.memory_space<smem>>
      %swap3A_104 = arith.constant 3 : index
      %swap3A_105 = memref.load %arg17[%swap3A_104] : memref<4xf32, #tpu.memory_space<smem>>
      memref.store %reduce_max3A_91, %arg17[%swap3A_104] : memref<4xf32, #tpu.memory_space<smem>>
      %swap3A_106 = arith.constant 0 : index
      %swap3A_107 = memref.load %arg18[%swap3A_106] : memref<2xi32, #tpu.memory_space<smem>>
      memref.store %reduce_min3A_79, %arg18[%swap3A_106] : memref<2xi32, #tpu.memory_space<smem>>
    } else {
    }
    %eq3A_97 = arith.constant 9 : i32
    %eq3A_98 = arith.cmpi eq, %arg0, %eq3A_97 : i32
    %convert_element_type3A_99 = arith.extui %eq3A_98 : i1 to i32
    %cond3A_100 = arith.constant 0 : i32
    %cond3A_101 = arith.cmpi ne, %convert_element_type3A_99, %cond3A_100 : i32
    scf.if %cond3A_101 {
      %get3A_102 = arith.constant 0 : index
      %get3A_103 = memref.load %arg17[%get3A_102] : memref<4xf32, #tpu.memory_space<smem>>
      %get3A_104 = arith.constant 1 : index
      %get3A_105 = memref.load %arg17[%get3A_104] : memref<4xf32, #tpu.memory_space<smem>>
      %log3A = math.log %get3A_105 : f32
      %add3A_106 = arith.addf %get3A_103, %log3A : f32
      %get3A_107 = arith.constant 3 : index
      %get3A_108 = memref.load %arg17[%get3A_107] : memref<4xf32, #tpu.memory_space<smem>>
      %sub3A_109 = arith.subf %get3A_108, %add3A_106 : f32
      %broadcast_in_dim3A_110 = vector.broadcast %sub3A_109 : f32 to vector<1x1xf32>
      %swap3A_111 = arith.constant 0 : index
      %swap3A_112 = arith.constant 0 : index
      %swap3A_113 = vector.load %arg15[%swap3A_111, %swap3A_112] : memref<1x1xf32, #tpu.memory_space<vmem>>, vector<1x1xf32>
      tpu.vector_store %arg15[%swap3A_111, %swap3A_112], %broadcast_in_dim3A_110 {strides = array<i32>} : memref<1x1xf32, #tpu.memory_space<vmem>>, vector<1x1xf32>,
      %get3A_114 = arith.constant 0 : index
      %get3A_115 = memref.load %arg18[%get3A_114] : memref<2xi32, #tpu.memory_space<smem>>
      %jit3A_116 = arith.constant 128 : i32
      %div3A_117 = arith.divsi %get3A_115, %jit3A_116 : i32
      %sign3A = arith.constant 0 : i32
      %sign3A_118 = arith.cmpi sgt, %get3A_115, %sign3A : i32
      %sign3A_119 = arith.extui %sign3A_118 : i1 to i32
      %sign3A_120 = arith.constant 0 : i32
      %sign3A_121 = arith.cmpi slt, %get3A_115, %sign3A_120 : i32
      %sign3A_122 = arith.extui %sign3A_121 : i1 to i32
      %sign3A_123 = arith.subi %sign3A_119, %sign3A_122 : i32
      %sign3A_124 = arith.constant 0 : i32
      %sign3A_125 = arith.cmpi sgt, %jit3A_116, %sign3A_124 : i32
      %sign3A_126 = arith.extui %sign3A_125 : i1 to i32
      %sign3A_127 = arith.constant 0 : i32
      %sign3A_128 = arith.cmpi slt, %jit3A_116, %sign3A_127 : i32
      %sign3A_129 = arith.extui %sign3A_128 : i1 to i32
      %sign3A_130 = arith.subi %sign3A_126, %sign3A_129 : i32
      %ne3A = arith.cmpi ne, %sign3A_123, %sign3A_130 : i32
      %rem3A = arith.remsi %get3A_115, %jit3A_116 : i32
      %ne3A_131 = arith.constant 0 : i32
      %ne3A_132 = arith.cmpi ne, %rem3A, %ne3A_131 : i32
      %and3A_133 = arith.andi %ne3A, %ne3A_132 : i1
      %sub3A_134 = arith.constant 1 : i32
      %sub3A_135 = arith.subi %div3A_117, %sub3A_134 : i32
      %select_n3A_136 = arith.select %and3A_133, %sub3A_135, %div3A_117 : i32
      %jit3A_137 = arith.constant 128 : i32
      %eq3A_138 = arith.constant 0 : i32
      %eq3A_139 = arith.cmpi eq, %jit3A_137, %eq3A_138 : i32
      %jit3A_140 = arith.constant 1 : i32
      %select_n3A_141 = arith.select %eq3A_139, %jit3A_140, %jit3A_137 : i32
      %rem3A_142 = arith.remsi %get3A_115, %select_n3A_141 : i32
      %ne3A_143 = arith.constant 0 : i32
      %ne3A_144 = arith.cmpi ne, %rem3A_142, %ne3A_143 : i32
      %lt3A_145 = arith.constant 0 : i32
      %lt3A_146 = arith.cmpi slt, %rem3A_142, %lt3A_145 : i32
      %lt3A_147 = arith.constant 0 : i32
      %lt3A_148 = arith.cmpi slt, %select_n3A_141, %lt3A_147 : i32
      %ne3A_149 = arith.xori %lt3A_146, %lt3A_148 : i1
      %and3A_150 = arith.andi %ne3A_149, %ne3A_144 : i1
      %add3A_151 = arith.addi %rem3A_142, %select_n3A_141 : i32
      %select_n3A_152 = arith.select %and3A_150, %add3A_151, %rem3A_142 : i32
      %iota3A_153 = tpu.iota {dimensions = array<i32: 1>} : vector<1x128xi32>
      %get3A_154 = arith.index_cast %select_n3A_136 : i32 to index
      %get3A_155 = arith.constant 0 : index
      %get3A_156 = vector.load %arg8[%get3A_154, %get3A_155] : memref<1250x128xi32, #tpu.memory_space<vmem>>, vector<1x128xi32>
      %get3A_157 = arith.index_cast %select_n3A_136 : i32 to index
      %get3A_158 = arith.constant 0 : index
      %get3A_159 = vector.load %arg7[%get3A_157, %get3A_158] : memref<1250x128xi32, #tpu.memory_space<vmem>>, vector<1x128xi32>
      %eq3A_160 = vector.broadcast %select_n3A_152 : i32 to vector<1x128xi32>
      %eq3A_161 = arith.cmpi eq, %iota3A_153, %eq3A_160 : vector<1x128xi32>
      %jit3A_162 = arith.constant 0 : i32
      %broadcast_in_dim3A_163 = vector.broadcast %jit3A_162 : i32 to vector<1x128xi32>
      %select_n3A_164 = arith.select %eq3A_161, %get3A_156, %broadcast_in_dim3A_163 : vector<1x128xi1>, vector<1x128xi32>
      %reduce_sum3A_165 = vector.shape_cast %select_n3A_164 : vector<1x128xi32> to vector<1x1x128xi32>
      %reduce_sum3A_166 = arith.constant dense<0> : vector<1xi32>
      %reduce_sum3A_167 = vector.multi_reduction <add>, %reduce_sum3A_165, %reduce_sum3A_166 [1, 2] : vector<1x1x128xi32> to vector<1xi32>
      %reduce_sum3A_168 = vector.shape_cast %reduce_sum3A_167 : vector<1xi32> to vector<1x1x1xi32>
      %reduce_sum3A_169 = vector.extract %reduce_sum3A_168[0, 0, 0] : i32 from vector<1x1x1xi32>
      %eq3A_170 = vector.broadcast %select_n3A_152 : i32 to vector<1x128xi32>
      %eq3A_171 = arith.cmpi eq, %iota3A_153, %eq3A_170 : vector<1x128xi32>
      %jit3A_172 = arith.constant 0 : i32
      %broadcast_in_dim3A_173 = vector.broadcast %jit3A_172 : i32 to vector<1x128xi32>
      %select_n3A_174 = arith.select %eq3A_171, %get3A_159, %broadcast_in_dim3A_173 : vector<1x128xi1>, vector<1x128xi32>
      %reduce_sum3A_175 = vector.shape_cast %select_n3A_174 : vector<1x128xi32> to vector<1x1x128xi32>
      %reduce_sum3A_176 = arith.constant dense<0> : vector<1xi32>
      %reduce_sum3A_177 = vector.multi_reduction <add>, %reduce_sum3A_175, %reduce_sum3A_176 [1, 2] : vector<1x1x128xi32> to vector<1xi32>
      %reduce_sum3A_178 = vector.shape_cast %reduce_sum3A_177 : vector<1xi32> to vector<1x1x1xi32>
      %reduce_sum3A_179 = vector.extract %reduce_sum3A_178[0, 0, 0] : i32 from vector<1x1x1xi32>
      %iota3A_180 = tpu.iota {dimensions = array<i32: 1>} : vector<1x2xi32>
      %eq3A_181 = arith.constant 0 : i32
      %eq3A_182 = vector.broadcast %eq3A_181 : i32 to vector<1x2xi32>
      %eq3A_183 = arith.cmpi eq, %iota3A_180, %eq3A_182 : vector<1x2xi32>
      %broadcast_in_dim3A_184 = vector.broadcast %reduce_sum3A_169 : i32 to vector<1x2xi32>
      %broadcast_in_dim3A_185 = vector.broadcast %reduce_sum3A_179 : i32 to vector<1x2xi32>
      %select_n3A_186 = arith.select %eq3A_183, %broadcast_in_dim3A_184, %broadcast_in_dim3A_185 : vector<1x2xi1>, vector<1x2xi32>
      %swap3A_187 = arith.constant 0 : index
      %swap3A_188 = arith.constant 0 : index
      %swap3A_189 = vector.load %arg14[%swap3A_187, %swap3A_188] : memref<1x2xi32, #tpu.memory_space<vmem>>, vector<1x2xi32>
      tpu.vector_store %arg14[%swap3A_187, %swap3A_188], %select_n3A_186 {strides = array<i32>} : memref<1x2xi32, #tpu.memory_space<vmem>>, vector<1x2xi32>,
      %get3A_190 = arith.index_cast %reduce_sum3A_169 : i32 to index
      %get3A_191 = arith.constant 0 : index
      %get3A_192 = vector.load %arg9[%get3A_190, %get3A_191] : memref<10000x128xf32, #tpu.memory_space<vmem>>, vector<1x128xf32>
      %get3A_193 = arith.index_cast %reduce_sum3A_179 : i32 to index
      %get3A_194 = arith.constant 0 : index
      %get3A_195 = vector.load %arg9[%get3A_193, %get3A_194] : memref<10000x128xf32, #tpu.memory_space<vmem>>, vector<1x128xf32>
      %get3A_196 = arith.constant 0 : index
      %get3A_197 = arith.constant 0 : index
      %get3A_198 = vector.load %arg13[%get3A_196, %get3A_197] : memref<1x16xf32, #tpu.memory_space<vmem>>, vector<1x16xf32>
      %add3A_199 = arith.addf %get3A_192, %get3A_195 : vector<1x128xf32>
      %get3A_200 = arith.constant 0 : index
      %get3A_201 = arith.constant 0 : index
      %get3A_202 = vector.load %arg10[%get3A_200, %get3A_201] : memref<128x16xf32, #tpu.memory_space<vmem>>, vector<128x16xf32>
      %dot_general3A_203 = arith.constant dense<0.000000e+00> : vector<1x16xf32>
      %dot_general3A_204 = tpu.matmul %add3A_199, %get3A_202, %dot_general3A_203 {dimension_numbers = #tpu.dot_dimension_numbers<[1], [0], [0], [1], [0, 0, 1, 1], [], []>, transpose_lhs_hint = false} : vector<1x128xf32>, vector<128x16xf32>, vector<1x16xf32> -> vector<1x16xf32>
      %add3A_205 = arith.addf %get3A_198, %dot_general3A_204 : vector<1x16xf32>
      %get3A_206 = arith.constant 0 : index
      %get3A_207 = arith.constant 0 : index
      %get3A_208 = vector.load %arg11[%get3A_206, %get3A_207] : memref<128x16xf32, #tpu.memory_space<vmem>>, vector<128x16xf32>
      %dot_general3A_209 = arith.constant dense<0.000000e+00> : vector<1x16xf32>
      %dot_general3A_210 = tpu.matmul %get3A_192, %get3A_208, %dot_general3A_209 {dimension_numbers = #tpu.dot_dimension_numbers<[1], [0], [0], [1], [0, 0, 1, 1], [], []>, transpose_lhs_hint = false} : vector<1x128xf32>, vector<128x16xf32>, vector<1x16xf32> -> vector<1x16xf32>
      %add3A_211 = arith.addf %add3A_205, %dot_general3A_210 : vector<1x16xf32>
      %get3A_212 = arith.constant 0 : index
      %get3A_213 = arith.constant 0 : index
      %get3A_214 = vector.load %arg12[%get3A_212, %get3A_213] : memref<1x16xf32, #tpu.memory_space<vmem>>, vector<1x16xf32>
      %add3A_215 = arith.addf %add3A_211, %get3A_214 : vector<1x16xf32>
      %swap3A_216 = arith.constant 0 : index
      %swap3A_217 = arith.constant 0 : index
      %swap3A_218 = vector.load %arg16[%swap3A_216, %swap3A_217] : memref<1x16xf32, #tpu.memory_space<vmem>>, vector<1x16xf32>
      tpu.vector_store %arg16[%swap3A_216, %swap3A_217], %add3A_215 {strides = array<i32>} : memref<1x16xf32, #tpu.memory_space<vmem>>, vector<1x16xf32>,
    } else {
    }
    return
  }
  func.func @transform_0(%arg0: i32) -> (i32, i32) {
    %c0_i32 = arith.constant 0 : i32
    %c0_i32_0 = arith.constant 0 : i32
    return %arg0, %c0_i32 : i32, i32
  }
  func.func @transform_1(%arg0: i32) -> (i32, i32) {
    %c0_i32 = arith.constant 0 : i32
    %c0_i32_0 = arith.constant 0 : i32
    return %arg0, %c0_i32 : i32, i32
  }
  func.func @transform_2(%arg0: i32) -> (i32, i32) {
    %c0_i32 = arith.constant 0 : i32
    %c0_i32_0 = arith.constant 0 : i32
    return %arg0, %c0_i32 : i32, i32
  }
  func.func @transform_3(%arg0: i32) -> (i32, i32) {
    %c0_i32 = arith.constant 0 : i32
    %c0_i32_0 = arith.constant 0 : i32
    %c0_i32_1 = arith.constant 0 : i32
    return %c0_i32, %c0_i32_0 : i32, i32
  }
  func.func @transform_4(%arg0: i32) -> (i32, i32) {
    %c0_i32 = arith.constant 0 : i32
    %c0_i32_0 = arith.constant 0 : i32
    %c0_i32_1 = arith.constant 0 : i32
    return %c0_i32, %c0_i32_0 : i32, i32
  }
  func.func @transform_5(%arg0: i32) -> (i32, i32) {
    %c0_i32 = arith.constant 0 : i32
    %c0_i32_0 = arith.constant 0 : i32
    %c0_i32_1 = arith.constant 0 : i32
    return %c0_i32, %c0_i32_0 : i32, i32
  }
  func.func @transform_6(%arg0: i32) -> (i32, i32) {
    %c0_i32 = arith.constant 0 : i32
    %c0_i32_0 = arith.constant 0 : i32
    %c0_i32_1 = arith.constant 0 : i32
    return %c0_i32, %c0_i32_0 : i32, i32
  }
  func.func @transform_7(%arg0: i32) -> (i32, i32) {
    %c0_i32 = arith.constant 0 : i32
    %c0_i32_0 = arith.constant 0 : i32
    %c0_i32_1 = arith.constant 0 : i32
    return %c0_i32, %c0_i32_0 : i32, i32
  }
  func.func @transform_8(%arg0: i32) -> (i32, i32) {
    %c0_i32 = arith.constant 0 : i32
    %c0_i32_0 = arith.constant 0 : i32
    %c0_i32_1 = arith.constant 0 : i32
    return %c0_i32, %c0_i32_0 : i32, i32
  }
  func.func @transform_9(%arg0: i32) -> (i32, i32) {
    %c0_i32 = arith.constant 0 : i32
    %c0_i32_0 = arith.constant 0 : i32
    %c0_i32_1 = arith.constant 0 : i32
    return %c0_i32, %c0_i32_0 : i32, i32
  }
  func.func @transform_10(%arg0: i32) -> (i32, i32) {
    %c0_i32 = arith.constant 0 : i32
    %c0_i32_0 = arith.constant 0 : i32
    %c0_i32_1 = arith.constant 0 : i32
    return %c0_i32, %c0_i32_0 : i32, i32
  }
  func.func @transform_11(%arg0: i32) -> (i32, i32) {
    %c0_i32 = arith.constant 0 : i32
    %c0_i32_0 = arith.constant 0 : i32
    %c0_i32_1 = arith.constant 0 : i32
    return %c0_i32, %c0_i32_0 : i32, i32
  }
  func.func @transform_12(%arg0: i32) -> (i32, i32) {
    %c0_i32 = arith.constant 0 : i32
    %c0_i32_0 = arith.constant 0 : i32
    %c0_i32_1 = arith.constant 0 : i32
    return %c0_i32, %c0_i32_0 : i32, i32
  }
  func.func @transform_13(%arg0: i32) -> (i32, i32) {
    %c0_i32 = arith.constant 0 : i32
    %c0_i32_0 = arith.constant 0 : i32
    %c0_i32_1 = arith.constant 0 : i32
    return %c0_i32, %c0_i32_0 : i32, i32
  }
  func.func @transform_14(%arg0: i32) -> (i32, i32) {
    %c0_i32 = arith.constant 0 : i32
    %c0_i32_0 = arith.constant 0 : i32
    %c0_i32_1 = arith.constant 0 : i32
    return %c0_i32, %c0_i32_0 : i32, i32
  }
  func.func @transform_15(%arg0: i32) -> (i32, i32) {
    %c0_i32 = arith.constant 0 : i32
    %c0_i32_0 = arith.constant 0 : i32
    %c0_i32_1 = arith.constant 0 : i32
    return %c0_i32, %c0_i32_0 : i32, i32
  }
}

module attributes {stable_mosaic.version = 14 : i64} {
  func.func @_tc_third_body(%arg0: memref<1250x128xf32, #tpu.memory_space<vmem>>, %arg1: memref<2x1250x8xf32, #tpu.memory_space<vmem>>, %arg2: memref<1250x8xf32, #tpu.memory_space<vmem>>, %arg3: memref<1x128xf32, #tpu.memory_space<vmem>>, %arg4: memref<1x128xf32, #tpu.memory_space<vmem>>, %arg5: memref<128x8xf32, #tpu.memory_space<vmem>>, %arg6: memref<1x1xi32, #tpu.memory_space<vmem>>, %arg7: memref<1x1xf32, #tpu.memory_space<vmem>>, %arg8: memref<1x1xi32, #tpu.memory_space<vmem>>, %arg9: memref<1x1xf32, #tpu.memory_space<vmem>>) attributes {dimension_semantics = [], scalar_prefetch = 0 : i64, scratch_operands = 0 : i64, tpu.core_type = #tpu.core_type<tc>} {
    %get3A = arith.constant 0 : index
    %get3A_0 = arith.constant 0 : index
    %get3A_1 = vector.load %arg0[%get3A, %get3A_0] : memref<1250x128xf32, #tpu.memory_space<vmem>>, vector<1250x128xf32>
    %get3A_2 = arith.constant 0 : index
    %get3A_3 = arith.constant 0 : index
    %get3A_4 = vector.load %arg3[%get3A_2, %get3A_3] : memref<1x128xf32, #tpu.memory_space<vmem>>, vector<1x128xf32>
    %add3A = vector.broadcast %get3A_4 : vector<1x128xf32> to vector<1250x128xf32>
    %add3A_5 = arith.addf %get3A_1, %add3A : vector<1250x128xf32>
    %neg3A = arith.constant 0.000000e+00 : f32
    %neg3A_6 = vector.broadcast %neg3A : f32 to vector<1250x128xf32>
    %neg3A_7 = arith.subf %neg3A_6, %add3A_5 : vector<1250x128xf32>
    %exp3A = math.exp %neg3A_7 : vector<1250x128xf32>
    %add3A_8 = arith.constant 1.000000e+00 : f32
    %add3A_9 = vector.broadcast %add3A_8 : f32 to vector<1250x128xf32>
    %add3A_10 = arith.addf %add3A_9, %exp3A : vector<1250x128xf32>
    %div3A = arith.constant 1.000000e+00 : f32
    %div3A_11 = vector.broadcast %div3A : f32 to vector<1250x128xf32>
    %div3A_12 = arith.divf %div3A_11, %add3A_10 : vector<1250x128xf32>
    %get3A_13 = arith.constant 0 : index
    %get3A_14 = arith.constant 0 : index
    %get3A_15 = vector.load %arg4[%get3A_13, %get3A_14] : memref<1x128xf32, #tpu.memory_space<vmem>>, vector<1x128xf32>
    %mul3A = vector.broadcast %get3A_15 : vector<1x128xf32> to vector<1250x128xf32>
    %mul3A_16 = arith.mulf %div3A_12, %mul3A : vector<1250x128xf32>
    %get3A_17 = arith.constant 0 : index
    %get3A_18 = arith.constant 0 : index
    %get3A_19 = vector.load %arg5[%get3A_17, %get3A_18] : memref<128x8xf32, #tpu.memory_space<vmem>>, vector<128x8xf32>
    %dot_general3A = arith.constant dense<0.000000e+00> : vector<1250x8xf32>
    %dot_general3A_20 = tpu.matmul %mul3A_16, %get3A_19, %dot_general3A {dimension_numbers = #tpu.dot_dimension_numbers<[1], [0], [0], [1], [0, 0, 1, 1], [], []>, transpose_lhs_hint = false} : vector<1250x128xf32>, vector<128x8xf32>, vector<1250x8xf32> -> vector<1250x8xf32>
    %get3A_21 = arith.constant 0 : index
    %get3A_22 = arith.constant 0 : index
    %get3A_23 = arith.constant 0 : index
    %get3A_24 = vector.load %arg1[%get3A_21, %get3A_22, %get3A_23] : memref<2x1250x8xf32, #tpu.memory_space<vmem>>, vector<1x1250x8xf32>
    %get3A_25 = vector.shape_cast %get3A_24 : vector<1x1250x8xf32> to vector<1250x8xf32>
    %get3A_26 = arith.constant 1 : index
    %get3A_27 = arith.constant 0 : index
    %get3A_28 = arith.constant 0 : index
    %get3A_29 = vector.load %arg1[%get3A_26, %get3A_27, %get3A_28] : memref<2x1250x8xf32, #tpu.memory_space<vmem>>, vector<1x1250x8xf32>
    %get3A_30 = vector.shape_cast %get3A_29 : vector<1x1250x8xf32> to vector<1250x8xf32>
    %add3A_31 = arith.addf %get3A_25, %get3A_30 : vector<1250x8xf32>
    %iota3A = tpu.iota {dimensions = array<i32: 0>} : vector<1250x8xi32>
    %mul3A_32 = arith.constant 8 : i32
    %mul3A_33 = vector.broadcast %mul3A_32 : i32 to vector<1250x8xi32>
    %mul3A_34 = arith.muli %iota3A, %mul3A_33 : vector<1250x8xi32>
    %iota3A_35 = tpu.iota {dimensions = array<i32: 1>} : vector<1250x8xi32>
    %add3A_36 = arith.addi %mul3A_34, %iota3A_35 : vector<1250x8xi32>
    %get3A_37 = arith.constant 0 : index
    %get3A_38 = arith.constant 0 : index
    %get3A_39 = vector.load %arg6[%get3A_37, %get3A_38] : memref<1x1xi32, #tpu.memory_space<vmem>>, vector<1x1xi32>
    %get3A_40 = vector.extract %get3A_39[0, 0] : i32 from vector<1x1xi32>
    %gt3A = arith.constant 5.000000e-01 : f32
    %gt3A_41 = vector.broadcast %gt3A : f32 to vector<1250x8xf32>
    %gt3A_42 = arith.cmpf ogt, %add3A_31, %gt3A_41 : vector<1250x8xf32>
    %eq3A = vector.broadcast %get3A_40 : i32 to vector<1250x8xi32>
    %eq3A_43 = arith.cmpi eq, %add3A_36, %eq3A : vector<1250x8xi32>
    %or3A = arith.ori %gt3A_42, %eq3A_43 : vector<1250x8xi1>
    %jit3A = arith.constant -1.000000e+09 : f32
    %broadcast_in_dim3A = vector.broadcast %jit3A : f32 to vector<1250x8xf32>
    %select_n3A = arith.select %or3A, %broadcast_in_dim3A, %dot_general3A_20 : vector<1250x8xi1>, vector<1250x8xf32>
    %reduce_max3A = vector.shape_cast %select_n3A : vector<1250x8xf32> to vector<1x1250x8xf32>
    %reduce_max3A_44 = arith.constant dense<0xFF800000> : vector<1xf32>
    %reduce_max3A_45 = vector.multi_reduction <maximumf>, %reduce_max3A, %reduce_max3A_44 [1, 2] : vector<1x1250x8xf32> to vector<1xf32>
    %reduce_max3A_46 = vector.shape_cast %reduce_max3A_45 : vector<1xf32> to vector<1x1x1xf32>
    %reduce_max3A_47 = vector.extract %reduce_max3A_46[0, 0, 0] : f32 from vector<1x1x1xf32>
    %sub3A = vector.broadcast %reduce_max3A_47 : f32 to vector<1250x8xf32>
    %sub3A_48 = arith.subf %select_n3A, %sub3A : vector<1250x8xf32>
    %exp3A_49 = math.exp %sub3A_48 : vector<1250x8xf32>
    %reduce_sum3A = vector.shape_cast %exp3A_49 : vector<1250x8xf32> to vector<1x1250x8xf32>
    %reduce_sum3A_50 = arith.constant dense<0.000000e+00> : vector<1xf32>
    %reduce_sum3A_51 = vector.multi_reduction <add>, %reduce_sum3A, %reduce_sum3A_50 [1, 2] : vector<1x1250x8xf32> to vector<1xf32>
    %reduce_sum3A_52 = vector.shape_cast %reduce_sum3A_51 : vector<1xf32> to vector<1x1x1xf32>
    %reduce_sum3A_53 = vector.extract %reduce_sum3A_52[0, 0, 0] : f32 from vector<1x1x1xf32>
    %log3A = math.log %reduce_sum3A_53 : f32
    %sub3A_54 = vector.broadcast %log3A : f32 to vector<1250x8xf32>
    %sub3A_55 = arith.subf %sub3A_48, %sub3A_54 : vector<1250x8xf32>
    %get3A_56 = arith.constant 0 : index
    %get3A_57 = arith.constant 0 : index
    %get3A_58 = vector.load %arg2[%get3A_56, %get3A_57] : memref<1250x8xf32, #tpu.memory_space<vmem>>, vector<1250x8xf32>
    %add3A_59 = arith.addf %get3A_58, %sub3A_55 : vector<1250x8xf32>
    %reduce_max3A_60 = vector.shape_cast %add3A_59 : vector<1250x8xf32> to vector<1x1250x8xf32>
    %reduce_max3A_61 = arith.constant dense<0xFF800000> : vector<1xf32>
    %reduce_max3A_62 = vector.multi_reduction <maximumf>, %reduce_max3A_60, %reduce_max3A_61 [1, 2] : vector<1x1250x8xf32> to vector<1xf32>
    %reduce_max3A_63 = vector.shape_cast %reduce_max3A_62 : vector<1xf32> to vector<1x1x1xf32>
    %reduce_max3A_64 = vector.extract %reduce_max3A_63[0, 0, 0] : f32 from vector<1x1x1xf32>
    %eq3A_65 = vector.broadcast %reduce_max3A_64 : f32 to vector<1250x8xf32>
    %eq3A_66 = arith.cmpf oeq, %add3A_59, %eq3A_65 : vector<1250x8xf32>
    %jit3A_67 = arith.constant 1073741824 : i32
    %broadcast_in_dim3A_68 = vector.broadcast %jit3A_67 : i32 to vector<1250x8xi32>
    %select_n3A_69 = arith.select %eq3A_66, %add3A_36, %broadcast_in_dim3A_68 : vector<1250x8xi1>, vector<1250x8xi32>
    %reduce_min3A = vector.shape_cast %select_n3A_69 : vector<1250x8xi32> to vector<1x1250x8xi32>
    %reduce_min3A_70 = arith.constant dense<2147483647> : vector<1xi32>
    %reduce_min3A_71 = vector.multi_reduction <minsi>, %reduce_min3A, %reduce_min3A_70 [1, 2] : vector<1x1250x8xi32> to vector<1xi32>
    %reduce_min3A_72 = vector.shape_cast %reduce_min3A_71 : vector<1xi32> to vector<1x1x1xi32>
    %reduce_min3A_73 = vector.extract %reduce_min3A_72[0, 0, 0] : i32 from vector<1x1x1xi32>
    %eq3A_74 = vector.broadcast %reduce_max3A_64 : f32 to vector<1250x8xf32>
    %eq3A_75 = arith.cmpf oeq, %add3A_59, %eq3A_74 : vector<1250x8xf32>
    %eq3A_76 = vector.broadcast %reduce_min3A_73 : i32 to vector<1250x8xi32>
    %eq3A_77 = arith.cmpi eq, %add3A_36, %eq3A_76 : vector<1250x8xi32>
    %and3A = arith.andi %eq3A_75, %eq3A_77 : vector<1250x8xi1>
    %jit3A_78 = arith.constant -3.000000e+38 : f32
    %broadcast_in_dim3A_79 = vector.broadcast %jit3A_78 : f32 to vector<1250x8xf32>
    %select_n3A_80 = arith.select %and3A, %sub3A_55, %broadcast_in_dim3A_79 : vector<1250x8xi1>, vector<1250x8xf32>
    %reduce_max3A_81 = vector.shape_cast %select_n3A_80 : vector<1250x8xf32> to vector<1x1250x8xf32>
    %reduce_max3A_82 = arith.constant dense<0xFF800000> : vector<1xf32>
    %reduce_max3A_83 = vector.multi_reduction <maximumf>, %reduce_max3A_81, %reduce_max3A_82 [1, 2] : vector<1x1250x8xf32> to vector<1xf32>
    %reduce_max3A_84 = vector.shape_cast %reduce_max3A_83 : vector<1xf32> to vector<1x1x1xf32>
    %reduce_max3A_85 = vector.extract %reduce_max3A_84[0, 0, 0] : f32 from vector<1x1x1xf32>
    %broadcast_in_dim3A_86 = vector.broadcast %reduce_min3A_73 : i32 to vector<1x1xi32>
    %swap3A = arith.constant 0 : index
    %swap3A_87 = arith.constant 0 : index
    %swap3A_88 = vector.load %arg8[%swap3A, %swap3A_87] : memref<1x1xi32, #tpu.memory_space<vmem>>, vector<1x1xi32>
    tpu.vector_store %arg8[%swap3A, %swap3A_87], %broadcast_in_dim3A_86 {strides = array<i32>} : memref<1x1xi32, #tpu.memory_space<vmem>>, vector<1x1xi32>,
    %get3A_89 = arith.constant 0 : index
    %get3A_90 = arith.constant 0 : index
    %get3A_91 = vector.load %arg7[%get3A_89, %get3A_90] : memref<1x1xf32, #tpu.memory_space<vmem>>, vector<1x1xf32>
    %get3A_92 = vector.extract %get3A_91[0, 0] : f32 from vector<1x1xf32>
    %add3A_93 = arith.addf %get3A_92, %reduce_max3A_85 : f32
    %broadcast_in_dim3A_94 = vector.broadcast %add3A_93 : f32 to vector<1x1xf32>
    %swap3A_95 = arith.constant 0 : index
    %swap3A_96 = arith.constant 0 : index
    %swap3A_97 = vector.load %arg9[%swap3A_95, %swap3A_96] : memref<1x1xf32, #tpu.memory_space<vmem>>, vector<1x1xf32>
    tpu.vector_store %arg9[%swap3A_95, %swap3A_96], %broadcast_in_dim3A_94 {strides = array<i32>} : memref<1x1xf32, #tpu.memory_space<vmem>>, vector<1x1xf32>,
    return
  }
}

</mosaic_0001>

<sc_bundles>
// kernel: kernel.12.cloned.1.call-start
scs
__scs_entry_jumppad:
0x0: {  	(pc) =	sbr.rel $0x88, $3  }
0x1: {  	(tag) =	ssettag $0x0;
	lr =	simm.s32 $0x1  }
0x2: {  	[smem:$0x3F97] =	sst lr;
	_ =	strace $0xD0000000  }
0x3: {  	_ = 	snop  }
0x4: {  	_ = 	snop  }
0x5: {  	_ = 	snop  }
0x6: {  	_ = 	snop  }
0x7: {  	_ = 	snop  }
__scs_overlays_trampoline_lowered:
0x8: {  	[smem:$0x3FA6] =	sst s0  }
0x9: {  	[smem:$0x3FA7] =	sst s1  }
0xa: {  	[smem:$0x3FA8] =	sst s2  }
0xb: {  	[smem:$0x3FA9] =	sst s3  }
0xc: {  	[smem:$0x3FAA] =	sst s4  }
0xd: {  	[smem:$0x3FAB] =	sst s5  }
0xe: {  	[smem:$0x3FAC] =	sst s6  }
0xf: {  	[smem:$0x3FAD] =	sst s7  }
0x10: {  	[smem:$0x3FAE] =	sst s8  }
0x11: {  	[smem:$0x3FAF] =	sst s9;
	s0 =	simm.s32 @!p0 $0x0  }
0x12: {  	s1 =	sld [smem:$0x3F95];
	s0 =	simm.s32 @p0 $0x1  }
0x13: {  	[smem:$0x3FB0] =	sst s0;
	s0 =	simm.s32 @!p1 $0x0  }
0x14: {  	s2 =	sld [smem:$0x3F94];
	s0 =	simm.s32 @p1 $0x1  }
0x15: {  	[smem:$0x3FB1] =	sst s0;
	s0 =	simm.s32 @!p2 $0x0  }
0x16: {  	s3 =	sld [smem:$0x3FDB];
	s0 =	simm.s32 @p2 $0x1  }
0x17: {  	s4 =	simm.s32 $0x1BF5;
	[smem:$0x3FB3] =	sst s0  }
0x18: {  	s0 =	sld [smem:$0x3F96];
	_ =	swait.ge [sflag:s4], $0x0  }
0x19: {  	s7 =	sld [smem:$0x3F97]  }
0x1a: {  	s8 =	sadd.s32 $0xFFFFE003, lr  }
0x1b: {  	s9 =	sadd.s32 $0xFFFFFEF7, lr;
	s5 =	simm.s32 $0xFFFFFFFF;
	p2 =	slt.u32 s8, $0xFFFFF086  }
0x1c: {  	p1 =	slt.u32 s9, $0xF7A;
	s5 =	simm.s32 @!p2 $0x0  }
0x1d: {  	s5 =	simm.s32 @p1 $0x1;
	p0 =	seq.s32 s7, s2  }
0x1e: {  	s7 =	smul.u32 @!p0 $0xF7A, s2;
	p2 =	seq.s32 @!p0 s5, $0x0  }
0x1f: {  	s9 =	smul.u32 $0xF7A, s1;
	s8 =	simm.s32 @!p0 $0x1BF5;
	p2 =	por !p2, p0  }
0x20: {  	[sflag:s8] =	ssyncset.s32 @!p0 $0xFFFFF086;
	s6 =	sadd.s32 @!p0 s3, s7;
	s7 =	simm.s32 @!p0 $0x108  }
0x21: {  	s3 =	sadd.s32 s3, s9;
	s6 =	sadd.s32 @!p0 $0x88, s6;
	s7 =	simm.s32 @p2 $0x1082  }
0x22: {  	[simem:s7], [sflag:s8] =	dma.local @!p0 [hbm:s6], $0xF7A  }
0x23: {  	s9 =	sor.u32 $0xD0000000, s2;
	s6 =	simm.s32 $0x108;
	_ =	swait.ge @!p0 [sflag:s8], $0x0  }
0x24: {  	s3 =	sadd.s32 $0x88, s3;
	s6 =	simm.s32 @!p1 $0x1082;
	[sflag:s4] =	ssyncset.s32 $0xFFFFF086  }
0x25: {  	[simem:s6], [sflag:s4] =	dma.local [hbm:s3], $0xF7A  }
0x26: {  	[smem:$0x3F97] =	sst s1;
	(tag) =	ssettag s2;
	_ =	strace s9  }
0x27: {  	s1 =	sld [smem:$0x3FA7]  }
0x28: {  	s2 =	sld [smem:$0x3FA8]  }
0x29: {  	s4 =	sld [smem:$0x3FAA]  }
0x2a: {  	p0 =	seq.s32 s5, $0x0;
	s5 =	sld [smem:$0x3FAB]  }
0x2b: {  	s6 =	sld [smem:$0x3FAC]  }
0x2c: {  	s7 =	sld [smem:$0x3FAD]  }
0x2d: {  	s3 =	simm.s32 $0x108;
	s8 =	sld [smem:$0x3FAE]  }
0x2e: {  	s3 =	simm.s32 @!p0 $0x1082;
	s9 =	sld [smem:$0x3FAF]  }
0x2f: {  	lr =	sadd.s32 s0, s3;
	s0 =	sld [smem:$0x3FA6]  }
0x30: {  	s3 =	sld [smem:$0x3FA9]  }
0x31: {  	[smem:$0x3FB2] =	sst s10  }
0x32: {  	s10 =	sld [smem:$0x3FB0];
	_ =	sdelay $0x3  }
0x33: {  	p0 =	seq.s32 s10, $0x1;
	s10 =	sld [smem:$0x3FB2];
	_ =	sdelay $0x3  }
0x34: {  	[smem:$0x3FB2] =	sst s10  }
0x35: {  	s10 =	sld [smem:$0x3FB1];
	_ =	sdelay $0x3  }
0x36: {  	p1 =	seq.s32 s10, $0x1;
	s10 =	sld [smem:$0x3FB2];
	_ =	sdelay $0x3  }
0x37: {  	[smem:$0x3FB2] =	sst s10  }
0x38: {  	s10 =	sld [smem:$0x3FB3]  }
0x39: {  	_ = 	snop;
	(pc) =	sbr.ind lr, $3  }
0x3a: {  	_ = 	snop  }
0x3b: {  	_ = 	snop  }
0x3c: {  	p2 =	seq.s32 s10, $0x1;
	s10 =	sld [smem:$0x3FB2]  }
0x3d: {  	_ =	shalt  }
0x3e: {  	_ =	shalt  }
0x3f: {  	_ =	shalt  }
0x40: {  	_ =	shalt  }
0x41: {  	_ =	shalt  }
0x42: {  	_ =	shalt  }
0x43: {  	_ =	shalt  }
0x44: {  	_ =	shalt  }
0x45: {  	_ =	shalt  }
0x46: {  	_ =	shalt  }
0x47: {  	_ =	shalt  }
0x48: {  	_ =	shalt  }
0x49: {  	_ =	shalt  }
0x4a: {  	_ =	shalt  }
0x4b: {  	_ =	shalt  }
0x4c: {  	_ =	shalt  }
0x4d: {  	_ =	shalt  }
0x4e: {  	_ =	shalt  }
0x4f: {  	_ =	shalt  }
0x50: {  	_ =	shalt  }
0x51: {  	_ =	shalt  }
0x52: {  	_ =	shalt  }
0x53: {  	_ =	shalt  }
0x54: {  	_ =	shalt  }
0x55: {  	_ =	shalt  }
0x56: {  	_ =	shalt  }
0x57: {  	_ =	shalt  }
0x58: {  	_ =	shalt  }
0x59: {  	_ =	shalt  }
0x5a: {  	_ =	shalt  }
0x5b: {  	_ =	shalt  }
0x5c: {  	_ =	shalt  }
0x5d: {  	_ =	shalt  }
0x5e: {  	_ =	shalt  }
0x5f: {  	_ =	shalt  }
0x60: {  	_ =	shalt  }
0x61: {  	_ =	shalt  }
0x62: {  	_ =	shalt  }
0x63: {  	_ =	shalt  }
0x64: {  	_ =	shalt  }
0x65: {  	_ =	shalt  }
0x66: {  	_ =	shalt  }
0x67: {  	_ =	shalt  }
0x68: {  	_ =	shalt  }
0x69: {  	_ =	shalt  }
0x6a: {  	_ =	shalt  }
0x6b: {  	_ =	shalt  }
0x6c: {  	_ =	shalt  }
0x6d: {  	_ =	shalt  }
0x6e: {  	_ =	shalt  }
0x6f: {  	_ =	shalt  }
0x70: {  	_ =	shalt  }
0x71: {  	_ =	shalt  }
0x72: {  	_ =	shalt  }
0x73: {  	_ =	shalt  }
0x74: {  	_ =	shalt  }
0x75: {  	_ =	shalt  }
0x76: {  	_ =	shalt  }
0x77: {  	_ =	shalt  }
0x78: {  	_ =	shalt  }
0x79: {  	_ =	shalt  }
0x7a: {  	_ =	shalt  }
0x7b: {  	_ =	shalt  }
0x7c: {  	_ =	shalt  }
0x7d: {  	_ =	shalt  }
0x7e: {  	_ =	shalt  }
0x7f: {  	_ =	shalt  }
0x80: {  	_ =	shalt  }
0x81: {  	_ =	shalt  }
0x82: {  	_ =	shalt  }
0x83: {  	_ =	shalt  }
0x84: {  	_ =	shalt  }
0x85: {  	_ =	shalt  }
0x86: {  	_ =	shalt  }
0x87: {  	_ =	shalt  }
.Lfunc_end0:
.L_simem_size_0:
called_computation.1_lowered:
.L_overlay_start_0:
0x88: {  	s2 =	sld [smem:$0x3FD9]  }
0x89: {  	s3 =	sld [smem:$0x3FFE];
	_ =	sdelay $0x1  }
0x8a: {  	s1 =	srdreg.scid  }
0x8b: {  	s0 =	sand.u32 $0x1, s1  }
0x8c: {  	s17 =	sshll.u32 s0, $0xA;
	s2 =	sadd.s32 s3, s2  }
0x8d: {  	s2 =	sadd.s32 s2, s17  }
0x8e: {  	[smem:$0x3FBE] =	sst s2  }
0x8f: {  	_ = 	snop  }
0x90: {  	(tm) =	ssettm $0x1  }
0x91: {  	s18 =	sld [smem:$0x3FFB];
	_ =	sdelay $0x3  }
0x92: {  	_ =	strace s18  }
0x93: {  	s2 =	sld [smem:$0x3FFC];
	_ =	sdelay $0x3  }
0x94: {  	_ =	strace s2  }
0x95: {  	s2 =	sld [smem:$0x3FFD];
	_ =	sdelay $0x3  }
0x96: {  	_ =	strace s2  }
0x97: {  	_ =	strace $0x8FFFFFFF  }
0x98: {  	s19 =	sld [smem:$0x3FDB];
	_ =	sdelay $0x1  }
0x99: {  	s20 =	simm.s32 $_scs_section_size  }
0x9a: {  	s4 =	simm.s32 $_size__tile_overlayer_lowered;
	s5 =	simm.s32 $_tile_overlayer_lowered  }
0x9b: {  	s6 =	simm.s32 $0x1BFF;
	s21 =	sshll.u32 s5, $0x1;
	s3 =	sadd.s32 s20, s19  }
0x9c: {  	s22 =	simm.s32 $0x0;
	s4 =	sshll.u32 s4, $0x1;
	s5 =	sadd.s32 s21, s3  }
0x9d: {  	[timem:s22], [sflag:s6] =	dma.local [hbm:s5], s4  }
0x9e: {  	_ =	swait.ge [sflag:s6], s4  }
0x9f: {  	s4 =	ssub.s32 $0x0, s4;
	[sflag:s6] =	ssyncset.done $0x0  }
0xa0: {  	[sflag:s6] =	ssyncadd.s32 s4;
	_ =	sdelay $0x1  }
0xa1: {  	s23 =	simm.s32 $0x1B8B  }
0xa2: {  	_ =	swait.ge [sflag:s23], $0x1  }
0xa3: {  	[sflag:s23] =	ssyncset.done $0x0  }
0xa4: {  	[sflag:s23] =	ssyncadd.s32 $0xFFFFFFFF  }
0xa5: {  	s4 =	sld [smem:$0x0]  }
0xa6: {  	s5 =	sand.u32 $0xFFFFFFFE, s1  }
0xa7: {  	p0 =	sne.s32 s1, s5  }
0xa8: {  	s5 =	sshll.u32 @p0 s5, $0xE  }
0xa9: {  	s5 =	sadd.s32 @p0 $0x11B8D, s5;
	s6 =	sshll.u32 @p0 s4, $0x11  }
0xaa: {  	s5 =	sor.u32 @p0 s6, s5  }
0xab: {  	[sflag:s5] =	ssyncadd.remote.s32 @p0 $0x1;
	_ =	sdelay $0x1  }
0xac: {  	s5 =	simm.s32 @p0 $0x1B8D  }
0xad: {  	_ =	swait.eq @p0 [sflag:s5], $0x1  }
0xae: {  	[sflag:s5] =	ssyncadd.s32 @p0 $0xFFFFFFFF  }
0xaf: {  	s6 =	sshll.u32 @!p0 s1, $0xE  }
0xb0: {  	s6 =	sor.u32 @!p0 $0x4000, s6;
	s5 =	simm.s32 @!p0 $0x1B8D  }
0xb1: {  	s4 =	sshll.u32 @!p0 s4, $0x11;
	s6 =	sadd.s32 @!p0 $0x11B8D, s6;
	_ =	swait.eq @!p0 [sflag:s5], $0x1  }
0xb2: {  	s4 =	sor.u32 @!p0 s4, s6;
	[sflag:s5] =	ssyncadd.s32 @!p0 $0xFFFFFFFF  }
0xb3: {  	s25 =	simm.s32 $0x1B8E;
	s24 =	sld [smem:$0x3FFE];
	[sflag:s4] =	ssyncadd.remote.s32 @!p0 $0x1  }
0xb4: {  	s26 =	simm.s32 $execute0_lowered;
	[smem:$0x3FD2] =	sst s25  }
0xb5: {  	s5 =	sshll.u32 s26, $0x1;
	_ =	strace $0x80000049;
	[dreg:$0x1] =	wrdreg $0xFFFFFFFF  }
0xb6: {  	s28 =	simm.s32 $_size_execute0_lowered;
	s3 =	sadd.s32 s3, s5;
	[dreg:$0x0] =	wrdreg $0x0  }
0xb7: {  	s5 =	sshll.u32 s28, $0x1;
	[dreg:$0x2] =	wrdreg s3  }
0xb8: {  	[dreg:$0x3] =	wrdreg s5  }
0xb9: {  	[dreg:$0x4] =	wrdreg $0xC0  }
0xba: {  	_ =	task [dreg:s22], $0x5FFFF  }
0xbb: {  	[dreg:$0x1] =	wrdreg $0xFFFFFFFF  }
0xbc: {  	[dreg:$0x0] =	wrdreg $0x60  }
0xbd: {  	[dreg:$0x2] =	wrdreg s24  }
0xbe: {  	[dreg:$0x3] =	wrdreg $0xB2800  }
0xbf: {  	[dreg:$0x4] =	wrdreg $0x102800  }
0xc0: {  	[dreg:$0x5] =	wrdreg $0xA  }
0xc1: {  	_ =	task.clear_ibuf [dreg:s22], $0x6FFFF;
	_ =	strace $0x90000049  }
0xc2: {  	s29 =	simm.s32 $0xA;
	_ =	strace $0x8000004B  }
0xc3: {  	_ =	swait.ge [sflag:s29], $0x1  }
0xc4: {  	[sflag:s29] =	ssyncadd.s32 $0xFFFFFFFF  }
0xc5: {  	_ =	strace $0x9000004B  }
0xc6: {  	_ =	sfence  }
0xc7: {  	s30 =	sld [smem:$0x0];
	_ =	sdelay $0x2  }
0xc8: {  	s31 =	sshll.u32 s1, $0xD;
	s1 =	sshrl.u32 s1, $0x2  }
0xc9: {  	s4 =	sand.u32 $0x4000, s31;
	s1 =	sadd.s32 s1, s30  }
0xca: {  	s0 =	sor.u32 s4, s0;
	s1 =	sshll.u32 s1, $0x11  }
0xcb: {  	s0 =	sor.u32 s1, s0  }
0xcc: {  	s0 =	sadd.s32 $0x8F2B, s0  }
0xcd: {  	[sflag:s0] =	ssyncadd.remote.s32 $0x1  }
0xce: {  	_ =	sfence.sel $0xFFFF  }
0xcf: {  	[dreg:$0x0] =	wrdreg $0xFFFFFFFF;
	(pc) =	sbr.abs _section_cstart, $3  }
0xd0: {  	[dreg:$0x1] =	wrdreg $0xFFFFFFFF  }
0xd1: {  	_ =	task.clear_ibuf [dreg:s22], $0x2FFFF;
	_ =	strace $0x9FFFFFFF  }
0xd2: {  	(tm) =	ssettm $0x7FFFFFFF  }
0xd3: {  	_ =	shalt  }
tec
execute0_lowered:
.L_overlay_start_1:
0x0: {  	(tag) =	ssettag $0x1  }
0x1: {  	s0 =	srdreg.scid;
	s11 =	stileid.u32  }
0x2: {  	s1 =	rddreg [dreg:$0x0];
	s6 =	smul.u32 $0x500, s11  }
0x3: {  	s2 =	rddreg [dreg:$0x1];
	s7 =	smul.u32 $0x50, s11  }
0x4: {  	s3 =	rddreg [dreg:$0x2];
	s4 =	simm.s32 $0x0;
	s9 =	smul.u32 $0x4E20, s11  }
0x5: {  	s28 =	simm.s32 $0x1;
	s30 =	simm.s32 $0x5000;
	s10 =	smul.u32 $0x13900, s11  }
0x6: {  	s31 =	simm.s32 $0x6000;
	s0 =	sand.u32 $0x1, s0;
	s22 =	smul.u32 $0x14000, s11  }
0x7: {  	s29 =	simm.s32 $0x7000;
	[smem:$0x7FF] =	sst s4;
	s5 =	smul.u32 $0xA000, s0  }
0x8: {  	s12 =	sadd.s32 $0x22400, s1;
	s8 =	smul.u32 $0x4E200, s0;
	_ =	strace $0x8000004A  }
0x9: {  	s0 =	ssub.s32 $0x2, s0;
	[dreg:$0x4] =	wrdreg s12;
	s6 =	sadd.s32 s6, s1  }
0xa: {  	s7 =	sadd.s32 s7, s1;
	s20 =	sshrl.u32 s0, $0x1;
	s21 =	sshrl.u32 s10, $0x2  }
0xb: {  	s26 =	sadd.s32 s9, s3;
	s5 =	sadd.s32 s5, s1;
	s8 =	sadd.s32 s9, s8  }
0xc: {  	s0 =	ssub.s32 s0, s20;
	s7 =	sadd.s32 $0x3E00, s7;
	s13 =	sadd.s32 $0x18400, s6  }
0xd: {  	s14 =	sadd.s32 $0x1D400, s6;
	s6 =	simm.s32 $0x0;
	s8 =	sshrl.u32 s8, $0x3  }
0xe: {  	[dreg:$0x5] =	wrdreg s7;
	s7 =	sadd.s32 $0x3B200, s5;
	s5 =	sshrl.u32 s22, $0x2  }
0xf: {  	s17 =	smax.u32 s0, $0x1;
	s22 =	simm.s32 $0x9000;
	s0 =	simm.s32 $0xA280  }
0x10: {  	s1 =	sadd.s32 s8, s1;
	s8 =	sadd.s32 s21, s3;
	s16 =	sadd.s32 s5, s2  }
0x11: {  	s5 =	simm.s32 $0x2;
	s23 =	sadd.s32 $0x1000, s8;
	s24 =	sadd.s32 $0x2000, s8  }
0x12: {  	s25 =	sadd.s32 $0x3000, s8;
	s12 =	sadd.s32 $0x4000, s8;
	s15 =	sadd.s32 $0x4F200, s1  }
0x13: {  	s18 =	sadd.s32 $0x1000, s16;
	s19 =	sadd.s32 $0x2000, s16;
	[dreg:$0x6] =	wrdreg s23  }
0x14: {  	s20 =	sadd.s32 $0x3000, s16;
	s21 =	sadd.s32 $0x4000, s16;
	[dreg:$0x7] =	wrdreg s24  }
0x15: {  	s1 =	simm.s32 $0x8000;
	[dreg:$0x8] =	wrdreg s25;
	s23 =	simm.s32 $0x3  }
0x16: {  	s24 =	simm.s32 $0x80;
	s25 =	sshrl.u32 s26, $0x3;
	s26 =	simm.s32 $0x9280  }
.LBB2_1:
0x17: {  	s9 =	rddreg [dreg:$0x5]  }
0x18: {  	[tilespmem:s22], [sflag:$0x3] =	stream.linear.gather [hbm4b:s9+s4], $0x280, $0x38;
	[tilespmem:$0x150C0] =	vst v63  }
0x19: {  	_ =	swait.ge [sflag:s23], $0x280  }
0x1a: {  	[sflag:s23] =	ssyncset.done $0x0  }
0x1b: {  	[sflag:s23] =	ssyncadd.s32 $0xFFFFFD80  }
0x1c: {  	[tilespmem:s26], [sflag:$0x1] =	stream.indirect.gather [hbm4b:s7+s24], $0x20, s22, s24, $0xb8;
	[tilespmem:$0x150C0] =	vst v63  }
0x1d: {  	_ =	swait.ge [sflag:s28], $0x1000  }
0x1e: {  	[sflag:s28] =	ssyncset.done $0x0  }
0x1f: {  	[sflag:s28] =	ssyncadd.s32 $0xFFFFF000  }
0x20: {  	[spmem:s16] =	stream.linear.scatter [tilespmem:s26], [sflag:$0x3], $0x1000, $0x38;
	[tilespmem:$0x150C0] =	vst v63  }
0x21: {  	_ =	swait.ge [sflag:s23], $0x1000  }
0x22: {  	[sflag:s23] =	ssyncset.done $0x0  }
0x23: {  	s10 =	simm.s32 $0x9080;
	[sflag:s23] =	ssyncadd.s32 $0xFFFFF000  }
0x24: {  	[tilespmem:s26], [sflag:$0x1] =	stream.indirect.gather [hbm4b:s7+s24], $0x20, s10, s24, $0xb8;
	[tilespmem:$0x150C0] =	vst v63  }
0x25: {  	_ =	swait.ge [sflag:s28], $0x1000  }
0x26: {  	[sflag:s28] =	ssyncset.done $0x0  }
0x27: {  	[sflag:s28] =	ssyncadd.s32 $0xFFFFF000  }
0x28: {  	[spmem:s18] =	stream.linear.scatter [tilespmem:s26], [sflag:$0x3], $0x1000, $0x38;
	[tilespmem:$0x150C0] =	vst v63  }
0x29: {  	_ =	swait.ge [sflag:s23], $0x1000  }
0x2a: {  	[sflag:s23] =	ssyncset.done $0x0  }
0x2b: {  	s11 =	simm.s32 $0x9100;
	[sflag:s23] =	ssyncadd.s32 $0xFFFFF000  }
0x2c: {  	[tilespmem:s26], [sflag:$0x1] =	stream.indirect.gather [hbm4b:s7+s24], $0x20, s11, s24, $0xb8;
	[tilespmem:$0x150C0] =	vst v63  }
0x2d: {  	_ =	swait.ge [sflag:s28], $0x1000  }
0x2e: {  	[sflag:s28] =	ssyncset.done $0x0  }
0x2f: {  	[sflag:s28] =	ssyncadd.s32 $0xFFFFF000  }
0x30: {  	[spmem:s19] =	stream.linear.scatter [tilespmem:s26], [sflag:$0x3], $0x1000, $0x38;
	[tilespmem:$0x150C0] =	vst v63  }
0x31: {  	_ =	swait.ge [sflag:s23], $0x1000  }
0x32: {  	[sflag:s23] =	ssyncset.done $0x0  }
0x33: {  	s10 =	simm.s32 $0x9180;
	[sflag:s23] =	ssyncadd.s32 $0xFFFFF000  }
0x34: {  	[tilespmem:s26], [sflag:$0x1] =	stream.indirect.gather [hbm4b:s7+s24], $0x20, s10, s24, $0xb8;
	[tilespmem:$0x150C0] =	vst v63  }
0x35: {  	_ =	swait.ge [sflag:s28], $0x1000  }
0x36: {  	[sflag:s28] =	ssyncset.done $0x0  }
0x37: {  	[sflag:s28] =	ssyncadd.s32 $0xFFFFF000  }
0x38: {  	[spmem:s20] =	stream.linear.scatter [tilespmem:s26], [sflag:$0x3], $0x1000, $0x38;
	[tilespmem:$0x150C0] =	vst v63  }
0x39: {  	_ =	swait.ge [sflag:s23], $0x1000  }
0x3a: {  	[sflag:s23] =	ssyncset.done $0x0  }
0x3b: {  	s11 =	simm.s32 $0x9200;
	[sflag:s23] =	ssyncadd.s32 $0xFFFFF000  }
0x3c: {  	[tilespmem:s26], [sflag:$0x1] =	stream.indirect.gather [hbm4b:s7+s24], $0x20, s11, s24, $0xb8;
	[tilespmem:$0x150C0] =	vst v63  }
0x3d: {  	_ =	swait.ge [sflag:s28], $0x1000  }
0x3e: {  	[sflag:s28] =	ssyncset.done $0x0  }
0x3f: {  	[sflag:s28] =	ssyncadd.s32 $0xFFFFF000  }
0x40: {  	[spmem:s21] =	stream.linear.scatter [tilespmem:s26], [sflag:$0x3], $0x1000, $0x38;
	[tilespmem:$0x150C0] =	vst v63  }
0x41: {  	_ =	swait.ge [sflag:s23], $0x1000  }
0x42: {  	[sflag:s23] =	ssyncset.done $0x0  }
0x43: {  	s10 =	rddreg [dreg:$0x4];
	[sflag:s23] =	ssyncadd.s32 $0xFFFFF000  }
0x44: {  	[tilespmem:s0], [sflag:$0x3] =	stream.linear.gather [hbm4b:s10+s4], $0x1000, $0x38;
	[tilespmem:$0x150C0] =	vst v63  }
0x45: {  	_ =	swait.ge [sflag:s23], $0x1000  }
0x46: {  	[sflag:s23] =	ssyncset.done $0x0  }
0x47: {  	[sflag:s23] =	ssyncadd.s32 $0xFFFFF000  }
0x48: {  	[spmem:s8] =	stream.linear.scatter [tilespmem:s0], [sflag:$0x3], $0x1000, $0x38;
	[tilespmem:$0x150C0] =	vst v63  }
0x49: {  	_ =	swait.ge [sflag:s23], $0x1000  }
0x4a: {  	[sflag:s23] =	ssyncset.done $0x0  }
0x4b: {  	s11 =	rddreg [dreg:$0x6];
	[sflag:s23] =	ssyncadd.s32 $0xFFFFF000  }
0x4c: {  	[spmem:s11] =	stream.linear.scatter [tilespmem:s0], [sflag:$0x3], $0x1000, $0x38;
	[tilespmem:$0x150C0] =	vst v63  }
0x4d: {  	_ =	swait.ge [sflag:s23], $0x1000  }
0x4e: {  	[sflag:s23] =	ssyncset.done $0x0  }
0x4f: {  	s10 =	rddreg [dreg:$0x7];
	[sflag:s23] =	ssyncadd.s32 $0xFFFFF000  }
0x50: {  	[spmem:s10] =	stream.linear.scatter [tilespmem:s0], [sflag:$0x3], $0x1000, $0x38;
	[tilespmem:$0x150C0] =	vst v63  }
0x51: {  	_ =	swait.ge [sflag:s23], $0x1000  }
0x52: {  	[sflag:s23] =	ssyncset.done $0x0  }
0x53: {  	s11 =	rddreg [dreg:$0x8];
	[sflag:s23] =	ssyncadd.s32 $0xFFFFF000  }
0x54: {  	[spmem:s11] =	stream.linear.scatter [tilespmem:s0], [sflag:$0x3], $0x1000, $0x38;
	[tilespmem:$0x150C0] =	vst v63  }
0x55: {  	_ =	swait.ge [sflag:s23], $0x1000  }
0x56: {  	[sflag:s23] =	ssyncset.done $0x0  }
0x57: {  	[sflag:s23] =	ssyncadd.s32 $0xFFFFF000  }
0x58: {  	[spmem:s12] =	stream.linear.scatter [tilespmem:s0], [sflag:$0x3], $0xE40, $0x38;
	[tilespmem:$0x150C0] =	vst v63  }
0x59: {  	_ =	swait.ge [sflag:s23], $0xE40  }
0x5a: {  	[sflag:s23] =	ssyncset.done $0x0  }
0x5b: {  	[sflag:s23] =	ssyncadd.s32 $0xFFFFF1C0  }
0x5c: {  	[tilespmem:s4], [sflag:$0x3] =	stream.linear.gather [hbm4b:s13+s4], $0x2800, $0x38;
	[tilespmem:$0x150C0] =	vst v63  }
0x5d: {  	_ =	swait.ge [sflag:s23], $0x2800  }
0x5e: {  	[sflag:s23] =	ssyncset.done $0x0  }
0x5f: {  	s10 =	simm.s32 $0x2800;
	[sflag:s23] =	ssyncadd.s32 $0xFFFFD800  }
0x60: {  	[tilespmem:s10], [sflag:$0x3] =	stream.linear.gather [hbm4b:s14+s4], $0x2800, $0x38;
	[tilespmem:$0x150C0] =	vst v63  }
0x61: {  	_ =	swait.ge [sflag:s23], $0x2800  }
0x62: {  	[sflag:s23] =	ssyncset.done $0x0  }
0x63: {  	[sflag:s23] =	ssyncadd.s32 $0xFFFFD800  }
0x64: {  	[bflag:$0x0] =	sbarrier.arrive $0xFFFF  }
0x65: {  	[tilespmem:s30], [sflag:$0x1] =	stream.indirect.gather [spmem:s2], $0x20, s4, s24, $0xb8;
	[tilespmem:$0x150C0] =	vst v63  }
0x66: {  	_ = 	snop  }
0x67: {  	[tilespmem:s31], [sflag:$0x1] =	stream.indirect.gather [spmem:s2], $0x20, s24, s24, $0xb8;
	[tilespmem:$0x150C0] =	vst v63  }
0x68: {  	s11 =	simm.s32 $0x100  }
0x69: {  	[tilespmem:s29], [sflag:$0x1] =	stream.indirect.gather [spmem:s2], $0x20, s11, s24, $0xb8;
	[tilespmem:$0x150C0] =	vst v63  }
0x6a: {  	s10 =	simm.s32 $0x180  }
0x6b: {  	[tilespmem:s1], [sflag:$0x1] =	stream.indirect.gather [spmem:s2], $0x20, s10, s24, $0xb8;
	[tilespmem:$0x150C0] =	vst v63  }
0x6c: {  	_ =	swait.ge [sflag:s28], $0x1000  }
0x6d: {  	[sflag:s28] =	ssyncset.done $0x0  }
0x6e: {  	s11 =	simm.s32 $0x2800;
	[sflag:s28] =	ssyncadd.s32 $0xFFFFF000  }
0x6f: {  	[spmem:s3] =	stream.indirect.scatter.add.f32 [tilespmem:s30], [sflag:$0x2], $0x20, s11, s24, $0xb8;
	[tilespmem:$0x150C0] =	vst v63  }
0x70: {  	_ =	swait.ge [sflag:s28], $0x1000  }
0x71: {  	[sflag:s28] =	ssyncset.done $0x0  }
0x72: {  	s10 =	simm.s32 $0x2880;
	[sflag:s28] =	ssyncadd.s32 $0xFFFFF000  }
0x73: {  	[spmem:s3] =	stream.indirect.scatter.add.f32 [tilespmem:s31], [sflag:$0x2], $0x20, s10, s24, $0xb8;
	[tilespmem:$0x150C0] =	vst v63  }
0x74: {  	_ =	swait.ge [sflag:s28], $0x1000  }
0x75: {  	[sflag:s28] =	ssyncset.done $0x0  }
0x76: {  	s11 =	simm.s32 $0x2900;
	[sflag:s28] =	ssyncadd.s32 $0xFFFFF000  }
0x77: {  	[spmem:s3] =	stream.indirect.scatter.add.f32 [tilespmem:s29], [sflag:$0x2], $0x20, s11, s24, $0xb8;
	[tilespmem:$0x150C0] =	vst v63  }
0x78: {  	_ =	swait.ge [sflag:s28], $0x1000  }
0x79: {  	[sflag:s28] =	ssyncset.done $0x0  }
0x7a: {  	s10 =	simm.s32 $0x2980;
	[sflag:s28] =	ssyncadd.s32 $0xFFFFF000  }
0x7b: {  	[spmem:s3] =	stream.indirect.scatter.add.f32 [tilespmem:s1], [sflag:$0x2], $0x20, s10, s24, $0xb8;
	[tilespmem:$0x150C0] =	vst v63  }
0x7c: {  	_ =	swait.ge [sflag:s5], $0x1000  }
0x7d: {  	[sflag:s5] =	ssyncset.done $0x0  }
0x7e: {  	s11 =	simm.s32 $0x200;
	[sflag:s5] =	ssyncadd.s32 $0xFFFFF000  }
0x7f: {  	[tilespmem:s30], [sflag:$0x1] =	stream.indirect.gather [spmem:s2], $0x20, s11, s24, $0xb8;
	[tilespmem:$0x150C0] =	vst v63  }
0x80: {  	_ =	swait.ge [sflag:s5], $0x1000  }
0x81: {  	[sflag:s5] =	ssyncset.done $0x0  }
0x82: {  	s10 =	simm.s32 $0x280;
	[sflag:s5] =	ssyncadd.s32 $0xFFFFF000  }
0x83: {  	[tilespmem:s31], [sflag:$0x1] =	stream.indirect.gather [spmem:s2], $0x20, s10, s24, $0xb8;
	[tilespmem:$0x150C0] =	vst v63  }
0x84: {  	_ =	swait.ge [sflag:s5], $0x1000  }
0x85: {  	[sflag:s5] =	ssyncset.done $0x0  }
0x86: {  	s11 =	simm.s32 $0x300;
	[sflag:s5] =	ssyncadd.s32 $0xFFFFF000  }
0x87: {  	[tilespmem:s29], [sflag:$0x1] =	stream.indirect.gather [spmem:s2], $0x20, s11, s24, $0xb8;
	[tilespmem:$0x150C0] =	vst v63  }
0x88: {  	_ =	swait.ge [sflag:s5], $0x1000  }
0x89: {  	[sflag:s5] =	ssyncset.done $0x0  }
0x8a: {  	s9 =	simm.s32 $0x800;
	s10 =	simm.s32 $0x380;
	[sflag:s5] =	ssyncadd.s32 $0xFFFFF000  }
.LBB2_2:
0x8b: {  	[tilespmem:s1], [sflag:$0x1] =	stream.indirect.gather [spmem:s2], $0x20, s10, s24, $0xb8;
	[tilespmem:$0x150C0] =	vst v63  }
0x8c: {  	s10 =	smov.u32 s9  }
0x8d: {  	p0 =	sne.s32 s9, $0x9000;
	s9 =	sadd.s32 $0x800, s9;
	_ =	swait.ge [sflag:s28], $0x1000  }
0x8e: {  	s10 =	sshra.s32 s10, $0x2;
	[sflag:s28] =	ssyncset.done $0x0  }
0x8f: {  	s11 =	sadd.s32 $0x2800, s10;
	[sflag:s28] =	ssyncadd.s32 $0xFFFFF000  }
0x90: {  	[spmem:s3] =	stream.indirect.scatter.add.f32 [tilespmem:s30], [sflag:$0x2], $0x20, s11, s24, $0xb8;
	[tilespmem:$0x150C0] =	vst v63  }
0x91: {  	_ =	swait.ge [sflag:s28], $0x1000  }
0x92: {  	[sflag:s28] =	ssyncset.done $0x0  }
0x93: {  	s11 =	sadd.s32 $0x2880, s10;
	[sflag:s28] =	ssyncadd.s32 $0xFFFFF000  }
0x94: {  	[spmem:s3] =	stream.indirect.scatter.add.f32 [tilespmem:s31], [sflag:$0x2], $0x20, s11, s24, $0xb8;
	[tilespmem:$0x150C0] =	vst v63  }
0x95: {  	_ =	swait.ge [sflag:s28], $0x1000  }
0x96: {  	[sflag:s28] =	ssyncset.done $0x0  }
0x97: {  	s11 =	sadd.s32 $0x2900, s10;
	[sflag:s28] =	ssyncadd.s32 $0xFFFFF000  }
0x98: {  	[spmem:s3] =	stream.indirect.scatter.add.f32 [tilespmem:s29], [sflag:$0x2], $0x20, s11, s24, $0xb8;
	[tilespmem:$0x150C0] =	vst v63  }
0x99: {  	_ =	swait.ge [sflag:s28], $0x1000  }
0x9a: {  	[sflag:s28] =	ssyncset.done $0x0  }
0x9b: {  	s11 =	sadd.s32 $0x2980, s10;
	[sflag:s28] =	ssyncadd.s32 $0xFFFFF000  }
0x9c: {  	[spmem:s3] =	stream.indirect.scatter.add.f32 [tilespmem:s1], [sflag:$0x2], $0x20, s11, s24, $0xb8;
	[tilespmem:$0x150C0] =	vst v63  }
0x9d: {  	_ =	swait.ge [sflag:s5], $0x1000  }
0x9e: {  	[sflag:s5] =	ssyncset.done $0x0  }
0x9f: {  	s11 =	sadd.s32 $0x200, s10;
	[sflag:s5] =	ssyncadd.s32 $0xFFFFF000  }
0xa0: {  	[tilespmem:s30], [sflag:$0x1] =	stream.indirect.gather [spmem:s2], $0x20, s11, s24, $0xb8;
	[tilespmem:$0x150C0] =	vst v63  }
0xa1: {  	_ =	swait.ge [sflag:s5], $0x1000  }
0xa2: {  	[sflag:s5] =	ssyncset.done $0x0  }
0xa3: {  	s11 =	sadd.s32 $0x280, s10;
	[sflag:s5] =	ssyncadd.s32 $0xFFFFF000  }
0xa4: {  	[tilespmem:s31], [sflag:$0x1] =	stream.indirect.gather [spmem:s2], $0x20, s11, s24, $0xb8;
	[tilespmem:$0x150C0] =	vst v63  }
0xa5: {  	_ =	swait.ge [sflag:s5], $0x1000  }
0xa6: {  	[sflag:s5] =	ssyncset.done $0x0  }
.Ltmp0:
0xa7: {  	s11 =	sadd.s32 $0x300, s10;
	[sflag:s5] =	ssyncadd.s32 $0xFFFFF000;
	(pc) =	sbr.rel @p0 .LBB2_2-.Ltmp0, $4  }
0xa8: {  	[tilespmem:s29], [sflag:$0x1] =	stream.indirect.gather [spmem:s2], $0x20, s11, s24, $0xb8;
	[tilespmem:$0x150C0] =	vst v63  }
0xa9: {  	_ =	swait.ge [sflag:s5], $0x1000  }
0xaa: {  	[sflag:s5] =	ssyncset.done $0x0  }
0xab: {  	s10 =	sadd.s32 $0x380, s10;
	[sflag:s5] =	ssyncadd.s32 $0xFFFFF000  }
0xac: {  	[tilespmem:s1], [sflag:$0x1] =	stream.indirect.gather [spmem:s2], $0x20, s10, s24, $0xb8;
	[tilespmem:$0x150C0] =	vst v63  }
0xad: {  	_ =	swait.ge [sflag:s28], $0x1000  }
0xae: {  	[sflag:s28] =	ssyncset.done $0x0  }
0xaf: {  	s9 =	simm.s32 $0x4E00;
	[sflag:s28] =	ssyncadd.s32 $0xFFFFF000  }
0xb0: {  	[spmem:s3] =	stream.indirect.scatter.add.f32 [tilespmem:s30], [sflag:$0x2], $0x20, s9, s24, $0xb8;
	[tilespmem:$0x150C0] =	vst v63  }
0xb1: {  	_ =	swait.ge [sflag:s28], $0x1000  }
0xb2: {  	[sflag:s28] =	ssyncset.done $0x0  }
0xb3: {  	s10 =	simm.s32 $0x4E80;
	[sflag:s28] =	ssyncadd.s32 $0xFFFFF000  }
0xb4: {  	[spmem:s3] =	stream.indirect.scatter.add.f32 [tilespmem:s31], [sflag:$0x2], $0x20, s10, s24, $0xb8;
	[tilespmem:$0x150C0] =	vst v63  }
0xb5: {  	_ =	swait.ge [sflag:s28], $0x1000  }
0xb6: {  	[sflag:s28] =	ssyncset.done $0x0  }
0xb7: {  	s11 =	simm.s32 $0x4F00;
	[sflag:s28] =	ssyncadd.s32 $0xFFFFF000  }
0xb8: {  	[spmem:s3] =	stream.indirect.scatter.add.f32 [tilespmem:s29], [sflag:$0x2], $0x20, s11, s24, $0xb8;
	[tilespmem:$0x150C0] =	vst v63  }
0xb9: {  	_ =	swait.ge [sflag:s28], $0x1000  }
0xba: {  	[sflag:s28] =	ssyncset.done $0x0  }
0xbb: {  	s10 =	simm.s32 $0x4F80;
	[sflag:s28] =	ssyncadd.s32 $0xFFFFF000  }
0xbc: {  	[spmem:s3] =	stream.indirect.scatter.add.f32 [tilespmem:s1], [sflag:$0x2], $0x20, s10, s24, $0xb8;
	[tilespmem:$0x150C0] =	vst v63  }
0xbd: {  	_ =	swait.ge [sflag:s5], $0x1000  }
0xbe: {  	[sflag:s5] =	ssyncset.done $0x0  }
0xbf: {  	[sflag:s5] =	ssyncadd.s32 $0xFFFFF000  }
0xc0: {  	_ =	swait.ge [sflag:s5], $0x1000  }
0xc1: {  	[sflag:s5] =	ssyncset.done $0x0  }
0xc2: {  	[sflag:s5] =	ssyncadd.s32 $0xFFFFF000  }
0xc3: {  	_ =	swait.ge [sflag:s5], $0x1000  }
0xc4: {  	[sflag:s5] =	ssyncset.done $0x0  }
0xc5: {  	[sflag:s5] =	ssyncadd.s32 $0xFFFFF000  }
0xc6: {  	_ =	swait.ge [sflag:s5], $0x1000  }
0xc7: {  	s6 =	sadd.s32 $0x1, s6;
	s11 =	stileid.u32;
	[sflag:s5] =	ssyncset.done $0x0  }
0xc8: {  	p0 =	sne.s32 s6, s17;
	s9 =	sshll.u32 s11, $0x6;
	[sflag:s5] =	ssyncadd.s32 $0xFFFFF000  }
.Ltmp1:
0xc9: {  	s9 =	sor.u32 $0x1C03, s9;
	[bflag:$0x0] =	sbarrier.arrive $0xFFFF;
	(pc) =	sbr.rel @p0 .LBB2_1-.Ltmp1, $4  }
0xca: {  	[hbm:s15], [sflag:s9] =	dma.local [spmem:s25], $0x9C4  }
0xcb: {  	_ =	swait.ge [sflag:s23], $0x9C4  }
0xcc: {  	[sflag:s23] =	ssyncset.done $0x0  }
0xcd: {  	[sflag:s23] =	ssyncadd.s32 $0xFFFFF63C  }
0xce: {  	_ =	sfence.sel $0x180000  }
0xcf: {  	[bflag:$0x0] =	sbarrier.arrive $0xFFFF  }
0xd0: {  	_ =	strace $0x9000004A  }
0xd1: {  	s0 =	stileid.u32;
	[bflag:$0x2] =	sbarrier.arrive $0xFFFF  }
0xd2: {  	p0 =	sne.s32 s0, $0x0;
	s0 =	rddreg [dreg:$0x3]  }
0xd3: {  	s0 =	sadd.s32 @!p0 $0x100000, s0  }
0xd4: {  	[sflag:s0] =	ssyncadd.tile.s32 @!p0 $0x1;
	_ =	shalt  }
.Lfunc_end2:
_tile_overlayer_lowered:
.L_overlay_start_2:
0xd5: {  	(tag) =	ssettag $0x2  }
0xd6: {  	s0 =	rddreg [dreg:$0x0];
	s2 =	stileid.u32  }
0xd7: {  	s1 =	rddreg [dreg:$0x1];
	p0 =	sne.s32 s2, $0x0  }
0xd8: {  	s3 =	rddreg [dreg:$0x2];
	[bflag:$0x3] =	sbarrier.arrive $0xFFFF;
	s2 =	simm.s32 @!p0 $0x1C03  }
0xd9: {  	[timem:s3], [sflag:s2] =	dma.local @!p0 [hbm:s0], s1  }
0xda: {  	s0 =	simm.s32 @!p0 $0x3  }
0xdb: {  	_ =	swait.ge @!p0 [sflag:s0], s1  }
0xdc: {  	s1 =	ssub.s32 @!p0 $0x0, s1;
	[sflag:s0] =	ssyncset.done @!p0 $0x0  }
0xdd: {  	[sflag:s0] =	ssyncadd.s32 @!p0 s1  }
0xde: {  	[bflag:$0x3] =	sbarrier.arrive $0xFFFF  }
0xdf: {  	_ =	shalt  }

// kernel: kernel.15.cloned.1.call-start
scs
__scs_entry_jumppad:
0x0: {  	(pc) =	sbr.rel $0x88, $3  }
0x1: {  	(tag) =	ssettag $0x0;
	lr =	simm.s32 $0x1  }
0x2: {  	[smem:$0x3F97] =	sst lr;
	_ =	strace $0xD0000000  }
0x3: {  	_ = 	snop  }
0x4: {  	_ = 	snop  }
0x5: {  	_ = 	snop  }
0x6: {  	_ = 	snop  }
0x7: {  	_ = 	snop  }
__scs_overlays_trampoline_lowered:
0x8: {  	[smem:$0x3FA6] =	sst s0  }
0x9: {  	[smem:$0x3FA7] =	sst s1  }
0xa: {  	[smem:$0x3FA8] =	sst s2  }
0xb: {  	[smem:$0x3FA9] =	sst s3  }
0xc: {  	[smem:$0x3FAA] =	sst s4  }
0xd: {  	[smem:$0x3FAB] =	sst s5  }
0xe: {  	[smem:$0x3FAC] =	sst s6  }
0xf: {  	[smem:$0x3FAD] =	sst s7  }
0x10: {  	[smem:$0x3FAE] =	sst s8  }
0x11: {  	[smem:$0x3FAF] =	sst s9;
	s0 =	simm.s32 @!p0 $0x0  }
0x12: {  	s1 =	sld [smem:$0x3F95];
	s0 =	simm.s32 @p0 $0x1  }
0x13: {  	[smem:$0x3FB0] =	sst s0;
	s0 =	simm.s32 @!p1 $0x0  }
0x14: {  	s2 =	sld [smem:$0x3F94];
	s0 =	simm.s32 @p1 $0x1  }
0x15: {  	[smem:$0x3FB1] =	sst s0;
	s0 =	simm.s32 @!p2 $0x0  }
0x16: {  	s3 =	sld [smem:$0x3FDB];
	s0 =	simm.s32 @p2 $0x1  }
0x17: {  	s4 =	simm.s32 $0x1BF5;
	[smem:$0x3FB3] =	sst s0  }
0x18: {  	s0 =	sld [smem:$0x3F96];
	_ =	swait.ge [sflag:s4], $0x0  }
0x19: {  	s7 =	sld [smem:$0x3F97]  }
0x1a: {  	s8 =	sadd.s32 $0xFFFFE003, lr  }
0x1b: {  	s9 =	sadd.s32 $0xFFFFFEF7, lr;
	s5 =	simm.s32 $0xFFFFFFFF;
	p2 =	slt.u32 s8, $0xFFFFF086  }
0x1c: {  	p1 =	slt.u32 s9, $0xF7A;
	s5 =	simm.s32 @!p2 $0x0  }
0x1d: {  	s5 =	simm.s32 @p1 $0x1;
	p0 =	seq.s32 s7, s2  }
0x1e: {  	s7 =	smul.u32 @!p0 $0xF7A, s2;
	p2 =	seq.s32 @!p0 s5, $0x0  }
0x1f: {  	s9 =	smul.u32 $0xF7A, s1;
	s8 =	simm.s32 @!p0 $0x1BF5;
	p2 =	por !p2, p0  }
0x20: {  	[sflag:s8] =	ssyncset.s32 @!p0 $0xFFFFF086;
	s6 =	sadd.s32 @!p0 s3, s7;
	s7 =	simm.s32 @!p0 $0x108  }
0x21: {  	s3 =	sadd.s32 s3, s9;
	s6 =	sadd.s32 @!p0 $0x88, s6;
	s7 =	simm.s32 @p2 $0x1082  }
0x22: {  	[simem:s7], [sflag:s8] =	dma.local @!p0 [hbm:s6], $0xF7A  }
0x23: {  	s9 =	sor.u32 $0xD0000000, s2;
	s6 =	simm.s32 $0x108;
	_ =	swait.ge @!p0 [sflag:s8], $0x0  }
0x24: {  	s3 =	sadd.s32 $0x88, s3;
	s6 =	simm.s32 @!p1 $0x1082;
	[sflag:s4] =	ssyncset.s32 $0xFFFFF086  }
0x25: {  	[simem:s6], [sflag:s4] =	dma.local [hbm:s3], $0xF7A  }
0x26: {  	[smem:$0x3F97] =	sst s1;
	(tag) =	ssettag s2;
	_ =	strace s9  }
0x27: {  	s1 =	sld [smem:$0x3FA7]  }
0x28: {  	s2 =	sld [smem:$0x3FA8]  }
0x29: {  	s4 =	sld [smem:$0x3FAA]  }
0x2a: {  	p0 =	seq.s32 s5, $0x0;
	s5 =	sld [smem:$0x3FAB]  }
0x2b: {  	s6 =	sld [smem:$0x3FAC]  }
0x2c: {  	s7 =	sld [smem:$0x3FAD]  }
0x2d: {  	s3 =	simm.s32 $0x108;
	s8 =	sld [smem:$0x3FAE]  }
0x2e: {  	s3 =	simm.s32 @!p0 $0x1082;
	s9 =	sld [smem:$0x3FAF]  }
0x2f: {  	lr =	sadd.s32 s0, s3;
	s0 =	sld [smem:$0x3FA6]  }
0x30: {  	s3 =	sld [smem:$0x3FA9]  }
0x31: {  	[smem:$0x3FB2] =	sst s10  }
0x32: {  	s10 =	sld [smem:$0x3FB0];
	_ =	sdelay $0x3  }
0x33: {  	p0 =	seq.s32 s10, $0x1;
	s10 =	sld [smem:$0x3FB2];
	_ =	sdelay $0x3  }
0x34: {  	[smem:$0x3FB2] =	sst s10  }
0x35: {  	s10 =	sld [smem:$0x3FB1];
	_ =	sdelay $0x3  }
0x36: {  	p1 =	seq.s32 s10, $0x1;
	s10 =	sld [smem:$0x3FB2];
	_ =	sdelay $0x3  }
0x37: {  	[smem:$0x3FB2] =	sst s10  }
0x38: {  	s10 =	sld [smem:$0x3FB3]  }
0x39: {  	_ = 	snop;
	(pc) =	sbr.ind lr, $3  }
0x3a: {  	_ = 	snop  }
0x3b: {  	_ = 	snop  }
0x3c: {  	p2 =	seq.s32 s10, $0x1;
	s10 =	sld [smem:$0x3FB2]  }
0x3d: {  	_ =	shalt  }
0x3e: {  	_ =	shalt  }
0x3f: {  	_ =	shalt  }
0x40: {  	_ =	shalt  }
0x41: {  	_ =	shalt  }
0x42: {  	_ =	shalt  }
0x43: {  	_ =	shalt  }
0x44: {  	_ =	shalt  }
0x45: {  	_ =	shalt  }
0x46: {  	_ =	shalt  }
0x47: {  	_ =	shalt  }
0x48: {  	_ =	shalt  }
0x49: {  	_ =	shalt  }
0x4a: {  	_ =	shalt  }
0x4b: {  	_ =	shalt  }
0x4c: {  	_ =	shalt  }
0x4d: {  	_ =	shalt  }
0x4e: {  	_ =	shalt  }
0x4f: {  	_ =	shalt  }
0x50: {  	_ =	shalt  }
0x51: {  	_ =	shalt  }
0x52: {  	_ =	shalt  }
0x53: {  	_ =	shalt  }
0x54: {  	_ =	shalt  }
0x55: {  	_ =	shalt  }
0x56: {  	_ =	shalt  }
0x57: {  	_ =	shalt  }
0x58: {  	_ =	shalt  }
0x59: {  	_ =	shalt  }
0x5a: {  	_ =	shalt  }
0x5b: {  	_ =	shalt  }
0x5c: {  	_ =	shalt  }
0x5d: {  	_ =	shalt  }
0x5e: {  	_ =	shalt  }
0x5f: {  	_ =	shalt  }
0x60: {  	_ =	shalt  }
0x61: {  	_ =	shalt  }
0x62: {  	_ =	shalt  }
0x63: {  	_ =	shalt  }
0x64: {  	_ =	shalt  }
0x65: {  	_ =	shalt  }
0x66: {  	_ =	shalt  }
0x67: {  	_ =	shalt  }
0x68: {  	_ =	shalt  }
0x69: {  	_ =	shalt  }
0x6a: {  	_ =	shalt  }
0x6b: {  	_ =	shalt  }
0x6c: {  	_ =	shalt  }
0x6d: {  	_ =	shalt  }
0x6e: {  	_ =	shalt  }
0x6f: {  	_ =	shalt  }
0x70: {  	_ =	shalt  }
0x71: {  	_ =	shalt  }
0x72: {  	_ =	shalt  }
0x73: {  	_ =	shalt  }
0x74: {  	_ =	shalt  }
0x75: {  	_ =	shalt  }
0x76: {  	_ =	shalt  }
0x77: {  	_ =	shalt  }
0x78: {  	_ =	shalt  }
0x79: {  	_ =	shalt  }
0x7a: {  	_ =	shalt  }
0x7b: {  	_ =	shalt  }
0x7c: {  	_ =	shalt  }
0x7d: {  	_ =	shalt  }
0x7e: {  	_ =	shalt  }
0x7f: {  	_ =	shalt  }
0x80: {  	_ =	shalt  }
0x81: {  	_ =	shalt  }
0x82: {  	_ =	shalt  }
0x83: {  	_ =	shalt  }
0x84: {  	_ =	shalt  }
0x85: {  	_ =	shalt  }
0x86: {  	_ =	shalt  }
0x87: {  	_ =	shalt  }
.Lfunc_end0:
.L_simem_size_0:
called_computation.2_lowered:
.L_overlay_start_0:
0x88: {  	s2 =	sld [smem:$0x3FD9]  }
0x89: {  	s3 =	sld [smem:$0x3FFE];
	_ =	sdelay $0x1  }
0x8a: {  	s1 =	srdreg.scid  }
0x8b: {  	s0 =	sand.u32 $0x1, s1  }
0x8c: {  	s16 =	sshll.u32 s0, $0xA;
	s2 =	sadd.s32 s3, s2  }
0x8d: {  	s2 =	sadd.s32 s2, s16  }
0x8e: {  	[smem:$0x3FBE] =	sst s2  }
0x8f: {  	_ = 	snop  }
0x90: {  	(tm) =	ssettm $0x1  }
0x91: {  	s17 =	sld [smem:$0x3FFB];
	_ =	sdelay $0x3  }
0x92: {  	_ =	strace s17  }
0x93: {  	s2 =	sld [smem:$0x3FFC];
	_ =	sdelay $0x3  }
0x94: {  	_ =	strace s2  }
0x95: {  	s2 =	sld [smem:$0x3FFD];
	_ =	sdelay $0x3  }
0x96: {  	_ =	strace s2  }
0x97: {  	_ =	strace $0x8FFFFFFF  }
0x98: {  	s18 =	sld [smem:$0x3FDB];
	_ =	sdelay $0x1  }
0x99: {  	s19 =	simm.s32 $_scs_section_size  }
0x9a: {  	s4 =	simm.s32 $_size__tile_overlayer_lowered;
	s5 =	simm.s32 $_tile_overlayer_lowered  }
0x9b: {  	s22 =	simm.s32 $0x1BFF;
	s21 =	sshll.u32 s5, $0x1;
	s2 =	sadd.s32 s19, s18  }
0x9c: {  	s6 =	simm.s32 $0x0;
	s20 =	sshll.u32 s4, $0x1;
	s4 =	sadd.s32 s21, s2  }
0x9d: {  	[timem:s6], [sflag:s22] =	dma.local [hbm:s4], s20  }
0x9e: {  	_ =	swait.ge [sflag:s22], s20  }
0x9f: {  	s3 =	ssub.s32 $0x0, s20;
	[sflag:s22] =	ssyncset.done $0x0  }
0xa0: {  	[sflag:s22] =	ssyncadd.s32 s3;
	_ =	sdelay $0x1  }
0xa1: {  	s23 =	simm.s32 $0x1B8B  }
0xa2: {  	_ =	swait.ge [sflag:s23], $0x1  }
0xa3: {  	[sflag:s23] =	ssyncset.done $0x0  }
0xa4: {  	s25 =	simm.s32 $0x1B8E;
	s24 =	sld [smem:$0x3FFE];
	[sflag:s23] =	ssyncadd.s32 $0xFFFFFFFF  }
0xa5: {  	s26 =	simm.s32 $execute0_lowered;
	[smem:$0x3FD2] =	sst s25  }
0xa6: {  	s4 =	sshll.u32 s26, $0x1;
	_ =	strace $0x8000004C;
	[dreg:$0x1] =	wrdreg $0xFFFFFFFF  }
0xa7: {  	s28 =	simm.s32 $_size_execute0_lowered;
	s2 =	sadd.s32 s2, s4;
	[dreg:$0x0] =	wrdreg $0x0  }
0xa8: {  	s4 =	sshll.u32 s28, $0x1;
	[dreg:$0x2] =	wrdreg s2  }
0xa9: {  	[dreg:$0x3] =	wrdreg s4  }
0xaa: {  	[dreg:$0x4] =	wrdreg $0xC0  }
0xab: {  	_ =	task [dreg:s6], $0x5FFFF  }
0xac: {  	[dreg:$0x1] =	wrdreg $0xFFFFFFFF  }
0xad: {  	[dreg:$0x0] =	wrdreg $0x60  }
0xae: {  	[dreg:$0x2] =	wrdreg s24  }
0xaf: {  	[dreg:$0x3] =	wrdreg $0x168000  }
0xb0: {  	[dreg:$0x4] =	wrdreg $0x9  }
0xb1: {  	_ =	task.clear_ibuf [dreg:s6], $0x5FFFF;
	_ =	strace $0x9000004C  }
0xb2: {  	s29 =	simm.s32 $0x9;
	_ =	strace $0x8000004E  }
0xb3: {  	_ =	swait.ge [sflag:s29], $0x1  }
0xb4: {  	[sflag:s29] =	ssyncadd.s32 $0xFFFFFFFF  }
0xb5: {  	_ =	strace $0x9000004E  }
0xb6: {  	_ =	sfence  }
0xb7: {  	s30 =	sld [smem:$0x0];
	_ =	sdelay $0x2  }
0xb8: {  	s31 =	sshll.u32 s1, $0xD;
	s1 =	sshrl.u32 s1, $0x2  }
0xb9: {  	s3 =	sand.u32 $0x4000, s31;
	s1 =	sadd.s32 s1, s30  }
0xba: {  	s0 =	sor.u32 s3, s0;
	s1 =	sshll.u32 s1, $0x11  }
0xbb: {  	s0 =	sor.u32 s1, s0  }
0xbc: {  	s0 =	sadd.s32 $0x8F2B, s0  }
0xbd: {  	[sflag:s0] =	ssyncadd.remote.s32 $0x1  }
0xbe: {  	_ =	sfence.sel $0xFFFF  }
0xbf: {  	[dreg:$0x0] =	wrdreg $0xFFFFFFFF;
	(pc) =	sbr.abs _section_cstart, $3  }
0xc0: {  	[dreg:$0x1] =	wrdreg $0xFFFFFFFF  }
0xc1: {  	_ =	task.clear_ibuf [dreg:s6], $0x2FFFF;
	_ =	strace $0x9FFFFFFF  }
0xc2: {  	(tm) =	ssettm $0x7FFFFFFF  }
0xc3: {  	_ =	shalt  }
tec
execute0_lowered:
.L_overlay_start_1:
0x0: {  	(tag) =	ssettag $0x1  }
0x1: {  	s4 =	rddreg [dreg:$0x0]  }
0x2: {  	s2 =	rddreg [dreg:$0x1]  }
0x3: {  	s0 =	rddreg [dreg:$0x2];
	s1 =	stileid.u32  }
0x4: {  	s5 =	srdreg.scid;
	s3 =	simm.s32 $0x0;
	s13 =	simm.s32 $0x1400  }
0x5: {  	s14 =	simm.s32 $0x80;
	s15 =	simm.s32 $0x1;
	s16 =	simm.s32 $0x2800  }
0x6: {  	s17 =	simm.s32 $0x0;
	s5 =	sand.u32 $0x1, s5;
	s6 =	sshll.u32 s1, $0x1  }
0x7: {  	[smem:$0x7FF] =	sst s3;
	s7 =	smul.u32 $0x2720, s1;
	s6 =	sor.u32 s5, s6  }
0x8: {  	s31 =	sshll.u32 s1, $0x6;
	_ =	strace $0x8000004D;
	s8 =	smul.u32 $0x280, s6  }
0x9: {  	s5 =	ssub.s32 $0x2, s5;
	s9 =	sshrl.u32 s7, $0x3;
	s6 =	smul.u32 $0x2800, s6  }
0xa: {  	s10 =	sshrl.u32 s5, $0x1;
	s12 =	sadd.s32 s7, s2;
	s9 =	sadd.s32 s9, s4  }
0xb: {  	s10 =	ssub.s32 s5, s10;
	s5 =	sor.u32 $0x1C02, s31;
	s8 =	sadd.s32 s8, s4  }
0xc: {  	s11 =	sadd.s32 s6, s4;
	s4 =	sadd.s32 $0x3E00, s9;
	s10 =	smax.u32 s10, $0x1  }
0xd: {  	s6 =	sadd.s32 $0x18400, s8;
	s7 =	sadd.s32 $0x1D400, s8;
	s8 =	sadd.s32 $0x22400, s11  }
0xe: {  	s9 =	sadd.s32 $0x72400, s11;
	s11 =	sshrl.u32 s12, $0x3;
	s12 =	simm.s32 $0x2  }
.LBB2_1:
0xf: {  	[spmem:s11], [sflag:s5] =	dma.local [hbm:s4], $0x4E4  }
0x10: {  	_ =	swait.ge [sflag:s12], $0x4E4  }
0x11: {  	[sflag:s12] =	ssyncset.done $0x0  }
0x12: {  	[sflag:s12] =	ssyncadd.s32 $0xFFFFFB1C  }
0x13: {  	[tilespmem:s3], [sflag:$0x2] =	stream.linear.gather [hbm4b:s6+s3], $0x1400, $0x38;
	[tilespmem:$0x18F20] =	vst v63  }
0x14: {  	_ =	swait.ge [sflag:s12], $0x1400  }
0x15: {  	[sflag:s12] =	ssyncset.done $0x0  }
0x16: {  	[sflag:s12] =	ssyncadd.s32 $0xFFFFEC00  }
0x17: {  	[tilespmem:s13], [sflag:$0x2] =	stream.linear.gather [hbm4b:s7+s3], $0x1400, $0x38;
	[tilespmem:$0x18F20] =	vst v63  }
0x18: {  	_ =	swait.ge [sflag:s12], $0x1400  }
0x19: {  	[sflag:s12] =	ssyncset.done $0x0  }
0x1a: {  	[sflag:s12] =	ssyncadd.s32 $0xFFFFEC00  }
0x1b: {  	s18 =	simm.s32 $0x2800;
	s19 =	simm.s32 $0x0;
	[bflag:$0x0] =	sbarrier.arrive $0xFFFF  }
.LBB2_2:
0x1c: {  	p0 =	sne.s32 s19, $0x4E00  }
.Ltmp0:
0x1d: {  	_ = 	snop;
	(pc) =	sbr.rel @p0 .LBB2_2-.Ltmp0, $4  }
0x1e: {  	_ = 	snop  }
0x1f: {  	s20 =	sshra.s32 s19, $0x2  }
0x20: {  	[tilespmem:s18], [sflag:$0x1] =	stream.indirect.gather [spmem:s2], $0x10, s20, s14, $0xb8;
	[tilespmem:$0x18F20] =	vst v63  }
0x21: {  	s19 =	sadd.s32 $0x200, s19;
	s18 =	sadd.s32 $0x800, s18  }
0x22: {  	_ =	swait.ge [sflag:s15], $0x800  }
0x23: {  	s18 =	simm.s32 $0x27;
	[sflag:s15] =	ssyncset.done $0x0  }
.LBB2_4:
0x24: {  	p0 =	sne.s32 s18, $0x1;
	s18 =	sadd.s32 $0xFFFFFFFF, s18;
	[sflag:s15] =	ssyncadd.s32 $0xFFFFF800  }
.Ltmp1:
0x25: {  	(pc) =	sbr.rel @p0 .LBB2_4-.Ltmp1, $3  }
0x26: {  	_ =	sdelay $0x1  }
0x27: {  	_ =	swait.ge [sflag:s15], $0x800  }
0x28: {  	[sflag:s15] =	ssyncset.done $0x0  }
0x29: {  	[sflag:s15] =	ssyncadd.s32 $0xFFFFF800;
	s18 =	simm.s32 $0x0;
	s19 =	simm.s32 $0x2800  }
0x2a: {  	[hbm4b:s8+s18] =	stream.linear.scatter [tilespmem:s19], [sflag:$0x2], $0x14000, $0x38;
	[tilespmem:$0x18F20] =	vst v63  }
0x2b: {  	_ =	swait.ge [sflag:s12], $0x14000  }
0x2c: {  	[sflag:s12] =	ssyncset.done $0x0  }
0x2d: {  	[sflag:s12] =	ssyncadd.s32 $0xFFFEC000  }
.LBB2_6:
0x2e: {  	p0 =	sne.s32 s18, $0x4E00  }
.Ltmp2:
0x2f: {  	_ = 	snop;
	(pc) =	sbr.rel @p0 .LBB2_6-.Ltmp2, $4  }
0x30: {  	s20 =	sshra.s32 s18, $0x2  }
0x31: {  	s20 =	sadd.s32 $0x1400, s20  }
0x32: {  	[tilespmem:s19], [sflag:$0x1] =	stream.indirect.gather [spmem:s2], $0x10, s20, s14, $0xb8;
	[tilespmem:$0x18F20] =	vst v63  }
0x33: {  	s18 =	sadd.s32 $0x200, s18;
	s19 =	sadd.s32 $0x800, s19  }
0x34: {  	_ =	swait.ge [sflag:s15], $0x800  }
0x35: {  	s18 =	simm.s32 $0x27;
	[sflag:s15] =	ssyncset.done $0x0  }
.LBB2_8:
0x36: {  	p0 =	sne.s32 s18, $0x1;
	s18 =	sadd.s32 $0xFFFFFFFF, s18;
	[sflag:s15] =	ssyncadd.s32 $0xFFFFF800  }
.Ltmp3:
0x37: {  	(pc) =	sbr.rel @p0 .LBB2_8-.Ltmp3, $3  }
0x38: {  	_ =	sdelay $0x1  }
0x39: {  	_ =	swait.ge [sflag:s15], $0x800  }
0x3a: {  	[sflag:s15] =	ssyncset.done $0x0  }
0x3b: {  	s17 =	sadd.s32 $0x1, s17  }
0x3c: {  	p0 =	sne.s32 s17, s10  }
.Ltmp4:
0x3d: {  	[sflag:s15] =	ssyncadd.s32 $0xFFFFF800;
	(pc) =	sbr.rel @p0 .LBB2_1-.Ltmp4, $4  }
0x3e: {  	[hbm4b:s9+s3] =	stream.linear.scatter [tilespmem:s16], [sflag:$0x2], $0x14000, $0x38;
	[tilespmem:$0x18F20] =	vst v63  }
0x3f: {  	_ =	swait.ge [sflag:s12], $0x14000  }
0x40: {  	[sflag:s12] =	ssyncset.done $0x0  }
0x41: {  	[sflag:s12] =	ssyncadd.s32 $0xFFFEC000  }
0x42: {  	_ =	sfence.sel $0x180000  }
0x43: {  	[bflag:$0x0] =	sbarrier.arrive $0xFFFF  }
0x44: {  	p0 =	sne.s32 s1, $0x0;
	_ =	strace $0x9000004D  }
0x45: {  	s0 =	sadd.s32 @!p0 $0x100000, s0;
	[bflag:$0x2] =	sbarrier.arrive $0xFFFF  }
0x46: {  	[sflag:s0] =	ssyncadd.tile.s32 @!p0 $0x1;
	_ =	shalt  }
.Lfunc_end2:
_tile_overlayer_lowered:
.L_overlay_start_2:
0x47: {  	(tag) =	ssettag $0x2  }
0x48: {  	s0 =	rddreg [dreg:$0x0];
	s2 =	stileid.u32  }
0x49: {  	s1 =	rddreg [dreg:$0x1];
	p0 =	sne.s32 s2, $0x0  }
0x4a: {  	s3 =	rddreg [dreg:$0x2];
	[bflag:$0x3] =	sbarrier.arrive $0xFFFF;
	s2 =	simm.s32 @!p0 $0x1C02  }
0x4b: {  	[timem:s3], [sflag:s2] =	dma.local @!p0 [hbm:s0], s1  }
0x4c: {  	s0 =	simm.s32 @!p0 $0x2  }
0x4d: {  	_ =	swait.ge @!p0 [sflag:s0], s1  }
0x4e: {  	s1 =	ssub.s32 @!p0 $0x0, s1;
	[sflag:s0] =	ssyncset.done @!p0 $0x0  }
0x4f: {  	[sflag:s0] =	ssyncadd.s32 @!p0 s1  }
0x50: {  	[bflag:$0x3] =	sbarrier.arrive $0xFFFF  }
0x51: {  	_ =	shalt  }

// kernel: kernel.18.cloned.1.call-start
scs
__scs_entry_jumppad:
0x0: {  	(pc) =	sbr.rel $0x88, $3  }
0x1: {  	(tag) =	ssettag $0x0;
	lr =	simm.s32 $0x1  }
0x2: {  	[smem:$0x3F97] =	sst lr;
	_ =	strace $0xD0000000  }
0x3: {  	_ = 	snop  }
0x4: {  	_ = 	snop  }
0x5: {  	_ = 	snop  }
0x6: {  	_ = 	snop  }
0x7: {  	_ = 	snop  }
__scs_overlays_trampoline_lowered:
0x8: {  	[smem:$0x3FA6] =	sst s0  }
0x9: {  	[smem:$0x3FA7] =	sst s1  }
0xa: {  	[smem:$0x3FA8] =	sst s2  }
0xb: {  	[smem:$0x3FA9] =	sst s3  }
0xc: {  	[smem:$0x3FAA] =	sst s4  }
0xd: {  	[smem:$0x3FAB] =	sst s5  }
0xe: {  	[smem:$0x3FAC] =	sst s6  }
0xf: {  	[smem:$0x3FAD] =	sst s7  }
0x10: {  	[smem:$0x3FAE] =	sst s8  }
0x11: {  	[smem:$0x3FAF] =	sst s9;
	s0 =	simm.s32 @!p0 $0x0  }
0x12: {  	s1 =	sld [smem:$0x3F95];
	s0 =	simm.s32 @p0 $0x1  }
0x13: {  	[smem:$0x3FB0] =	sst s0;
	s0 =	simm.s32 @!p1 $0x0  }
0x14: {  	s2 =	sld [smem:$0x3F94];
	s0 =	simm.s32 @p1 $0x1  }
0x15: {  	[smem:$0x3FB1] =	sst s0;
	s0 =	simm.s32 @!p2 $0x0  }
0x16: {  	s3 =	sld [smem:$0x3FDB];
	s0 =	simm.s32 @p2 $0x1  }
0x17: {  	s4 =	simm.s32 $0x1BF5;
	[smem:$0x3FB3] =	sst s0  }
0x18: {  	s0 =	sld [smem:$0x3F96];
	_ =	swait.ge [sflag:s4], $0x0  }
0x19: {  	s7 =	sld [smem:$0x3F97]  }
0x1a: {  	s8 =	sadd.s32 $0xFFFFE003, lr  }
0x1b: {  	s9 =	sadd.s32 $0xFFFFFEF7, lr;
	s5 =	simm.s32 $0xFFFFFFFF;
	p2 =	slt.u32 s8, $0xFFFFF086  }
0x1c: {  	p1 =	slt.u32 s9, $0xF7A;
	s5 =	simm.s32 @!p2 $0x0  }
0x1d: {  	s5 =	simm.s32 @p1 $0x1;
	p0 =	seq.s32 s7, s2  }
0x1e: {  	s7 =	smul.u32 @!p0 $0xF7A, s2;
	p2 =	seq.s32 @!p0 s5, $0x0  }
0x1f: {  	s9 =	smul.u32 $0xF7A, s1;
	s8 =	simm.s32 @!p0 $0x1BF5;
	p2 =	por !p2, p0  }
0x20: {  	[sflag:s8] =	ssyncset.s32 @!p0 $0xFFFFF086;
	s6 =	sadd.s32 @!p0 s3, s7;
	s7 =	simm.s32 @!p0 $0x108  }
0x21: {  	s3 =	sadd.s32 s3, s9;
	s6 =	sadd.s32 @!p0 $0x88, s6;
	s7 =	simm.s32 @p2 $0x1082  }
0x22: {  	[simem:s7], [sflag:s8] =	dma.local @!p0 [hbm:s6], $0xF7A  }
0x23: {  	s9 =	sor.u32 $0xD0000000, s2;
	s6 =	simm.s32 $0x108;
	_ =	swait.ge @!p0 [sflag:s8], $0x0  }
0x24: {  	s3 =	sadd.s32 $0x88, s3;
	s6 =	simm.s32 @!p1 $0x1082;
	[sflag:s4] =	ssyncset.s32 $0xFFFFF086  }
0x25: {  	[simem:s6], [sflag:s4] =	dma.local [hbm:s3], $0xF7A  }
0x26: {  	[smem:$0x3F97] =	sst s1;
	(tag) =	ssettag s2;
	_ =	strace s9  }
0x27: {  	s1 =	sld [smem:$0x3FA7]  }
0x28: {  	s2 =	sld [smem:$0x3FA8]  }
0x29: {  	s4 =	sld [smem:$0x3FAA]  }
0x2a: {  	p0 =	seq.s32 s5, $0x0;
	s5 =	sld [smem:$0x3FAB]  }
0x2b: {  	s6 =	sld [smem:$0x3FAC]  }
0x2c: {  	s7 =	sld [smem:$0x3FAD]  }
0x2d: {  	s3 =	simm.s32 $0x108;
	s8 =	sld [smem:$0x3FAE]  }
0x2e: {  	s3 =	simm.s32 @!p0 $0x1082;
	s9 =	sld [smem:$0x3FAF]  }
0x2f: {  	lr =	sadd.s32 s0, s3;
	s0 =	sld [smem:$0x3FA6]  }
0x30: {  	s3 =	sld [smem:$0x3FA9]  }
0x31: {  	[smem:$0x3FB2] =	sst s10  }
0x32: {  	s10 =	sld [smem:$0x3FB0];
	_ =	sdelay $0x3  }
0x33: {  	p0 =	seq.s32 s10, $0x1;
	s10 =	sld [smem:$0x3FB2];
	_ =	sdelay $0x3  }
0x34: {  	[smem:$0x3FB2] =	sst s10  }
0x35: {  	s10 =	sld [smem:$0x3FB1];
	_ =	sdelay $0x3  }
0x36: {  	p1 =	seq.s32 s10, $0x1;
	s10 =	sld [smem:$0x3FB2];
	_ =	sdelay $0x3  }
0x37: {  	[smem:$0x3FB2] =	sst s10  }
0x38: {  	s10 =	sld [smem:$0x3FB3]  }
0x39: {  	_ = 	snop;
	(pc) =	sbr.ind lr, $3  }
0x3a: {  	_ = 	snop  }
0x3b: {  	_ = 	snop  }
0x3c: {  	p2 =	seq.s32 s10, $0x1;
	s10 =	sld [smem:$0x3FB2]  }
0x3d: {  	_ =	shalt  }
0x3e: {  	_ =	shalt  }
0x3f: {  	_ =	shalt  }
0x40: {  	_ =	shalt  }
0x41: {  	_ =	shalt  }
0x42: {  	_ =	shalt  }
0x43: {  	_ =	shalt  }
0x44: {  	_ =	shalt  }
0x45: {  	_ =	shalt  }
0x46: {  	_ =	shalt  }
0x47: {  	_ =	shalt  }
0x48: {  	_ =	shalt  }
0x49: {  	_ =	shalt  }
0x4a: {  	_ =	shalt  }
0x4b: {  	_ =	shalt  }
0x4c: {  	_ =	shalt  }
0x4d: {  	_ =	shalt  }
0x4e: {  	_ =	shalt  }
0x4f: {  	_ =	shalt  }
0x50: {  	_ =	shalt  }
0x51: {  	_ =	shalt  }
0x52: {  	_ =	shalt  }
0x53: {  	_ =	shalt  }
0x54: {  	_ =	shalt  }
0x55: {  	_ =	shalt  }
0x56: {  	_ =	shalt  }
0x57: {  	_ =	shalt  }
0x58: {  	_ =	shalt  }
0x59: {  	_ =	shalt  }
0x5a: {  	_ =	shalt  }
0x5b: {  	_ =	shalt  }
0x5c: {  	_ =	shalt  }
0x5d: {  	_ =	shalt  }
0x5e: {  	_ =	shalt  }
0x5f: {  	_ =	shalt  }
0x60: {  	_ =	shalt  }
0x61: {  	_ =	shalt  }
0x62: {  	_ =	shalt  }
0x63: {  	_ =	shalt  }
0x64: {  	_ =	shalt  }
0x65: {  	_ =	shalt  }
0x66: {  	_ =	shalt  }
0x67: {  	_ =	shalt  }
0x68: {  	_ =	shalt  }
0x69: {  	_ =	shalt  }
0x6a: {  	_ =	shalt  }
0x6b: {  	_ =	shalt  }
0x6c: {  	_ =	shalt  }
0x6d: {  	_ =	shalt  }
0x6e: {  	_ =	shalt  }
0x6f: {  	_ =	shalt  }
0x70: {  	_ =	shalt  }
0x71: {  	_ =	shalt  }
0x72: {  	_ =	shalt  }
0x73: {  	_ =	shalt  }
0x74: {  	_ =	shalt  }
0x75: {  	_ =	shalt  }
0x76: {  	_ =	shalt  }
0x77: {  	_ =	shalt  }
0x78: {  	_ =	shalt  }
0x79: {  	_ =	shalt  }
0x7a: {  	_ =	shalt  }
0x7b: {  	_ =	shalt  }
0x7c: {  	_ =	shalt  }
0x7d: {  	_ =	shalt  }
0x7e: {  	_ =	shalt  }
0x7f: {  	_ =	shalt  }
0x80: {  	_ =	shalt  }
0x81: {  	_ =	shalt  }
0x82: {  	_ =	shalt  }
0x83: {  	_ =	shalt  }
0x84: {  	_ =	shalt  }
0x85: {  	_ =	shalt  }
0x86: {  	_ =	shalt  }
0x87: {  	_ =	shalt  }
.Lfunc_end0:
.L_simem_size_0:
called_computation.3_lowered:
.L_overlay_start_0:
0x88: {  	s2 =	sld [smem:$0x3FD9]  }
0x89: {  	s3 =	sld [smem:$0x3FFE];
	_ =	sdelay $0x1  }
0x8a: {  	s1 =	srdreg.scid  }
0x8b: {  	s0 =	sand.u32 $0x1, s1  }
0x8c: {  	s14 =	sshll.u32 s0, $0xA;
	s2 =	sadd.s32 s3, s2  }
0x8d: {  	s2 =	sadd.s32 s2, s14  }
0x8e: {  	[smem:$0x3FBE] =	sst s2  }
0x8f: {  	_ = 	snop  }
0x90: {  	s2 =	sld [smem:$0x3FD0];
	_ =	sdelay $0x2  }
0x91: {  	s15 =	simm.s32 $0xB;
	s4 =	simm.s32 $0x10  }
0x92: {  	[smem:s4], [sflag:s15] =	dma.local [hbm:s2], $0x1  }
0x93: {  	_ =	swait.eq [sflag:s15], $0x1  }
0x94: {  	[sflag:s15] =	ssyncset.done $0x0  }
0x95: {  	[sflag:s15] =	ssyncadd.s32 $0xFFFFFFFF  }
0x96: {  	s16 =	sld [smem:$0x11];
	(tm) =	ssettm $0x1  }
0x97: {  	s17 =	sld [smem:$0x3FFB];
	_ =	sdelay $0x3  }
0x98: {  	_ =	strace s17  }
0x99: {  	s3 =	sld [smem:$0x3FFC];
	_ =	sdelay $0x3  }
0x9a: {  	_ =	strace s3  }
0x9b: {  	s3 =	sld [smem:$0x3FFD];
	_ =	sdelay $0x3  }
0x9c: {  	_ =	strace s3  }
0x9d: {  	_ =	strace $0x8FFFFFFF  }
0x9e: {  	s18 =	sld [smem:$0x3FDB];
	_ =	sdelay $0x1  }
0x9f: {  	s19 =	simm.s32 $_scs_section_size  }
0xa0: {  	s5 =	simm.s32 $_size__tile_overlayer_lowered;
	s6 =	simm.s32 $_tile_overlayer_lowered  }
0xa1: {  	s22 =	simm.s32 $0x1BFF;
	s21 =	sshll.u32 s6, $0x1;
	s3 =	sadd.s32 s19, s18  }
0xa2: {  	s7 =	simm.s32 $0x0;
	s20 =	sshll.u32 s5, $0x1;
	s5 =	sadd.s32 s21, s3  }
0xa3: {  	[timem:s7], [sflag:s22] =	dma.local [hbm:s5], s20  }
0xa4: {  	_ =	swait.ge [sflag:s22], s20  }
0xa5: {  	s4 =	ssub.s32 $0x0, s20;
	[sflag:s22] =	ssyncset.done $0x0  }
0xa6: {  	[sflag:s22] =	ssyncadd.s32 s4;
	_ =	sdelay $0x1  }
0xa7: {  	s23 =	simm.s32 $0x1B8B  }
0xa8: {  	_ =	swait.ge [sflag:s23], $0x1  }
0xa9: {  	[sflag:s23] =	ssyncset.done $0x0  }
0xaa: {  	s25 =	simm.s32 $0x1B8E;
	s24 =	sld [smem:$0x3FFE];
	[sflag:s23] =	ssyncadd.s32 $0xFFFFFFFF  }
0xab: {  	s26 =	simm.s32 $execute0_lowered;
	[smem:$0x3FD2] =	sst s25  }
0xac: {  	s5 =	sshll.u32 s26, $0x1;
	_ =	strace $0x8000004F;
	[dreg:$0x1] =	wrdreg $0xFFFFFFFF  }
0xad: {  	s28 =	simm.s32 $_size_execute0_lowered;
	s3 =	sadd.s32 s3, s5;
	[dreg:$0x0] =	wrdreg $0x0  }
0xae: {  	s5 =	sshll.u32 s28, $0x1;
	[dreg:$0x2] =	wrdreg s3  }
0xaf: {  	[dreg:$0x3] =	wrdreg s5  }
0xb0: {  	[dreg:$0x4] =	wrdreg $0xC0  }
0xb1: {  	_ =	task [dreg:s7], $0x5FFFF  }
0xb2: {  	[dreg:$0x1] =	wrdreg $0xFFFFFFFF  }
0xb3: {  	[dreg:$0x0] =	wrdreg $0x60  }
0xb4: {  	[dreg:$0x2] =	wrdreg s24  }
0xb5: {  	[dreg:$0x3] =	wrdreg s16  }
0xb6: {  	[dreg:$0x4] =	wrdreg $0x52900  }
0xb7: {  	[dreg:$0x5] =	wrdreg $0x9  }
0xb8: {  	_ =	task.clear_ibuf [dreg:s7], $0x6FFFF;
	_ =	strace $0x9000004F  }
0xb9: {  	s29 =	simm.s32 $0x9;
	_ =	strace $0x80000051  }
0xba: {  	_ =	swait.ge [sflag:s29], $0x1  }
0xbb: {  	[sflag:s29] =	ssyncadd.s32 $0xFFFFFFFF  }
0xbc: {  	_ =	strace $0x90000051  }
0xbd: {  	_ =	sfence  }
0xbe: {  	s30 =	sld [smem:$0x0];
	_ =	sdelay $0x2  }
0xbf: {  	s31 =	sshll.u32 s1, $0xD;
	s1 =	sshrl.u32 s1, $0x2  }
0xc0: {  	s3 =	sand.u32 $0x4000, s31;
	s1 =	sadd.s32 s1, s30  }
0xc1: {  	s0 =	sor.u32 s3, s0;
	s1 =	sshll.u32 s1, $0x11  }
0xc2: {  	s0 =	sor.u32 s1, s0  }
0xc3: {  	s0 =	sadd.s32 $0x8F2B, s0  }
0xc4: {  	[sflag:s0] =	ssyncadd.remote.s32 $0x1  }
0xc5: {  	_ =	sfence.sel $0xFFFF  }
0xc6: {  	[dreg:$0x0] =	wrdreg $0xFFFFFFFF;
	(pc) =	sbr.abs _section_cstart, $3  }
0xc7: {  	[dreg:$0x1] =	wrdreg $0xFFFFFFFF  }
0xc8: {  	_ =	task.clear_ibuf [dreg:s7], $0x2FFFF;
	_ =	strace $0x9FFFFFFF  }
0xc9: {  	(tm) =	ssettm $0x7FFFFFFF  }
tec
execute0_lowered:
.L_overlay_start_1:
0x0: {  	(tag) =	ssettag $0x1  }
0x1: {  	s6 =	rddreg [dreg:$0x0]  }
0x2: {  	s2 =	rddreg [dreg:$0x1]  }
0x3: {  	s3 =	rddreg [dreg:$0x2]  }
0x4: {  	s0 =	rddreg [dreg:$0x3]  }
0x5: {  	s4 =	srdreg.scid;
	s1 =	stileid.u32;
	s13 =	simm.s32 $0x1400  }
0x6: {  	s14 =	simm.s32 $0x2800;
	s15 =	simm.s32 $0x2810;
	s16 =	simm.s32 $0x2A90  }
0x7: {  	s17 =	simm.s32 $0x80;
	s18 =	simm.s32 $0x2890;
	s19 =	simm.s32 $0x3290  }
0x8: {  	s20 =	simm.s32 $0x2910;
	s21 =	simm.s32 $0x3A90;
	s22 =	simm.s32 $0x2990  }
0x9: {  	s23 =	simm.s32 $0x4290;
	s24 =	simm.s32 $0x2A10;
	s25 =	simm.s32 $0x4A90  }
0xa: {  	s5 =	sand.u32 $0x1, s4;
	s7 =	sshll.u32 s1, $0x1;
	s8 =	smul.u32 $0x280, s1  }
0xb: {  	s4 =	simm.s32 $0x0;
	s7 =	sor.u32 s5, s7;
	s9 =	smul.u32 $0x2800, s5  }
0xc: {  	[smem:$0x7FF] =	sst s4;
	s30 =	ssub.s32 $0x2, s5;
	s5 =	sadd.s32 $0x8E00, s6  }
0xd: {  	s7 =	smul.u32 $0x280, s7;
	s31 =	sshrl.u32 s30, $0x1;
	s9 =	sadd.s32 s8, s9  }
0xe: {  	_ =	strace $0x80000050;
	s12 =	ssub.s32 s30, s31;
	s29 =	sshrl.u32 s9, $0x3  }
0xf: {  	s10 =	sadd.s32 s7, s6;
	s7 =	sadd.s32 $0x2A90, s8;
	s11 =	sadd.s32 s29, s6  }
0x10: {  	s6 =	sadd.s32 s8, s3;
	s8 =	sadd.s32 $0x18400, s10;
	s9 =	sadd.s32 $0x1D400, s10  }
0x11: {  	v0 =	vimm.f32 $0.0e+00;
	v1 =	vimm.s32 $0x0;
	v2 =	vimm.f32 $1.000000000e+00;
	s10 =	sadd.s32 $0x4200, s11;
	s11 =	smax.u32 s12, $0x1;
	s12 =	simm.s32 $0x1  }
.LBB2_1:
0x12: {  	s26 =	simm.s32 $0x40;
	s28 =	simm.s32 $0x0  }
.LBB2_2:
0x13: {  	p0 =	sne.s32 s26, $0x9FC0;
	[tilespmem:s28+$0x2A90] =	vst v0;
	s28 =	smov.u32 s26;
	s26 =	sadd.s32 $0x40, s26  }
.Ltmp0:
0x14: {  	(pc) =	sbr.rel @p0 .LBB2_2-.Ltmp0, $2  }
0x15: {  	_ =	sdelay $0x2  }
0x16: {  	s28 =	sshra.s32 s28, $0x2  }
0x17: {  	[tilespmem:s28+$0x2A90] =	vst v0  }
0x18: {  	[spmem:s6] =	stream.linear.scatter [tilespmem:s7], [sflag:$0x1], $0x280, $0x38;
	[tilespmem:$0x5510] =	vst v63  }
0x19: {  	_ =	swait.ge [sflag:s12], $0x280  }
0x1a: {  	[sflag:s12] =	ssyncset.done $0x0  }
0x1b: {  	s26 =	simm.s32 $0x0;
	[sflag:s12] =	ssyncadd.s32 $0xFFFFFD80  }
0x1c: {  	[tilespmem:s26], [sflag:$0x1] =	stream.linear.gather [hbm4b:s8+s26], $0x1400, $0x38;
	[tilespmem:$0x5510] =	vst v63  }
0x1d: {  	_ =	swait.ge [sflag:s12], $0x1400  }
0x1e: {  	[sflag:s12] =	ssyncset.done $0x0  }
0x1f: {  	[sflag:s12] =	ssyncadd.s32 $0xFFFFEC00  }
0x20: {  	[tilespmem:s13], [sflag:$0x1] =	stream.linear.gather [hbm4b:s9+s26], $0x1400, $0x38;
	[tilespmem:$0x5510] =	vst v63  }
0x21: {  	_ =	swait.ge [sflag:s12], $0x1400  }
0x22: {  	[sflag:s12] =	ssyncset.done $0x0  }
0x23: {  	[sflag:s12] =	ssyncadd.s32 $0xFFFFEC00  }
0x24: {  	[tilespmem:s14], [sflag:$0x1] =	stream.linear.gather [hbm4b:s2+s26], $0x10, $0x38;
	[tilespmem:$0x5510] =	vst v63  }
0x25: {  	_ =	swait.ge [sflag:s12], $0x10  }
0x26: {  	[sflag:s12] =	ssyncset.done $0x0  }
0x27: {  	[sflag:s12] =	ssyncadd.s32 $0xFFFFFFF0  }
0x28: {  	[tilespmem:s15], [sflag:$0x1] =	stream.linear.gather [hbm4b:s5+s26], $0x280, $0x38;
	[tilespmem:$0x5510] =	vst v63  }
0x29: {  	_ =	swait.ge [sflag:s12], $0x280  }
0x2a: {  	[sflag:s12] =	ssyncset.done $0x0  }
0x2b: {  	[sflag:s12] =	ssyncadd.s32 $0xFFFFFD80  }
0x2c: {  	[bflag:$0x0] =	sbarrier.arrive $0xFFFF  }
0x2d: {  	s28 =	simm.s32 $0x0;
	s26 =	simm.s32 $0x40;
	v3 =	vld [tilespmem:$0x2800]  }
.LBB2_4:
0x2e: {  	p0 =	sne.s32 s26, $0x4FC0;
	v4 =	vld [tilespmem:s28+$0x1400];
	_ =	sdelay $0x4  }
0x2f: {  	v5 =	vshra.s32 v4, $0x1F  }
0x30: {  	v5 =	vshrl.u32 v5, $0x1C  }
0x31: {  	v5 =	vadd.s32 v5, v4  }
0x32: {  	v5 =	vshra.s32 v5, $0x4  }
0x33: {  	v6 =	vld [tilespmem:s28+$0x0];
	v7 =	vshll.u32 v5, $0x4  }
0x34: {  	vm0 =	vlt.s32 v4, $0x1;
	vm1 =	vne.s32 v4, v7  }
0x35: {  	vm0 =	vmand vm0, vm1  }
0x36: {  	v7 =	vsel vm0, $0xFFFFFFFF, v1  }
0x37: {  	v5 =	vadd.s32 v7, v5  }
0x38: {  	v4 =	vand.u32 $0xF, v4;
	vm0 =	veq.s32 v6, v3;
	v5 =	vshll.u32 v5, $0x4  }
0x39: {  	v4 =	vor.u32 v4, v5  }
.Ltmp1:
0x3a: {  	(pc) =	sbr.rel @p0 .LBB2_4-.Ltmp1, $2  }
0x3b: {  	_ =	sdelay $0x2  }
0x3c: {  	s28 =	sshra.s32 s26, $0x2;
	s26 =	sadd.s32 $0x40, s26;
	[tilespmem:v4+s16+$0x0] =	vst.idx.msk vm0, v2  }
0x3d: {  	v4 =	vld [tilespmem:s28+$0x1400];
	_ =	sdelay $0x4  }
0x3e: {  	v5 =	vshra.s32 v4, $0x1F  }
0x3f: {  	v5 =	vshrl.u32 v5, $0x1C  }
0x40: {  	v5 =	vadd.s32 v5, v4  }
0x41: {  	v5 =	vshra.s32 v5, $0x4  }
0x42: {  	v6 =	vld [tilespmem:s28+$0x0];
	v7 =	vshll.u32 v5, $0x4  }
0x43: {  	vm0 =	vlt.s32 v4, $0x1;
	vm1 =	vne.s32 v4, v7  }
0x44: {  	vm0 =	vmand vm0, vm1  }
0x45: {  	v63 =	vsel vm0, $0xFFFFFFFF, v1  }
0x46: {  	v5 =	vadd.s32 v63, v5  }
0x47: {  	vm15 =	veq.s32 v6, v3;
	v4 =	vand.u32 $0xF, v4;
	v3 =	vshll.u32 v5, $0x4  }
0x48: {  	v3 =	vor.u32 v4, v3;
	_ =	sdelay $0x4  }
0x49: {  	[tilespmem:v3+s16+$0x0] =	vst.idx.msk vm15, v2  }
0x4a: {  	[bflag:$0x0] =	sbarrier.arrive $0xFFFF  }
0x4b: {  	[spmem:s3] =	stream.indirect.scatter.add.f32 [tilespmem:s16], [sflag:$0x1], $0x10, s15, s17, $0xb8;
	[tilespmem:$0x5510] =	vst v63  }
0x4c: {  	_ =	swait.ge [sflag:s12], $0x800  }
0x4d: {  	[sflag:s12] =	ssyncset.done $0x0  }
0x4e: {  	[sflag:s12] =	ssyncadd.s32 $0xFFFFF800  }
0x4f: {  	[spmem:s3] =	stream.indirect.scatter.add.f32 [tilespmem:s19], [sflag:$0x1], $0x10, s18, s17, $0xb8;
	[tilespmem:$0x5510] =	vst v63  }
0x50: {  	_ =	swait.ge [sflag:s12], $0x800  }
0x51: {  	[sflag:s12] =	ssyncset.done $0x0  }
0x52: {  	[sflag:s12] =	ssyncadd.s32 $0xFFFFF800  }
0x53: {  	[spmem:s3] =	stream.indirect.scatter.add.f32 [tilespmem:s21], [sflag:$0x1], $0x10, s20, s17, $0xb8;
	[tilespmem:$0x5510] =	vst v63  }
0x54: {  	_ =	swait.ge [sflag:s12], $0x800  }
0x55: {  	[sflag:s12] =	ssyncset.done $0x0  }
0x56: {  	[sflag:s12] =	ssyncadd.s32 $0xFFFFF800  }
0x57: {  	[spmem:s3] =	stream.indirect.scatter.add.f32 [tilespmem:s23], [sflag:$0x1], $0x10, s22, s17, $0xb8;
	[tilespmem:$0x5510] =	vst v63  }
0x58: {  	_ =	swait.ge [sflag:s12], $0x800  }
0x59: {  	[sflag:s12] =	ssyncset.done $0x0  }
0x5a: {  	[sflag:s12] =	ssyncadd.s32 $0xFFFFF800  }
0x5b: {  	[spmem:s3] =	stream.indirect.scatter.add.f32 [tilespmem:s25], [sflag:$0x1], $0x10, s24, s17, $0xb8;
	[tilespmem:$0x5510] =	vst v63  }
0x5c: {  	_ =	swait.ge [sflag:s12], $0x800  }
0x5d: {  	s26 =	sshll.u32 s1, $0x6;
	s4 =	sadd.s32 $0x1, s4;
	[sflag:s12] =	ssyncset.done $0x0  }
0x5e: {  	s31 =	sshrl.u32 s6, $0x3;
	p0 =	sne.s32 s4, s11;
	[sflag:s12] =	ssyncadd.s32 $0xFFFFF800  }
.Ltmp2:
0x5f: {  	s26 =	sor.u32 $0x1C01, s26;
	[bflag:$0x0] =	sbarrier.arrive $0xFFFF;
	(pc) =	sbr.rel @p0 .LBB2_1-.Ltmp2, $4  }
0x60: {  	[hbm:s10], [sflag:s26] =	dma.local [spmem:s31], $0x50  }
0x61: {  	_ =	swait.ge [sflag:s12], $0x50  }
0x62: {  	[sflag:s12] =	ssyncset.done $0x0  }
0x63: {  	[sflag:s12] =	ssyncadd.s32 $0xFFFFFFB0  }
0x64: {  	_ =	sfence.sel $0x180000  }
0x65: {  	[bflag:$0x0] =	sbarrier.arrive $0xFFFF  }
0x66: {  	p0 =	sne.s32 s1, $0x0;
	_ =	strace $0x90000050  }
0x67: {  	s0 =	sadd.s32 @!p0 $0x100000, s0;
	[bflag:$0x2] =	sbarrier.arrive $0xFFFF  }
0x68: {  	[sflag:s0] =	ssyncadd.tile.s32 @!p0 $0x1;
	_ =	shalt  }
.Lfunc_end2:
_tile_overlayer_lowered:
.L_overlay_start_2:
0x69: {  	(tag) =	ssettag $0x2  }
0x6a: {  	s0 =	rddreg [dreg:$0x0];
	s2 =	stileid.u32  }
0x6b: {  	s1 =	rddreg [dreg:$0x1];
	p0 =	sne.s32 s2, $0x0  }
0x6c: {  	s3 =	rddreg [dreg:$0x2];
	[bflag:$0x3] =	sbarrier.arrive $0xFFFF;
	s2 =	simm.s32 @!p0 $0x1C01  }
0x6d: {  	[timem:s3], [sflag:s2] =	dma.local @!p0 [hbm:s0], s1  }
0x6e: {  	s0 =	simm.s32 @!p0 $0x1  }
0x6f: {  	_ =	swait.ge @!p0 [sflag:s0], s1  }
0x70: {  	s1 =	ssub.s32 @!p0 $0x0, s1;
	[sflag:s0] =	ssyncset.done @!p0 $0x0  }
0x71: {  	[sflag:s0] =	ssyncadd.s32 @!p0 s1  }
0x72: {  	[bflag:$0x3] =	sbarrier.arrive $0xFFFF  }
0x73: {  	_ =	shalt  }

// kernel: kernel.9.cloned.1.call-start
scs
__scs_entry_jumppad:
0x0: {  	(pc) =	sbr.rel $0x88, $3  }
0x1: {  	(tag) =	ssettag $0x0;
	lr =	simm.s32 $0x1  }
0x2: {  	[smem:$0x3F97] =	sst lr;
	_ =	strace $0xD0000000  }
0x3: {  	_ = 	snop  }
0x4: {  	_ = 	snop  }
0x5: {  	_ = 	snop  }
0x6: {  	_ = 	snop  }
0x7: {  	_ = 	snop  }
__scs_overlays_trampoline_lowered:
0x8: {  	[smem:$0x3FA6] =	sst s0  }
0x9: {  	[smem:$0x3FA7] =	sst s1  }
0xa: {  	[smem:$0x3FA8] =	sst s2  }
0xb: {  	[smem:$0x3FA9] =	sst s3  }
0xc: {  	[smem:$0x3FAA] =	sst s4  }
0xd: {  	[smem:$0x3FAB] =	sst s5  }
0xe: {  	[smem:$0x3FAC] =	sst s6  }
0xf: {  	[smem:$0x3FAD] =	sst s7  }
0x10: {  	[smem:$0x3FAE] =	sst s8  }
0x11: {  	[smem:$0x3FAF] =	sst s9;
	s0 =	simm.s32 @!p0 $0x0  }
0x12: {  	s1 =	sld [smem:$0x3F95];
	s0 =	simm.s32 @p0 $0x1  }
0x13: {  	[smem:$0x3FB0] =	sst s0;
	s0 =	simm.s32 @!p1 $0x0  }
0x14: {  	s2 =	sld [smem:$0x3F94];
	s0 =	simm.s32 @p1 $0x1  }
0x15: {  	[smem:$0x3FB1] =	sst s0;
	s0 =	simm.s32 @!p2 $0x0  }
0x16: {  	s3 =	sld [smem:$0x3FDB];
	s0 =	simm.s32 @p2 $0x1  }
0x17: {  	s4 =	simm.s32 $0x1BF5;
	[smem:$0x3FB3] =	sst s0  }
0x18: {  	s0 =	sld [smem:$0x3F96];
	_ =	swait.ge [sflag:s4], $0x0  }
0x19: {  	s7 =	sld [smem:$0x3F97]  }
0x1a: {  	s8 =	sadd.s32 $0xFFFFE003, lr  }
0x1b: {  	s9 =	sadd.s32 $0xFFFFFEF7, lr;
	s5 =	simm.s32 $0xFFFFFFFF;
	p2 =	slt.u32 s8, $0xFFFFF086  }
0x1c: {  	p1 =	slt.u32 s9, $0xF7A;
	s5 =	simm.s32 @!p2 $0x0  }
0x1d: {  	s5 =	simm.s32 @p1 $0x1;
	p0 =	seq.s32 s7, s2  }
0x1e: {  	s7 =	smul.u32 @!p0 $0xF7A, s2;
	p2 =	seq.s32 @!p0 s5, $0x0  }
0x1f: {  	s9 =	smul.u32 $0xF7A, s1;
	s8 =	simm.s32 @!p0 $0x1BF5;
	p2 =	por !p2, p0  }
0x20: {  	[sflag:s8] =	ssyncset.s32 @!p0 $0xFFFFF086;
	s6 =	sadd.s32 @!p0 s3, s7;
	s7 =	simm.s32 @!p0 $0x108  }
0x21: {  	s3 =	sadd.s32 s3, s9;
	s6 =	sadd.s32 @!p0 $0x88, s6;
	s7 =	simm.s32 @p2 $0x1082  }
0x22: {  	[simem:s7], [sflag:s8] =	dma.local @!p0 [hbm:s6], $0xF7A  }
0x23: {  	s9 =	sor.u32 $0xD0000000, s2;
	s6 =	simm.s32 $0x108;
	_ =	swait.ge @!p0 [sflag:s8], $0x0  }
0x24: {  	s3 =	sadd.s32 $0x88, s3;
	s6 =	simm.s32 @!p1 $0x1082;
	[sflag:s4] =	ssyncset.s32 $0xFFFFF086  }
0x25: {  	[simem:s6], [sflag:s4] =	dma.local [hbm:s3], $0xF7A  }
0x26: {  	[smem:$0x3F97] =	sst s1;
	(tag) =	ssettag s2;
	_ =	strace s9  }
0x27: {  	s1 =	sld [smem:$0x3FA7]  }
0x28: {  	s2 =	sld [smem:$0x3FA8]  }
0x29: {  	s4 =	sld [smem:$0x3FAA]  }
0x2a: {  	p0 =	seq.s32 s5, $0x0;
	s5 =	sld [smem:$0x3FAB]  }
0x2b: {  	s6 =	sld [smem:$0x3FAC]  }
0x2c: {  	s7 =	sld [smem:$0x3FAD]  }
0x2d: {  	s3 =	simm.s32 $0x108;
	s8 =	sld [smem:$0x3FAE]  }
0x2e: {  	s3 =	simm.s32 @!p0 $0x1082;
	s9 =	sld [smem:$0x3FAF]  }
0x2f: {  	lr =	sadd.s32 s0, s3;
	s0 =	sld [smem:$0x3FA6]  }
0x30: {  	s3 =	sld [smem:$0x3FA9]  }
0x31: {  	[smem:$0x3FB2] =	sst s10  }
0x32: {  	s10 =	sld [smem:$0x3FB0];
	_ =	sdelay $0x3  }
0x33: {  	p0 =	seq.s32 s10, $0x1;
	s10 =	sld [smem:$0x3FB2];
	_ =	sdelay $0x3  }
0x34: {  	[smem:$0x3FB2] =	sst s10  }
0x35: {  	s10 =	sld [smem:$0x3FB1];
	_ =	sdelay $0x3  }
0x36: {  	p1 =	seq.s32 s10, $0x1;
	s10 =	sld [smem:$0x3FB2];
	_ =	sdelay $0x3  }
0x37: {  	[smem:$0x3FB2] =	sst s10  }
0x38: {  	s10 =	sld [smem:$0x3FB3]  }
0x39: {  	_ = 	snop;
	(pc) =	sbr.ind lr, $3  }
0x3a: {  	_ = 	snop  }
0x3b: {  	_ = 	snop  }
0x3c: {  	p2 =	seq.s32 s10, $0x1;
	s10 =	sld [smem:$0x3FB2]  }
0x3d: {  	_ =	shalt  }
0x3e: {  	_ =	shalt  }
0x3f: {  	_ =	shalt  }
0x40: {  	_ =	shalt  }
0x41: {  	_ =	shalt  }
0x42: {  	_ =	shalt  }
0x43: {  	_ =	shalt  }
0x44: {  	_ =	shalt  }
0x45: {  	_ =	shalt  }
0x46: {  	_ =	shalt  }
0x47: {  	_ =	shalt  }
0x48: {  	_ =	shalt  }
0x49: {  	_ =	shalt  }
0x4a: {  	_ =	shalt  }
0x4b: {  	_ =	shalt  }
0x4c: {  	_ =	shalt  }
0x4d: {  	_ =	shalt  }
0x4e: {  	_ =	shalt  }
0x4f: {  	_ =	shalt  }
0x50: {  	_ =	shalt  }
0x51: {  	_ =	shalt  }
0x52: {  	_ =	shalt  }
0x53: {  	_ =	shalt  }
0x54: {  	_ =	shalt  }
0x55: {  	_ =	shalt  }
0x56: {  	_ =	shalt  }
0x57: {  	_ =	shalt  }
0x58: {  	_ =	shalt  }
0x59: {  	_ =	shalt  }
0x5a: {  	_ =	shalt  }
0x5b: {  	_ =	shalt  }
0x5c: {  	_ =	shalt  }
0x5d: {  	_ =	shalt  }
0x5e: {  	_ =	shalt  }
0x5f: {  	_ =	shalt  }
0x60: {  	_ =	shalt  }
0x61: {  	_ =	shalt  }
0x62: {  	_ =	shalt  }
0x63: {  	_ =	shalt  }
0x64: {  	_ =	shalt  }
0x65: {  	_ =	shalt  }
0x66: {  	_ =	shalt  }
0x67: {  	_ =	shalt  }
0x68: {  	_ =	shalt  }
0x69: {  	_ =	shalt  }
0x6a: {  	_ =	shalt  }
0x6b: {  	_ =	shalt  }
0x6c: {  	_ =	shalt  }
0x6d: {  	_ =	shalt  }
0x6e: {  	_ =	shalt  }
0x6f: {  	_ =	shalt  }
0x70: {  	_ =	shalt  }
0x71: {  	_ =	shalt  }
0x72: {  	_ =	shalt  }
0x73: {  	_ =	shalt  }
0x74: {  	_ =	shalt  }
0x75: {  	_ =	shalt  }
0x76: {  	_ =	shalt  }
0x77: {  	_ =	shalt  }
0x78: {  	_ =	shalt  }
0x79: {  	_ =	shalt  }
0x7a: {  	_ =	shalt  }
0x7b: {  	_ =	shalt  }
0x7c: {  	_ =	shalt  }
0x7d: {  	_ =	shalt  }
0x7e: {  	_ =	shalt  }
0x7f: {  	_ =	shalt  }
0x80: {  	_ =	shalt  }
0x81: {  	_ =	shalt  }
0x82: {  	_ =	shalt  }
0x83: {  	_ =	shalt  }
0x84: {  	_ =	shalt  }
0x85: {  	_ =	shalt  }
0x86: {  	_ =	shalt  }
0x87: {  	_ =	shalt  }
.Lfunc_end0:
.L_simem_size_0:
called_computation_lowered:
.L_overlay_start_0:
0x88: {  	s2 =	sld [smem:$0x3FD9]  }
0x89: {  	s3 =	sld [smem:$0x3FFE];
	_ =	sdelay $0x1  }
0x8a: {  	s1 =	srdreg.scid  }
0x8b: {  	s0 =	sand.u32 $0x1, s1  }
0x8c: {  	s16 =	sshll.u32 s0, $0xA;
	s2 =	sadd.s32 s3, s2  }
0x8d: {  	s2 =	sadd.s32 s2, s16  }
0x8e: {  	[smem:$0x3FBE] =	sst s2  }
0x8f: {  	_ = 	snop  }
0x90: {  	(tm) =	ssettm $0x1  }
0x91: {  	s17 =	sld [smem:$0x3FFB];
	_ =	sdelay $0x3  }
0x92: {  	_ =	strace s17  }
0x93: {  	s2 =	sld [smem:$0x3FFC];
	_ =	sdelay $0x3  }
0x94: {  	_ =	strace s2  }
0x95: {  	s2 =	sld [smem:$0x3FFD];
	_ =	sdelay $0x3  }
0x96: {  	_ =	strace s2  }
0x97: {  	_ =	strace $0x8FFFFFFF  }
0x98: {  	s18 =	sld [smem:$0x3FDB];
	_ =	sdelay $0x1  }
0x99: {  	s19 =	simm.s32 $_scs_section_size  }
0x9a: {  	s4 =	simm.s32 $_size__tile_overlayer_lowered;
	s5 =	simm.s32 $_tile_overlayer_lowered  }
0x9b: {  	s22 =	simm.s32 $0x1BFF;
	s21 =	sshll.u32 s5, $0x1;
	s2 =	sadd.s32 s19, s18  }
0x9c: {  	s6 =	simm.s32 $0x0;
	s20 =	sshll.u32 s4, $0x1;
	s4 =	sadd.s32 s21, s2  }
0x9d: {  	[timem:s6], [sflag:s22] =	dma.local [hbm:s4], s20  }
0x9e: {  	_ =	swait.ge [sflag:s22], s20  }
0x9f: {  	s3 =	ssub.s32 $0x0, s20;
	[sflag:s22] =	ssyncset.done $0x0  }
0xa0: {  	[sflag:s22] =	ssyncadd.s32 s3;
	_ =	sdelay $0x1  }
0xa1: {  	s23 =	simm.s32 $0x1B8B  }
0xa2: {  	_ =	swait.ge [sflag:s23], $0x1  }
0xa3: {  	[sflag:s23] =	ssyncset.done $0x0  }
0xa4: {  	s25 =	simm.s32 $0x1B8E;
	s24 =	sld [smem:$0x3FFE];
	[sflag:s23] =	ssyncadd.s32 $0xFFFFFFFF  }
0xa5: {  	s26 =	simm.s32 $execute0_lowered;
	[smem:$0x3FD2] =	sst s25  }
0xa6: {  	s4 =	sshll.u32 s26, $0x1;
	_ =	strace $0x80000046;
	[dreg:$0x1] =	wrdreg $0xFFFFFFFF  }
0xa7: {  	s28 =	simm.s32 $_size_execute0_lowered;
	s2 =	sadd.s32 s2, s4;
	[dreg:$0x0] =	wrdreg $0x0  }
0xa8: {  	s4 =	sshll.u32 s28, $0x1;
	[dreg:$0x2] =	wrdreg s2  }
0xa9: {  	[dreg:$0x3] =	wrdreg s4  }
0xaa: {  	[dreg:$0x4] =	wrdreg $0xC0  }
0xab: {  	_ =	task [dreg:s6], $0x5FFFF  }
0xac: {  	[dreg:$0x1] =	wrdreg $0xFFFFFFFF  }
0xad: {  	[dreg:$0x0] =	wrdreg $0x60  }
0xae: {  	[dreg:$0x2] =	wrdreg s24  }
0xaf: {  	[dreg:$0x3] =	wrdreg $0xC2800  }
0xb0: {  	[dreg:$0x4] =	wrdreg $0x112800  }
0xb1: {  	[dreg:$0x5] =	wrdreg $0x160C00  }
0xb2: {  	[dreg:$0x6] =	wrdreg $0x9  }
0xb3: {  	_ =	task.clear_ibuf [dreg:s6], $0x7FFFF;
	_ =	strace $0x90000046  }
0xb4: {  	s29 =	simm.s32 $0x9;
	_ =	strace $0x80000048  }
0xb5: {  	_ =	swait.ge [sflag:s29], $0x1  }
0xb6: {  	[sflag:s29] =	ssyncadd.s32 $0xFFFFFFFF  }
0xb7: {  	_ =	strace $0x90000048  }
0xb8: {  	_ =	sfence  }
0xb9: {  	s30 =	sld [smem:$0x0];
	_ =	sdelay $0x2  }
0xba: {  	s31 =	sshll.u32 s1, $0xD;
	s1 =	sshrl.u32 s1, $0x2  }
0xbb: {  	s3 =	sand.u32 $0x4000, s31;
	s1 =	sadd.s32 s1, s30  }
0xbc: {  	s0 =	sor.u32 s3, s0;
	s1 =	sshll.u32 s1, $0x11  }
0xbd: {  	s0 =	sor.u32 s1, s0  }
0xbe: {  	s0 =	sadd.s32 $0x8F2B, s0  }
0xbf: {  	[sflag:s0] =	ssyncadd.remote.s32 $0x1  }
0xc0: {  	_ =	sfence.sel $0xFFFF  }
0xc1: {  	[dreg:$0x0] =	wrdreg $0xFFFFFFFF;
	(pc) =	sbr.abs _section_cstart, $3  }
0xc2: {  	[dreg:$0x1] =	wrdreg $0xFFFFFFFF  }
0xc3: {  	_ =	task.clear_ibuf [dreg:s6], $0x2FFFF;
	_ =	strace $0x9FFFFFFF  }
0xc4: {  	(tm) =	ssettm $0x7FFFFFFF  }
0xc5: {  	_ =	shalt  }
tec
execute0_lowered:
.L_overlay_start_1:
0x0: {  	(tag) =	ssettag $0x1  }
0x1: {  	s17 =	stileid.u32  }
0x2: {  	s6 =	smul.u32 $0x500, s17  }
0x3: {  	s0 =	rddreg [dreg:$0x0];
	s7 =	smul.u32 $0x50, s17  }
0x4: {  	s2 =	srdreg.scid;
	s10 =	smul.u32 $0x4E20, s17  }
0x5: {  	s1 =	rddreg [dreg:$0x1];
	s11 =	smul.u32 $0x2710, s17  }
0x6: {  	s3 =	rddreg [dreg:$0x2];
	s12 =	smul.u32 $0x272, s17  }
0x7: {  	s4 =	rddreg [dreg:$0x3];
	s9 =	simm.s32 $0x0;
	s15 =	smul.u32 $0x13900, s17  }
0x8: {  	s2 =	sand.u32 $0x1, s2;
	[smem:$0x7FF] =	sst s9;
	s16 =	smul.u32 $0x9C80, s17  }
0x9: {  	s24 =	sadd.s32 $0x22400, s0;
	s25 =	sadd.s32 $0x22600, s0;
	s5 =	smul.u32 $0xA000, s2  }
0xa: {  	s8 =	smul.u32 $0x4E200, s2;
	_ =	strace $0x80000047;
	[dreg:$0x5] =	wrdreg s24  }
0xb: {  	[dreg:$0x6] =	wrdreg s25;
	s26 =	ssub.s32 $0x2, s2;
	p0 =	sne.s32 s2, $0x0  }
0xc: {  	s6 =	sadd.s32 s6, s0;
	s7 =	sadd.s32 s7, s0;
	s13 =	sshrl.u32 s11, $0x3  }
0xd: {  	s14 =	sshrl.u32 s26, $0x1;
	s19 =	sadd.s32 $0x100, s12;
	s21 =	sadd.s32 $0x180, s12  }
0xe: {  	s23 =	sadd.s32 $0x200, s12;
	s25 =	sshrl.u32 s16, $0x2;
	s5 =	sadd.s32 s5, s0  }
0xf: {  	s8 =	sadd.s32 s10, s8;
	s7 =	sadd.s32 $0x3E00, s7;
	s20 =	sshll.u32 s19, $0x5  }
0x10: {  	s22 =	sshll.u32 s21, $0x5;
	s24 =	sshll.u32 s23, $0x5;
	s16 =	sshll.u32 s21, $0x4  }
0x11: {  	s21 =	sadd.s32 $0x1D400, s6;
	s8 =	sshrl.u32 s8, $0x3;
	[dreg:$0x7] =	wrdreg s7  }
0x12: {  	s9 =	sadd.s32 $0x4400, s5;
	s2 =	sadd.s32 s24, s3;
	[dreg:$0x13] =	wrdreg s21  }
0x13: {  	s24 =	sadd.s32 s10, s3;
	s10 =	simm.s32 $0xA280;
	s21 =	simm.s32 $0x4F80  }
0x14: {  	s8 =	sadd.s32 s8, s0;
	s0 =	sadd.s32 s13, s0;
	s13 =	ssub.s32 s26, s14  }
0x15: {  	s14 =	sshrl.u32 s15, $0x2;
	s15 =	sadd.s32 $0x80, s12;
	[dreg:$0xc] =	wrdreg s2  }
0x16: {  	s26 =	sadd.s32 s25, s4;
	s5 =	sadd.s32 s14, s3;
	s18 =	sshll.u32 s15, $0x5  }
0x17: {  	s7 =	sshll.u32 s15, $0x4;
	[dreg:$0xd] =	wrdreg s26;
	s14 =	sshll.u32 s19, $0x4  }
0x18: {  	s0 =	sadd.s32 $0x36200, s0;
	s25 =	smax.u32 s13, $0x1;
	[dreg:$0x8] =	wrdreg s5  }
0x19: {  	s26 =	sshrl.u32 s24, $0x3;
	s13 =	simm.s32 $0x6000;
	[dreg:$0x15] =	wrdreg s0  }
0x1a: {  	s15 =	simm.s32 $0x8000;
	s5 =	sadd.s32 s18, s3;
	[dreg:$0x16] =	wrdreg s25  }
0x1b: {  	s12 =	sadd.s32 s7, s4;
	s2 =	sadd.s32 s14, s4;
	[dreg:$0x17] =	wrdreg s26  }
0x1c: {  	s18 =	sadd.s32 s16, s4;
	s0 =	sadd.s32 s11, s4;
	[dreg:$0x9] =	wrdreg s5  }
0x1d: {  	s7 =	simm.s32 $0x9280;
	s11 =	simm.s32 $0xB280;
	[dreg:$0xe] =	wrdreg s12  }
0x1e: {  	s14 =	simm.s32 $0x7000;
	s16 =	simm.s32 $0xBA80;
	[dreg:$0xf] =	wrdreg s2  }
0x1f: {  	s5 =	sadd.s32 s20, s3;
	[dreg:$0x10] =	wrdreg s18;
	s20 =	sadd.s32 $0x18400, s6  }
0x20: {  	s28 =	sshrl.u32 @!p0 s0, $0x3;
	s0 =	simm.s32 $0x4;
	s6 =	simm.s32 $0x80  }
0x21: {  	s12 =	simm.s32 $0x5000;
	s18 =	simm.s32 $0x4E00;
	[dreg:$0xa] =	wrdreg s5  }
0x22: {  	s5 =	sadd.s32 s22, s3;
	[dreg:$0x12] =	wrdreg s20;
	s22 =	smul.u32 $0x14000, s17  }
0x23: {  	s17 =	simm.s32 $0x2;
	s20 =	simm.s32 $0x4F00;
	[dreg:$0xb] =	wrdreg s5  }
0x24: {  	s5 =	sshll.u32 s23, $0x4;
	s23 =	sadd.s32 $0x22800, s8;
	s8 =	simm.s32 $0x1  }
0x25: {  	s19 =	sadd.s32 s5, s4;
	[dreg:$0x14] =	wrdreg s23;
	s2 =	sshrl.u32 s22, $0x2  }
0x26: {  	s22 =	simm.s32 $0x3;
	s23 =	simm.s32 $0x0;
	s25 =	sadd.s32 s2, s1  }
0x27: {  	[dreg:$0x11] =	wrdreg s19;
	s19 =	simm.s32 $0x4E80;
	s29 =	sadd.s32 $0x1000, s25  }
0x28: {  	v0 =	vimm.f32 $1.000000000e+00;
	s30 =	sadd.s32 $0x2000, s25;
	s31 =	sadd.s32 $0x3000, s25;
	s2 =	sadd.s32 $0x4000, s25  }
.LBB2_1:
0x29: {  	s5 =	simm.s32 $0x0;
	s24 =	rddreg [dreg:$0x7];
	s26 =	simm.s32 $0x9000  }
0x2a: {  	[tilespmem:s26], [sflag:$0x4] =	stream.linear.gather [hbm4b:s24+s5], $0x280, $0x38;
	[tilespmem:$0x187E0] =	vst v63  }
0x2b: {  	_ =	swait.ge [sflag:s0], $0x280  }
0x2c: {  	[sflag:s0] =	ssyncset.done $0x0  }
0x2d: {  	[sflag:s0] =	ssyncadd.s32 $0xFFFFFD80  }
0x2e: {  	[tilespmem:s7], [sflag:$0x1] =	stream.indirect.gather [hbm4b:s9+s6], $0x20, s26, s6, $0xb8;
	[tilespmem:$0x187E0] =	vst v63  }
0x2f: {  	_ =	swait.ge [sflag:s8], $0x1000  }
0x30: {  	[sflag:s8] =	ssyncset.done $0x0  }
0x31: {  	[sflag:s8] =	ssyncadd.s32 $0xFFFFF000  }
0x32: {  	[spmem:s25] =	stream.linear.scatter [tilespmem:s7], [sflag:$0x4], $0x1000, $0x38;
	[tilespmem:$0x187E0] =	vst v63  }
0x33: {  	_ =	swait.ge [sflag:s0], $0x1000  }
0x34: {  	[sflag:s0] =	ssyncset.done $0x0  }
0x35: {  	s24 =	simm.s32 $0x9080;
	[sflag:s0] =	ssyncadd.s32 $0xFFFFF000  }
0x36: {  	[tilespmem:s7], [sflag:$0x1] =	stream.indirect.gather [hbm4b:s9+s6], $0x20, s24, s6, $0xb8;
	[tilespmem:$0x187E0] =	vst v63  }
0x37: {  	_ =	swait.ge [sflag:s8], $0x1000  }
0x38: {  	[sflag:s8] =	ssyncset.done $0x0  }
0x39: {  	[sflag:s8] =	ssyncadd.s32 $0xFFFFF000  }
0x3a: {  	[spmem:s29] =	stream.linear.scatter [tilespmem:s7], [sflag:$0x4], $0x1000, $0x38;
	[tilespmem:$0x187E0] =	vst v63  }
0x3b: {  	_ =	swait.ge [sflag:s0], $0x1000  }
0x3c: {  	[sflag:s0] =	ssyncset.done $0x0  }
0x3d: {  	s26 =	simm.s32 $0x9100;
	[sflag:s0] =	ssyncadd.s32 $0xFFFFF000  }
0x3e: {  	[tilespmem:s7], [sflag:$0x1] =	stream.indirect.gather [hbm4b:s9+s6], $0x20, s26, s6, $0xb8;
	[tilespmem:$0x187E0] =	vst v63  }
0x3f: {  	_ =	swait.ge [sflag:s8], $0x1000  }
0x40: {  	[sflag:s8] =	ssyncset.done $0x0  }
0x41: {  	[sflag:s8] =	ssyncadd.s32 $0xFFFFF000  }
0x42: {  	[spmem:s30] =	stream.linear.scatter [tilespmem:s7], [sflag:$0x4], $0x1000, $0x38;
	[tilespmem:$0x187E0] =	vst v63  }
0x43: {  	_ =	swait.ge [sflag:s0], $0x1000  }
0x44: {  	[sflag:s0] =	ssyncset.done $0x0  }
0x45: {  	s24 =	simm.s32 $0x9180;
	[sflag:s0] =	ssyncadd.s32 $0xFFFFF000  }
0x46: {  	[tilespmem:s7], [sflag:$0x1] =	stream.indirect.gather [hbm4b:s9+s6], $0x20, s24, s6, $0xb8;
	[tilespmem:$0x187E0] =	vst v63  }
0x47: {  	_ =	swait.ge [sflag:s8], $0x1000  }
0x48: {  	[sflag:s8] =	ssyncset.done $0x0  }
0x49: {  	[sflag:s8] =	ssyncadd.s32 $0xFFFFF000  }
0x4a: {  	[spmem:s31] =	stream.linear.scatter [tilespmem:s7], [sflag:$0x4], $0x1000, $0x38;
	[tilespmem:$0x187E0] =	vst v63  }
0x4b: {  	_ =	swait.ge [sflag:s0], $0x1000  }
0x4c: {  	[sflag:s0] =	ssyncset.done $0x0  }
0x4d: {  	s26 =	simm.s32 $0x9200;
	[sflag:s0] =	ssyncadd.s32 $0xFFFFF000  }
0x4e: {  	[tilespmem:s7], [sflag:$0x1] =	stream.indirect.gather [hbm4b:s9+s6], $0x20, s26, s6, $0xb8;
	[tilespmem:$0x187E0] =	vst v63  }
0x4f: {  	_ =	swait.ge [sflag:s8], $0x1000  }
0x50: {  	[sflag:s8] =	ssyncset.done $0x0  }
0x51: {  	[sflag:s8] =	ssyncadd.s32 $0xFFFFF000  }
0x52: {  	[spmem:s2] =	stream.linear.scatter [tilespmem:s7], [sflag:$0x4], $0x1000, $0x38;
	[tilespmem:$0x187E0] =	vst v63  }
0x53: {  	_ =	swait.ge [sflag:s0], $0x1000  }
0x54: {  	[sflag:s0] =	ssyncset.done $0x0  }
0x55: {  	s24 =	simm.s32 $0x40;
	s26 =	simm.s32 $0x0;
	[sflag:s0] =	ssyncadd.s32 $0xFFFFF000  }
.LBB2_2:
0x56: {  	p1 =	sne.s32 s24, $0x1FC0;
	[tilespmem:s26+$0xBA80] =	vst v0;
	s26 =	smov.u32 s24;
	s24 =	sadd.s32 $0x40, s24  }
.Ltmp0:
0x57: {  	(pc) =	sbr.rel @p1 .LBB2_2-.Ltmp0, $2  }
0x58: {  	_ =	sdelay $0x2  }
0x59: {  	s26 =	sshra.s32 s26, $0x2  }
0x5a: {  	[tilespmem:s26+$0xBA80] =	vst v0;
	s24 =	simm.s32 $0x0;
	s5 =	rddreg [dreg:$0x5]  }
0x5b: {  	[tilespmem:s10], [sflag:$0x4] =	stream.linear.gather [hbm4b:s5+s24], $0x1000, $0x38;
	[tilespmem:$0x187E0] =	vst v63  }
0x5c: {  	_ =	swait.ge [sflag:s0], $0x1000  }
0x5d: {  	[sflag:s0] =	ssyncset.done $0x0  }
0x5e: {  	s26 =	rddreg [dreg:$0x8];
	[sflag:s0] =	ssyncadd.s32 $0xFFFFF000  }
0x5f: {  	[spmem:s26] =	stream.linear.scatter [tilespmem:s10], [sflag:$0x4], $0x1000, $0x38;
	[tilespmem:$0x187E0] =	vst v63  }
0x60: {  	_ =	swait.ge [sflag:s0], $0x1000  }
0x61: {  	[sflag:s0] =	ssyncset.done $0x0  }
0x62: {  	s26 =	rddreg [dreg:$0x9];
	[sflag:s0] =	ssyncadd.s32 $0xFFFFF000  }
0x63: {  	[spmem:s26] =	stream.linear.scatter [tilespmem:s10], [sflag:$0x4], $0x1000, $0x38;
	[tilespmem:$0x187E0] =	vst v63  }
0x64: {  	_ =	swait.ge [sflag:s0], $0x1000  }
0x65: {  	[sflag:s0] =	ssyncset.done $0x0  }
0x66: {  	s26 =	rddreg [dreg:$0xa];
	[sflag:s0] =	ssyncadd.s32 $0xFFFFF000  }
0x67: {  	[spmem:s26] =	stream.linear.scatter [tilespmem:s10], [sflag:$0x4], $0x1000, $0x38;
	[tilespmem:$0x187E0] =	vst v63  }
0x68: {  	_ =	swait.ge [sflag:s0], $0x1000  }
0x69: {  	[sflag:s0] =	ssyncset.done $0x0  }
0x6a: {  	s26 =	rddreg [dreg:$0xb];
	[sflag:s0] =	ssyncadd.s32 $0xFFFFF000  }
0x6b: {  	[spmem:s26] =	stream.linear.scatter [tilespmem:s10], [sflag:$0x4], $0x1000, $0x38;
	[tilespmem:$0x187E0] =	vst v63  }
0x6c: {  	_ =	swait.ge [sflag:s0], $0x1000  }
0x6d: {  	[sflag:s0] =	ssyncset.done $0x0  }
0x6e: {  	s26 =	rddreg [dreg:$0xc];
	[sflag:s0] =	ssyncadd.s32 $0xFFFFF000  }
0x6f: {  	[spmem:s26] =	stream.linear.scatter [tilespmem:s10], [sflag:$0x4], $0xE40, $0x38;
	[tilespmem:$0x187E0] =	vst v63  }
0x70: {  	_ =	swait.ge [sflag:s0], $0xE40  }
0x71: {  	[sflag:s0] =	ssyncset.done $0x0  }
0x72: {  	s26 =	rddreg [dreg:$0x6];
	[sflag:s0] =	ssyncadd.s32 $0xFFFFF1C0  }
0x73: {  	[tilespmem:s11], [sflag:$0x4] =	stream.linear.gather [hbm4b:s26+s24], $0x800, $0x38;
	[tilespmem:$0x187E0] =	vst v63  }
0x74: {  	_ =	swait.ge [sflag:s0], $0x800  }
0x75: {  	[sflag:s0] =	ssyncset.done $0x0  }
0x76: {  	s26 =	rddreg [dreg:$0xd];
	[sflag:s0] =	ssyncadd.s32 $0xFFFFF800  }
0x77: {  	[spmem:s26] =	stream.linear.scatter [tilespmem:s11], [sflag:$0x4], $0x800, $0x38;
	[tilespmem:$0x187E0] =	vst v63  }
0x78: {  	_ =	swait.ge [sflag:s0], $0x800  }
0x79: {  	[sflag:s0] =	ssyncset.done $0x0  }
0x7a: {  	s26 =	rddreg [dreg:$0xe];
	[sflag:s0] =	ssyncadd.s32 $0xFFFFF800  }
0x7b: {  	[spmem:s26] =	stream.linear.scatter [tilespmem:s11], [sflag:$0x4], $0x800, $0x38;
	[tilespmem:$0x187E0] =	vst v63  }
0x7c: {  	_ =	swait.ge [sflag:s0], $0x800  }
0x7d: {  	[sflag:s0] =	ssyncset.done $0x0  }
0x7e: {  	s26 =	rddreg [dreg:$0xf];
	[sflag:s0] =	ssyncadd.s32 $0xFFFFF800  }
0x7f: {  	[spmem:s26] =	stream.linear.scatter [tilespmem:s11], [sflag:$0x4], $0x800, $0x38;
	[tilespmem:$0x187E0] =	vst v63  }
0x80: {  	_ =	swait.ge [sflag:s0], $0x800  }
0x81: {  	[sflag:s0] =	ssyncset.done $0x0  }
0x82: {  	s26 =	rddreg [dreg:$0x10];
	[sflag:s0] =	ssyncadd.s32 $0xFFFFF800  }
0x83: {  	[spmem:s26] =	stream.linear.scatter [tilespmem:s11], [sflag:$0x4], $0x800, $0x38;
	[tilespmem:$0x187E0] =	vst v63  }
0x84: {  	_ =	swait.ge [sflag:s0], $0x800  }
0x85: {  	[sflag:s0] =	ssyncset.done $0x0  }
0x86: {  	s26 =	rddreg [dreg:$0x11];
	[sflag:s0] =	ssyncadd.s32 $0xFFFFF800  }
0x87: {  	[spmem:s26] =	stream.linear.scatter [tilespmem:s11], [sflag:$0x4], $0x720, $0x38;
	[tilespmem:$0x187E0] =	vst v63  }
0x88: {  	_ =	swait.ge [sflag:s0], $0x720  }
0x89: {  	[sflag:s0] =	ssyncset.done $0x0  }
0x8a: {  	s26 =	rddreg [dreg:$0x12];
	[sflag:s0] =	ssyncadd.s32 $0xFFFFF8E0  }
0x8b: {  	[tilespmem:s24], [sflag:$0x4] =	stream.linear.gather [hbm4b:s26+s24], $0x2800, $0x38;
	[tilespmem:$0x187E0] =	vst v63  }
0x8c: {  	_ =	swait.ge [sflag:s0], $0x2800  }
0x8d: {  	[sflag:s0] =	ssyncset.done $0x0  }
0x8e: {  	s26 =	simm.s32 $0x2800;
	s5 =	rddreg [dreg:$0x13];
	[sflag:s0] =	ssyncadd.s32 $0xFFFFD800  }
0x8f: {  	[tilespmem:s26], [sflag:$0x4] =	stream.linear.gather [hbm4b:s5+s24], $0x2800, $0x38;
	[tilespmem:$0x187E0] =	vst v63  }
0x90: {  	_ =	swait.ge [sflag:s0], $0x2800  }
0x91: {  	[sflag:s0] =	ssyncset.done $0x0  }
0x92: {  	[sflag:s0] =	ssyncadd.s32 $0xFFFFD800  }
0x93: {  	[bflag:$0x0] =	sbarrier.arrive $0xFFFF  }
0x94: {  	[tilespmem:s12], [sflag:$0x1] =	stream.indirect.gather [spmem:s1], $0x20, s24, s6, $0xb8;
	[tilespmem:$0x187E0] =	vst v63  }
0x95: {  	_ = 	snop  }
0x96: {  	[tilespmem:s13], [sflag:$0x1] =	stream.indirect.gather [spmem:s1], $0x20, s6, s6, $0xb8;
	[tilespmem:$0x187E0] =	vst v63  }
0x97: {  	s26 =	simm.s32 $0x100  }
0x98: {  	[tilespmem:s14], [sflag:$0x1] =	stream.indirect.gather [spmem:s1], $0x20, s26, s6, $0xb8;
	[tilespmem:$0x187E0] =	vst v63  }
0x99: {  	s24 =	simm.s32 $0x180  }
0x9a: {  	[tilespmem:s15], [sflag:$0x1] =	stream.indirect.gather [spmem:s1], $0x20, s24, s6, $0xb8;
	[tilespmem:$0x187E0] =	vst v63  }
0x9b: {  	_ =	swait.ge [sflag:s8], $0x1000  }
0x9c: {  	[sflag:s8] =	ssyncset.done $0x0  }
0x9d: {  	s26 =	simm.s32 $0x2800;
	[sflag:s8] =	ssyncadd.s32 $0xFFFFF000  }
0x9e: {  	[spmem:s3] =	stream.indirect.scatter.add.f32 [tilespmem:s12], [sflag:$0x2], $0x20, s26, s6, $0xb8;
	[tilespmem:$0x187E0] =	vst v63  }
0x9f: {  	_ = 	snop  }
0xa0: {  	[spmem:s4] =	stream.indirect.scatter.add.f32 [tilespmem:s16], [sflag:$0x3], $0x10, s26, s6, $0xb8;
	[tilespmem:$0x187E0] =	vst v63  }
0xa1: {  	_ =	swait.ge [sflag:s8], $0x1000  }
0xa2: {  	[sflag:s8] =	ssyncset.done $0x0  }
0xa3: {  	s5 =	simm.s32 $0x2880;
	[sflag:s8] =	ssyncadd.s32 $0xFFFFF000  }
0xa4: {  	[spmem:s3] =	stream.indirect.scatter.add.f32 [tilespmem:s13], [sflag:$0x2], $0x20, s5, s6, $0xb8;
	[tilespmem:$0x187E0] =	vst v63  }
0xa5: {  	_ = 	snop  }
0xa6: {  	[spmem:s4] =	stream.indirect.scatter.add.f32 [tilespmem:s16], [sflag:$0x3], $0x10, s5, s6, $0xb8;
	[tilespmem:$0x187E0] =	vst v63  }
0xa7: {  	_ =	swait.ge [sflag:s8], $0x1000  }
0xa8: {  	[sflag:s8] =	ssyncset.done $0x0  }
0xa9: {  	s26 =	simm.s32 $0x2900;
	[sflag:s8] =	ssyncadd.s32 $0xFFFFF000  }
0xaa: {  	[spmem:s3] =	stream.indirect.scatter.add.f32 [tilespmem:s14], [sflag:$0x2], $0x20, s26, s6, $0xb8;
	[tilespmem:$0x187E0] =	vst v63  }
0xab: {  	_ = 	snop  }
0xac: {  	[spmem:s4] =	stream.indirect.scatter.add.f32 [tilespmem:s16], [sflag:$0x3], $0x10, s26, s6, $0xb8;
	[tilespmem:$0x187E0] =	vst v63  }
0xad: {  	_ =	swait.ge [sflag:s8], $0x1000  }
0xae: {  	[sflag:s8] =	ssyncset.done $0x0  }
0xaf: {  	s5 =	simm.s32 $0x2980;
	[sflag:s8] =	ssyncadd.s32 $0xFFFFF000  }
0xb0: {  	[spmem:s3] =	stream.indirect.scatter.add.f32 [tilespmem:s15], [sflag:$0x2], $0x20, s5, s6, $0xb8;
	[tilespmem:$0x187E0] =	vst v63  }
0xb1: {  	_ = 	snop  }
0xb2: {  	[spmem:s4] =	stream.indirect.scatter.add.f32 [tilespmem:s16], [sflag:$0x3], $0x10, s5, s6, $0xb8;
	[tilespmem:$0x187E0] =	vst v63  }
0xb3: {  	_ =	swait.ge [sflag:s17], $0x1000  }
0xb4: {  	[sflag:s17] =	ssyncset.done $0x0  }
0xb5: {  	s26 =	simm.s32 $0x200;
	[sflag:s17] =	ssyncadd.s32 $0xFFFFF000  }
0xb6: {  	[tilespmem:s12], [sflag:$0x1] =	stream.indirect.gather [spmem:s1], $0x20, s26, s6, $0xb8;
	[tilespmem:$0x187E0] =	vst v63  }
0xb7: {  	_ =	swait.ge [sflag:s17], $0x1000  }
0xb8: {  	[sflag:s17] =	ssyncset.done $0x0  }
0xb9: {  	s5 =	simm.s32 $0x280;
	[sflag:s17] =	ssyncadd.s32 $0xFFFFF000  }
0xba: {  	[tilespmem:s13], [sflag:$0x1] =	stream.indirect.gather [spmem:s1], $0x20, s5, s6, $0xb8;
	[tilespmem:$0x187E0] =	vst v63  }
0xbb: {  	_ =	swait.ge [sflag:s17], $0x1000  }
0xbc: {  	[sflag:s17] =	ssyncset.done $0x0  }
0xbd: {  	s26 =	simm.s32 $0x300;
	[sflag:s17] =	ssyncadd.s32 $0xFFFFF000  }
0xbe: {  	[tilespmem:s14], [sflag:$0x1] =	stream.indirect.gather [spmem:s1], $0x20, s26, s6, $0xb8;
	[tilespmem:$0x187E0] =	vst v63  }
0xbf: {  	_ =	swait.ge [sflag:s17], $0x1000  }
0xc0: {  	[sflag:s17] =	ssyncset.done $0x0  }
0xc1: {  	s24 =	simm.s32 $0x800;
	s26 =	simm.s32 $0x380;
	[sflag:s17] =	ssyncadd.s32 $0xFFFFF000  }
.LBB2_4:
0xc2: {  	[tilespmem:s15], [sflag:$0x1] =	stream.indirect.gather [spmem:s1], $0x20, s26, s6, $0xb8;
	[tilespmem:$0x187E0] =	vst v63  }
0xc3: {  	s26 =	smov.u32 s24  }
0xc4: {  	p1 =	sne.s32 s24, $0x9000;
	s24 =	sadd.s32 $0x800, s24;
	_ =	swait.ge [sflag:s8], $0x1000  }
0xc5: {  	s26 =	sshra.s32 s26, $0x2;
	[sflag:s8] =	ssyncset.done $0x0  }
0xc6: {  	s5 =	sadd.s32 $0x2800, s26;
	[sflag:s8] =	ssyncadd.s32 $0xFFFFF000  }
0xc7: {  	[spmem:s3] =	stream.indirect.scatter.add.f32 [tilespmem:s12], [sflag:$0x2], $0x20, s5, s6, $0xb8;
	[tilespmem:$0x187E0] =	vst v63  }
0xc8: {  	_ = 	snop  }
0xc9: {  	[spmem:s4] =	stream.indirect.scatter.add.f32 [tilespmem:s16], [sflag:$0x3], $0x10, s5, s6, $0xb8;
	[tilespmem:$0x187E0] =	vst v63  }
0xca: {  	_ =	swait.ge [sflag:s8], $0x1000  }
0xcb: {  	[sflag:s8] =	ssyncset.done $0x0  }
0xcc: {  	s5 =	sadd.s32 $0x2880, s26;
	[sflag:s8] =	ssyncadd.s32 $0xFFFFF000  }
0xcd: {  	[spmem:s3] =	stream.indirect.scatter.add.f32 [tilespmem:s13], [sflag:$0x2], $0x20, s5, s6, $0xb8;
	[tilespmem:$0x187E0] =	vst v63  }
0xce: {  	_ = 	snop  }
0xcf: {  	[spmem:s4] =	stream.indirect.scatter.add.f32 [tilespmem:s16], [sflag:$0x3], $0x10, s5, s6, $0xb8;
	[tilespmem:$0x187E0] =	vst v63  }
0xd0: {  	_ =	swait.ge [sflag:s8], $0x1000  }
0xd1: {  	[sflag:s8] =	ssyncset.done $0x0  }
0xd2: {  	s5 =	sadd.s32 $0x2900, s26;
	[sflag:s8] =	ssyncadd.s32 $0xFFFFF000  }
0xd3: {  	[spmem:s3] =	stream.indirect.scatter.add.f32 [tilespmem:s14], [sflag:$0x2], $0x20, s5, s6, $0xb8;
	[tilespmem:$0x187E0] =	vst v63  }
0xd4: {  	_ = 	snop  }
0xd5: {  	[spmem:s4] =	stream.indirect.scatter.add.f32 [tilespmem:s16], [sflag:$0x3], $0x10, s5, s6, $0xb8;
	[tilespmem:$0x187E0] =	vst v63  }
0xd6: {  	_ =	swait.ge [sflag:s8], $0x1000  }
0xd7: {  	[sflag:s8] =	ssyncset.done $0x0  }
0xd8: {  	s5 =	sadd.s32 $0x2980, s26;
	[sflag:s8] =	ssyncadd.s32 $0xFFFFF000  }
0xd9: {  	[spmem:s3] =	stream.indirect.scatter.add.f32 [tilespmem:s15], [sflag:$0x2], $0x20, s5, s6, $0xb8;
	[tilespmem:$0x187E0] =	vst v63  }
0xda: {  	_ = 	snop  }
0xdb: {  	[spmem:s4] =	stream.indirect.scatter.add.f32 [tilespmem:s16], [sflag:$0x3], $0x10, s5, s6, $0xb8;
	[tilespmem:$0x187E0] =	vst v63  }
0xdc: {  	_ =	swait.ge [sflag:s17], $0x1000  }
0xdd: {  	[sflag:s17] =	ssyncset.done $0x0  }
0xde: {  	s5 =	sadd.s32 $0x200, s26;
	[sflag:s17] =	ssyncadd.s32 $0xFFFFF000  }
0xdf: {  	[tilespmem:s12], [sflag:$0x1] =	stream.indirect.gather [spmem:s1], $0x20, s5, s6, $0xb8;
	[tilespmem:$0x187E0] =	vst v63  }
0xe0: {  	_ =	swait.ge [sflag:s17], $0x1000  }
0xe1: {  	[sflag:s17] =	ssyncset.done $0x0  }
0xe2: {  	s5 =	sadd.s32 $0x280, s26;
	[sflag:s17] =	ssyncadd.s32 $0xFFFFF000  }
0xe3: {  	[tilespmem:s13], [sflag:$0x1] =	stream.indirect.gather [spmem:s1], $0x20, s5, s6, $0xb8;
	[tilespmem:$0x187E0] =	vst v63  }
0xe4: {  	_ =	swait.ge [sflag:s17], $0x1000  }
0xe5: {  	[sflag:s17] =	ssyncset.done $0x0  }
.Ltmp1:
0xe6: {  	s5 =	sadd.s32 $0x300, s26;
	[sflag:s17] =	ssyncadd.s32 $0xFFFFF000;
	(pc) =	sbr.rel @p1 .LBB2_4-.Ltmp1, $4  }
0xe7: {  	[tilespmem:s14], [sflag:$0x1] =	stream.indirect.gather [spmem:s1], $0x20, s5, s6, $0xb8;
	[tilespmem:$0x187E0] =	vst v63  }
0xe8: {  	_ =	swait.ge [sflag:s17], $0x1000  }
0xe9: {  	[sflag:s17] =	ssyncset.done $0x0  }
0xea: {  	s26 =	sadd.s32 $0x380, s26;
	[sflag:s17] =	ssyncadd.s32 $0xFFFFF000  }
0xeb: {  	[tilespmem:s15], [sflag:$0x1] =	stream.indirect.gather [spmem:s1], $0x20, s26, s6, $0xb8;
	[tilespmem:$0x187E0] =	vst v63  }
0xec: {  	_ =	swait.ge [sflag:s8], $0x1000  }
0xed: {  	[sflag:s8] =	ssyncset.done $0x0  }
0xee: {  	[sflag:s8] =	ssyncadd.s32 $0xFFFFF000  }
0xef: {  	[spmem:s3] =	stream.indirect.scatter.add.f32 [tilespmem:s12], [sflag:$0x2], $0x20, s18, s6, $0xb8;
	[tilespmem:$0x187E0] =	vst v63  }
0xf0: {  	_ = 	snop  }
0xf1: {  	[spmem:s4] =	stream.indirect.scatter.add.f32 [tilespmem:s16], [sflag:$0x3], $0x10, s18, s6, $0xb8;
	[tilespmem:$0x187E0] =	vst v63  }
0xf2: {  	_ =	swait.ge [sflag:s8], $0x1000  }
0xf3: {  	[sflag:s8] =	ssyncset.done $0x0  }
0xf4: {  	[sflag:s8] =	ssyncadd.s32 $0xFFFFF000  }
0xf5: {  	[spmem:s3] =	stream.indirect.scatter.add.f32 [tilespmem:s13], [sflag:$0x2], $0x20, s19, s6, $0xb8;
	[tilespmem:$0x187E0] =	vst v63  }
0xf6: {  	_ = 	snop  }
0xf7: {  	[spmem:s4] =	stream.indirect.scatter.add.f32 [tilespmem:s16], [sflag:$0x3], $0x10, s19, s6, $0xb8;
	[tilespmem:$0x187E0] =	vst v63  }
0xf8: {  	_ =	swait.ge [sflag:s8], $0x1000  }
0xf9: {  	[sflag:s8] =	ssyncset.done $0x0  }
0xfa: {  	[sflag:s8] =	ssyncadd.s32 $0xFFFFF000  }
0xfb: {  	[spmem:s3] =	stream.indirect.scatter.add.f32 [tilespmem:s14], [sflag:$0x2], $0x20, s20, s6, $0xb8;
	[tilespmem:$0x187E0] =	vst v63  }
0xfc: {  	_ = 	snop  }
0xfd: {  	[spmem:s4] =	stream.indirect.scatter.add.f32 [tilespmem:s16], [sflag:$0x3], $0x10, s20, s6, $0xb8;
	[tilespmem:$0x187E0] =	vst v63  }
0xfe: {  	_ =	swait.ge [sflag:s8], $0x1000  }
0xff: {  	[sflag:s8] =	ssyncset.done $0x0  }
0x100: {  	[sflag:s8] =	ssyncadd.s32 $0xFFFFF000  }
0x101: {  	[spmem:s3] =	stream.indirect.scatter.add.f32 [tilespmem:s15], [sflag:$0x2], $0x20, s21, s6, $0xb8;
	[tilespmem:$0x187E0] =	vst v63  }
0x102: {  	_ = 	snop  }
0x103: {  	[spmem:s4] =	stream.indirect.scatter.add.f32 [tilespmem:s16], [sflag:$0x3], $0x10, s21, s6, $0xb8;
	[tilespmem:$0x187E0] =	vst v63  }
0x104: {  	_ =	swait.ge [sflag:s17], $0x1000  }
0x105: {  	[sflag:s17] =	ssyncset.done $0x0  }
0x106: {  	[sflag:s17] =	ssyncadd.s32 $0xFFFFF000  }
0x107: {  	_ =	swait.ge [sflag:s17], $0x1000  }
0x108: {  	[sflag:s17] =	ssyncset.done $0x0  }
0x109: {  	[sflag:s17] =	ssyncadd.s32 $0xFFFFF000  }
0x10a: {  	_ =	swait.ge [sflag:s17], $0x1000  }
0x10b: {  	[sflag:s17] =	ssyncset.done $0x0  }
0x10c: {  	[sflag:s17] =	ssyncadd.s32 $0xFFFFF000  }
0x10d: {  	_ =	swait.ge [sflag:s17], $0x1000  }
0x10e: {  	[sflag:s17] =	ssyncset.done $0x0  }
0x10f: {  	[sflag:s17] =	ssyncadd.s32 $0xFFFFF000  }
0x110: {  	_ =	swait.ge [sflag:s22], $0x800  }
0x111: {  	s24 =	simm.s32 $0x4F;
	[sflag:s22] =	ssyncset.done $0x0  }
.LBB2_6:
0x112: {  	p1 =	sne.s32 s24, $0x1;
	s24 =	sadd.s32 $0xFFFFFFFF, s24;
	[sflag:s22] =	ssyncadd.s32 $0xFFFFF800  }
.Ltmp2:
0x113: {  	(pc) =	sbr.rel @p1 .LBB2_6-.Ltmp2, $3  }
0x114: {  	_ =	sdelay $0x1  }
0x115: {  	_ =	swait.ge [sflag:s22], $0x800  }
0x116: {  	[sflag:s22] =	ssyncset.done $0x0  }
0x117: {  	[sflag:s22] =	ssyncadd.s32 $0xFFFFF800  }
0x118: {  	s5 =	stileid.u32;
	[bflag:$0x0] =	sbarrier.arrive $0xFFFF  }
0x119: {  	s5 =	sshll.u32 s5, $0x6;
	s24 =	rddreg [dreg:$0x14]  }
0x11a: {  	s5 =	sor.u32 $0x1C04, s5;
	s26 =	rddreg [dreg:$0x17]  }
0x11b: {  	[hbm:s24], [sflag:s5] =	dma.local [spmem:s26], $0x9C4  }
0x11c: {  	_ =	swait.ge [sflag:s0], $0x9C4  }
0x11d: {  	[sflag:s0] =	ssyncset.done $0x0  }
0x11e: {  	s24 =	rddreg [dreg:$0x15];
	[sflag:s0] =	ssyncadd.s32 $0xFFFFF63C  }
0x11f: {  	[hbm:s24], [sflag:s5] =	dma.local @!p0 [spmem:s28], $0x4E2  }
0x120: {  	s5 =	simm.s32 @!p0 $0x4  }
0x121: {  	_ =	swait.ge @!p0 [sflag:s5], $0x4E2  }
0x122: {  	s23 =	sadd.s32 $0x1, s23;
	s26 =	rddreg [dreg:$0x16]  }
0x123: {  	p1 =	sne.s32 s23, s26  }
.Ltmp3:
0x124: {  	_ = 	snop;
	(pc) =	sbr.rel @p1 .LBB2_1-.Ltmp3, $3  }
0x125: {  	_ =	sdelay $0x1  }
0x126: {  	[sflag:s5] =	ssyncset.done @!p0 $0x0  }
0x127: {  	[sflag:s5] =	ssyncadd.s32 @!p0 $0xFFFFFB1E  }
0x128: {  	_ =	sfence.sel $0x180000  }
0x129: {  	[bflag:$0x0] =	sbarrier.arrive $0xFFFF  }
0x12a: {  	_ =	strace $0x90000047  }
0x12b: {  	s0 =	stileid.u32;
	[bflag:$0x2] =	sbarrier.arrive $0xFFFF  }
0x12c: {  	p0 =	sne.s32 s0, $0x0;
	s0 =	rddreg [dreg:$0x4]  }
0x12d: {  	s0 =	sadd.s32 @!p0 $0x100000, s0  }
0x12e: {  	[sflag:s0] =	ssyncadd.tile.s32 @!p0 $0x1;
	_ =	shalt  }
.Lfunc_end2:
_tile_overlayer_lowered:
.L_overlay_start_2:
0x12f: {  	(tag) =	ssettag $0x2  }
0x130: {  	s0 =	rddreg [dreg:$0x0];
	s2 =	stileid.u32  }
0x131: {  	s1 =	rddreg [dreg:$0x1];
	p0 =	sne.s32 s2, $0x0  }
0x132: {  	s3 =	rddreg [dreg:$0x2];
	[bflag:$0x3] =	sbarrier.arrive $0xFFFF;
	s2 =	simm.s32 @!p0 $0x1C04  }
0x133: {  	[timem:s3], [sflag:s2] =	dma.local @!p0 [hbm:s0], s1  }
0x134: {  	s0 =	simm.s32 @!p0 $0x4  }
0x135: {  	_ =	swait.ge @!p0 [sflag:s0], s1  }
0x136: {  	s1 =	ssub.s32 @!p0 $0x0, s1;
	[sflag:s0] =	ssyncset.done @!p0 $0x0  }
0x137: {  	[sflag:s0] =	ssyncadd.s32 @!p0 s1  }
0x138: {  	[bflag:$0x3] =	sbarrier.arrive $0xFFFF  }
0x139: {  	_ =	shalt  }

</sc_bundles>
